<compile_context>
chip_gen: v7x
topology: tpu7x:2x2x1
jax: 0.10.2.dev20260603
libtpu: 0.0.44.dev20260713+nightly
codegen_flags: <defaults>
</compile_context>

<pallas_src>
import numpy as np
import jax
import jax.numpy as jnp
from jax import lax
from jax.experimental import pallas as pl
from jax.experimental.pallas import tpu as pltpu
from jax.experimental.pallas import tpu_sc as plsc

_EMBED, _HEADS, _LEVELS, _POINTS = 256, 8, 4, 4
_DH = _EMBED // _HEADS
_B, _N, _M = 2, 5440, 5440
_SHAPES = np.array([[64, 64], [32, 32], [16, 16], [8, 8]], dtype=np.int64)
_STARTS = np.array([0, 4096, 5120, 5376], dtype=np.int64)
_Q = _B * _N * _HEADS
_QT = _Q * 32

_lane = np.arange(128)
_lvl = (_lane % 16) // 4
_hh = _lane // 16
_WLF = _SHAPES[_lvl, 1].astype(np.float32)
_HLF = _SHAPES[_lvl, 0].astype(np.float32)
_LANEBASE8 = (_STARTS[_lvl] * _HEADS + _hh).astype(np.float32)
_BD = ((_lane[:, None] // 16) == (_lane[None, :] // 16)).astype(np.float32)

_TN = 544

_CPERM = np.arange(256).reshape(8, 2, 16).transpose(0, 2, 1).reshape(256)


def _fused_body(q_ref, rp_ref, v_ref, wvt_ref, bv_ref, wox_ref, woy_ref,
                wat_ref, bx_ref, by_ref, ba_ref, bd_ref, wlf_ref, hlf_ref,
                lb_ref, y_ref, idx_ref, w_ref):
    b = pl.program_id(0)
    y_ref[0] = (
        jnp.dot(v_ref[0], wvt_ref[...], preferred_element_type=jnp.float32)
        + bv_ref[0]
    ).astype(jnp.bfloat16)

    q = q_ref[0]
    rpx = rp_ref[0, :, 0:1]
    rpy = rp_ref[0, :, 1:2]
    wlf = wlf_ref[0]
    hlf = hlf_ref[0]
    lanebase8 = lb_ref[0]

    offx = jnp.dot(q, wox_ref[...], preferred_element_type=jnp.float32) + bx_ref[0]
    offy = jnp.dot(q, woy_ref[...], preferred_element_type=jnp.float32) + by_ref[0]
    s = jnp.dot(q, wat_ref[...], preferred_element_type=jnp.float32) + ba_ref[0]
    m = jnp.max(s, axis=-1, keepdims=True)
    e = jnp.exp(s - m)
    denom = jnp.dot(e, bd_ref[...], preferred_element_type=jnp.float32)
    aw = e / denom

    x = rpx * wlf + offx - 0.5
    y = rpy * hlf + offy - 0.5
    x0 = jnp.floor(x)
    u = x - x0
    vx0 = ((x0 >= 0) & (x0 <= wlf - 1)).astype(jnp.float32)
    vx1 = ((x0 >= -1) & (x0 <= wlf - 2)).astype(jnp.float32)
    xw0 = (1 - u) * vx0
    xw1 = u * vx1
    xb = jnp.clip(x0, 0, wlf - 2)
    wlx = jnp.where(xb == x0, xw0, 0.0) + jnp.where(xb == x0 + 1, xw1, 0.0)
    wrx = jnp.where(xb + 1 == x0, xw0, 0.0) + jnp.where(xb + 1 == x0 + 1, xw1, 0.0)
    y0 = jnp.floor(y)
    uy = y - y0
    vy0 = ((y0 >= 0) & (y0 <= hlf - 1)).astype(jnp.float32)
    vy1 = ((y0 >= -1) & (y0 <= hlf - 2)).astype(jnp.float32)
    yw0 = (1 - uy) * vy0
    yw1 = uy * vy1
    yb = jnp.clip(y0, 0, hlf - 2)
    wty = jnp.where(yb == y0, yw0, 0.0) + jnp.where(yb == y0 + 1, yw1, 0.0)
    wby = jnp.where(yb + 1 == y0, yw0, 0.0) + jnp.where(yb + 1 == y0 + 1, yw1, 0.0)

    itl = (b.astype(jnp.float32) * (_M * _HEADS) + lanebase8
           + (yb * wlf + xb) * _HEADS)
    itl_i = itl.astype(jnp.int32)
    wstep = (wlf * _HEADS).astype(jnp.int32)
    idx_ref[0] = jnp.concatenate(
        [itl_i, itl_i + wstep, itl_i + _HEADS, itl_i + wstep + _HEADS],
        axis=-1)
    w_ref[0] = jnp.concatenate(
        [aw * wty * wlx, aw * wby * wlx, aw * wty * wrx, aw * wby * wrx],
        axis=-1)


_NC, _NS = 2, 16
_NW = _NC * _NS
_QW = _Q // _NW
_CQ = 40
_NH = _CQ // 2
_NCHUNK = _QW // _CQ


def _sc_body(vt_hbm, idx_hbm, w_hbm, dummy_hbm, out_hbm,
             idx_v, w_v, rows_v, out_v,
             sem_i0, sem_i1, sem_w0, sem_w1, sem_g0, sem_g1, sem_o0, sem_o1):
    wid = lax.axis_index("s") * _NC + lax.axis_index("c")
    qbase = wid * _QW
    sem_i = (sem_i0, sem_i1)
    sem_w = (sem_w0, sem_w1)
    sem_g = (sem_g0, sem_g1)
    sem_o = (sem_o0, sem_o1)

    def I(c, p):
        c = jnp.minimum(c, _NCHUNK - 1)
        return pltpu.make_async_copy(
            idx_hbm.at[pl.ds((qbase + c * _CQ) // 2, _NH)],
            idx_v.at[p], sem_i[p])

    def W(c, p):
        c = jnp.minimum(c, _NCHUNK - 1)
        return pltpu.make_async_copy(
            w_hbm.at[pl.ds((qbase + c * _CQ) * 64, _CQ * 64)],
            w_v.at[p], sem_w[p])

    def G_start(p):
        for half in range(_NH):
            pltpu.make_async_copy(
                vt_hbm.at[idx_v.at[p, half]],
                rows_v.at[p, half], sem_g[p]).start()

    def G_wait(p):
        pltpu.make_async_copy(dummy_hbm, rows_v.at[p], sem_g[p]).wait()

    def O(c, p):
        return pltpu.make_async_copy(
            out_v.at[p], out_hbm.at[pl.ds((qbase + c * _CQ) * 32, _CQ * 32)],
            sem_o[p])

    _dnums = lax.GatherDimensionNumbers(
        offset_dims=(), collapsed_slice_dims=(0,), start_index_map=(0,))

    def _bcast(vec, jv):
        return lax.gather(
            vec, jv[:, None], dimension_numbers=_dnums, slice_sizes=(1,),
            mode=lax.GatherScatterMode.PROMISE_IN_BOUNDS)

    def compute(p):
        def per_hq(hq, _):
            sub = hq // _HEADS
            h = hq % _HEADS
            wq = sub * 512
            wb = h * 16
            wlt16 = w_v[p, pl.ds(wq + wb, 16)]
            wlb16 = w_v[p, pl.ds(wq + wb + 128, 16)]
            wrt16 = w_v[p, pl.ds(wq + wb + 256, 16)]
            wrb16 = w_v[p, pl.ds(wq + wb + 384, 16)]
            a0 = jnp.zeros((16,), jnp.float32)
            a1 = jnp.zeros((16,), jnp.float32)
            for j in range(16):
                li = wb + j
                jv = jnp.full((16,), j, jnp.int32)
                wa = _bcast(wlt16, jv)
                wbv = _bcast(wlb16, jv)
                wcv = _bcast(wrt16, jv)
                wd = _bcast(wrb16, jv)
                ilv = plsc.PackFormat.INTERLEAVED
                t0, t1 = plsc.unpack(rows_v[p, sub * 4, li, :], format=ilv)
                b0, b1 = plsc.unpack(rows_v[p, sub * 4 + 1, li, :], format=ilv)
                t2, t3 = plsc.unpack(rows_v[p, sub * 4 + 2, li, :], format=ilv)
                b2, b3 = plsc.unpack(rows_v[p, sub * 4 + 3, li, :], format=ilv)
                a0 = a0 + wa * t0 + wcv * t2 + wbv * b0 + wd * b2
                a1 = a1 + wa * t1 + wcv * t3 + wbv * b1 + wd * b3
            ob = sub * 256 + h * 32
            out_v[p, pl.ds(ob, 16)] = a0
            out_v[p, pl.ds(ob + 16, 16)] = a1
            return 0

        lax.fori_loop(0, (_CQ // _HEADS) * _HEADS, per_hq, 0)

    I(0, 0).start()
    W(0, 0).start()
    I(1, 1).start()
    W(1, 1).start()
    I(0, 0).wait()
    G_start(0)

    def pair(i, _):
        c = 2 * i

        def half_step(c0, p):
            op = 1 - p
            I(c0 + 1, op).wait()
            G_start(op)
            G_wait(p)
            I(c0 + 2, p).start()

            @pl.when(c0 >= 2)
            def _():
                O(c0 - 2, p).wait()

            W(c0, p).wait()
            compute(p)
            O(c0, p).start()
            W(c0 + 2, p).start()

        half_step(c, 0)
        half_step(c + 1, 1)
        return 0

    lax.fori_loop(0, _NCHUNK // 2, pair, 0)

    nc = _NCHUNK
    G_wait(0)
    I(nc + 1, 1).wait()
    W(nc, 0).wait()
    W(nc + 1, 1).wait()
    O(nc - 2, 0).wait()
    O(nc - 1, 1).wait()


def kernel(query, key, value, ref_points, spatial_shapes, level_start_idx,
           Wv, bv, Wo, bo, Wa, ba):
    del key, spatial_shapes, level_start_idx
    B, N, M, H = _B, _N, _M, _HEADS

    rp2 = ref_points.reshape(B, N, 2)
    cc = lambda b, n: (0, 0)
    y, idxc, wc = pl.pallas_call(
        _fused_body,
        grid=(B, N // _TN),
        in_specs=[
            pl.BlockSpec((1, _TN, _EMBED), lambda b, n: (b, n, 0)),
            pl.BlockSpec((1, _TN, 2), lambda b, n: (b, n, 0)),
            pl.BlockSpec((1, _TN, _EMBED), lambda b, n: (b, n, 0)),
            pl.BlockSpec((_EMBED, _EMBED), cc),
            pl.BlockSpec((1, _EMBED), cc),
            pl.BlockSpec((_EMBED, 128), cc),
            pl.BlockSpec((_EMBED, 128), cc),
            pl.BlockSpec((_EMBED, 128), cc),
            pl.BlockSpec((1, 128), cc),
            pl.BlockSpec((1, 128), cc),
            pl.BlockSpec((1, 128), cc),
            pl.BlockSpec((128, 128), cc),
            pl.BlockSpec((1, 128), cc),
            pl.BlockSpec((1, 128), cc),
            pl.BlockSpec((1, 128), cc),
        ],
        out_specs=[
            pl.BlockSpec((1, _TN, _EMBED), lambda b, n: (b, n, 0)),
            pl.BlockSpec((1, _TN, 512), lambda b, n: (b, n, 0)),
            pl.BlockSpec((1, _TN, 512), lambda b, n: (b, n, 0)),
        ],
        out_shape=[
            jax.ShapeDtypeStruct((B, M, _EMBED), jnp.bfloat16),
            jax.ShapeDtypeStruct((B, N, 512), jnp.int32),
            jax.ShapeDtypeStruct((B, N, 512), jnp.float32),
        ],
    )(
        query, rp2, value,
        Wv.T[:, _CPERM], bv[_CPERM].reshape(1, _EMBED),
        Wo[0::2, :].T, Wo[1::2, :].T, Wa.T,
        bo[0::2].reshape(1, 128), bo[1::2].reshape(1, 128),
        ba.reshape(1, 128), jnp.asarray(_BD),
        jnp.asarray(_WLF).reshape(1, 128), jnp.asarray(_HLF).reshape(1, 128),
        jnp.asarray(_LANEBASE8).reshape(1, 128),
    )

    vt = y.reshape(B * M * H, _DH)
    idxf = idxc.reshape(B * N * 4, 128)
    wpack = wc.reshape(B * N * 512)

    mesh = plsc.VectorSubcoreMesh(core_axis_name="c", subcore_axis_name="s")
    sc = pl.kernel(
        _sc_body,
        out_type=jax.ShapeDtypeStruct((_QT,), jnp.float32),
        mesh=mesh,
        compiler_params=pltpu.CompilerParams(
            needs_layout_passes=False, use_tc_tiling_on_sc=False),
        scratch_types=[
            pltpu.VMEM((2, _CQ // 2, 128), jnp.int32),
            pltpu.VMEM((2, _CQ * 64), jnp.float32),
            pltpu.VMEM((2, _CQ // 2, 128, _DH), jnp.bfloat16),
            pltpu.VMEM((2, _CQ * 32), jnp.float32),
        ] + [pltpu.SemaphoreType.DMA] * 8,
    )
    dummy = jnp.zeros((_CQ // 2, 128, _DH), jnp.bfloat16)
    out_flat = sc(vt, idxf, wpack, dummy)
    return out_flat.reshape(B, N, _EMBED)

# --- scband reference (transcript-rebuilt; emitter-appended) ---
"""Pipeline reference for scband-deformable-attention3-d-18305150615727 (READ-ONLY COPY).

The authoritative reference and input builder live on the scoring server;
editing this copy changes nothing except your own understanding.
"""

import jax, jax.numpy as jnp
import numpy as np

EMBED = 256
HEADS = 8
LEVELS = 4
POINTS = 4
DH = EMBED // HEADS
B = 2
N = 5440
M = 5440
SHAPES = np.array([[64, 64], [32, 32], [16, 16], [8, 8]], dtype=np.int64)
STARTS = np.array([0, 4096, 5120, 5376], dtype=np.int64)


def setup_inputs():
    root = jax.random.key(0)
    ks = jax.random.split(root, 10)
    query = jax.random.normal(ks[0], (B, N, EMBED), dtype=jnp.float32)
    key = jax.random.normal(ks[1], (B, M, EMBED), dtype=jnp.float32)
    value = jax.random.normal(ks[2], (B, M, EMBED), dtype=jnp.float32)
    ref_points = jax.random.uniform(ks[3], (B, N, 1, 2), dtype=jnp.float32)
    Wv = jax.random.normal(ks[4], (EMBED, EMBED), dtype=jnp.float32) / np.sqrt(EMBED)
    bv = jnp.zeros((EMBED,), jnp.float32)
    Wo = jax.random.normal(ks[5], (HEADS * LEVELS * POINTS * 2, EMBED), dtype=jnp.float32) * 0.01
    bo = jax.random.normal(ks[6], (HEADS * LEVELS * POINTS * 2,), dtype=jnp.float32) * 0.5
    Wa = jax.random.normal(ks[7], (HEADS * LEVELS * POINTS, EMBED), dtype=jnp.float32) * 0.01
    ba = jnp.zeros((HEADS * LEVELS * POINTS,), jnp.float32)
    return dict(query=query, key=key, value=value, ref_points=ref_points, spatial_shapes=jnp.asarray(SHAPES), level_start_idx=jnp.asarray(STARTS), Wv=Wv, bv=bv, Wo=Wo, bo=bo, Wa=Wa, ba=ba)


def _ms_deform(v, spatial_shapes, level_start_idx, locs, attn):
    Bv, Mv, Hh, Dh = v.shape
    Nq = locs.shape[1]
    P = locs.shape[4]
    out = jnp.zeros((Bv, Hh, Nq, Dh), jnp.float32)
    for lvl in range(SHAPES.shape[0]):
        Hl = int(SHAPES[lvl, 0])
        Wl = int(SHAPES[lvl, 1])
        Hl_t = spatial_shapes[lvl, 0]
        Wl_t = spatial_shapes[lvl, 1]
        st = level_start_idx[lvl]
        vt = jnp.transpose(jax.lax.dynamic_slice_in_dim(v, st, Hl * Wl, axis=1), (0, 2, 1, 3))
        loc = locs[:, :, :, lvl]
        x = loc[..., 0] * Wl_t.astype(jnp.float32) - 0.5
        y = loc[..., 1] * Hl_t.astype(jnp.float32) - 0.5
        x0 = jnp.floor(x)
        y0 = jnp.floor(y)
        samp = jnp.zeros((Bv, Hh, Nq, P, Dh), jnp.float32)
        corners = [(x0, y0, (x0 + 1 - x) * (y0 + 1 - y)), (x0 + 1, y0, (x - x0) * (y0 + 1 - y)), (x0, y0 + 1, (x0 + 1 - x) * (y - y0)), (x0 + 1, y0 + 1, (x - x0) * (y - y0))]
        for cx, cy, w in corners:
            valid = ((cx >= 0) & (cx < Wl_t.astype(jnp.float32)) & (cy >= 0) & (cy < Hl_t.astype(jnp.float32))).astype(jnp.float32)
            xi = jnp.clip(cx, 0, Wl_t.astype(jnp.float32) - 1).astype(jnp.int32)
            yi = jnp.clip(cy, 0, Hl_t.astype(jnp.float32) - 1).astype(jnp.int32)
            idx = jnp.transpose(yi * Wl_t.astype(jnp.int32) + xi, (0, 2, 1, 3)).reshape(Bv, Hh, Nq * P)
            g = jnp.take_along_axis(vt, idx[..., None], axis=2).reshape(Bv, Hh, Nq, P, Dh)
            wt = jnp.transpose(w * valid, (0, 2, 1, 3))
            samp = samp + g * wt[..., None]
        at = jnp.transpose(attn[:, :, :, lvl], (0, 2, 1, 3))
        out = out + jnp.sum(samp * at[..., None], axis=3)
    return jnp.transpose(out, (0, 2, 1, 3)).reshape(Bv, Nq, Hh * Dh)


def reference(query, key, value, ref_points, spatial_shapes, level_start_idx, Wv, bv, Wo, bo, Wa, ba):
    Bq, Nq, C = query.shape
    v = (value @ Wv.T + bv).reshape(Bq, value.shape[1], HEADS, DH)
    off = (query @ Wo.T + bo).reshape(Bq, Nq, HEADS, LEVELS, POINTS, 2)
    ssf = spatial_shapes.astype(jnp.float32)
    norm = jnp.stack([ssf[:, 1], ssf[:, 0]], axis=-1)
    off = off / norm[None, None, None, :, None, :]
    aw = jax.nn.softmax((query @ Wa.T + ba).reshape(Bq, Nq, HEADS, LEVELS * POINTS), axis=-1).reshape(Bq, Nq, HEADS, LEVELS, POINTS)
    locs = (ref_points[:, :, None, None, None, :, :] + off[:, :, :, :, :, None, :]).reshape(Bq, Nq, HEADS, LEVELS, POINTS, 2)
    return _ms_deform(v, spatial_shapes, level_start_idx, locs, aw)

if __name__ == "__main__":
    import jax
    _d = setup_inputs()
    print(jax.jit(kernel)(*tuple(_d.values())))

</pallas_src>

<mosaic_0001>
#map = affine_map<(d0, d1) -> (0, 0)>
#map1 = affine_map<(d0, d1) -> (0)>
#map2 = affine_map<(d0, d1) -> (0, 0, 0)>
module attributes {stable_mosaic.version = 14 : i64} {
  func.func @_sc_body(%arg0: i32, %arg1: i32, %arg2: memref<87040x32xbf16, #tpu.memory_space<hbm>>, %arg3: memref<43520x128xi32, #tpu.memory_space<hbm>>, %arg4: memref<5570560xf32, #tpu.memory_space<hbm>>, %arg5: memref<20x128x32xbf16, #tpu.memory_space<hbm>>, %arg6: memref<2785280xf32, #tpu.memory_space<hbm>>, %arg7: memref<2x20x128xi32, #tpu.memory_space<vmem>>, %arg8: memref<2x2560xf32, #tpu.memory_space<vmem>>, %arg9: memref<2x20x128x32xbf16, #tpu.memory_space<vmem>>, %arg10: memref<2x1280xf32, #tpu.memory_space<vmem>>, %arg11: memref<!tpu.dma_semaphore, #tpu.memory_space<semaphore_mem>>, %arg12: memref<!tpu.dma_semaphore, #tpu.memory_space<semaphore_mem>>, %arg13: memref<!tpu.dma_semaphore, #tpu.memory_space<semaphore_mem>>, %arg14: memref<!tpu.dma_semaphore, #tpu.memory_space<semaphore_mem>>, %arg15: memref<!tpu.dma_semaphore, #tpu.memory_space<semaphore_mem>>, %arg16: memref<!tpu.dma_semaphore, #tpu.memory_space<semaphore_mem>>, %arg17: memref<!tpu.dma_semaphore, #tpu.memory_space<semaphore_mem>>, %arg18: memref<!tpu.dma_semaphore, #tpu.memory_space<semaphore_mem>>) attributes {dimension_semantics = [#tpu.dimension_semantics<core_parallel>, #tpu.dimension_semantics<subcore_parallel>], iteration_bounds = array<i64: 2, 16>, scalar_prefetch = 0 : i64, scratch_operands = 12 : i64, tpu.core_type = #tpu.core_type<sc_vector_subcore>, window_params = [{transform_indices = #map}, {transform_indices = #map}, {transform_indices = #map1}, {transform_indices = #map2}, {transform_indices = #map1}]} {
    %mul3A = arith.constant 2 : i32
    %mul3A_0 = arith.muli %arg1, %mul3A : i32
    %add3A = arith.addi %mul3A_0, %arg0 : i32
    %mul3A_1 = arith.constant 2720 : i32
    %mul3A_2 = arith.muli %add3A, %mul3A_1 : i32
    %min3A = arith.constant 0 : i32
    %min3A_3 = arith.constant 67 : i32
    %min3A_4 = arith.minsi %min3A, %min3A_3 : i32
    %mul3A_5 = arith.constant 40 : i32
    %mul3A_6 = arith.muli %min3A_4, %mul3A_5 : i32
    %add3A_7 = arith.addi %mul3A_2, %mul3A_6 : i32
    %jit3A = arith.constant 2 : i32
    %div3A = arith.divsi %add3A_7, %jit3A : i32
    %sign3A = arith.constant 0 : i32
    %sign3A_8 = arith.cmpi sgt, %add3A_7, %sign3A : i32
    %sign3A_9 = arith.extui %sign3A_8 : i1 to i32
    %sign3A_10 = arith.constant 0 : i32
    %sign3A_11 = arith.cmpi slt, %add3A_7, %sign3A_10 : i32
    %sign3A_12 = arith.extui %sign3A_11 : i1 to i32
    %sign3A_13 = arith.subi %sign3A_9, %sign3A_12 : i32
    %sign3A_14 = arith.constant 0 : i32
    %sign3A_15 = arith.cmpi sgt, %jit3A, %sign3A_14 : i32
    %sign3A_16 = arith.extui %sign3A_15 : i1 to i32
    %sign3A_17 = arith.constant 0 : i32
    %sign3A_18 = arith.cmpi slt, %jit3A, %sign3A_17 : i32
    %sign3A_19 = arith.extui %sign3A_18 : i1 to i32
    %sign3A_20 = arith.subi %sign3A_16, %sign3A_19 : i32
    %ne3A = arith.cmpi ne, %sign3A_13, %sign3A_20 : i32
    %rem3A = arith.remsi %add3A_7, %jit3A : i32
    %ne3A_21 = arith.constant 0 : i32
    %ne3A_22 = arith.cmpi ne, %rem3A, %ne3A_21 : i32
    %and3A = arith.andi %ne3A, %ne3A_22 : i1
    %sub3A = arith.constant 1 : i32
    %sub3A_23 = arith.subi %div3A, %sub3A : i32
    %select_n3A = arith.select %and3A, %sub3A_23, %div3A : i32
    %dma_start3A = arith.constant 0 : i32
    %dma_start3A_24 = arith.constant 0 : i32
    %dma_start3A_25 = arith.constant 0 : i32
    %dma_start3A_26 = tpu.memref_slice %arg7[%dma_start3A, %dma_start3A_24, %dma_start3A_25] : memref<2x20x128xi32, #tpu.memory_space<vmem>> -> memref<1x20x128xi32, #tpu.memory_space<vmem>>
    %dma_start3A_27 = tpu.memref_squeeze %dma_start3A_26 : memref<1x20x128xi32, #tpu.memory_space<vmem>> -> memref<20x128xi32, #tpu.memory_space<vmem>>
    %dma_start3A_28 = arith.constant 0 : i32
    %dma_start3A_29 = tpu.memref_slice %arg3[%select_n3A, %dma_start3A_28] : memref<43520x128xi32, #tpu.memory_space<hbm>> -> memref<20x128xi32, #tpu.memory_space<hbm>>
    %dma_start3A_30 = arith.constant 0 : i32
    %dma_start3A_31 = arith.constant 0 : i32
    %dma_start3A_32 = tpu.memref_slice %arg7[%dma_start3A, %dma_start3A_30, %dma_start3A_31] : memref<2x20x128xi32, #tpu.memory_space<vmem>> -> memref<1x20x128xi32, #tpu.memory_space<vmem>>
    %dma_start3A_33 = tpu.memref_squeeze %dma_start3A_32 : memref<1x20x128xi32, #tpu.memory_space<vmem>> -> memref<20x128xi32, #tpu.memory_space<vmem>>
    %dma_start3A_34 = arith.constant 0 : i32
    %dma_start3A_35 = tpu.memref_slice %arg3[%select_n3A, %dma_start3A_34] : memref<43520x128xi32, #tpu.memory_space<hbm>> -> memref<20x128xi32, #tpu.memory_space<hbm>>
    tpu.enqueue_dma source(%dma_start3A_35 : memref<20x128xi32, #tpu.memory_space<hbm>>) target(%dma_start3A_33 : memref<20x128xi32, #tpu.memory_space<vmem>>) target_semaphore(%arg11 : memref<!tpu.dma_semaphore, #tpu.memory_space<semaphore_mem>>)
    %min3A_36 = arith.constant 0 : i32
    %min3A_37 = arith.constant 67 : i32
    %min3A_38 = arith.minsi %min3A_36, %min3A_37 : i32
    %mul3A_39 = arith.constant 40 : i32
    %mul3A_40 = arith.muli %min3A_38, %mul3A_39 : i32
    %add3A_41 = arith.addi %mul3A_2, %mul3A_40 : i32
    %mul3A_42 = arith.constant 64 : i32
    %mul3A_43 = arith.muli %add3A_41, %mul3A_42 : i32
    %dma_start3A_44 = arith.constant 0 : i32
    %dma_start3A_45 = arith.constant 0 : i32
    %dma_start3A_46 = tpu.memref_slice %arg8[%dma_start3A_44, %dma_start3A_45] : memref<2x2560xf32, #tpu.memory_space<vmem>> -> memref<1x2560xf32, #tpu.memory_space<vmem>>
    %dma_start3A_47 = tpu.memref_squeeze %dma_start3A_46 : memref<1x2560xf32, #tpu.memory_space<vmem>> -> memref<2560xf32, #tpu.memory_space<vmem>>
    %dma_start3A_48 = tpu.memref_slice %arg4[%mul3A_43] : memref<5570560xf32, #tpu.memory_space<hbm>> -> memref<2560xf32, #tpu.memory_space<hbm>>
    %dma_start3A_49 = arith.constant 0 : i32
    %dma_start3A_50 = tpu.memref_slice %arg8[%dma_start3A_44, %dma_start3A_49] : memref<2x2560xf32, #tpu.memory_space<vmem>> -> memref<1x2560xf32, #tpu.memory_space<vmem>>
    %dma_start3A_51 = tpu.memref_squeeze %dma_start3A_50 : memref<1x2560xf32, #tpu.memory_space<vmem>> -> memref<2560xf32, #tpu.memory_space<vmem>>
    %dma_start3A_52 = tpu.memref_slice %arg4[%mul3A_43] : memref<5570560xf32, #tpu.memory_space<hbm>> -> memref<2560xf32, #tpu.memory_space<hbm>>
    tpu.enqueue_dma source(%dma_start3A_52 : memref<2560xf32, #tpu.memory_space<hbm>>) target(%dma_start3A_51 : memref<2560xf32, #tpu.memory_space<vmem>>) target_semaphore(%arg13 : memref<!tpu.dma_semaphore, #tpu.memory_space<semaphore_mem>>)
    %min3A_53 = arith.constant 1 : i32
    %min3A_54 = arith.constant 67 : i32
    %min3A_55 = arith.minsi %min3A_53, %min3A_54 : i32
    %mul3A_56 = arith.constant 40 : i32
    %mul3A_57 = arith.muli %min3A_55, %mul3A_56 : i32
    %add3A_58 = arith.addi %mul3A_2, %mul3A_57 : i32
    %jit3A_59 = arith.constant 2 : i32
    %div3A_60 = arith.divsi %add3A_58, %jit3A_59 : i32
    %sign3A_61 = arith.constant 0 : i32
    %sign3A_62 = arith.cmpi sgt, %add3A_58, %sign3A_61 : i32
    %sign3A_63 = arith.extui %sign3A_62 : i1 to i32
    %sign3A_64 = arith.constant 0 : i32
    %sign3A_65 = arith.cmpi slt, %add3A_58, %sign3A_64 : i32
    %sign3A_66 = arith.extui %sign3A_65 : i1 to i32
    %sign3A_67 = arith.subi %sign3A_63, %sign3A_66 : i32
    %sign3A_68 = arith.constant 0 : i32
    %sign3A_69 = arith.cmpi sgt, %jit3A_59, %sign3A_68 : i32
    %sign3A_70 = arith.extui %sign3A_69 : i1 to i32
    %sign3A_71 = arith.constant 0 : i32
    %sign3A_72 = arith.cmpi slt, %jit3A_59, %sign3A_71 : i32
    %sign3A_73 = arith.extui %sign3A_72 : i1 to i32
    %sign3A_74 = arith.subi %sign3A_70, %sign3A_73 : i32
    %ne3A_75 = arith.cmpi ne, %sign3A_67, %sign3A_74 : i32
    %rem3A_76 = arith.remsi %add3A_58, %jit3A_59 : i32
    %ne3A_77 = arith.constant 0 : i32
    %ne3A_78 = arith.cmpi ne, %rem3A_76, %ne3A_77 : i32
    %and3A_79 = arith.andi %ne3A_75, %ne3A_78 : i1
    %sub3A_80 = arith.constant 1 : i32
    %sub3A_81 = arith.subi %div3A_60, %sub3A_80 : i32
    %select_n3A_82 = arith.select %and3A_79, %sub3A_81, %div3A_60 : i32
    %dma_start3A_83 = arith.constant 1 : i32
    %dma_start3A_84 = arith.constant 0 : i32
    %dma_start3A_85 = arith.constant 0 : i32
    %dma_start3A_86 = tpu.memref_slice %arg7[%dma_start3A_83, %dma_start3A_84, %dma_start3A_85] : memref<2x20x128xi32, #tpu.memory_space<vmem>> -> memref<1x20x128xi32, #tpu.memory_space<vmem>>
    %dma_start3A_87 = tpu.memref_squeeze %dma_start3A_86 : memref<1x20x128xi32, #tpu.memory_space<vmem>> -> memref<20x128xi32, #tpu.memory_space<vmem>>
    %dma_start3A_88 = arith.constant 0 : i32
    %dma_start3A_89 = tpu.memref_slice %arg3[%select_n3A_82, %dma_start3A_88] : memref<43520x128xi32, #tpu.memory_space<hbm>> -> memref<20x128xi32, #tpu.memory_space<hbm>>
    %dma_start3A_90 = arith.constant 0 : i32
    %dma_start3A_91 = arith.constant 0 : i32
    %dma_start3A_92 = tpu.memref_slice %arg7[%dma_start3A_83, %dma_start3A_90, %dma_start3A_91] : memref<2x20x128xi32, #tpu.memory_space<vmem>> -> memref<1x20x128xi32, #tpu.memory_space<vmem>>
    %dma_start3A_93 = tpu.memref_squeeze %dma_start3A_92 : memref<1x20x128xi32, #tpu.memory_space<vmem>> -> memref<20x128xi32, #tpu.memory_space<vmem>>
    %dma_start3A_94 = arith.constant 0 : i32
    %dma_start3A_95 = tpu.memref_slice %arg3[%select_n3A_82, %dma_start3A_94] : memref<43520x128xi32, #tpu.memory_space<hbm>> -> memref<20x128xi32, #tpu.memory_space<hbm>>
    tpu.enqueue_dma source(%dma_start3A_95 : memref<20x128xi32, #tpu.memory_space<hbm>>) target(%dma_start3A_93 : memref<20x128xi32, #tpu.memory_space<vmem>>) target_semaphore(%arg12 : memref<!tpu.dma_semaphore, #tpu.memory_space<semaphore_mem>>)
    %min3A_96 = arith.constant 1 : i32
    %min3A_97 = arith.constant 67 : i32
    %min3A_98 = arith.minsi %min3A_96, %min3A_97 : i32
    %mul3A_99 = arith.constant 40 : i32
    %mul3A_100 = arith.muli %min3A_98, %mul3A_99 : i32
    %add3A_101 = arith.addi %mul3A_2, %mul3A_100 : i32
    %mul3A_102 = arith.constant 64 : i32
    %mul3A_103 = arith.muli %add3A_101, %mul3A_102 : i32
    %dma_start3A_104 = arith.constant 1 : i32
    %dma_start3A_105 = arith.constant 0 : i32
    %dma_start3A_106 = tpu.memref_slice %arg8[%dma_start3A_104, %dma_start3A_105] : memref<2x2560xf32, #tpu.memory_space<vmem>> -> memref<1x2560xf32, #tpu.memory_space<vmem>>
    %dma_start3A_107 = tpu.memref_squeeze %dma_start3A_106 : memref<1x2560xf32, #tpu.memory_space<vmem>> -> memref<2560xf32, #tpu.memory_space<vmem>>
    %dma_start3A_108 = tpu.memref_slice %arg4[%mul3A_103] : memref<5570560xf32, #tpu.memory_space<hbm>> -> memref<2560xf32, #tpu.memory_space<hbm>>
    %dma_start3A_109 = arith.constant 0 : i32
    %dma_start3A_110 = tpu.memref_slice %arg8[%dma_start3A_104, %dma_start3A_109] : memref<2x2560xf32, #tpu.memory_space<vmem>> -> memref<1x2560xf32, #tpu.memory_space<vmem>>
    %dma_start3A_111 = tpu.memref_squeeze %dma_start3A_110 : memref<1x2560xf32, #tpu.memory_space<vmem>> -> memref<2560xf32, #tpu.memory_space<vmem>>
    %dma_start3A_112 = tpu.memref_slice %arg4[%mul3A_103] : memref<5570560xf32, #tpu.memory_space<hbm>> -> memref<2560xf32, #tpu.memory_space<hbm>>
    tpu.enqueue_dma source(%dma_start3A_112 : memref<2560xf32, #tpu.memory_space<hbm>>) target(%dma_start3A_111 : memref<2560xf32, #tpu.memory_space<vmem>>) target_semaphore(%arg14 : memref<!tpu.dma_semaphore, #tpu.memory_space<semaphore_mem>>)
    %min3A_113 = arith.constant 0 : i32
    %min3A_114 = arith.constant 67 : i32
    %min3A_115 = arith.minsi %min3A_113, %min3A_114 : i32
    %mul3A_116 = arith.constant 40 : i32
    %mul3A_117 = arith.muli %min3A_115, %mul3A_116 : i32
    %add3A_118 = arith.addi %mul3A_2, %mul3A_117 : i32
    %jit3A_119 = arith.constant 2 : i32
    %div3A_120 = arith.divsi %add3A_118, %jit3A_119 : i32
    %sign3A_121 = arith.constant 0 : i32
    %sign3A_122 = arith.cmpi sgt, %add3A_118, %sign3A_121 : i32
    %sign3A_123 = arith.extui %sign3A_122 : i1 to i32
    %sign3A_124 = arith.constant 0 : i32
    %sign3A_125 = arith.cmpi slt, %add3A_118, %sign3A_124 : i32
    %sign3A_126 = arith.extui %sign3A_125 : i1 to i32
    %sign3A_127 = arith.subi %sign3A_123, %sign3A_126 : i32
    %sign3A_128 = arith.constant 0 : i32
    %sign3A_129 = arith.cmpi sgt, %jit3A_119, %sign3A_128 : i32
    %sign3A_130 = arith.extui %sign3A_129 : i1 to i32
    %sign3A_131 = arith.constant 0 : i32
    %sign3A_132 = arith.cmpi slt, %jit3A_119, %sign3A_131 : i32
    %sign3A_133 = arith.extui %sign3A_132 : i1 to i32
    %sign3A_134 = arith.subi %sign3A_130, %sign3A_133 : i32
    %ne3A_135 = arith.cmpi ne, %sign3A_127, %sign3A_134 : i32
    %rem3A_136 = arith.remsi %add3A_118, %jit3A_119 : i32
    %ne3A_137 = arith.constant 0 : i32
    %ne3A_138 = arith.cmpi ne, %rem3A_136, %ne3A_137 : i32
    %and3A_139 = arith.andi %ne3A_135, %ne3A_138 : i1
    %sub3A_140 = arith.constant 1 : i32
    %sub3A_141 = arith.subi %div3A_120, %sub3A_140 : i32
    %select_n3A_142 = arith.select %and3A_139, %sub3A_141, %div3A_120 : i32
    %dma_wait3A = arith.constant 0 : i32
    %dma_wait3A_143 = arith.constant 0 : i32
    %dma_wait3A_144 = arith.constant 0 : i32
    %dma_wait3A_145 = tpu.memref_slice %arg7[%dma_wait3A, %dma_wait3A_143, %dma_wait3A_144] : memref<2x20x128xi32, #tpu.memory_space<vmem>> -> memref<1x20x128xi32, #tpu.memory_space<vmem>>
    %dma_wait3A_146 = tpu.memref_squeeze %dma_wait3A_145 : memref<1x20x128xi32, #tpu.memory_space<vmem>> -> memref<20x128xi32, #tpu.memory_space<vmem>>
    %dma_wait3A_147 = arith.constant 0 : i32
    %dma_wait3A_148 = tpu.memref_slice %arg3[%select_n3A_142, %dma_wait3A_147] : memref<43520x128xi32, #tpu.memory_space<hbm>> -> memref<20x128xi32, #tpu.memory_space<hbm>>
    %dma_wait3A_149 = arith.constant 0 : i32
    %dma_wait3A_150 = arith.constant 0 : i32
    %dma_wait3A_151 = tpu.memref_slice %arg7[%dma_wait3A, %dma_wait3A_149, %dma_wait3A_150] : memref<2x20x128xi32, #tpu.memory_space<vmem>> -> memref<1x20x128xi32, #tpu.memory_space<vmem>>
    %dma_wait3A_152 = tpu.memref_squeeze %dma_wait3A_151 : memref<1x20x128xi32, #tpu.memory_space<vmem>> -> memref<20x128xi32, #tpu.memory_space<vmem>>
    %dma_wait3A_153 = arith.constant 0 : i32
    %dma_wait3A_154 = tpu.memref_slice %arg3[%select_n3A_142, %dma_wait3A_153] : memref<43520x128xi32, #tpu.memory_space<hbm>> -> memref<20x128xi32, #tpu.memory_space<hbm>>
    tpu.wait_dma2 semaphore(%arg11 : memref<!tpu.dma_semaphore, #tpu.memory_space<semaphore_mem>>) src(%dma_wait3A_154 : memref<20x128xi32, #tpu.memory_space<hbm>>) dst(%dma_wait3A_152 : memref<20x128xi32, #tpu.memory_space<vmem>>)
    %dma_start3A_155 = arith.constant 0 : i32
    %dma_start3A_156 = arith.constant 0 : i32
    %dma_start3A_157 = arith.constant 0 : i32
    %dma_start3A_158 = arith.constant 0 : i32
    %dma_start3A_159 = arith.constant 0 : i32
    %dma_start3A_160 = arith.constant 0 : i32
    %dma_start3A_161 = tpu.memref_slice %arg9[%dma_start3A_157, %dma_start3A_158, %dma_start3A_159, %dma_start3A_160] : memref<2x20x128x32xbf16, #tpu.memory_space<vmem>> -> memref<1x1x128x32xbf16, #tpu.memory_space<vmem>>
    %dma_start3A_162 = tpu.memref_squeeze %dma_start3A_161 : memref<1x1x128x32xbf16, #tpu.memory_space<vmem>> -> memref<128x32xbf16, #tpu.memory_space<vmem>>
    %dma_start3A_163 = arith.constant 0 : i32
    %dma_start3A_164 = tpu.memref_slice %arg7[%dma_start3A_155, %dma_start3A_156, %dma_start3A_163] : memref<2x20x128xi32, #tpu.memory_space<vmem>> -> memref<1x1x128xi32, #tpu.memory_space<vmem>>
    %dma_start3A_165 = tpu.memref_squeeze %dma_start3A_164 : memref<1x1x128xi32, #tpu.memory_space<vmem>> -> memref<128xi32, #tpu.memory_space<vmem>>
    %dma_start3A_166 = arith.constant 0 : i32
    %dma_start3A_167 = arith.constant 0 : i32
    %dma_start3A_168 = tpu.memref_slice %arg2[%dma_start3A_166, %dma_start3A_167] : memref<87040x32xbf16, #tpu.memory_space<hbm>> -> memref<87040x32xbf16, #tpu.memory_space<hbm>>
    tpu.enqueue_indirect_dma source(%dma_start3A_168 : memref<87040x32xbf16, #tpu.memory_space<hbm>>) target(%dma_start3A_162 : memref<128x32xbf16, #tpu.memory_space<vmem>>) offsets(%dma_start3A_165 : memref<128xi32, #tpu.memory_space<vmem>>) semaphore(%arg15 : memref<!tpu.dma_semaphore, #tpu.memory_space<semaphore_mem>>)
    %dma_start3A_169 = arith.constant 0 : i32
    %dma_start3A_170 = arith.constant 1 : i32
    %dma_start3A_171 = arith.constant 0 : i32
    %dma_start3A_172 = arith.constant 1 : i32
    %dma_start3A_173 = arith.constant 0 : i32
    %dma_start3A_174 = arith.constant 0 : i32
    %dma_start3A_175 = tpu.memref_slice %arg9[%dma_start3A_171, %dma_start3A_172, %dma_start3A_173, %dma_start3A_174] : memref<2x20x128x32xbf16, #tpu.memory_space<vmem>> -> memref<1x1x128x32xbf16, #tpu.memory_space<vmem>>
    %dma_start3A_176 = tpu.memref_squeeze %dma_start3A_175 : memref<1x1x128x32xbf16, #tpu.memory_space<vmem>> -> memref<128x32xbf16, #tpu.memory_space<vmem>>
    %dma_start3A_177 = arith.constant 0 : i32
    %dma_start3A_178 = tpu.memref_slice %arg7[%dma_start3A_169, %dma_start3A_170, %dma_start3A_177] : memref<2x20x128xi32, #tpu.memory_space<vmem>> -> memref<1x1x128xi32, #tpu.memory_space<vmem>>
    %dma_start3A_179 = tpu.memref_squeeze %dma_start3A_178 : memref<1x1x128xi32, #tpu.memory_space<vmem>> -> memref<128xi32, #tpu.memory_space<vmem>>
    %dma_start3A_180 = arith.constant 0 : i32
    %dma_start3A_181 = arith.constant 0 : i32
    %dma_start3A_182 = tpu.memref_slice %arg2[%dma_start3A_180, %dma_start3A_181] : memref<87040x32xbf16, #tpu.memory_space<hbm>> -> memref<87040x32xbf16, #tpu.memory_space<hbm>>
    tpu.enqueue_indirect_dma source(%dma_start3A_182 : memref<87040x32xbf16, #tpu.memory_space<hbm>>) target(%dma_start3A_176 : memref<128x32xbf16, #tpu.memory_space<vmem>>) offsets(%dma_start3A_179 : memref<128xi32, #tpu.memory_space<vmem>>) semaphore(%arg15 : memref<!tpu.dma_semaphore, #tpu.memory_space<semaphore_mem>>)
    %dma_start3A_183 = arith.constant 0 : i32
    %dma_start3A_184 = arith.constant 2 : i32
    %dma_start3A_185 = arith.constant 0 : i32
    %dma_start3A_186 = arith.constant 2 : i32
    %dma_start3A_187 = arith.constant 0 : i32
    %dma_start3A_188 = arith.constant 0 : i32
    %dma_start3A_189 = tpu.memref_slice %arg9[%dma_start3A_185, %dma_start3A_186, %dma_start3A_187, %dma_start3A_188] : memref<2x20x128x32xbf16, #tpu.memory_space<vmem>> -> memref<1x1x128x32xbf16, #tpu.memory_space<vmem>>
    %dma_start3A_190 = tpu.memref_squeeze %dma_start3A_189 : memref<1x1x128x32xbf16, #tpu.memory_space<vmem>> -> memref<128x32xbf16, #tpu.memory_space<vmem>>
    %dma_start3A_191 = arith.constant 0 : i32
    %dma_start3A_192 = tpu.memref_slice %arg7[%dma_start3A_183, %dma_start3A_184, %dma_start3A_191] : memref<2x20x128xi32, #tpu.memory_space<vmem>> -> memref<1x1x128xi32, #tpu.memory_space<vmem>>
    %dma_start3A_193 = tpu.memref_squeeze %dma_start3A_192 : memref<1x1x128xi32, #tpu.memory_space<vmem>> -> memref<128xi32, #tpu.memory_space<vmem>>
    %dma_start3A_194 = arith.constant 0 : i32
    %dma_start3A_195 = arith.constant 0 : i32
    %dma_start3A_196 = tpu.memref_slice %arg2[%dma_start3A_194, %dma_start3A_195] : memref<87040x32xbf16, #tpu.memory_space<hbm>> -> memref<87040x32xbf16, #tpu.memory_space<hbm>>
    tpu.enqueue_indirect_dma source(%dma_start3A_196 : memref<87040x32xbf16, #tpu.memory_space<hbm>>) target(%dma_start3A_190 : memref<128x32xbf16, #tpu.memory_space<vmem>>) offsets(%dma_start3A_193 : memref<128xi32, #tpu.memory_space<vmem>>) semaphore(%arg15 : memref<!tpu.dma_semaphore, #tpu.memory_space<semaphore_mem>>)
    %dma_start3A_197 = arith.constant 0 : i32
    %dma_start3A_198 = arith.constant 3 : i32
    %dma_start3A_199 = arith.constant 0 : i32
    %dma_start3A_200 = arith.constant 3 : i32
    %dma_start3A_201 = arith.constant 0 : i32
    %dma_start3A_202 = arith.constant 0 : i32
    %dma_start3A_203 = tpu.memref_slice %arg9[%dma_start3A_199, %dma_start3A_200, %dma_start3A_201, %dma_start3A_202] : memref<2x20x128x32xbf16, #tpu.memory_space<vmem>> -> memref<1x1x128x32xbf16, #tpu.memory_space<vmem>>
    %dma_start3A_204 = tpu.memref_squeeze %dma_start3A_203 : memref<1x1x128x32xbf16, #tpu.memory_space<vmem>> -> memref<128x32xbf16, #tpu.memory_space<vmem>>
    %dma_start3A_205 = arith.constant 0 : i32
    %dma_start3A_206 = tpu.memref_slice %arg7[%dma_start3A_197, %dma_start3A_198, %dma_start3A_205] : memref<2x20x128xi32, #tpu.memory_space<vmem>> -> memref<1x1x128xi32, #tpu.memory_space<vmem>>
    %dma_start3A_207 = tpu.memref_squeeze %dma_start3A_206 : memref<1x1x128xi32, #tpu.memory_space<vmem>> -> memref<128xi32, #tpu.memory_space<vmem>>
    %dma_start3A_208 = arith.constant 0 : i32
    %dma_start3A_209 = arith.constant 0 : i32
    %dma_start3A_210 = tpu.memref_slice %arg2[%dma_start3A_208, %dma_start3A_209] : memref<87040x32xbf16, #tpu.memory_space<hbm>> -> memref<87040x32xbf16, #tpu.memory_space<hbm>>
    tpu.enqueue_indirect_dma source(%dma_start3A_210 : memref<87040x32xbf16, #tpu.memory_space<hbm>>) target(%dma_start3A_204 : memref<128x32xbf16, #tpu.memory_space<vmem>>) offsets(%dma_start3A_207 : memref<128xi32, #tpu.memory_space<vmem>>) semaphore(%arg15 : memref<!tpu.dma_semaphore, #tpu.memory_space<semaphore_mem>>)
    %dma_start3A_211 = arith.constant 0 : i32
    %dma_start3A_212 = arith.constant 4 : i32
    %dma_start3A_213 = arith.constant 0 : i32
    %dma_start3A_214 = arith.constant 4 : i32
    %dma_start3A_215 = arith.constant 0 : i32
    %dma_start3A_216 = arith.constant 0 : i32
    %dma_start3A_217 = tpu.memref_slice %arg9[%dma_start3A_213, %dma_start3A_214, %dma_start3A_215, %dma_start3A_216] : memref<2x20x128x32xbf16, #tpu.memory_space<vmem>> -> memref<1x1x128x32xbf16, #tpu.memory_space<vmem>>
    %dma_start3A_218 = tpu.memref_squeeze %dma_start3A_217 : memref<1x1x128x32xbf16, #tpu.memory_space<vmem>> -> memref<128x32xbf16, #tpu.memory_space<vmem>>
    %dma_start3A_219 = arith.constant 0 : i32
    %dma_start3A_220 = tpu.memref_slice %arg7[%dma_start3A_211, %dma_start3A_212, %dma_start3A_219] : memref<2x20x128xi32, #tpu.memory_space<vmem>> -> memref<1x1x128xi32, #tpu.memory_space<vmem>>
    %dma_start3A_221 = tpu.memref_squeeze %dma_start3A_220 : memref<1x1x128xi32, #tpu.memory_space<vmem>> -> memref<128xi32, #tpu.memory_space<vmem>>
    %dma_start3A_222 = arith.constant 0 : i32
    %dma_start3A_223 = arith.constant 0 : i32
    %dma_start3A_224 = tpu.memref_slice %arg2[%dma_start3A_222, %dma_start3A_223] : memref<87040x32xbf16, #tpu.memory_space<hbm>> -> memref<87040x32xbf16, #tpu.memory_space<hbm>>
    tpu.enqueue_indirect_dma source(%dma_start3A_224 : memref<87040x32xbf16, #tpu.memory_space<hbm>>) target(%dma_start3A_218 : memref<128x32xbf16, #tpu.memory_space<vmem>>) offsets(%dma_start3A_221 : memref<128xi32, #tpu.memory_space<vmem>>) semaphore(%arg15 : memref<!tpu.dma_semaphore, #tpu.memory_space<semaphore_mem>>)
    %dma_start3A_225 = arith.constant 0 : i32
    %dma_start3A_226 = arith.constant 5 : i32
    %dma_start3A_227 = arith.constant 0 : i32
    %dma_start3A_228 = arith.constant 5 : i32
    %dma_start3A_229 = arith.constant 0 : i32
    %dma_start3A_230 = arith.constant 0 : i32
    %dma_start3A_231 = tpu.memref_slice %arg9[%dma_start3A_227, %dma_start3A_228, %dma_start3A_229, %dma_start3A_230] : memref<2x20x128x32xbf16, #tpu.memory_space<vmem>> -> memref<1x1x128x32xbf16, #tpu.memory_space<vmem>>
    %dma_start3A_232 = tpu.memref_squeeze %dma_start3A_231 : memref<1x1x128x32xbf16, #tpu.memory_space<vmem>> -> memref<128x32xbf16, #tpu.memory_space<vmem>>
    %dma_start3A_233 = arith.constant 0 : i32
    %dma_start3A_234 = tpu.memref_slice %arg7[%dma_start3A_225, %dma_start3A_226, %dma_start3A_233] : memref<2x20x128xi32, #tpu.memory_space<vmem>> -> memref<1x1x128xi32, #tpu.memory_space<vmem>>
    %dma_start3A_235 = tpu.memref_squeeze %dma_start3A_234 : memref<1x1x128xi32, #tpu.memory_space<vmem>> -> memref<128xi32, #tpu.memory_space<vmem>>
    %dma_start3A_236 = arith.constant 0 : i32
    %dma_start3A_237 = arith.constant 0 : i32
    %dma_start3A_238 = tpu.memref_slice %arg2[%dma_start3A_236, %dma_start3A_237] : memref<87040x32xbf16, #tpu.memory_space<hbm>> -> memref<87040x32xbf16, #tpu.memory_space<hbm>>
    tpu.enqueue_indirect_dma source(%dma_start3A_238 : memref<87040x32xbf16, #tpu.memory_space<hbm>>) target(%dma_start3A_232 : memref<128x32xbf16, #tpu.memory_space<vmem>>) offsets(%dma_start3A_235 : memref<128xi32, #tpu.memory_space<vmem>>) semaphore(%arg15 : memref<!tpu.dma_semaphore, #tpu.memory_space<semaphore_mem>>)
    %dma_start3A_239 = arith.constant 0 : i32
    %dma_start3A_240 = arith.constant 6 : i32
    %dma_start3A_241 = arith.constant 0 : i32
    %dma_start3A_242 = arith.constant 6 : i32
    %dma_start3A_243 = arith.constant 0 : i32
    %dma_start3A_244 = arith.constant 0 : i32
    %dma_start3A_245 = tpu.memref_slice %arg9[%dma_start3A_241, %dma_start3A_242, %dma_start3A_243, %dma_start3A_244] : memref<2x20x128x32xbf16, #tpu.memory_space<vmem>> -> memref<1x1x128x32xbf16, #tpu.memory_space<vmem>>
    %dma_start3A_246 = tpu.memref_squeeze %dma_start3A_245 : memref<1x1x128x32xbf16, #tpu.memory_space<vmem>> -> memref<128x32xbf16, #tpu.memory_space<vmem>>
    %dma_start3A_247 = arith.constant 0 : i32
    %dma_start3A_248 = tpu.memref_slice %arg7[%dma_start3A_239, %dma_start3A_240, %dma_start3A_247] : memref<2x20x128xi32, #tpu.memory_space<vmem>> -> memref<1x1x128xi32, #tpu.memory_space<vmem>>
    %dma_start3A_249 = tpu.memref_squeeze %dma_start3A_248 : memref<1x1x128xi32, #tpu.memory_space<vmem>> -> memref<128xi32, #tpu.memory_space<vmem>>
    %dma_start3A_250 = arith.constant 0 : i32
    %dma_start3A_251 = arith.constant 0 : i32
    %dma_start3A_252 = tpu.memref_slice %arg2[%dma_start3A_250, %dma_start3A_251] : memref<87040x32xbf16, #tpu.memory_space<hbm>> -> memref<87040x32xbf16, #tpu.memory_space<hbm>>
    tpu.enqueue_indirect_dma source(%dma_start3A_252 : memref<87040x32xbf16, #tpu.memory_space<hbm>>) target(%dma_start3A_246 : memref<128x32xbf16, #tpu.memory_space<vmem>>) offsets(%dma_start3A_249 : memref<128xi32, #tpu.memory_space<vmem>>) semaphore(%arg15 : memref<!tpu.dma_semaphore, #tpu.memory_space<semaphore_mem>>)
    %dma_start3A_253 = arith.constant 0 : i32
    %dma_start3A_254 = arith.constant 7 : i32
    %dma_start3A_255 = arith.constant 0 : i32
    %dma_start3A_256 = arith.constant 7 : i32
    %dma_start3A_257 = arith.constant 0 : i32
    %dma_start3A_258 = arith.constant 0 : i32
    %dma_start3A_259 = tpu.memref_slice %arg9[%dma_start3A_255, %dma_start3A_256, %dma_start3A_257, %dma_start3A_258] : memref<2x20x128x32xbf16, #tpu.memory_space<vmem>> -> memref<1x1x128x32xbf16, #tpu.memory_space<vmem>>
    %dma_start3A_260 = tpu.memref_squeeze %dma_start3A_259 : memref<1x1x128x32xbf16, #tpu.memory_space<vmem>> -> memref<128x32xbf16, #tpu.memory_space<vmem>>
    %dma_start3A_261 = arith.constant 0 : i32
    %dma_start3A_262 = tpu.memref_slice %arg7[%dma_start3A_253, %dma_start3A_254, %dma_start3A_261] : memref<2x20x128xi32, #tpu.memory_space<vmem>> -> memref<1x1x128xi32, #tpu.memory_space<vmem>>
    %dma_start3A_263 = tpu.memref_squeeze %dma_start3A_262 : memref<1x1x128xi32, #tpu.memory_space<vmem>> -> memref<128xi32, #tpu.memory_space<vmem>>
    %dma_start3A_264 = arith.constant 0 : i32
    %dma_start3A_265 = arith.constant 0 : i32
    %dma_start3A_266 = tpu.memref_slice %arg2[%dma_start3A_264, %dma_start3A_265] : memref<87040x32xbf16, #tpu.memory_space<hbm>> -> memref<87040x32xbf16, #tpu.memory_space<hbm>>
    tpu.enqueue_indirect_dma source(%dma_start3A_266 : memref<87040x32xbf16, #tpu.memory_space<hbm>>) target(%dma_start3A_260 : memref<128x32xbf16, #tpu.memory_space<vmem>>) offsets(%dma_start3A_263 : memref<128xi32, #tpu.memory_space<vmem>>) semaphore(%arg15 : memref<!tpu.dma_semaphore, #tpu.memory_space<semaphore_mem>>)
    %dma_start3A_267 = arith.constant 0 : i32
    %dma_start3A_268 = arith.constant 8 : i32
    %dma_start3A_269 = arith.constant 0 : i32
    %dma_start3A_270 = arith.constant 8 : i32
    %dma_start3A_271 = arith.constant 0 : i32
    %dma_start3A_272 = arith.constant 0 : i32
    %dma_start3A_273 = tpu.memref_slice %arg9[%dma_start3A_269, %dma_start3A_270, %dma_start3A_271, %dma_start3A_272] : memref<2x20x128x32xbf16, #tpu.memory_space<vmem>> -> memref<1x1x128x32xbf16, #tpu.memory_space<vmem>>
    %dma_start3A_274 = tpu.memref_squeeze %dma_start3A_273 : memref<1x1x128x32xbf16, #tpu.memory_space<vmem>> -> memref<128x32xbf16, #tpu.memory_space<vmem>>
    %dma_start3A_275 = arith.constant 0 : i32
    %dma_start3A_276 = tpu.memref_slice %arg7[%dma_start3A_267, %dma_start3A_268, %dma_start3A_275] : memref<2x20x128xi32, #tpu.memory_space<vmem>> -> memref<1x1x128xi32, #tpu.memory_space<vmem>>
    %dma_start3A_277 = tpu.memref_squeeze %dma_start3A_276 : memref<1x1x128xi32, #tpu.memory_space<vmem>> -> memref<128xi32, #tpu.memory_space<vmem>>
    %dma_start3A_278 = arith.constant 0 : i32
    %dma_start3A_279 = arith.constant 0 : i32
    %dma_start3A_280 = tpu.memref_slice %arg2[%dma_start3A_278, %dma_start3A_279] : memref<87040x32xbf16, #tpu.memory_space<hbm>> -> memref<87040x32xbf16, #tpu.memory_space<hbm>>
    tpu.enqueue_indirect_dma source(%dma_start3A_280 : memref<87040x32xbf16, #tpu.memory_space<hbm>>) target(%dma_start3A_274 : memref<128x32xbf16, #tpu.memory_space<vmem>>) offsets(%dma_start3A_277 : memref<128xi32, #tpu.memory_space<vmem>>) semaphore(%arg15 : memref<!tpu.dma_semaphore, #tpu.memory_space<semaphore_mem>>)
    %dma_start3A_281 = arith.constant 0 : i32
    %dma_start3A_282 = arith.constant 9 : i32
    %dma_start3A_283 = arith.constant 0 : i32
    %dma_start3A_284 = arith.constant 9 : i32
    %dma_start3A_285 = arith.constant 0 : i32
    %dma_start3A_286 = arith.constant 0 : i32
    %dma_start3A_287 = tpu.memref_slice %arg9[%dma_start3A_283, %dma_start3A_284, %dma_start3A_285, %dma_start3A_286] : memref<2x20x128x32xbf16, #tpu.memory_space<vmem>> -> memref<1x1x128x32xbf16, #tpu.memory_space<vmem>>
    %dma_start3A_288 = tpu.memref_squeeze %dma_start3A_287 : memref<1x1x128x32xbf16, #tpu.memory_space<vmem>> -> memref<128x32xbf16, #tpu.memory_space<vmem>>
    %dma_start3A_289 = arith.constant 0 : i32
    %dma_start3A_290 = tpu.memref_slice %arg7[%dma_start3A_281, %dma_start3A_282, %dma_start3A_289] : memref<2x20x128xi32, #tpu.memory_space<vmem>> -> memref<1x1x128xi32, #tpu.memory_space<vmem>>
    %dma_start3A_291 = tpu.memref_squeeze %dma_start3A_290 : memref<1x1x128xi32, #tpu.memory_space<vmem>> -> memref<128xi32, #tpu.memory_space<vmem>>
    %dma_start3A_292 = arith.constant 0 : i32
    %dma_start3A_293 = arith.constant 0 : i32
    %dma_start3A_294 = tpu.memref_slice %arg2[%dma_start3A_292, %dma_start3A_293] : memref<87040x32xbf16, #tpu.memory_space<hbm>> -> memref<87040x32xbf16, #tpu.memory_space<hbm>>
    tpu.enqueue_indirect_dma source(%dma_start3A_294 : memref<87040x32xbf16, #tpu.memory_space<hbm>>) target(%dma_start3A_288 : memref<128x32xbf16, #tpu.memory_space<vmem>>) offsets(%dma_start3A_291 : memref<128xi32, #tpu.memory_space<vmem>>) semaphore(%arg15 : memref<!tpu.dma_semaphore, #tpu.memory_space<semaphore_mem>>)
    %dma_start3A_295 = arith.constant 0 : i32
    %dma_start3A_296 = arith.constant 10 : i32
    %dma_start3A_297 = arith.constant 0 : i32
    %dma_start3A_298 = arith.constant 10 : i32
    %dma_start3A_299 = arith.constant 0 : i32
    %dma_start3A_300 = arith.constant 0 : i32
    %dma_start3A_301 = tpu.memref_slice %arg9[%dma_start3A_297, %dma_start3A_298, %dma_start3A_299, %dma_start3A_300] : memref<2x20x128x32xbf16, #tpu.memory_space<vmem>> -> memref<1x1x128x32xbf16, #tpu.memory_space<vmem>>
    %dma_start3A_302 = tpu.memref_squeeze %dma_start3A_301 : memref<1x1x128x32xbf16, #tpu.memory_space<vmem>> -> memref<128x32xbf16, #tpu.memory_space<vmem>>
    %dma_start3A_303 = arith.constant 0 : i32
    %dma_start3A_304 = tpu.memref_slice %arg7[%dma_start3A_295, %dma_start3A_296, %dma_start3A_303] : memref<2x20x128xi32, #tpu.memory_space<vmem>> -> memref<1x1x128xi32, #tpu.memory_space<vmem>>
    %dma_start3A_305 = tpu.memref_squeeze %dma_start3A_304 : memref<1x1x128xi32, #tpu.memory_space<vmem>> -> memref<128xi32, #tpu.memory_space<vmem>>
    %dma_start3A_306 = arith.constant 0 : i32
    %dma_start3A_307 = arith.constant 0 : i32
    %dma_start3A_308 = tpu.memref_slice %arg2[%dma_start3A_306, %dma_start3A_307] : memref<87040x32xbf16, #tpu.memory_space<hbm>> -> memref<87040x32xbf16, #tpu.memory_space<hbm>>
    tpu.enqueue_indirect_dma source(%dma_start3A_308 : memref<87040x32xbf16, #tpu.memory_space<hbm>>) target(%dma_start3A_302 : memref<128x32xbf16, #tpu.memory_space<vmem>>) offsets(%dma_start3A_305 : memref<128xi32, #tpu.memory_space<vmem>>) semaphore(%arg15 : memref<!tpu.dma_semaphore, #tpu.memory_space<semaphore_mem>>)
    %dma_start3A_309 = arith.constant 0 : i32
    %dma_start3A_310 = arith.constant 11 : i32
    %dma_start3A_311 = arith.constant 0 : i32
    %dma_start3A_312 = arith.constant 11 : i32
    %dma_start3A_313 = arith.constant 0 : i32
    %dma_start3A_314 = arith.constant 0 : i32
    %dma_start3A_315 = tpu.memref_slice %arg9[%dma_start3A_311, %dma_start3A_312, %dma_start3A_313, %dma_start3A_314] : memref<2x20x128x32xbf16, #tpu.memory_space<vmem>> -> memref<1x1x128x32xbf16, #tpu.memory_space<vmem>>
    %dma_start3A_316 = tpu.memref_squeeze %dma_start3A_315 : memref<1x1x128x32xbf16, #tpu.memory_space<vmem>> -> memref<128x32xbf16, #tpu.memory_space<vmem>>
    %dma_start3A_317 = arith.constant 0 : i32
    %dma_start3A_318 = tpu.memref_slice %arg7[%dma_start3A_309, %dma_start3A_310, %dma_start3A_317] : memref<2x20x128xi32, #tpu.memory_space<vmem>> -> memref<1x1x128xi32, #tpu.memory_space<vmem>>
    %dma_start3A_319 = tpu.memref_squeeze %dma_start3A_318 : memref<1x1x128xi32, #tpu.memory_space<vmem>> -> memref<128xi32, #tpu.memory_space<vmem>>
    %dma_start3A_320 = arith.constant 0 : i32
    %dma_start3A_321 = arith.constant 0 : i32
    %dma_start3A_322 = tpu.memref_slice %arg2[%dma_start3A_320, %dma_start3A_321] : memref<87040x32xbf16, #tpu.memory_space<hbm>> -> memref<87040x32xbf16, #tpu.memory_space<hbm>>
    tpu.enqueue_indirect_dma source(%dma_start3A_322 : memref<87040x32xbf16, #tpu.memory_space<hbm>>) target(%dma_start3A_316 : memref<128x32xbf16, #tpu.memory_space<vmem>>) offsets(%dma_start3A_319 : memref<128xi32, #tpu.memory_space<vmem>>) semaphore(%arg15 : memref<!tpu.dma_semaphore, #tpu.memory_space<semaphore_mem>>)
    %dma_start3A_323 = arith.constant 0 : i32
    %dma_start3A_324 = arith.constant 12 : i32
    %dma_start3A_325 = arith.constant 0 : i32
    %dma_start3A_326 = arith.constant 12 : i32
    %dma_start3A_327 = arith.constant 0 : i32
    %dma_start3A_328 = arith.constant 0 : i32
    %dma_start3A_329 = tpu.memref_slice %arg9[%dma_start3A_325, %dma_start3A_326, %dma_start3A_327, %dma_start3A_328] : memref<2x20x128x32xbf16, #tpu.memory_space<vmem>> -> memref<1x1x128x32xbf16, #tpu.memory_space<vmem>>
    %dma_start3A_330 = tpu.memref_squeeze %dma_start3A_329 : memref<1x1x128x32xbf16, #tpu.memory_space<vmem>> -> memref<128x32xbf16, #tpu.memory_space<vmem>>
    %dma_start3A_331 = arith.constant 0 : i32
    %dma_start3A_332 = tpu.memref_slice %arg7[%dma_start3A_323, %dma_start3A_324, %dma_start3A_331] : memref<2x20x128xi32, #tpu.memory_space<vmem>> -> memref<1x1x128xi32, #tpu.memory_space<vmem>>
    %dma_start3A_333 = tpu.memref_squeeze %dma_start3A_332 : memref<1x1x128xi32, #tpu.memory_space<vmem>> -> memref<128xi32, #tpu.memory_space<vmem>>
    %dma_start3A_334 = arith.constant 0 : i32
    %dma_start3A_335 = arith.constant 0 : i32
    %dma_start3A_336 = tpu.memref_slice %arg2[%dma_start3A_334, %dma_start3A_335] : memref<87040x32xbf16, #tpu.memory_space<hbm>> -> memref<87040x32xbf16, #tpu.memory_space<hbm>>
    tpu.enqueue_indirect_dma source(%dma_start3A_336 : memref<87040x32xbf16, #tpu.memory_space<hbm>>) target(%dma_start3A_330 : memref<128x32xbf16, #tpu.memory_space<vmem>>) offsets(%dma_start3A_333 : memref<128xi32, #tpu.memory_space<vmem>>) semaphore(%arg15 : memref<!tpu.dma_semaphore, #tpu.memory_space<semaphore_mem>>)
    %dma_start3A_337 = arith.constant 0 : i32
    %dma_start3A_338 = arith.constant 13 : i32
    %dma_start3A_339 = arith.constant 0 : i32
    %dma_start3A_340 = arith.constant 13 : i32
    %dma_start3A_341 = arith.constant 0 : i32
    %dma_start3A_342 = arith.constant 0 : i32
    %dma_start3A_343 = tpu.memref_slice %arg9[%dma_start3A_339, %dma_start3A_340, %dma_start3A_341, %dma_start3A_342] : memref<2x20x128x32xbf16, #tpu.memory_space<vmem>> -> memref<1x1x128x32xbf16, #tpu.memory_space<vmem>>
    %dma_start3A_344 = tpu.memref_squeeze %dma_start3A_343 : memref<1x1x128x32xbf16, #tpu.memory_space<vmem>> -> memref<128x32xbf16, #tpu.memory_space<vmem>>
    %dma_start3A_345 = arith.constant 0 : i32
    %dma_start3A_346 = tpu.memref_slice %arg7[%dma_start3A_337, %dma_start3A_338, %dma_start3A_345] : memref<2x20x128xi32, #tpu.memory_space<vmem>> -> memref<1x1x128xi32, #tpu.memory_space<vmem>>
    %dma_start3A_347 = tpu.memref_squeeze %dma_start3A_346 : memref<1x1x128xi32, #tpu.memory_space<vmem>> -> memref<128xi32, #tpu.memory_space<vmem>>
    %dma_start3A_348 = arith.constant 0 : i32
    %dma_start3A_349 = arith.constant 0 : i32
    %dma_start3A_350 = tpu.memref_slice %arg2[%dma_start3A_348, %dma_start3A_349] : memref<87040x32xbf16, #tpu.memory_space<hbm>> -> memref<87040x32xbf16, #tpu.memory_space<hbm>>
    tpu.enqueue_indirect_dma source(%dma_start3A_350 : memref<87040x32xbf16, #tpu.memory_space<hbm>>) target(%dma_start3A_344 : memref<128x32xbf16, #tpu.memory_space<vmem>>) offsets(%dma_start3A_347 : memref<128xi32, #tpu.memory_space<vmem>>) semaphore(%arg15 : memref<!tpu.dma_semaphore, #tpu.memory_space<semaphore_mem>>)
    %dma_start3A_351 = arith.constant 0 : i32
    %dma_start3A_352 = arith.constant 14 : i32
    %dma_start3A_353 = arith.constant 0 : i32
    %dma_start3A_354 = arith.constant 14 : i32
    %dma_start3A_355 = arith.constant 0 : i32
    %dma_start3A_356 = arith.constant 0 : i32
    %dma_start3A_357 = tpu.memref_slice %arg9[%dma_start3A_353, %dma_start3A_354, %dma_start3A_355, %dma_start3A_356] : memref<2x20x128x32xbf16, #tpu.memory_space<vmem>> -> memref<1x1x128x32xbf16, #tpu.memory_space<vmem>>
    %dma_start3A_358 = tpu.memref_squeeze %dma_start3A_357 : memref<1x1x128x32xbf16, #tpu.memory_space<vmem>> -> memref<128x32xbf16, #tpu.memory_space<vmem>>
    %dma_start3A_359 = arith.constant 0 : i32
    %dma_start3A_360 = tpu.memref_slice %arg7[%dma_start3A_351, %dma_start3A_352, %dma_start3A_359] : memref<2x20x128xi32, #tpu.memory_space<vmem>> -> memref<1x1x128xi32, #tpu.memory_space<vmem>>
    %dma_start3A_361 = tpu.memref_squeeze %dma_start3A_360 : memref<1x1x128xi32, #tpu.memory_space<vmem>> -> memref<128xi32, #tpu.memory_space<vmem>>
    %dma_start3A_362 = arith.constant 0 : i32
    %dma_start3A_363 = arith.constant 0 : i32
    %dma_start3A_364 = tpu.memref_slice %arg2[%dma_start3A_362, %dma_start3A_363] : memref<87040x32xbf16, #tpu.memory_space<hbm>> -> memref<87040x32xbf16, #tpu.memory_space<hbm>>
    tpu.enqueue_indirect_dma source(%dma_start3A_364 : memref<87040x32xbf16, #tpu.memory_space<hbm>>) target(%dma_start3A_358 : memref<128x32xbf16, #tpu.memory_space<vmem>>) offsets(%dma_start3A_361 : memref<128xi32, #tpu.memory_space<vmem>>) semaphore(%arg15 : memref<!tpu.dma_semaphore, #tpu.memory_space<semaphore_mem>>)
    %dma_start3A_365 = arith.constant 0 : i32
    %dma_start3A_366 = arith.constant 15 : i32
    %dma_start3A_367 = arith.constant 0 : i32
    %dma_start3A_368 = arith.constant 15 : i32
    %dma_start3A_369 = arith.constant 0 : i32
    %dma_start3A_370 = arith.constant 0 : i32
    %dma_start3A_371 = tpu.memref_slice %arg9[%dma_start3A_367, %dma_start3A_368, %dma_start3A_369, %dma_start3A_370] : memref<2x20x128x32xbf16, #tpu.memory_space<vmem>> -> memref<1x1x128x32xbf16, #tpu.memory_space<vmem>>
    %dma_start3A_372 = tpu.memref_squeeze %dma_start3A_371 : memref<1x1x128x32xbf16, #tpu.memory_space<vmem>> -> memref<128x32xbf16, #tpu.memory_space<vmem>>
    %dma_start3A_373 = arith.constant 0 : i32
    %dma_start3A_374 = tpu.memref_slice %arg7[%dma_start3A_365, %dma_start3A_366, %dma_start3A_373] : memref<2x20x128xi32, #tpu.memory_space<vmem>> -> memref<1x1x128xi32, #tpu.memory_space<vmem>>
    %dma_start3A_375 = tpu.memref_squeeze %dma_start3A_374 : memref<1x1x128xi32, #tpu.memory_space<vmem>> -> memref<128xi32, #tpu.memory_space<vmem>>
    %dma_start3A_376 = arith.constant 0 : i32
    %dma_start3A_377 = arith.constant 0 : i32
    %dma_start3A_378 = tpu.memref_slice %arg2[%dma_start3A_376, %dma_start3A_377] : memref<87040x32xbf16, #tpu.memory_space<hbm>> -> memref<87040x32xbf16, #tpu.memory_space<hbm>>
    tpu.enqueue_indirect_dma source(%dma_start3A_378 : memref<87040x32xbf16, #tpu.memory_space<hbm>>) target(%dma_start3A_372 : memref<128x32xbf16, #tpu.memory_space<vmem>>) offsets(%dma_start3A_375 : memref<128xi32, #tpu.memory_space<vmem>>) semaphore(%arg15 : memref<!tpu.dma_semaphore, #tpu.memory_space<semaphore_mem>>)
    %dma_start3A_379 = arith.constant 0 : i32
    %dma_start3A_380 = arith.constant 16 : i32
    %dma_start3A_381 = arith.constant 0 : i32
    %dma_start3A_382 = arith.constant 16 : i32
    %dma_start3A_383 = arith.constant 0 : i32
    %dma_start3A_384 = arith.constant 0 : i32
    %dma_start3A_385 = tpu.memref_slice %arg9[%dma_start3A_381, %dma_start3A_382, %dma_start3A_383, %dma_start3A_384] : memref<2x20x128x32xbf16, #tpu.memory_space<vmem>> -> memref<1x1x128x32xbf16, #tpu.memory_space<vmem>>
    %dma_start3A_386 = tpu.memref_squeeze %dma_start3A_385 : memref<1x1x128x32xbf16, #tpu.memory_space<vmem>> -> memref<128x32xbf16, #tpu.memory_space<vmem>>
    %dma_start3A_387 = arith.constant 0 : i32
    %dma_start3A_388 = tpu.memref_slice %arg7[%dma_start3A_379, %dma_start3A_380, %dma_start3A_387] : memref<2x20x128xi32, #tpu.memory_space<vmem>> -> memref<1x1x128xi32, #tpu.memory_space<vmem>>
    %dma_start3A_389 = tpu.memref_squeeze %dma_start3A_388 : memref<1x1x128xi32, #tpu.memory_space<vmem>> -> memref<128xi32, #tpu.memory_space<vmem>>
    %dma_start3A_390 = arith.constant 0 : i32
    %dma_start3A_391 = arith.constant 0 : i32
    %dma_start3A_392 = tpu.memref_slice %arg2[%dma_start3A_390, %dma_start3A_391] : memref<87040x32xbf16, #tpu.memory_space<hbm>> -> memref<87040x32xbf16, #tpu.memory_space<hbm>>
    tpu.enqueue_indirect_dma source(%dma_start3A_392 : memref<87040x32xbf16, #tpu.memory_space<hbm>>) target(%dma_start3A_386 : memref<128x32xbf16, #tpu.memory_space<vmem>>) offsets(%dma_start3A_389 : memref<128xi32, #tpu.memory_space<vmem>>) semaphore(%arg15 : memref<!tpu.dma_semaphore, #tpu.memory_space<semaphore_mem>>)
    %dma_start3A_393 = arith.constant 0 : i32
    %dma_start3A_394 = arith.constant 17 : i32
    %dma_start3A_395 = arith.constant 0 : i32
    %dma_start3A_396 = arith.constant 17 : i32
    %dma_start3A_397 = arith.constant 0 : i32
    %dma_start3A_398 = arith.constant 0 : i32
    %dma_start3A_399 = tpu.memref_slice %arg9[%dma_start3A_395, %dma_start3A_396, %dma_start3A_397, %dma_start3A_398] : memref<2x20x128x32xbf16, #tpu.memory_space<vmem>> -> memref<1x1x128x32xbf16, #tpu.memory_space<vmem>>
    %dma_start3A_400 = tpu.memref_squeeze %dma_start3A_399 : memref<1x1x128x32xbf16, #tpu.memory_space<vmem>> -> memref<128x32xbf16, #tpu.memory_space<vmem>>
    %dma_start3A_401 = arith.constant 0 : i32
    %dma_start3A_402 = tpu.memref_slice %arg7[%dma_start3A_393, %dma_start3A_394, %dma_start3A_401] : memref<2x20x128xi32, #tpu.memory_space<vmem>> -> memref<1x1x128xi32, #tpu.memory_space<vmem>>
    %dma_start3A_403 = tpu.memref_squeeze %dma_start3A_402 : memref<1x1x128xi32, #tpu.memory_space<vmem>> -> memref<128xi32, #tpu.memory_space<vmem>>
    %dma_start3A_404 = arith.constant 0 : i32
    %dma_start3A_405 = arith.constant 0 : i32
    %dma_start3A_406 = tpu.memref_slice %arg2[%dma_start3A_404, %dma_start3A_405] : memref<87040x32xbf16, #tpu.memory_space<hbm>> -> memref<87040x32xbf16, #tpu.memory_space<hbm>>
    tpu.enqueue_indirect_dma source(%dma_start3A_406 : memref<87040x32xbf16, #tpu.memory_space<hbm>>) target(%dma_start3A_400 : memref<128x32xbf16, #tpu.memory_space<vmem>>) offsets(%dma_start3A_403 : memref<128xi32, #tpu.memory_space<vmem>>) semaphore(%arg15 : memref<!tpu.dma_semaphore, #tpu.memory_space<semaphore_mem>>)
    %dma_start3A_407 = arith.constant 0 : i32
    %dma_start3A_408 = arith.constant 18 : i32
    %dma_start3A_409 = arith.constant 0 : i32
    %dma_start3A_410 = arith.constant 18 : i32
    %dma_start3A_411 = arith.constant 0 : i32
    %dma_start3A_412 = arith.constant 0 : i32
    %dma_start3A_413 = tpu.memref_slice %arg9[%dma_start3A_409, %dma_start3A_410, %dma_start3A_411, %dma_start3A_412] : memref<2x20x128x32xbf16, #tpu.memory_space<vmem>> -> memref<1x1x128x32xbf16, #tpu.memory_space<vmem>>
    %dma_start3A_414 = tpu.memref_squeeze %dma_start3A_413 : memref<1x1x128x32xbf16, #tpu.memory_space<vmem>> -> memref<128x32xbf16, #tpu.memory_space<vmem>>
    %dma_start3A_415 = arith.constant 0 : i32
    %dma_start3A_416 = tpu.memref_slice %arg7[%dma_start3A_407, %dma_start3A_408, %dma_start3A_415] : memref<2x20x128xi32, #tpu.memory_space<vmem>> -> memref<1x1x128xi32, #tpu.memory_space<vmem>>
    %dma_start3A_417 = tpu.memref_squeeze %dma_start3A_416 : memref<1x1x128xi32, #tpu.memory_space<vmem>> -> memref<128xi32, #tpu.memory_space<vmem>>
    %dma_start3A_418 = arith.constant 0 : i32
    %dma_start3A_419 = arith.constant 0 : i32
    %dma_start3A_420 = tpu.memref_slice %arg2[%dma_start3A_418, %dma_start3A_419] : memref<87040x32xbf16, #tpu.memory_space<hbm>> -> memref<87040x32xbf16, #tpu.memory_space<hbm>>
    tpu.enqueue_indirect_dma source(%dma_start3A_420 : memref<87040x32xbf16, #tpu.memory_space<hbm>>) target(%dma_start3A_414 : memref<128x32xbf16, #tpu.memory_space<vmem>>) offsets(%dma_start3A_417 : memref<128xi32, #tpu.memory_space<vmem>>) semaphore(%arg15 : memref<!tpu.dma_semaphore, #tpu.memory_space<semaphore_mem>>)
    %dma_start3A_421 = arith.constant 0 : i32
    %dma_start3A_422 = arith.constant 19 : i32
    %dma_start3A_423 = arith.constant 0 : i32
    %dma_start3A_424 = arith.constant 19 : i32
    %dma_start3A_425 = arith.constant 0 : i32
    %dma_start3A_426 = arith.constant 0 : i32
    %dma_start3A_427 = tpu.memref_slice %arg9[%dma_start3A_423, %dma_start3A_424, %dma_start3A_425, %dma_start3A_426] : memref<2x20x128x32xbf16, #tpu.memory_space<vmem>> -> memref<1x1x128x32xbf16, #tpu.memory_space<vmem>>
    %dma_start3A_428 = tpu.memref_squeeze %dma_start3A_427 : memref<1x1x128x32xbf16, #tpu.memory_space<vmem>> -> memref<128x32xbf16, #tpu.memory_space<vmem>>
    %dma_start3A_429 = arith.constant 0 : i32
    %dma_start3A_430 = tpu.memref_slice %arg7[%dma_start3A_421, %dma_start3A_422, %dma_start3A_429] : memref<2x20x128xi32, #tpu.memory_space<vmem>> -> memref<1x1x128xi32, #tpu.memory_space<vmem>>
    %dma_start3A_431 = tpu.memref_squeeze %dma_start3A_430 : memref<1x1x128xi32, #tpu.memory_space<vmem>> -> memref<128xi32, #tpu.memory_space<vmem>>
    %dma_start3A_432 = arith.constant 0 : i32
    %dma_start3A_433 = arith.constant 0 : i32
    %dma_start3A_434 = tpu.memref_slice %arg2[%dma_start3A_432, %dma_start3A_433] : memref<87040x32xbf16, #tpu.memory_space<hbm>> -> memref<87040x32xbf16, #tpu.memory_space<hbm>>
    tpu.enqueue_indirect_dma source(%dma_start3A_434 : memref<87040x32xbf16, #tpu.memory_space<hbm>>) target(%dma_start3A_428 : memref<128x32xbf16, #tpu.memory_space<vmem>>) offsets(%dma_start3A_431 : memref<128xi32, #tpu.memory_space<vmem>>) semaphore(%arg15 : memref<!tpu.dma_semaphore, #tpu.memory_space<semaphore_mem>>)
    %scan3A = arith.constant 0 : i32
    %scan3A_435 = arith.constant 0 : i32
    %scan3A_436 = arith.constant 34 : i32
    %scan3A_437 = arith.addi %scan3A_435, %scan3A_436 : i32
    %scan3A_438 = arith.constant 1 : i32
    %scan3A_439 = scf.for %scan3A_555 = %scan3A_435 to %scan3A_437 step %scan3A_438 iter_args(%scan3A_556 = %scan3A) -> (i32)  : i32 {
      %mul3A_557 = arith.constant 2 : i32
      %mul3A_558 = arith.muli %mul3A_557, %scan3A_555 : i32
      %add3A_559 = arith.constant 1 : i32
      %add3A_560 = arith.addi %mul3A_558, %add3A_559 : i32
      %min3A_561 = arith.constant 67 : i32
      %min3A_562 = arith.minsi %add3A_560, %min3A_561 : i32
      %mul3A_563 = arith.constant 40 : i32
      %mul3A_564 = arith.muli %min3A_562, %mul3A_563 : i32
      %add3A_565 = arith.addi %mul3A_2, %mul3A_564 : i32
      %jit3A_566 = arith.constant 2 : i32
      %div3A_567 = arith.divsi %add3A_565, %jit3A_566 : i32
      %sign3A_568 = arith.constant 0 : i32
      %sign3A_569 = arith.cmpi sgt, %add3A_565, %sign3A_568 : i32
      %sign3A_570 = arith.extui %sign3A_569 : i1 to i32
      %sign3A_571 = arith.constant 0 : i32
      %sign3A_572 = arith.cmpi slt, %add3A_565, %sign3A_571 : i32
      %sign3A_573 = arith.extui %sign3A_572 : i1 to i32
      %sign3A_574 = arith.subi %sign3A_570, %sign3A_573 : i32
      %sign3A_575 = arith.constant 0 : i32
      %sign3A_576 = arith.cmpi sgt, %jit3A_566, %sign3A_575 : i32
      %sign3A_577 = arith.extui %sign3A_576 : i1 to i32
      %sign3A_578 = arith.constant 0 : i32
      %sign3A_579 = arith.cmpi slt, %jit3A_566, %sign3A_578 : i32
      %sign3A_580 = arith.extui %sign3A_579 : i1 to i32
      %sign3A_581 = arith.subi %sign3A_577, %sign3A_580 : i32
      %ne3A_582 = arith.cmpi ne, %sign3A_574, %sign3A_581 : i32
      %rem3A_583 = arith.remsi %add3A_565, %jit3A_566 : i32
      %ne3A_584 = arith.constant 0 : i32
      %ne3A_585 = arith.cmpi ne, %rem3A_583, %ne3A_584 : i32
      %and3A_586 = arith.andi %ne3A_582, %ne3A_585 : i1
      %sub3A_587 = arith.constant 1 : i32
      %sub3A_588 = arith.subi %div3A_567, %sub3A_587 : i32
      %select_n3A_589 = arith.select %and3A_586, %sub3A_588, %div3A_567 : i32
      %dma_wait3A_590 = arith.constant 1 : i32
      %dma_wait3A_591 = arith.constant 0 : i32
      %dma_wait3A_592 = arith.constant 0 : i32
      %dma_wait3A_593 = tpu.memref_slice %arg7[%dma_wait3A_590, %dma_wait3A_591, %dma_wait3A_592] : memref<2x20x128xi32, #tpu.memory_space<vmem>> -> memref<1x20x128xi32, #tpu.memory_space<vmem>>
      %dma_wait3A_594 = tpu.memref_squeeze %dma_wait3A_593 : memref<1x20x128xi32, #tpu.memory_space<vmem>> -> memref<20x128xi32, #tpu.memory_space<vmem>>
      %dma_wait3A_595 = arith.constant 0 : i32
      %dma_wait3A_596 = tpu.memref_slice %arg3[%select_n3A_589, %dma_wait3A_595] : memref<43520x128xi32, #tpu.memory_space<hbm>> -> memref<20x128xi32, #tpu.memory_space<hbm>>
      %dma_wait3A_597 = arith.constant 0 : i32
      %dma_wait3A_598 = arith.constant 0 : i32
      %dma_wait3A_599 = tpu.memref_slice %arg7[%dma_wait3A_590, %dma_wait3A_597, %dma_wait3A_598] : memref<2x20x128xi32, #tpu.memory_space<vmem>> -> memref<1x20x128xi32, #tpu.memory_space<vmem>>
      %dma_wait3A_600 = tpu.memref_squeeze %dma_wait3A_599 : memref<1x20x128xi32, #tpu.memory_space<vmem>> -> memref<20x128xi32, #tpu.memory_space<vmem>>
      %dma_wait3A_601 = arith.constant 0 : i32
      %dma_wait3A_602 = tpu.memref_slice %arg3[%select_n3A_589, %dma_wait3A_601] : memref<43520x128xi32, #tpu.memory_space<hbm>> -> memref<20x128xi32, #tpu.memory_space<hbm>>
      tpu.wait_dma2 semaphore(%arg12 : memref<!tpu.dma_semaphore, #tpu.memory_space<semaphore_mem>>) src(%dma_wait3A_602 : memref<20x128xi32, #tpu.memory_space<hbm>>) dst(%dma_wait3A_600 : memref<20x128xi32, #tpu.memory_space<vmem>>)
      %dma_start3A_603 = arith.constant 1 : i32
      %dma_start3A_604 = arith.constant 0 : i32
      %dma_start3A_605 = arith.constant 1 : i32
      %dma_start3A_606 = arith.constant 0 : i32
      %dma_start3A_607 = arith.constant 0 : i32
      %dma_start3A_608 = arith.constant 0 : i32
      %dma_start3A_609 = tpu.memref_slice %arg9[%dma_start3A_605, %dma_start3A_606, %dma_start3A_607, %dma_start3A_608] : memref<2x20x128x32xbf16, #tpu.memory_space<vmem>> -> memref<1x1x128x32xbf16, #tpu.memory_space<vmem>>
      %dma_start3A_610 = tpu.memref_squeeze %dma_start3A_609 : memref<1x1x128x32xbf16, #tpu.memory_space<vmem>> -> memref<128x32xbf16, #tpu.memory_space<vmem>>
      %dma_start3A_611 = arith.constant 0 : i32
      %dma_start3A_612 = tpu.memref_slice %arg7[%dma_start3A_603, %dma_start3A_604, %dma_start3A_611] : memref<2x20x128xi32, #tpu.memory_space<vmem>> -> memref<1x1x128xi32, #tpu.memory_space<vmem>>
      %dma_start3A_613 = tpu.memref_squeeze %dma_start3A_612 : memref<1x1x128xi32, #tpu.memory_space<vmem>> -> memref<128xi32, #tpu.memory_space<vmem>>
      %dma_start3A_614 = arith.constant 0 : i32
      %dma_start3A_615 = arith.constant 0 : i32
      %dma_start3A_616 = tpu.memref_slice %arg2[%dma_start3A_614, %dma_start3A_615] : memref<87040x32xbf16, #tpu.memory_space<hbm>> -> memref<87040x32xbf16, #tpu.memory_space<hbm>>
      tpu.enqueue_indirect_dma source(%dma_start3A_616 : memref<87040x32xbf16, #tpu.memory_space<hbm>>) target(%dma_start3A_610 : memref<128x32xbf16, #tpu.memory_space<vmem>>) offsets(%dma_start3A_613 : memref<128xi32, #tpu.memory_space<vmem>>) semaphore(%arg16 : memref<!tpu.dma_semaphore, #tpu.memory_space<semaphore_mem>>)
      %dma_start3A_617 = arith.constant 1 : i32
      %dma_start3A_618 = arith.constant 1 : i32
      %dma_start3A_619 = arith.constant 1 : i32
      %dma_start3A_620 = arith.constant 1 : i32
      %dma_start3A_621 = arith.constant 0 : i32
      %dma_start3A_622 = arith.constant 0 : i32
      %dma_start3A_623 = tpu.memref_slice %arg9[%dma_start3A_619, %dma_start3A_620, %dma_start3A_621, %dma_start3A_622] : memref<2x20x128x32xbf16, #tpu.memory_space<vmem>> -> memref<1x1x128x32xbf16, #tpu.memory_space<vmem>>
      %dma_start3A_624 = tpu.memref_squeeze %dma_start3A_623 : memref<1x1x128x32xbf16, #tpu.memory_space<vmem>> -> memref<128x32xbf16, #tpu.memory_space<vmem>>
      %dma_start3A_625 = arith.constant 0 : i32
      %dma_start3A_626 = tpu.memref_slice %arg7[%dma_start3A_617, %dma_start3A_618, %dma_start3A_625] : memref<2x20x128xi32, #tpu.memory_space<vmem>> -> memref<1x1x128xi32, #tpu.memory_space<vmem>>
      %dma_start3A_627 = tpu.memref_squeeze %dma_start3A_626 : memref<1x1x128xi32, #tpu.memory_space<vmem>> -> memref<128xi32, #tpu.memory_space<vmem>>
      %dma_start3A_628 = arith.constant 0 : i32
      %dma_start3A_629 = arith.constant 0 : i32
      %dma_start3A_630 = tpu.memref_slice %arg2[%dma_start3A_628, %dma_start3A_629] : memref<87040x32xbf16, #tpu.memory_space<hbm>> -> memref<87040x32xbf16, #tpu.memory_space<hbm>>
      tpu.enqueue_indirect_dma source(%dma_start3A_630 : memref<87040x32xbf16, #tpu.memory_space<hbm>>) target(%dma_start3A_624 : memref<128x32xbf16, #tpu.memory_space<vmem>>) offsets(%dma_start3A_627 : memref<128xi32, #tpu.memory_space<vmem>>) semaphore(%arg16 : memref<!tpu.dma_semaphore, #tpu.memory_space<semaphore_mem>>)
      %dma_start3A_631 = arith.constant 1 : i32
      %dma_start3A_632 = arith.constant 2 : i32
      %dma_start3A_633 = arith.constant 1 : i32
      %dma_start3A_634 = arith.constant 2 : i32
      %dma_start3A_635 = arith.constant 0 : i32
      %dma_start3A_636 = arith.constant 0 : i32
      %dma_start3A_637 = tpu.memref_slice %arg9[%dma_start3A_633, %dma_start3A_634, %dma_start3A_635, %dma_start3A_636] : memref<2x20x128x32xbf16, #tpu.memory_space<vmem>> -> memref<1x1x128x32xbf16, #tpu.memory_space<vmem>>
      %dma_start3A_638 = tpu.memref_squeeze %dma_start3A_637 : memref<1x1x128x32xbf16, #tpu.memory_space<vmem>> -> memref<128x32xbf16, #tpu.memory_space<vmem>>
      %dma_start3A_639 = arith.constant 0 : i32
      %dma_start3A_640 = tpu.memref_slice %arg7[%dma_start3A_631, %dma_start3A_632, %dma_start3A_639] : memref<2x20x128xi32, #tpu.memory_space<vmem>> -> memref<1x1x128xi32, #tpu.memory_space<vmem>>
      %dma_start3A_641 = tpu.memref_squeeze %dma_start3A_640 : memref<1x1x128xi32, #tpu.memory_space<vmem>> -> memref<128xi32, #tpu.memory_space<vmem>>
      %dma_start3A_642 = arith.constant 0 : i32
      %dma_start3A_643 = arith.constant 0 : i32
      %dma_start3A_644 = tpu.memref_slice %arg2[%dma_start3A_642, %dma_start3A_643] : memref<87040x32xbf16, #tpu.memory_space<hbm>> -> memref<87040x32xbf16, #tpu.memory_space<hbm>>
      tpu.enqueue_indirect_dma source(%dma_start3A_644 : memref<87040x32xbf16, #tpu.memory_space<hbm>>) target(%dma_start3A_638 : memref<128x32xbf16, #tpu.memory_space<vmem>>) offsets(%dma_start3A_641 : memref<128xi32, #tpu.memory_space<vmem>>) semaphore(%arg16 : memref<!tpu.dma_semaphore, #tpu.memory_space<semaphore_mem>>)
      %dma_start3A_645 = arith.constant 1 : i32
      %dma_start3A_646 = arith.constant 3 : i32
      %dma_start3A_647 = arith.constant 1 : i32
      %dma_start3A_648 = arith.constant 3 : i32
      %dma_start3A_649 = arith.constant 0 : i32
      %dma_start3A_650 = arith.constant 0 : i32
      %dma_start3A_651 = tpu.memref_slice %arg9[%dma_start3A_647, %dma_start3A_648, %dma_start3A_649, %dma_start3A_650] : memref<2x20x128x32xbf16, #tpu.memory_space<vmem>> -> memref<1x1x128x32xbf16, #tpu.memory_space<vmem>>
      %dma_start3A_652 = tpu.memref_squeeze %dma_start3A_651 : memref<1x1x128x32xbf16, #tpu.memory_space<vmem>> -> memref<128x32xbf16, #tpu.memory_space<vmem>>
      %dma_start3A_653 = arith.constant 0 : i32
      %dma_start3A_654 = tpu.memref_slice %arg7[%dma_start3A_645, %dma_start3A_646, %dma_start3A_653] : memref<2x20x128xi32, #tpu.memory_space<vmem>> -> memref<1x1x128xi32, #tpu.memory_space<vmem>>
      %dma_start3A_655 = tpu.memref_squeeze %dma_start3A_654 : memref<1x1x128xi32, #tpu.memory_space<vmem>> -> memref<128xi32, #tpu.memory_space<vmem>>
      %dma_start3A_656 = arith.constant 0 : i32
      %dma_start3A_657 = arith.constant 0 : i32
      %dma_start3A_658 = tpu.memref_slice %arg2[%dma_start3A_656, %dma_start3A_657] : memref<87040x32xbf16, #tpu.memory_space<hbm>> -> memref<87040x32xbf16, #tpu.memory_space<hbm>>
      tpu.enqueue_indirect_dma source(%dma_start3A_658 : memref<87040x32xbf16, #tpu.memory_space<hbm>>) target(%dma_start3A_652 : memref<128x32xbf16, #tpu.memory_space<vmem>>) offsets(%dma_start3A_655 : memref<128xi32, #tpu.memory_space<vmem>>) semaphore(%arg16 : memref<!tpu.dma_semaphore, #tpu.memory_space<semaphore_mem>>)
      %dma_start3A_659 = arith.constant 1 : i32
      %dma_start3A_660 = arith.constant 4 : i32
      %dma_start3A_661 = arith.constant 1 : i32
      %dma_start3A_662 = arith.constant 4 : i32
      %dma_start3A_663 = arith.constant 0 : i32
      %dma_start3A_664 = arith.constant 0 : i32
      %dma_start3A_665 = tpu.memref_slice %arg9[%dma_start3A_661, %dma_start3A_662, %dma_start3A_663, %dma_start3A_664] : memref<2x20x128x32xbf16, #tpu.memory_space<vmem>> -> memref<1x1x128x32xbf16, #tpu.memory_space<vmem>>
      %dma_start3A_666 = tpu.memref_squeeze %dma_start3A_665 : memref<1x1x128x32xbf16, #tpu.memory_space<vmem>> -> memref<128x32xbf16, #tpu.memory_space<vmem>>
      %dma_start3A_667 = arith.constant 0 : i32
      %dma_start3A_668 = tpu.memref_slice %arg7[%dma_start3A_659, %dma_start3A_660, %dma_start3A_667] : memref<2x20x128xi32, #tpu.memory_space<vmem>> -> memref<1x1x128xi32, #tpu.memory_space<vmem>>
      %dma_start3A_669 = tpu.memref_squeeze %dma_start3A_668 : memref<1x1x128xi32, #tpu.memory_space<vmem>> -> memref<128xi32, #tpu.memory_space<vmem>>
      %dma_start3A_670 = arith.constant 0 : i32
      %dma_start3A_671 = arith.constant 0 : i32
      %dma_start3A_672 = tpu.memref_slice %arg2[%dma_start3A_670, %dma_start3A_671] : memref<87040x32xbf16, #tpu.memory_space<hbm>> -> memref<87040x32xbf16, #tpu.memory_space<hbm>>
      tpu.enqueue_indirect_dma source(%dma_start3A_672 : memref<87040x32xbf16, #tpu.memory_space<hbm>>) target(%dma_start3A_666 : memref<128x32xbf16, #tpu.memory_space<vmem>>) offsets(%dma_start3A_669 : memref<128xi32, #tpu.memory_space<vmem>>) semaphore(%arg16 : memref<!tpu.dma_semaphore, #tpu.memory_space<semaphore_mem>>)
      %dma_start3A_673 = arith.constant 1 : i32
      %dma_start3A_674 = arith.constant 5 : i32
      %dma_start3A_675 = arith.constant 1 : i32
      %dma_start3A_676 = arith.constant 5 : i32
      %dma_start3A_677 = arith.constant 0 : i32
      %dma_start3A_678 = arith.constant 0 : i32
      %dma_start3A_679 = tpu.memref_slice %arg9[%dma_start3A_675, %dma_start3A_676, %dma_start3A_677, %dma_start3A_678] : memref<2x20x128x32xbf16, #tpu.memory_space<vmem>> -> memref<1x1x128x32xbf16, #tpu.memory_space<vmem>>
      %dma_start3A_680 = tpu.memref_squeeze %dma_start3A_679 : memref<1x1x128x32xbf16, #tpu.memory_space<vmem>> -> memref<128x32xbf16, #tpu.memory_space<vmem>>
      %dma_start3A_681 = arith.constant 0 : i32
      %dma_start3A_682 = tpu.memref_slice %arg7[%dma_start3A_673, %dma_start3A_674, %dma_start3A_681] : memref<2x20x128xi32, #tpu.memory_space<vmem>> -> memref<1x1x128xi32, #tpu.memory_space<vmem>>
      %dma_start3A_683 = tpu.memref_squeeze %dma_start3A_682 : memref<1x1x128xi32, #tpu.memory_space<vmem>> -> memref<128xi32, #tpu.memory_space<vmem>>
      %dma_start3A_684 = arith.constant 0 : i32
      %dma_start3A_685 = arith.constant 0 : i32
      %dma_start3A_686 = tpu.memref_slice %arg2[%dma_start3A_684, %dma_start3A_685] : memref<87040x32xbf16, #tpu.memory_space<hbm>> -> memref<87040x32xbf16, #tpu.memory_space<hbm>>
      tpu.enqueue_indirect_dma source(%dma_start3A_686 : memref<87040x32xbf16, #tpu.memory_space<hbm>>) target(%dma_start3A_680 : memref<128x32xbf16, #tpu.memory_space<vmem>>) offsets(%dma_start3A_683 : memref<128xi32, #tpu.memory_space<vmem>>) semaphore(%arg16 : memref<!tpu.dma_semaphore, #tpu.memory_space<semaphore_mem>>)
      %dma_start3A_687 = arith.constant 1 : i32
      %dma_start3A_688 = arith.constant 6 : i32
      %dma_start3A_689 = arith.constant 1 : i32
      %dma_start3A_690 = arith.constant 6 : i32
      %dma_start3A_691 = arith.constant 0 : i32
      %dma_start3A_692 = arith.constant 0 : i32
      %dma_start3A_693 = tpu.memref_slice %arg9[%dma_start3A_689, %dma_start3A_690, %dma_start3A_691, %dma_start3A_692] : memref<2x20x128x32xbf16, #tpu.memory_space<vmem>> -> memref<1x1x128x32xbf16, #tpu.memory_space<vmem>>
      %dma_start3A_694 = tpu.memref_squeeze %dma_start3A_693 : memref<1x1x128x32xbf16, #tpu.memory_space<vmem>> -> memref<128x32xbf16, #tpu.memory_space<vmem>>
      %dma_start3A_695 = arith.constant 0 : i32
      %dma_start3A_696 = tpu.memref_slice %arg7[%dma_start3A_687, %dma_start3A_688, %dma_start3A_695] : memref<2x20x128xi32, #tpu.memory_space<vmem>> -> memref<1x1x128xi32, #tpu.memory_space<vmem>>
      %dma_start3A_697 = tpu.memref_squeeze %dma_start3A_696 : memref<1x1x128xi32, #tpu.memory_space<vmem>> -> memref<128xi32, #tpu.memory_space<vmem>>
      %dma_start3A_698 = arith.constant 0 : i32
      %dma_start3A_699 = arith.constant 0 : i32
      %dma_start3A_700 = tpu.memref_slice %arg2[%dma_start3A_698, %dma_start3A_699] : memref<87040x32xbf16, #tpu.memory_space<hbm>> -> memref<87040x32xbf16, #tpu.memory_space<hbm>>
      tpu.enqueue_indirect_dma source(%dma_start3A_700 : memref<87040x32xbf16, #tpu.memory_space<hbm>>) target(%dma_start3A_694 : memref<128x32xbf16, #tpu.memory_space<vmem>>) offsets(%dma_start3A_697 : memref<128xi32, #tpu.memory_space<vmem>>) semaphore(%arg16 : memref<!tpu.dma_semaphore, #tpu.memory_space<semaphore_mem>>)
      %dma_start3A_701 = arith.constant 1 : i32
      %dma_start3A_702 = arith.constant 7 : i32
      %dma_start3A_703 = arith.constant 1 : i32
      %dma_start3A_704 = arith.constant 7 : i32
      %dma_start3A_705 = arith.constant 0 : i32
      %dma_start3A_706 = arith.constant 0 : i32
      %dma_start3A_707 = tpu.memref_slice %arg9[%dma_start3A_703, %dma_start3A_704, %dma_start3A_705, %dma_start3A_706] : memref<2x20x128x32xbf16, #tpu.memory_space<vmem>> -> memref<1x1x128x32xbf16, #tpu.memory_space<vmem>>
      %dma_start3A_708 = tpu.memref_squeeze %dma_start3A_707 : memref<1x1x128x32xbf16, #tpu.memory_space<vmem>> -> memref<128x32xbf16, #tpu.memory_space<vmem>>
      %dma_start3A_709 = arith.constant 0 : i32
      %dma_start3A_710 = tpu.memref_slice %arg7[%dma_start3A_701, %dma_start3A_702, %dma_start3A_709] : memref<2x20x128xi32, #tpu.memory_space<vmem>> -> memref<1x1x128xi32, #tpu.memory_space<vmem>>
      %dma_start3A_711 = tpu.memref_squeeze %dma_start3A_710 : memref<1x1x128xi32, #tpu.memory_space<vmem>> -> memref<128xi32, #tpu.memory_space<vmem>>
      %dma_start3A_712 = arith.constant 0 : i32
      %dma_start3A_713 = arith.constant 0 : i32
      %dma_start3A_714 = tpu.memref_slice %arg2[%dma_start3A_712, %dma_start3A_713] : memref<87040x32xbf16, #tpu.memory_space<hbm>> -> memref<87040x32xbf16, #tpu.memory_space<hbm>>
      tpu.enqueue_indirect_dma source(%dma_start3A_714 : memref<87040x32xbf16, #tpu.memory_space<hbm>>) target(%dma_start3A_708 : memref<128x32xbf16, #tpu.memory_space<vmem>>) offsets(%dma_start3A_711 : memref<128xi32, #tpu.memory_space<vmem>>) semaphore(%arg16 : memref<!tpu.dma_semaphore, #tpu.memory_space<semaphore_mem>>)
      %dma_start3A_715 = arith.constant 1 : i32
      %dma_start3A_716 = arith.constant 8 : i32
      %dma_start3A_717 = arith.constant 1 : i32
      %dma_start3A_718 = arith.constant 8 : i32
      %dma_start3A_719 = arith.constant 0 : i32
      %dma_start3A_720 = arith.constant 0 : i32
      %dma_start3A_721 = tpu.memref_slice %arg9[%dma_start3A_717, %dma_start3A_718, %dma_start3A_719, %dma_start3A_720] : memref<2x20x128x32xbf16, #tpu.memory_space<vmem>> -> memref<1x1x128x32xbf16, #tpu.memory_space<vmem>>
      %dma_start3A_722 = tpu.memref_squeeze %dma_start3A_721 : memref<1x1x128x32xbf16, #tpu.memory_space<vmem>> -> memref<128x32xbf16, #tpu.memory_space<vmem>>
      %dma_start3A_723 = arith.constant 0 : i32
      %dma_start3A_724 = tpu.memref_slice %arg7[%dma_start3A_715, %dma_start3A_716, %dma_start3A_723] : memref<2x20x128xi32, #tpu.memory_space<vmem>> -> memref<1x1x128xi32, #tpu.memory_space<vmem>>
      %dma_start3A_725 = tpu.memref_squeeze %dma_start3A_724 : memref<1x1x128xi32, #tpu.memory_space<vmem>> -> memref<128xi32, #tpu.memory_space<vmem>>
      %dma_start3A_726 = arith.constant 0 : i32
      %dma_start3A_727 = arith.constant 0 : i32
      %dma_start3A_728 = tpu.memref_slice %arg2[%dma_start3A_726, %dma_start3A_727] : memref<87040x32xbf16, #tpu.memory_space<hbm>> -> memref<87040x32xbf16, #tpu.memory_space<hbm>>
      tpu.enqueue_indirect_dma source(%dma_start3A_728 : memref<87040x32xbf16, #tpu.memory_space<hbm>>) target(%dma_start3A_722 : memref<128x32xbf16, #tpu.memory_space<vmem>>) offsets(%dma_start3A_725 : memref<128xi32, #tpu.memory_space<vmem>>) semaphore(%arg16 : memref<!tpu.dma_semaphore, #tpu.memory_space<semaphore_mem>>)
      %dma_start3A_729 = arith.constant 1 : i32
      %dma_start3A_730 = arith.constant 9 : i32
      %dma_start3A_731 = arith.constant 1 : i32
      %dma_start3A_732 = arith.constant 9 : i32
      %dma_start3A_733 = arith.constant 0 : i32
      %dma_start3A_734 = arith.constant 0 : i32
      %dma_start3A_735 = tpu.memref_slice %arg9[%dma_start3A_731, %dma_start3A_732, %dma_start3A_733, %dma_start3A_734] : memref<2x20x128x32xbf16, #tpu.memory_space<vmem>> -> memref<1x1x128x32xbf16, #tpu.memory_space<vmem>>
      %dma_start3A_736 = tpu.memref_squeeze %dma_start3A_735 : memref<1x1x128x32xbf16, #tpu.memory_space<vmem>> -> memref<128x32xbf16, #tpu.memory_space<vmem>>
      %dma_start3A_737 = arith.constant 0 : i32
      %dma_start3A_738 = tpu.memref_slice %arg7[%dma_start3A_729, %dma_start3A_730, %dma_start3A_737] : memref<2x20x128xi32, #tpu.memory_space<vmem>> -> memref<1x1x128xi32, #tpu.memory_space<vmem>>
      %dma_start3A_739 = tpu.memref_squeeze %dma_start3A_738 : memref<1x1x128xi32, #tpu.memory_space<vmem>> -> memref<128xi32, #tpu.memory_space<vmem>>
      %dma_start3A_740 = arith.constant 0 : i32
      %dma_start3A_741 = arith.constant 0 : i32
      %dma_start3A_742 = tpu.memref_slice %arg2[%dma_start3A_740, %dma_start3A_741] : memref<87040x32xbf16, #tpu.memory_space<hbm>> -> memref<87040x32xbf16, #tpu.memory_space<hbm>>
      tpu.enqueue_indirect_dma source(%dma_start3A_742 : memref<87040x32xbf16, #tpu.memory_space<hbm>>) target(%dma_start3A_736 : memref<128x32xbf16, #tpu.memory_space<vmem>>) offsets(%dma_start3A_739 : memref<128xi32, #tpu.memory_space<vmem>>) semaphore(%arg16 : memref<!tpu.dma_semaphore, #tpu.memory_space<semaphore_mem>>)
      %dma_start3A_743 = arith.constant 1 : i32
      %dma_start3A_744 = arith.constant 10 : i32
      %dma_start3A_745 = arith.constant 1 : i32
      %dma_start3A_746 = arith.constant 10 : i32
      %dma_start3A_747 = arith.constant 0 : i32
      %dma_start3A_748 = arith.constant 0 : i32
      %dma_start3A_749 = tpu.memref_slice %arg9[%dma_start3A_745, %dma_start3A_746, %dma_start3A_747, %dma_start3A_748] : memref<2x20x128x32xbf16, #tpu.memory_space<vmem>> -> memref<1x1x128x32xbf16, #tpu.memory_space<vmem>>
      %dma_start3A_750 = tpu.memref_squeeze %dma_start3A_749 : memref<1x1x128x32xbf16, #tpu.memory_space<vmem>> -> memref<128x32xbf16, #tpu.memory_space<vmem>>
      %dma_start3A_751 = arith.constant 0 : i32
      %dma_start3A_752 = tpu.memref_slice %arg7[%dma_start3A_743, %dma_start3A_744, %dma_start3A_751] : memref<2x20x128xi32, #tpu.memory_space<vmem>> -> memref<1x1x128xi32, #tpu.memory_space<vmem>>
      %dma_start3A_753 = tpu.memref_squeeze %dma_start3A_752 : memref<1x1x128xi32, #tpu.memory_space<vmem>> -> memref<128xi32, #tpu.memory_space<vmem>>
      %dma_start3A_754 = arith.constant 0 : i32
      %dma_start3A_755 = arith.constant 0 : i32
      %dma_start3A_756 = tpu.memref_slice %arg2[%dma_start3A_754, %dma_start3A_755] : memref<87040x32xbf16, #tpu.memory_space<hbm>> -> memref<87040x32xbf16, #tpu.memory_space<hbm>>
      tpu.enqueue_indirect_dma source(%dma_start3A_756 : memref<87040x32xbf16, #tpu.memory_space<hbm>>) target(%dma_start3A_750 : memref<128x32xbf16, #tpu.memory_space<vmem>>) offsets(%dma_start3A_753 : memref<128xi32, #tpu.memory_space<vmem>>) semaphore(%arg16 : memref<!tpu.dma_semaphore, #tpu.memory_space<semaphore_mem>>)
      %dma_start3A_757 = arith.constant 1 : i32
      %dma_start3A_758 = arith.constant 11 : i32
      %dma_start3A_759 = arith.constant 1 : i32
      %dma_start3A_760 = arith.constant 11 : i32
      %dma_start3A_761 = arith.constant 0 : i32
      %dma_start3A_762 = arith.constant 0 : i32
      %dma_start3A_763 = tpu.memref_slice %arg9[%dma_start3A_759, %dma_start3A_760, %dma_start3A_761, %dma_start3A_762] : memref<2x20x128x32xbf16, #tpu.memory_space<vmem>> -> memref<1x1x128x32xbf16, #tpu.memory_space<vmem>>
      %dma_start3A_764 = tpu.memref_squeeze %dma_start3A_763 : memref<1x1x128x32xbf16, #tpu.memory_space<vmem>> -> memref<128x32xbf16, #tpu.memory_space<vmem>>
      %dma_start3A_765 = arith.constant 0 : i32
      %dma_start3A_766 = tpu.memref_slice %arg7[%dma_start3A_757, %dma_start3A_758, %dma_start3A_765] : memref<2x20x128xi32, #tpu.memory_space<vmem>> -> memref<1x1x128xi32, #tpu.memory_space<vmem>>
      %dma_start3A_767 = tpu.memref_squeeze %dma_start3A_766 : memref<1x1x128xi32, #tpu.memory_space<vmem>> -> memref<128xi32, #tpu.memory_space<vmem>>
      %dma_start3A_768 = arith.constant 0 : i32
      %dma_start3A_769 = arith.constant 0 : i32
      %dma_start3A_770 = tpu.memref_slice %arg2[%dma_start3A_768, %dma_start3A_769] : memref<87040x32xbf16, #tpu.memory_space<hbm>> -> memref<87040x32xbf16, #tpu.memory_space<hbm>>
      tpu.enqueue_indirect_dma source(%dma_start3A_770 : memref<87040x32xbf16, #tpu.memory_space<hbm>>) target(%dma_start3A_764 : memref<128x32xbf16, #tpu.memory_space<vmem>>) offsets(%dma_start3A_767 : memref<128xi32, #tpu.memory_space<vmem>>) semaphore(%arg16 : memref<!tpu.dma_semaphore, #tpu.memory_space<semaphore_mem>>)
      %dma_start3A_771 = arith.constant 1 : i32
      %dma_start3A_772 = arith.constant 12 : i32
      %dma_start3A_773 = arith.constant 1 : i32
      %dma_start3A_774 = arith.constant 12 : i32
      %dma_start3A_775 = arith.constant 0 : i32
      %dma_start3A_776 = arith.constant 0 : i32
      %dma_start3A_777 = tpu.memref_slice %arg9[%dma_start3A_773, %dma_start3A_774, %dma_start3A_775, %dma_start3A_776] : memref<2x20x128x32xbf16, #tpu.memory_space<vmem>> -> memref<1x1x128x32xbf16, #tpu.memory_space<vmem>>
      %dma_start3A_778 = tpu.memref_squeeze %dma_start3A_777 : memref<1x1x128x32xbf16, #tpu.memory_space<vmem>> -> memref<128x32xbf16, #tpu.memory_space<vmem>>
      %dma_start3A_779 = arith.constant 0 : i32
      %dma_start3A_780 = tpu.memref_slice %arg7[%dma_start3A_771, %dma_start3A_772, %dma_start3A_779] : memref<2x20x128xi32, #tpu.memory_space<vmem>> -> memref<1x1x128xi32, #tpu.memory_space<vmem>>
      %dma_start3A_781 = tpu.memref_squeeze %dma_start3A_780 : memref<1x1x128xi32, #tpu.memory_space<vmem>> -> memref<128xi32, #tpu.memory_space<vmem>>
      %dma_start3A_782 = arith.constant 0 : i32
      %dma_start3A_783 = arith.constant 0 : i32
      %dma_start3A_784 = tpu.memref_slice %arg2[%dma_start3A_782, %dma_start3A_783] : memref<87040x32xbf16, #tpu.memory_space<hbm>> -> memref<87040x32xbf16, #tpu.memory_space<hbm>>
      tpu.enqueue_indirect_dma source(%dma_start3A_784 : memref<87040x32xbf16, #tpu.memory_space<hbm>>) target(%dma_start3A_778 : memref<128x32xbf16, #tpu.memory_space<vmem>>) offsets(%dma_start3A_781 : memref<128xi32, #tpu.memory_space<vmem>>) semaphore(%arg16 : memref<!tpu.dma_semaphore, #tpu.memory_space<semaphore_mem>>)
      %dma_start3A_785 = arith.constant 1 : i32
      %dma_start3A_786 = arith.constant 13 : i32
      %dma_start3A_787 = arith.constant 1 : i32
      %dma_start3A_788 = arith.constant 13 : i32
      %dma_start3A_789 = arith.constant 0 : i32
      %dma_start3A_790 = arith.constant 0 : i32
      %dma_start3A_791 = tpu.memref_slice %arg9[%dma_start3A_787, %dma_start3A_788, %dma_start3A_789, %dma_start3A_790] : memref<2x20x128x32xbf16, #tpu.memory_space<vmem>> -> memref<1x1x128x32xbf16, #tpu.memory_space<vmem>>
      %dma_start3A_792 = tpu.memref_squeeze %dma_start3A_791 : memref<1x1x128x32xbf16, #tpu.memory_space<vmem>> -> memref<128x32xbf16, #tpu.memory_space<vmem>>
      %dma_start3A_793 = arith.constant 0 : i32
      %dma_start3A_794 = tpu.memref_slice %arg7[%dma_start3A_785, %dma_start3A_786, %dma_start3A_793] : memref<2x20x128xi32, #tpu.memory_space<vmem>> -> memref<1x1x128xi32, #tpu.memory_space<vmem>>
      %dma_start3A_795 = tpu.memref_squeeze %dma_start3A_794 : memref<1x1x128xi32, #tpu.memory_space<vmem>> -> memref<128xi32, #tpu.memory_space<vmem>>
      %dma_start3A_796 = arith.constant 0 : i32
      %dma_start3A_797 = arith.constant 0 : i32
      %dma_start3A_798 = tpu.memref_slice %arg2[%dma_start3A_796, %dma_start3A_797] : memref<87040x32xbf16, #tpu.memory_space<hbm>> -> memref<87040x32xbf16, #tpu.memory_space<hbm>>
      tpu.enqueue_indirect_dma source(%dma_start3A_798 : memref<87040x32xbf16, #tpu.memory_space<hbm>>) target(%dma_start3A_792 : memref<128x32xbf16, #tpu.memory_space<vmem>>) offsets(%dma_start3A_795 : memref<128xi32, #tpu.memory_space<vmem>>) semaphore(%arg16 : memref<!tpu.dma_semaphore, #tpu.memory_space<semaphore_mem>>)
      %dma_start3A_799 = arith.constant 1 : i32
      %dma_start3A_800 = arith.constant 14 : i32
      %dma_start3A_801 = arith.constant 1 : i32
      %dma_start3A_802 = arith.constant 14 : i32
      %dma_start3A_803 = arith.constant 0 : i32
      %dma_start3A_804 = arith.constant 0 : i32
      %dma_start3A_805 = tpu.memref_slice %arg9[%dma_start3A_801, %dma_start3A_802, %dma_start3A_803, %dma_start3A_804] : memref<2x20x128x32xbf16, #tpu.memory_space<vmem>> -> memref<1x1x128x32xbf16, #tpu.memory_space<vmem>>
      %dma_start3A_806 = tpu.memref_squeeze %dma_start3A_805 : memref<1x1x128x32xbf16, #tpu.memory_space<vmem>> -> memref<128x32xbf16, #tpu.memory_space<vmem>>
      %dma_start3A_807 = arith.constant 0 : i32
      %dma_start3A_808 = tpu.memref_slice %arg7[%dma_start3A_799, %dma_start3A_800, %dma_start3A_807] : memref<2x20x128xi32, #tpu.memory_space<vmem>> -> memref<1x1x128xi32, #tpu.memory_space<vmem>>
      %dma_start3A_809 = tpu.memref_squeeze %dma_start3A_808 : memref<1x1x128xi32, #tpu.memory_space<vmem>> -> memref<128xi32, #tpu.memory_space<vmem>>
      %dma_start3A_810 = arith.constant 0 : i32
      %dma_start3A_811 = arith.constant 0 : i32
      %dma_start3A_812 = tpu.memref_slice %arg2[%dma_start3A_810, %dma_start3A_811] : memref<87040x32xbf16, #tpu.memory_space<hbm>> -> memref<87040x32xbf16, #tpu.memory_space<hbm>>
      tpu.enqueue_indirect_dma source(%dma_start3A_812 : memref<87040x32xbf16, #tpu.memory_space<hbm>>) target(%dma_start3A_806 : memref<128x32xbf16, #tpu.memory_space<vmem>>) offsets(%dma_start3A_809 : memref<128xi32, #tpu.memory_space<vmem>>) semaphore(%arg16 : memref<!tpu.dma_semaphore, #tpu.memory_space<semaphore_mem>>)
      %dma_start3A_813 = arith.constant 1 : i32
      %dma_start3A_814 = arith.constant 15 : i32
      %dma_start3A_815 = arith.constant 1 : i32
      %dma_start3A_816 = arith.constant 15 : i32
      %dma_start3A_817 = arith.constant 0 : i32
      %dma_start3A_818 = arith.constant 0 : i32
      %dma_start3A_819 = tpu.memref_slice %arg9[%dma_start3A_815, %dma_start3A_816, %dma_start3A_817, %dma_start3A_818] : memref<2x20x128x32xbf16, #tpu.memory_space<vmem>> -> memref<1x1x128x32xbf16, #tpu.memory_space<vmem>>
      %dma_start3A_820 = tpu.memref_squeeze %dma_start3A_819 : memref<1x1x128x32xbf16, #tpu.memory_space<vmem>> -> memref<128x32xbf16, #tpu.memory_space<vmem>>
      %dma_start3A_821 = arith.constant 0 : i32
      %dma_start3A_822 = tpu.memref_slice %arg7[%dma_start3A_813, %dma_start3A_814, %dma_start3A_821] : memref<2x20x128xi32, #tpu.memory_space<vmem>> -> memref<1x1x128xi32, #tpu.memory_space<vmem>>
      %dma_start3A_823 = tpu.memref_squeeze %dma_start3A_822 : memref<1x1x128xi32, #tpu.memory_space<vmem>> -> memref<128xi32, #tpu.memory_space<vmem>>
      %dma_start3A_824 = arith.constant 0 : i32
      %dma_start3A_825 = arith.constant 0 : i32
      %dma_start3A_826 = tpu.memref_slice %arg2[%dma_start3A_824, %dma_start3A_825] : memref<87040x32xbf16, #tpu.memory_space<hbm>> -> memref<87040x32xbf16, #tpu.memory_space<hbm>>
      tpu.enqueue_indirect_dma source(%dma_start3A_826 : memref<87040x32xbf16, #tpu.memory_space<hbm>>) target(%dma_start3A_820 : memref<128x32xbf16, #tpu.memory_space<vmem>>) offsets(%dma_start3A_823 : memref<128xi32, #tpu.memory_space<vmem>>) semaphore(%arg16 : memref<!tpu.dma_semaphore, #tpu.memory_space<semaphore_mem>>)
      %dma_start3A_827 = arith.constant 1 : i32
      %dma_start3A_828 = arith.constant 16 : i32
      %dma_start3A_829 = arith.constant 1 : i32
      %dma_start3A_830 = arith.constant 16 : i32
      %dma_start3A_831 = arith.constant 0 : i32
      %dma_start3A_832 = arith.constant 0 : i32
      %dma_start3A_833 = tpu.memref_slice %arg9[%dma_start3A_829, %dma_start3A_830, %dma_start3A_831, %dma_start3A_832] : memref<2x20x128x32xbf16, #tpu.memory_space<vmem>> -> memref<1x1x128x32xbf16, #tpu.memory_space<vmem>>
      %dma_start3A_834 = tpu.memref_squeeze %dma_start3A_833 : memref<1x1x128x32xbf16, #tpu.memory_space<vmem>> -> memref<128x32xbf16, #tpu.memory_space<vmem>>
      %dma_start3A_835 = arith.constant 0 : i32
      %dma_start3A_836 = tpu.memref_slice %arg7[%dma_start3A_827, %dma_start3A_828, %dma_start3A_835] : memref<2x20x128xi32, #tpu.memory_space<vmem>> -> memref<1x1x128xi32, #tpu.memory_space<vmem>>
      %dma_start3A_837 = tpu.memref_squeeze %dma_start3A_836 : memref<1x1x128xi32, #tpu.memory_space<vmem>> -> memref<128xi32, #tpu.memory_space<vmem>>
      %dma_start3A_838 = arith.constant 0 : i32
      %dma_start3A_839 = arith.constant 0 : i32
      %dma_start3A_840 = tpu.memref_slice %arg2[%dma_start3A_838, %dma_start3A_839] : memref<87040x32xbf16, #tpu.memory_space<hbm>> -> memref<87040x32xbf16, #tpu.memory_space<hbm>>
      tpu.enqueue_indirect_dma source(%dma_start3A_840 : memref<87040x32xbf16, #tpu.memory_space<hbm>>) target(%dma_start3A_834 : memref<128x32xbf16, #tpu.memory_space<vmem>>) offsets(%dma_start3A_837 : memref<128xi32, #tpu.memory_space<vmem>>) semaphore(%arg16 : memref<!tpu.dma_semaphore, #tpu.memory_space<semaphore_mem>>)
      %dma_start3A_841 = arith.constant 1 : i32
      %dma_start3A_842 = arith.constant 17 : i32
      %dma_start3A_843 = arith.constant 1 : i32
      %dma_start3A_844 = arith.constant 17 : i32
      %dma_start3A_845 = arith.constant 0 : i32
      %dma_start3A_846 = arith.constant 0 : i32
      %dma_start3A_847 = tpu.memref_slice %arg9[%dma_start3A_843, %dma_start3A_844, %dma_start3A_845, %dma_start3A_846] : memref<2x20x128x32xbf16, #tpu.memory_space<vmem>> -> memref<1x1x128x32xbf16, #tpu.memory_space<vmem>>
      %dma_start3A_848 = tpu.memref_squeeze %dma_start3A_847 : memref<1x1x128x32xbf16, #tpu.memory_space<vmem>> -> memref<128x32xbf16, #tpu.memory_space<vmem>>
      %dma_start3A_849 = arith.constant 0 : i32
      %dma_start3A_850 = tpu.memref_slice %arg7[%dma_start3A_841, %dma_start3A_842, %dma_start3A_849] : memref<2x20x128xi32, #tpu.memory_space<vmem>> -> memref<1x1x128xi32, #tpu.memory_space<vmem>>
      %dma_start3A_851 = tpu.memref_squeeze %dma_start3A_850 : memref<1x1x128xi32, #tpu.memory_space<vmem>> -> memref<128xi32, #tpu.memory_space<vmem>>
      %dma_start3A_852 = arith.constant 0 : i32
      %dma_start3A_853 = arith.constant 0 : i32
      %dma_start3A_854 = tpu.memref_slice %arg2[%dma_start3A_852, %dma_start3A_853] : memref<87040x32xbf16, #tpu.memory_space<hbm>> -> memref<87040x32xbf16, #tpu.memory_space<hbm>>
      tpu.enqueue_indirect_dma source(%dma_start3A_854 : memref<87040x32xbf16, #tpu.memory_space<hbm>>) target(%dma_start3A_848 : memref<128x32xbf16, #tpu.memory_space<vmem>>) offsets(%dma_start3A_851 : memref<128xi32, #tpu.memory_space<vmem>>) semaphore(%arg16 : memref<!tpu.dma_semaphore, #tpu.memory_space<semaphore_mem>>)
      %dma_start3A_855 = arith.constant 1 : i32
      %dma_start3A_856 = arith.constant 18 : i32
      %dma_start3A_857 = arith.constant 1 : i32
      %dma_start3A_858 = arith.constant 18 : i32
      %dma_start3A_859 = arith.constant 0 : i32
      %dma_start3A_860 = arith.constant 0 : i32
      %dma_start3A_861 = tpu.memref_slice %arg9[%dma_start3A_857, %dma_start3A_858, %dma_start3A_859, %dma_start3A_860] : memref<2x20x128x32xbf16, #tpu.memory_space<vmem>> -> memref<1x1x128x32xbf16, #tpu.memory_space<vmem>>
      %dma_start3A_862 = tpu.memref_squeeze %dma_start3A_861 : memref<1x1x128x32xbf16, #tpu.memory_space<vmem>> -> memref<128x32xbf16, #tpu.memory_space<vmem>>
      %dma_start3A_863 = arith.constant 0 : i32
      %dma_start3A_864 = tpu.memref_slice %arg7[%dma_start3A_855, %dma_start3A_856, %dma_start3A_863] : memref<2x20x128xi32, #tpu.memory_space<vmem>> -> memref<1x1x128xi32, #tpu.memory_space<vmem>>
      %dma_start3A_865 = tpu.memref_squeeze %dma_start3A_864 : memref<1x1x128xi32, #tpu.memory_space<vmem>> -> memref<128xi32, #tpu.memory_space<vmem>>
      %dma_start3A_866 = arith.constant 0 : i32
      %dma_start3A_867 = arith.constant 0 : i32
      %dma_start3A_868 = tpu.memref_slice %arg2[%dma_start3A_866, %dma_start3A_867] : memref<87040x32xbf16, #tpu.memory_space<hbm>> -> memref<87040x32xbf16, #tpu.memory_space<hbm>>
      tpu.enqueue_indirect_dma source(%dma_start3A_868 : memref<87040x32xbf16, #tpu.memory_space<hbm>>) target(%dma_start3A_862 : memref<128x32xbf16, #tpu.memory_space<vmem>>) offsets(%dma_start3A_865 : memref<128xi32, #tpu.memory_space<vmem>>) semaphore(%arg16 : memref<!tpu.dma_semaphore, #tpu.memory_space<semaphore_mem>>)
      %dma_start3A_869 = arith.constant 1 : i32
      %dma_start3A_870 = arith.constant 19 : i32
      %dma_start3A_871 = arith.constant 1 : i32
      %dma_start3A_872 = arith.constant 19 : i32
      %dma_start3A_873 = arith.constant 0 : i32
      %dma_start3A_874 = arith.constant 0 : i32
      %dma_start3A_875 = tpu.memref_slice %arg9[%dma_start3A_871, %dma_start3A_872, %dma_start3A_873, %dma_start3A_874] : memref<2x20x128x32xbf16, #tpu.memory_space<vmem>> -> memref<1x1x128x32xbf16, #tpu.memory_space<vmem>>
      %dma_start3A_876 = tpu.memref_squeeze %dma_start3A_875 : memref<1x1x128x32xbf16, #tpu.memory_space<vmem>> -> memref<128x32xbf16, #tpu.memory_space<vmem>>
      %dma_start3A_877 = arith.constant 0 : i32
      %dma_start3A_878 = tpu.memref_slice %arg7[%dma_start3A_869, %dma_start3A_870, %dma_start3A_877] : memref<2x20x128xi32, #tpu.memory_space<vmem>> -> memref<1x1x128xi32, #tpu.memory_space<vmem>>
      %dma_start3A_879 = tpu.memref_squeeze %dma_start3A_878 : memref<1x1x128xi32, #tpu.memory_space<vmem>> -> memref<128xi32, #tpu.memory_space<vmem>>
      %dma_start3A_880 = arith.constant 0 : i32
      %dma_start3A_881 = arith.constant 0 : i32
      %dma_start3A_882 = tpu.memref_slice %arg2[%dma_start3A_880, %dma_start3A_881] : memref<87040x32xbf16, #tpu.memory_space<hbm>> -> memref<87040x32xbf16, #tpu.memory_space<hbm>>
      tpu.enqueue_indirect_dma source(%dma_start3A_882 : memref<87040x32xbf16, #tpu.memory_space<hbm>>) target(%dma_start3A_876 : memref<128x32xbf16, #tpu.memory_space<vmem>>) offsets(%dma_start3A_879 : memref<128xi32, #tpu.memory_space<vmem>>) semaphore(%arg16 : memref<!tpu.dma_semaphore, #tpu.memory_space<semaphore_mem>>)
      %dma_wait3A_883 = arith.constant 0 : i32
      %dma_wait3A_884 = arith.constant 0 : i32
      %dma_wait3A_885 = arith.constant 0 : i32
      %dma_wait3A_886 = arith.constant 0 : i32
      %dma_wait3A_887 = tpu.memref_slice %arg9[%dma_wait3A_883, %dma_wait3A_884, %dma_wait3A_885, %dma_wait3A_886] : memref<2x20x128x32xbf16, #tpu.memory_space<vmem>> -> memref<1x20x128x32xbf16, #tpu.memory_space<vmem>>
      %dma_wait3A_888 = tpu.memref_squeeze %dma_wait3A_887 : memref<1x20x128x32xbf16, #tpu.memory_space<vmem>> -> memref<20x128x32xbf16, #tpu.memory_space<vmem>>
      %dma_wait3A_889 = arith.constant 0 : i32
      %dma_wait3A_890 = arith.constant 0 : i32
      %dma_wait3A_891 = arith.constant 0 : i32
      %dma_wait3A_892 = tpu.memref_slice %arg9[%dma_wait3A_883, %dma_wait3A_889, %dma_wait3A_890, %dma_wait3A_891] : memref<2x20x128x32xbf16, #tpu.memory_space<vmem>> -> memref<1x20x128x32xbf16, #tpu.memory_space<vmem>>
      %dma_wait3A_893 = tpu.memref_squeeze %dma_wait3A_892 : memref<1x20x128x32xbf16, #tpu.memory_space<vmem>> -> memref<20x128x32xbf16, #tpu.memory_space<vmem>>
      tpu.wait_dma2 semaphore(%arg15 : memref<!tpu.dma_semaphore, #tpu.memory_space<semaphore_mem>>) src(%arg5 : memref<20x128x32xbf16, #tpu.memory_space<hbm>>) dst(%dma_wait3A_893 : memref<20x128x32xbf16, #tpu.memory_space<vmem>>)
      %add3A_894 = arith.constant 2 : i32
      %add3A_895 = arith.addi %mul3A_558, %add3A_894 : i32
      %min3A_896 = arith.constant 67 : i32
      %min3A_897 = arith.minsi %add3A_895, %min3A_896 : i32
      %mul3A_898 = arith.constant 40 : i32
      %mul3A_899 = arith.muli %min3A_897, %mul3A_898 : i32
      %add3A_900 = arith.addi %mul3A_2, %mul3A_899 : i32
      %jit3A_901 = arith.constant 2 : i32
      %div3A_902 = arith.divsi %add3A_900, %jit3A_901 : i32
      %sign3A_903 = arith.constant 0 : i32
      %sign3A_904 = arith.cmpi sgt, %add3A_900, %sign3A_903 : i32
      %sign3A_905 = arith.extui %sign3A_904 : i1 to i32
      %sign3A_906 = arith.constant 0 : i32
      %sign3A_907 = arith.cmpi slt, %add3A_900, %sign3A_906 : i32
      %sign3A_908 = arith.extui %sign3A_907 : i1 to i32
      %sign3A_909 = arith.subi %sign3A_905, %sign3A_908 : i32
      %sign3A_910 = arith.constant 0 : i32
      %sign3A_911 = arith.cmpi sgt, %jit3A_901, %sign3A_910 : i32
      %sign3A_912 = arith.extui %sign3A_911 : i1 to i32
      %sign3A_913 = arith.constant 0 : i32
      %sign3A_914 = arith.cmpi slt, %jit3A_901, %sign3A_913 : i32
      %sign3A_915 = arith.extui %sign3A_914 : i1 to i32
      %sign3A_916 = arith.subi %sign3A_912, %sign3A_915 : i32
      %ne3A_917 = arith.cmpi ne, %sign3A_909, %sign3A_916 : i32
      %rem3A_918 = arith.remsi %add3A_900, %jit3A_901 : i32
      %ne3A_919 = arith.constant 0 : i32
      %ne3A_920 = arith.cmpi ne, %rem3A_918, %ne3A_919 : i32
      %and3A_921 = arith.andi %ne3A_917, %ne3A_920 : i1
      %sub3A_922 = arith.constant 1 : i32
      %sub3A_923 = arith.subi %div3A_902, %sub3A_922 : i32
      %select_n3A_924 = arith.select %and3A_921, %sub3A_923, %div3A_902 : i32
      %dma_start3A_925 = arith.constant 0 : i32
      %dma_start3A_926 = arith.constant 0 : i32
      %dma_start3A_927 = arith.constant 0 : i32
      %dma_start3A_928 = tpu.memref_slice %arg7[%dma_start3A_925, %dma_start3A_926, %dma_start3A_927] : memref<2x20x128xi32, #tpu.memory_space<vmem>> -> memref<1x20x128xi32, #tpu.memory_space<vmem>>
      %dma_start3A_929 = tpu.memref_squeeze %dma_start3A_928 : memref<1x20x128xi32, #tpu.memory_space<vmem>> -> memref<20x128xi32, #tpu.memory_space<vmem>>
      %dma_start3A_930 = arith.constant 0 : i32
      %dma_start3A_931 = tpu.memref_slice %arg3[%select_n3A_924, %dma_start3A_930] : memref<43520x128xi32, #tpu.memory_space<hbm>> -> memref<20x128xi32, #tpu.memory_space<hbm>>
      %dma_start3A_932 = arith.constant 0 : i32
      %dma_start3A_933 = arith.constant 0 : i32
      %dma_start3A_934 = tpu.memref_slice %arg7[%dma_start3A_925, %dma_start3A_932, %dma_start3A_933] : memref<2x20x128xi32, #tpu.memory_space<vmem>> -> memref<1x20x128xi32, #tpu.memory_space<vmem>>
      %dma_start3A_935 = tpu.memref_squeeze %dma_start3A_934 : memref<1x20x128xi32, #tpu.memory_space<vmem>> -> memref<20x128xi32, #tpu.memory_space<vmem>>
      %dma_start3A_936 = arith.constant 0 : i32
      %dma_start3A_937 = tpu.memref_slice %arg3[%select_n3A_924, %dma_start3A_936] : memref<43520x128xi32, #tpu.memory_space<hbm>> -> memref<20x128xi32, #tpu.memory_space<hbm>>
      tpu.enqueue_dma source(%dma_start3A_937 : memref<20x128xi32, #tpu.memory_space<hbm>>) target(%dma_start3A_935 : memref<20x128xi32, #tpu.memory_space<vmem>>) target_semaphore(%arg11 : memref<!tpu.dma_semaphore, #tpu.memory_space<semaphore_mem>>)
      %ge3A = arith.constant 2 : i32
      %ge3A_938 = arith.cmpi sge, %mul3A_558, %ge3A : i32
      %convert_element_type3A = arith.extui %ge3A_938 : i1 to i32
      %cond3A = arith.constant 0 : i32
      %cond3A_939 = arith.cmpi ne, %convert_element_type3A, %cond3A : i32
      scf.if %cond3A_939 {
        %sub3A_1437 = arith.constant 2 : i32
        %sub3A_1438 = arith.subi %mul3A_558, %sub3A_1437 : i32
        %mul3A_1439 = arith.constant 40 : i32
        %mul3A_1440 = arith.muli %sub3A_1438, %mul3A_1439 : i32
        %add3A_1441 = arith.addi %mul3A_2, %mul3A_1440 : i32
        %mul3A_1442 = arith.constant 32 : i32
        %mul3A_1443 = arith.muli %add3A_1441, %mul3A_1442 : i32
        %dma_wait3A_1444 = arith.constant 0 : i32
        %dma_wait3A_1445 = arith.constant 0 : i32
        %dma_wait3A_1446 = tpu.memref_slice %arg10[%dma_wait3A_1444, %dma_wait3A_1445] : memref<2x1280xf32, #tpu.memory_space<vmem>> -> memref<1x1280xf32, #tpu.memory_space<vmem>>
        %dma_wait3A_1447 = tpu.memref_squeeze %dma_wait3A_1446 : memref<1x1280xf32, #tpu.memory_space<vmem>> -> memref<1280xf32, #tpu.memory_space<vmem>>
        %dma_wait3A_1448 = tpu.memref_slice %arg6[%mul3A_1443] : memref<2785280xf32, #tpu.memory_space<hbm>> -> memref<1280xf32, #tpu.memory_space<hbm>>
        %dma_wait3A_1449 = tpu.memref_slice %arg6[%mul3A_1443] : memref<2785280xf32, #tpu.memory_space<hbm>> -> memref<1280xf32, #tpu.memory_space<hbm>>
        %dma_wait3A_1450 = arith.constant 0 : i32
        %dma_wait3A_1451 = tpu.memref_slice %arg10[%dma_wait3A_1444, %dma_wait3A_1450] : memref<2x1280xf32, #tpu.memory_space<vmem>> -> memref<1x1280xf32, #tpu.memory_space<vmem>>
        %dma_wait3A_1452 = tpu.memref_squeeze %dma_wait3A_1451 : memref<1x1280xf32, #tpu.memory_space<vmem>> -> memref<1280xf32, #tpu.memory_space<vmem>>
        tpu.wait_dma2 semaphore(%arg17 : memref<!tpu.dma_semaphore, #tpu.memory_space<semaphore_mem>>) src(%dma_wait3A_1452 : memref<1280xf32, #tpu.memory_space<vmem>>) dst(%dma_wait3A_1449 : memref<1280xf32, #tpu.memory_space<hbm>>)
      } else {
      }
      %min3A_940 = arith.constant 67 : i32
      %min3A_941 = arith.minsi %mul3A_558, %min3A_940 : i32
      %mul3A_942 = arith.constant 40 : i32
      %mul3A_943 = arith.muli %min3A_941, %mul3A_942 : i32
      %add3A_944 = arith.addi %mul3A_2, %mul3A_943 : i32
      %mul3A_945 = arith.constant 64 : i32
      %mul3A_946 = arith.muli %add3A_944, %mul3A_945 : i32
      %dma_wait3A_947 = arith.constant 0 : i32
      %dma_wait3A_948 = arith.constant 0 : i32
      %dma_wait3A_949 = tpu.memref_slice %arg8[%dma_wait3A_947, %dma_wait3A_948] : memref<2x2560xf32, #tpu.memory_space<vmem>> -> memref<1x2560xf32, #tpu.memory_space<vmem>>
      %dma_wait3A_950 = tpu.memref_squeeze %dma_wait3A_949 : memref<1x2560xf32, #tpu.memory_space<vmem>> -> memref<2560xf32, #tpu.memory_space<vmem>>
      %dma_wait3A_951 = tpu.memref_slice %arg4[%mul3A_946] : memref<5570560xf32, #tpu.memory_space<hbm>> -> memref<2560xf32, #tpu.memory_space<hbm>>
      %dma_wait3A_952 = arith.constant 0 : i32
      %dma_wait3A_953 = tpu.memref_slice %arg8[%dma_wait3A_947, %dma_wait3A_952] : memref<2x2560xf32, #tpu.memory_space<vmem>> -> memref<1x2560xf32, #tpu.memory_space<vmem>>
      %dma_wait3A_954 = tpu.memref_squeeze %dma_wait3A_953 : memref<1x2560xf32, #tpu.memory_space<vmem>> -> memref<2560xf32, #tpu.memory_space<vmem>>
      %dma_wait3A_955 = tpu.memref_slice %arg4[%mul3A_946] : memref<5570560xf32, #tpu.memory_space<hbm>> -> memref<2560xf32, #tpu.memory_space<hbm>>
      tpu.wait_dma2 semaphore(%arg13 : memref<!tpu.dma_semaphore, #tpu.memory_space<semaphore_mem>>) src(%dma_wait3A_955 : memref<2560xf32, #tpu.memory_space<hbm>>) dst(%dma_wait3A_954 : memref<2560xf32, #tpu.memory_space<vmem>>)
      %scan3A_956 = arith.constant 0 : i32
      %scan3A_957 = arith.constant 0 : i32
      %scan3A_958 = arith.constant 40 : i32
      %scan3A_959 = arith.addi %scan3A_957, %scan3A_958 : i32
      %scan3A_960 = arith.constant 1 : i32
      %scan3A_961 = scf.for %scan3A_1437 = %scan3A_957 to %scan3A_959 step %scan3A_960 iter_args(%scan3A_1438 = %scan3A_956) -> (i32)  : i32 {
        %jit3A_1439 = arith.constant 8 : i32
        %div3A_1440 = arith.divsi %scan3A_1437, %jit3A_1439 : i32
        %sign3A_1441 = arith.constant 0 : i32
        %sign3A_1442 = arith.cmpi sgt, %scan3A_1437, %sign3A_1441 : i32
        %sign3A_1443 = arith.extui %sign3A_1442 : i1 to i32
        %sign3A_1444 = arith.constant 0 : i32
        %sign3A_1445 = arith.cmpi slt, %scan3A_1437, %sign3A_1444 : i32
        %sign3A_1446 = arith.extui %sign3A_1445 : i1 to i32
        %sign3A_1447 = arith.subi %sign3A_1443, %sign3A_1446 : i32
        %sign3A_1448 = arith.constant 0 : i32
        %sign3A_1449 = arith.cmpi sgt, %jit3A_1439, %sign3A_1448 : i32
        %sign3A_1450 = arith.extui %sign3A_1449 : i1 to i32
        %sign3A_1451 = arith.constant 0 : i32
        %sign3A_1452 = arith.cmpi slt, %jit3A_1439, %sign3A_1451 : i32
        %sign3A_1453 = arith.extui %sign3A_1452 : i1 to i32
        %sign3A_1454 = arith.subi %sign3A_1450, %sign3A_1453 : i32
        %ne3A_1455 = arith.cmpi ne, %sign3A_1447, %sign3A_1454 : i32
        %rem3A_1456 = arith.remsi %scan3A_1437, %jit3A_1439 : i32
        %ne3A_1457 = arith.constant 0 : i32
        %ne3A_1458 = arith.cmpi ne, %rem3A_1456, %ne3A_1457 : i32
        %and3A_1459 = arith.andi %ne3A_1455, %ne3A_1458 : i1
        %sub3A_1460 = arith.constant 1 : i32
        %sub3A_1461 = arith.subi %div3A_1440, %sub3A_1460 : i32
        %select_n3A_1462 = arith.select %and3A_1459, %sub3A_1461, %div3A_1440 : i32
        %jit3A_1463 = arith.constant 8 : i32
        %eq3A = arith.constant 0 : i32
        %eq3A_1464 = arith.cmpi eq, %jit3A_1463, %eq3A : i32
        %jit3A_1465 = arith.constant 1 : i32
        %select_n3A_1466 = arith.select %eq3A_1464, %jit3A_1465, %jit3A_1463 : i32
        %rem3A_1467 = arith.remsi %scan3A_1437, %select_n3A_1466 : i32
        %ne3A_1468 = arith.constant 0 : i32
        %ne3A_1469 = arith.cmpi ne, %rem3A_1467, %ne3A_1468 : i32
        %lt3A = arith.constant 0 : i32
        %lt3A_1470 = arith.cmpi slt, %rem3A_1467, %lt3A : i32
        %lt3A_1471 = arith.constant 0 : i32
        %lt3A_1472 = arith.cmpi slt, %select_n3A_1466, %lt3A_1471 : i32
        %ne3A_1473 = arith.xori %lt3A_1470, %lt3A_1472 : i1
        %and3A_1474 = arith.andi %ne3A_1473, %ne3A_1469 : i1
        %add3A_1475 = arith.addi %rem3A_1467, %select_n3A_1466 : i32
        %select_n3A_1476 = arith.select %and3A_1474, %add3A_1475, %rem3A_1467 : i32
        %mul3A_1477 = arith.constant 512 : i32
        %mul3A_1478 = arith.muli %select_n3A_1462, %mul3A_1477 : i32
        %mul3A_1479 = arith.constant 16 : i32
        %mul3A_1480 = arith.muli %select_n3A_1476, %mul3A_1479 : i32
        %add3A_1481 = arith.addi %mul3A_1478, %mul3A_1480 : i32
        %get3A = arith.constant 0 : i32
        %get3A_1482 = arith.index_cast %get3A : i32 to index
        %get3A_1483 = arith.index_cast %add3A_1481 : i32 to index
        %get3A_1484 = tpu.vector_load %arg8[%get3A_1482, %get3A_1483] {strides = array<i32>} : memref<2x2560xf32, #tpu.memory_space<vmem>>, vector<16xf32>,
        %add3A_1485 = arith.addi %mul3A_1478, %mul3A_1480 : i32
        %add3A_1486 = arith.constant 128 : i32
        %add3A_1487 = arith.addi %add3A_1485, %add3A_1486 : i32
        %get3A_1488 = arith.constant 0 : i32
        %get3A_1489 = arith.index_cast %get3A_1488 : i32 to index
        %get3A_1490 = arith.index_cast %add3A_1487 : i32 to index
        %get3A_1491 = tpu.vector_load %arg8[%get3A_1489, %get3A_1490] {strides = array<i32>} : memref<2x2560xf32, #tpu.memory_space<vmem>>, vector<16xf32>,
        %add3A_1492 = arith.addi %mul3A_1478, %mul3A_1480 : i32
        %add3A_1493 = arith.constant 256 : i32
        %add3A_1494 = arith.addi %add3A_1492, %add3A_1493 : i32
        %get3A_1495 = arith.constant 0 : i32
        %get3A_1496 = arith.index_cast %get3A_1495 : i32 to index
        %get3A_1497 = arith.index_cast %add3A_1494 : i32 to index
        %get3A_1498 = tpu.vector_load %arg8[%get3A_1496, %get3A_1497] {strides = array<i32>} : memref<2x2560xf32, #tpu.memory_space<vmem>>, vector<16xf32>,
        %add3A_1499 = arith.addi %mul3A_1478, %mul3A_1480 : i32
        %add3A_1500 = arith.constant 384 : i32
        %add3A_1501 = arith.addi %add3A_1499, %add3A_1500 : i32
        %get3A_1502 = arith.constant 0 : i32
        %get3A_1503 = arith.index_cast %get3A_1502 : i32 to index
        %get3A_1504 = arith.index_cast %add3A_1501 : i32 to index
        %get3A_1505 = tpu.vector_load %arg8[%get3A_1503, %get3A_1504] {strides = array<i32>} : memref<2x2560xf32, #tpu.memory_space<vmem>>, vector<16xf32>,
        %broadcast_in_dim3A = arith.constant 0.000000e+00 : f32
        %broadcast_in_dim3A_1506 = vector.broadcast %broadcast_in_dim3A : f32 to vector<16xf32>
        %broadcast_in_dim3A_1507 = arith.constant 0.000000e+00 : f32
        %broadcast_in_dim3A_1508 = vector.broadcast %broadcast_in_dim3A_1507 : f32 to vector<16xf32>
        %add3A_1509 = arith.constant 0 : i32
        %add3A_1510 = arith.addi %mul3A_1480, %add3A_1509 : i32
        %broadcast_in_dim3A_1511 = arith.constant 0 : i32
        %broadcast_in_dim3A_1512 = vector.broadcast %broadcast_in_dim3A_1511 : i32 to vector<16xi32>
        %broadcast_in_dim3A_1513 = vector.shape_cast %broadcast_in_dim3A_1512 : vector<16xi32> to vector<16x1xi32>
        %gather3A = vector.shape_cast %broadcast_in_dim3A_1513 : vector<16x1xi32> to vector<16xi32>
        %gather3A_1514 = tpu.dynamic_gather %get3A_1484[%gather3A] in [0] : vector<16xf32>, vector<16xi32> -> vector<16xf32>
        %broadcast_in_dim3A_1515 = vector.shape_cast %broadcast_in_dim3A_1512 : vector<16xi32> to vector<16x1xi32>
        %gather3A_1516 = vector.shape_cast %broadcast_in_dim3A_1515 : vector<16x1xi32> to vector<16xi32>
        %gather3A_1517 = tpu.dynamic_gather %get3A_1491[%gather3A_1516] in [0] : vector<16xf32>, vector<16xi32> -> vector<16xf32>
        %broadcast_in_dim3A_1518 = vector.shape_cast %broadcast_in_dim3A_1512 : vector<16xi32> to vector<16x1xi32>
        %gather3A_1519 = vector.shape_cast %broadcast_in_dim3A_1518 : vector<16x1xi32> to vector<16xi32>
        %gather3A_1520 = tpu.dynamic_gather %get3A_1498[%gather3A_1519] in [0] : vector<16xf32>, vector<16xi32> -> vector<16xf32>
        %broadcast_in_dim3A_1521 = vector.shape_cast %broadcast_in_dim3A_1512 : vector<16xi32> to vector<16x1xi32>
        %gather3A_1522 = vector.shape_cast %broadcast_in_dim3A_1521 : vector<16x1xi32> to vector<16xi32>
        %gather3A_1523 = tpu.dynamic_gather %get3A_1505[%gather3A_1522] in [0] : vector<16xf32>, vector<16xi32> -> vector<16xf32>
        %mul3A_1524 = arith.constant 4 : i32
        %mul3A_1525 = arith.muli %select_n3A_1462, %mul3A_1524 : i32
        %get3A_1526 = arith.constant 0 : i32
        %get3A_1527 = arith.index_cast %get3A_1526 : i32 to index
        %get3A_1528 = arith.index_cast %mul3A_1525 : i32 to index
        %get3A_1529 = arith.index_cast %add3A_1510 : i32 to index
        %get3A_1530 = arith.constant 0 : index
        %get3A_1531 = tpu.vector_load %arg9[%get3A_1527, %get3A_1528, %get3A_1529, %get3A_1530] {strides = array<i32>} : memref<2x20x128x32xbf16, #tpu.memory_space<vmem>>, vector<32xbf16>,
        %unpack3A = tpu.unpack_subelements %get3A_1531, 0 {pack_format = #tpu.pack_format<interleaved>} : vector<32xbf16> -> vector<16xf32>
        %unpack3A_1532 = tpu.unpack_subelements %get3A_1531, 1 {pack_format = #tpu.pack_format<interleaved>} : vector<32xbf16> -> vector<16xf32>
        %mul3A_1533 = arith.constant 4 : i32
        %mul3A_1534 = arith.muli %select_n3A_1462, %mul3A_1533 : i32
        %add3A_1535 = arith.constant 1 : i32
        %add3A_1536 = arith.addi %mul3A_1534, %add3A_1535 : i32
        %get3A_1537 = arith.constant 0 : i32
        %get3A_1538 = arith.index_cast %get3A_1537 : i32 to index
        %get3A_1539 = arith.index_cast %add3A_1536 : i32 to index
        %get3A_1540 = arith.index_cast %add3A_1510 : i32 to index
        %get3A_1541 = arith.constant 0 : index
        %get3A_1542 = tpu.vector_load %arg9[%get3A_1538, %get3A_1539, %get3A_1540, %get3A_1541] {strides = array<i32>} : memref<2x20x128x32xbf16, #tpu.memory_space<vmem>>, vector<32xbf16>,
        %unpack3A_1543 = tpu.unpack_subelements %get3A_1542, 0 {pack_format = #tpu.pack_format<interleaved>} : vector<32xbf16> -> vector<16xf32>
        %unpack3A_1544 = tpu.unpack_subelements %get3A_1542, 1 {pack_format = #tpu.pack_format<interleaved>} : vector<32xbf16> -> vector<16xf32>
        %mul3A_1545 = arith.constant 4 : i32
        %mul3A_1546 = arith.muli %select_n3A_1462, %mul3A_1545 : i32
        %add3A_1547 = arith.constant 2 : i32
        %add3A_1548 = arith.addi %mul3A_1546, %add3A_1547 : i32
        %get3A_1549 = arith.constant 0 : i32
        %get3A_1550 = arith.index_cast %get3A_1549 : i32 to index
        %get3A_1551 = arith.index_cast %add3A_1548 : i32 to index
        %get3A_1552 = arith.index_cast %add3A_1510 : i32 to index
        %get3A_1553 = arith.constant 0 : index
        %get3A_1554 = tpu.vector_load %arg9[%get3A_1550, %get3A_1551, %get3A_1552, %get3A_1553] {strides = array<i32>} : memref<2x20x128x32xbf16, #tpu.memory_space<vmem>>, vector<32xbf16>,
        %unpack3A_1555 = tpu.unpack_subelements %get3A_1554, 0 {pack_format = #tpu.pack_format<interleaved>} : vector<32xbf16> -> vector<16xf32>
        %unpack3A_1556 = tpu.unpack_subelements %get3A_1554, 1 {pack_format = #tpu.pack_format<interleaved>} : vector<32xbf16> -> vector<16xf32>
        %mul3A_1557 = arith.constant 4 : i32
        %mul3A_1558 = arith.muli %select_n3A_1462, %mul3A_1557 : i32
        %add3A_1559 = arith.constant 3 : i32
        %add3A_1560 = arith.addi %mul3A_1558, %add3A_1559 : i32
        %get3A_1561 = arith.constant 0 : i32
        %get3A_1562 = arith.index_cast %get3A_1561 : i32 to index
        %get3A_1563 = arith.index_cast %add3A_1560 : i32 to index
        %get3A_1564 = arith.index_cast %add3A_1510 : i32 to index
        %get3A_1565 = arith.constant 0 : index
        %get3A_1566 = tpu.vector_load %arg9[%get3A_1562, %get3A_1563, %get3A_1564, %get3A_1565] {strides = array<i32>} : memref<2x20x128x32xbf16, #tpu.memory_space<vmem>>, vector<32xbf16>,
        %unpack3A_1567 = tpu.unpack_subelements %get3A_1566, 0 {pack_format = #tpu.pack_format<interleaved>} : vector<32xbf16> -> vector<16xf32>
        %unpack3A_1568 = tpu.unpack_subelements %get3A_1566, 1 {pack_format = #tpu.pack_format<interleaved>} : vector<32xbf16> -> vector<16xf32>
        %mul3A_1569 = arith.mulf %gather3A_1514, %unpack3A : vector<16xf32>
        %add3A_1570 = arith.addf %broadcast_in_dim3A_1506, %mul3A_1569 : vector<16xf32>
        %mul3A_1571 = arith.mulf %gather3A_1520, %unpack3A_1555 : vector<16xf32>
        %add3A_1572 = arith.addf %add3A_1570, %mul3A_1571 : vector<16xf32>
        %mul3A_1573 = arith.mulf %gather3A_1517, %unpack3A_1543 : vector<16xf32>
        %add3A_1574 = arith.addf %add3A_1572, %mul3A_1573 : vector<16xf32>
        %mul3A_1575 = arith.mulf %gather3A_1523, %unpack3A_1567 : vector<16xf32>
        %add3A_1576 = arith.addf %add3A_1574, %mul3A_1575 : vector<16xf32>
        %mul3A_1577 = arith.mulf %gather3A_1514, %unpack3A_1532 : vector<16xf32>
        %add3A_1578 = arith.addf %broadcast_in_dim3A_1508, %mul3A_1577 : vector<16xf32>
        %mul3A_1579 = arith.mulf %gather3A_1520, %unpack3A_1556 : vector<16xf32>
        %add3A_1580 = arith.addf %add3A_1578, %mul3A_1579 : vector<16xf32>
        %mul3A_1581 = arith.mulf %gather3A_1517, %unpack3A_1544 : vector<16xf32>
        %add3A_1582 = arith.addf %add3A_1580, %mul3A_1581 : vector<16xf32>
        %mul3A_1583 = arith.mulf %gather3A_1523, %unpack3A_1568 : vector<16xf32>
        %add3A_1584 = arith.addf %add3A_1582, %mul3A_1583 : vector<16xf32>
        %add3A_1585 = arith.constant 1 : i32
        %add3A_1586 = arith.addi %mul3A_1480, %add3A_1585 : i32
        %broadcast_in_dim3A_1587 = arith.constant 1 : i32
        %broadcast_in_dim3A_1588 = vector.broadcast %broadcast_in_dim3A_1587 : i32 to vector<16xi32>
        %broadcast_in_dim3A_1589 = vector.shape_cast %broadcast_in_dim3A_1588 : vector<16xi32> to vector<16x1xi32>
        %gather3A_1590 = vector.shape_cast %broadcast_in_dim3A_1589 : vector<16x1xi32> to vector<16xi32>
        %gather3A_1591 = tpu.dynamic_gather %get3A_1484[%gather3A_1590] in [0] : vector<16xf32>, vector<16xi32> -> vector<16xf32>
        %broadcast_in_dim3A_1592 = vector.shape_cast %broadcast_in_dim3A_1588 : vector<16xi32> to vector<16x1xi32>
        %gather3A_1593 = vector.shape_cast %broadcast_in_dim3A_1592 : vector<16x1xi32> to vector<16xi32>
        %gather3A_1594 = tpu.dynamic_gather %get3A_1491[%gather3A_1593] in [0] : vector<16xf32>, vector<16xi32> -> vector<16xf32>
        %broadcast_in_dim3A_1595 = vector.shape_cast %broadcast_in_dim3A_1588 : vector<16xi32> to vector<16x1xi32>
        %gather3A_1596 = vector.shape_cast %broadcast_in_dim3A_1595 : vector<16x1xi32> to vector<16xi32>
        %gather3A_1597 = tpu.dynamic_gather %get3A_1498[%gather3A_1596] in [0] : vector<16xf32>, vector<16xi32> -> vector<16xf32>
        %broadcast_in_dim3A_1598 = vector.shape_cast %broadcast_in_dim3A_1588 : vector<16xi32> to vector<16x1xi32>
        %gather3A_1599 = vector.shape_cast %broadcast_in_dim3A_1598 : vector<16x1xi32> to vector<16xi32>
        %gather3A_1600 = tpu.dynamic_gather %get3A_1505[%gather3A_1599] in [0] : vector<16xf32>, vector<16xi32> -> vector<16xf32>
        %mul3A_1601 = arith.constant 4 : i32
        %mul3A_1602 = arith.muli %select_n3A_1462, %mul3A_1601 : i32
        %get3A_1603 = arith.constant 0 : i32
        %get3A_1604 = arith.index_cast %get3A_1603 : i32 to index
        %get3A_1605 = arith.index_cast %mul3A_1602 : i32 to index
        %get3A_1606 = arith.index_cast %add3A_1586 : i32 to index
        %get3A_1607 = arith.constant 0 : index
        %get3A_1608 = tpu.vector_load %arg9[%get3A_1604, %get3A_1605, %get3A_1606, %get3A_1607] {strides = array<i32>} : memref<2x20x128x32xbf16, #tpu.memory_space<vmem>>, vector<32xbf16>,
        %unpack3A_1609 = tpu.unpack_subelements %get3A_1608, 0 {pack_format = #tpu.pack_format<interleaved>} : vector<32xbf16> -> vector<16xf32>
        %unpack3A_1610 = tpu.unpack_subelements %get3A_1608, 1 {pack_format = #tpu.pack_format<interleaved>} : vector<32xbf16> -> vector<16xf32>
        %mul3A_1611 = arith.constant 4 : i32
        %mul3A_1612 = arith.muli %select_n3A_1462, %mul3A_1611 : i32
        %add3A_1613 = arith.constant 1 : i32
        %add3A_1614 = arith.addi %mul3A_1612, %add3A_1613 : i32
        %get3A_1615 = arith.constant 0 : i32
        %get3A_1616 = arith.index_cast %get3A_1615 : i32 to index
        %get3A_1617 = arith.index_cast %add3A_1614 : i32 to index
        %get3A_1618 = arith.index_cast %add3A_1586 : i32 to index
        %get3A_1619 = arith.constant 0 : index
        %get3A_1620 = tpu.vector_load %arg9[%get3A_1616, %get3A_1617, %get3A_1618, %get3A_1619] {strides = array<i32>} : memref<2x20x128x32xbf16, #tpu.memory_space<vmem>>, vector<32xbf16>,
        %unpack3A_1621 = tpu.unpack_subelements %get3A_1620, 0 {pack_format = #tpu.pack_format<interleaved>} : vector<32xbf16> -> vector<16xf32>
        %unpack3A_1622 = tpu.unpack_subelements %get3A_1620, 1 {pack_format = #tpu.pack_format<interleaved>} : vector<32xbf16> -> vector<16xf32>
        %mul3A_1623 = arith.constant 4 : i32
        %mul3A_1624 = arith.muli %select_n3A_1462, %mul3A_1623 : i32
        %add3A_1625 = arith.constant 2 : i32
        %add3A_1626 = arith.addi %mul3A_1624, %add3A_1625 : i32
        %get3A_1627 = arith.constant 0 : i32
        %get3A_1628 = arith.index_cast %get3A_1627 : i32 to index
        %get3A_1629 = arith.index_cast %add3A_1626 : i32 to index
        %get3A_1630 = arith.index_cast %add3A_1586 : i32 to index
        %get3A_1631 = arith.constant 0 : index
        %get3A_1632 = tpu.vector_load %arg9[%get3A_1628, %get3A_1629, %get3A_1630, %get3A_1631] {strides = array<i32>} : memref<2x20x128x32xbf16, #tpu.memory_space<vmem>>, vector<32xbf16>,
        %unpack3A_1633 = tpu.unpack_subelements %get3A_1632, 0 {pack_format = #tpu.pack_format<interleaved>} : vector<32xbf16> -> vector<16xf32>
        %unpack3A_1634 = tpu.unpack_subelements %get3A_1632, 1 {pack_format = #tpu.pack_format<interleaved>} : vector<32xbf16> -> vector<16xf32>
        %mul3A_1635 = arith.constant 4 : i32
        %mul3A_1636 = arith.muli %select_n3A_1462, %mul3A_1635 : i32
        %add3A_1637 = arith.constant 3 : i32
        %add3A_1638 = arith.addi %mul3A_1636, %add3A_1637 : i32
        %get3A_1639 = arith.constant 0 : i32
        %get3A_1640 = arith.index_cast %get3A_1639 : i32 to index
        %get3A_1641 = arith.index_cast %add3A_1638 : i32 to index
        %get3A_1642 = arith.index_cast %add3A_1586 : i32 to index
        %get3A_1643 = arith.constant 0 : index
        %get3A_1644 = tpu.vector_load %arg9[%get3A_1640, %get3A_1641, %get3A_1642, %get3A_1643] {strides = array<i32>} : memref<2x20x128x32xbf16, #tpu.memory_space<vmem>>, vector<32xbf16>,
        %unpack3A_1645 = tpu.unpack_subelements %get3A_1644, 0 {pack_format = #tpu.pack_format<interleaved>} : vector<32xbf16> -> vector<16xf32>
        %unpack3A_1646 = tpu.unpack_subelements %get3A_1644, 1 {pack_format = #tpu.pack_format<interleaved>} : vector<32xbf16> -> vector<16xf32>
        %mul3A_1647 = arith.mulf %gather3A_1591, %unpack3A_1609 : vector<16xf32>
        %add3A_1648 = arith.addf %add3A_1576, %mul3A_1647 : vector<16xf32>
        %mul3A_1649 = arith.mulf %gather3A_1597, %unpack3A_1633 : vector<16xf32>
        %add3A_1650 = arith.addf %add3A_1648, %mul3A_1649 : vector<16xf32>
        %mul3A_1651 = arith.mulf %gather3A_1594, %unpack3A_1621 : vector<16xf32>
        %add3A_1652 = arith.addf %add3A_1650, %mul3A_1651 : vector<16xf32>
        %mul3A_1653 = arith.mulf %gather3A_1600, %unpack3A_1645 : vector<16xf32>
        %add3A_1654 = arith.addf %add3A_1652, %mul3A_1653 : vector<16xf32>
        %mul3A_1655 = arith.mulf %gather3A_1591, %unpack3A_1610 : vector<16xf32>
        %add3A_1656 = arith.addf %add3A_1584, %mul3A_1655 : vector<16xf32>
        %mul3A_1657 = arith.mulf %gather3A_1597, %unpack3A_1634 : vector<16xf32>
        %add3A_1658 = arith.addf %add3A_1656, %mul3A_1657 : vector<16xf32>
        %mul3A_1659 = arith.mulf %gather3A_1594, %unpack3A_1622 : vector<16xf32>
        %add3A_1660 = arith.addf %add3A_1658, %mul3A_1659 : vector<16xf32>
        %mul3A_1661 = arith.mulf %gather3A_1600, %unpack3A_1646 : vector<16xf32>
        %add3A_1662 = arith.addf %add3A_1660, %mul3A_1661 : vector<16xf32>
        %add3A_1663 = arith.constant 2 : i32
        %add3A_1664 = arith.addi %mul3A_1480, %add3A_1663 : i32
        %broadcast_in_dim3A_1665 = arith.constant 2 : i32
        %broadcast_in_dim3A_1666 = vector.broadcast %broadcast_in_dim3A_1665 : i32 to vector<16xi32>
        %broadcast_in_dim3A_1667 = vector.shape_cast %broadcast_in_dim3A_1666 : vector<16xi32> to vector<16x1xi32>
        %gather3A_1668 = vector.shape_cast %broadcast_in_dim3A_1667 : vector<16x1xi32> to vector<16xi32>
        %gather3A_1669 = tpu.dynamic_gather %get3A_1484[%gather3A_1668] in [0] : vector<16xf32>, vector<16xi32> -> vector<16xf32>
        %broadcast_in_dim3A_1670 = vector.shape_cast %broadcast_in_dim3A_1666 : vector<16xi32> to vector<16x1xi32>
        %gather3A_1671 = vector.shape_cast %broadcast_in_dim3A_1670 : vector<16x1xi32> to vector<16xi32>
        %gather3A_1672 = tpu.dynamic_gather %get3A_1491[%gather3A_1671] in [0] : vector<16xf32>, vector<16xi32> -> vector<16xf32>
        %broadcast_in_dim3A_1673 = vector.shape_cast %broadcast_in_dim3A_1666 : vector<16xi32> to vector<16x1xi32>
        %gather3A_1674 = vector.shape_cast %broadcast_in_dim3A_1673 : vector<16x1xi32> to vector<16xi32>
        %gather3A_1675 = tpu.dynamic_gather %get3A_1498[%gather3A_1674] in [0] : vector<16xf32>, vector<16xi32> -> vector<16xf32>
        %broadcast_in_dim3A_1676 = vector.shape_cast %broadcast_in_dim3A_1666 : vector<16xi32> to vector<16x1xi32>
        %gather3A_1677 = vector.shape_cast %broadcast_in_dim3A_1676 : vector<16x1xi32> to vector<16xi32>
        %gather3A_1678 = tpu.dynamic_gather %get3A_1505[%gather3A_1677] in [0] : vector<16xf32>, vector<16xi32> -> vector<16xf32>
        %mul3A_1679 = arith.constant 4 : i32
        %mul3A_1680 = arith.muli %select_n3A_1462, %mul3A_1679 : i32
        %get3A_1681 = arith.constant 0 : i32
        %get3A_1682 = arith.index_cast %get3A_1681 : i32 to index
        %get3A_1683 = arith.index_cast %mul3A_1680 : i32 to index
        %get3A_1684 = arith.index_cast %add3A_1664 : i32 to index
        %get3A_1685 = arith.constant 0 : index
        %get3A_1686 = tpu.vector_load %arg9[%get3A_1682, %get3A_1683, %get3A_1684, %get3A_1685] {strides = array<i32>} : memref<2x20x128x32xbf16, #tpu.memory_space<vmem>>, vector<32xbf16>,
        %unpack3A_1687 = tpu.unpack_subelements %get3A_1686, 0 {pack_format = #tpu.pack_format<interleaved>} : vector<32xbf16> -> vector<16xf32>
        %unpack3A_1688 = tpu.unpack_subelements %get3A_1686, 1 {pack_format = #tpu.pack_format<interleaved>} : vector<32xbf16> -> vector<16xf32>
        %mul3A_1689 = arith.constant 4 : i32
        %mul3A_1690 = arith.muli %select_n3A_1462, %mul3A_1689 : i32
        %add3A_1691 = arith.constant 1 : i32
        %add3A_1692 = arith.addi %mul3A_1690, %add3A_1691 : i32
        %get3A_1693 = arith.constant 0 : i32
        %get3A_1694 = arith.index_cast %get3A_1693 : i32 to index
        %get3A_1695 = arith.index_cast %add3A_1692 : i32 to index
        %get3A_1696 = arith.index_cast %add3A_1664 : i32 to index
        %get3A_1697 = arith.constant 0 : index
        %get3A_1698 = tpu.vector_load %arg9[%get3A_1694, %get3A_1695, %get3A_1696, %get3A_1697] {strides = array<i32>} : memref<2x20x128x32xbf16, #tpu.memory_space<vmem>>, vector<32xbf16>,
        %unpack3A_1699 = tpu.unpack_subelements %get3A_1698, 0 {pack_format = #tpu.pack_format<interleaved>} : vector<32xbf16> -> vector<16xf32>
        %unpack3A_1700 = tpu.unpack_subelements %get3A_1698, 1 {pack_format = #tpu.pack_format<interleaved>} : vector<32xbf16> -> vector<16xf32>
        %mul3A_1701 = arith.constant 4 : i32
        %mul3A_1702 = arith.muli %select_n3A_1462, %mul3A_1701 : i32
        %add3A_1703 = arith.constant 2 : i32
        %add3A_1704 = arith.addi %mul3A_1702, %add3A_1703 : i32
        %get3A_1705 = arith.constant 0 : i32
        %get3A_1706 = arith.index_cast %get3A_1705 : i32 to index
        %get3A_1707 = arith.index_cast %add3A_1704 : i32 to index
        %get3A_1708 = arith.index_cast %add3A_1664 : i32 to index
        %get3A_1709 = arith.constant 0 : index
        %get3A_1710 = tpu.vector_load %arg9[%get3A_1706, %get3A_1707, %get3A_1708, %get3A_1709] {strides = array<i32>} : memref<2x20x128x32xbf16, #tpu.memory_space<vmem>>, vector<32xbf16>,
        %unpack3A_1711 = tpu.unpack_subelements %get3A_1710, 0 {pack_format = #tpu.pack_format<interleaved>} : vector<32xbf16> -> vector<16xf32>
        %unpack3A_1712 = tpu.unpack_subelements %get3A_1710, 1 {pack_format = #tpu.pack_format<interleaved>} : vector<32xbf16> -> vector<16xf32>
        %mul3A_1713 = arith.constant 4 : i32
        %mul3A_1714 = arith.muli %select_n3A_1462, %mul3A_1713 : i32
        %add3A_1715 = arith.constant 3 : i32
        %add3A_1716 = arith.addi %mul3A_1714, %add3A_1715 : i32
        %get3A_1717 = arith.constant 0 : i32
        %get3A_1718 = arith.index_cast %get3A_1717 : i32 to index
        %get3A_1719 = arith.index_cast %add3A_1716 : i32 to index
        %get3A_1720 = arith.index_cast %add3A_1664 : i32 to index
        %get3A_1721 = arith.constant 0 : index
        %get3A_1722 = tpu.vector_load %arg9[%get3A_1718, %get3A_1719, %get3A_1720, %get3A_1721] {strides = array<i32>} : memref<2x20x128x32xbf16, #tpu.memory_space<vmem>>, vector<32xbf16>,
        %unpack3A_1723 = tpu.unpack_subelements %get3A_1722, 0 {pack_format = #tpu.pack_format<interleaved>} : vector<32xbf16> -> vector<16xf32>
        %unpack3A_1724 = tpu.unpack_subelements %get3A_1722, 1 {pack_format = #tpu.pack_format<interleaved>} : vector<32xbf16> -> vector<16xf32>
        %mul3A_1725 = arith.mulf %gather3A_1669, %unpack3A_1687 : vector<16xf32>
        %add3A_1726 = arith.addf %add3A_1654, %mul3A_1725 : vector<16xf32>
        %mul3A_1727 = arith.mulf %gather3A_1675, %unpack3A_1711 : vector<16xf32>
        %add3A_1728 = arith.addf %add3A_1726, %mul3A_1727 : vector<16xf32>
        %mul3A_1729 = arith.mulf %gather3A_1672, %unpack3A_1699 : vector<16xf32>
        %add3A_1730 = arith.addf %add3A_1728, %mul3A_1729 : vector<16xf32>
        %mul3A_1731 = arith.mulf %gather3A_1678, %unpack3A_1723 : vector<16xf32>
        %add3A_1732 = arith.addf %add3A_1730, %mul3A_1731 : vector<16xf32>
        %mul3A_1733 = arith.mulf %gather3A_1669, %unpack3A_1688 : vector<16xf32>
        %add3A_1734 = arith.addf %add3A_1662, %mul3A_1733 : vector<16xf32>
        %mul3A_1735 = arith.mulf %gather3A_1675, %unpack3A_1712 : vector<16xf32>
        %add3A_1736 = arith.addf %add3A_1734, %mul3A_1735 : vector<16xf32>
        %mul3A_1737 = arith.mulf %gather3A_1672, %unpack3A_1700 : vector<16xf32>
        %add3A_1738 = arith.addf %add3A_1736, %mul3A_1737 : vector<16xf32>
        %mul3A_1739 = arith.mulf %gather3A_1678, %unpack3A_1724 : vector<16xf32>
        %add3A_1740 = arith.addf %add3A_1738, %mul3A_1739 : vector<16xf32>
        %add3A_1741 = arith.constant 3 : i32
        %add3A_1742 = arith.addi %mul3A_1480, %add3A_1741 : i32
        %broadcast_in_dim3A_1743 = arith.constant 3 : i32
        %broadcast_in_dim3A_1744 = vector.broadcast %broadcast_in_dim3A_1743 : i32 to vector<16xi32>
        %broadcast_in_dim3A_1745 = vector.shape_cast %broadcast_in_dim3A_1744 : vector<16xi32> to vector<16x1xi32>
        %gather3A_1746 = vector.shape_cast %broadcast_in_dim3A_1745 : vector<16x1xi32> to vector<16xi32>
        %gather3A_1747 = tpu.dynamic_gather %get3A_1484[%gather3A_1746] in [0] : vector<16xf32>, vector<16xi32> -> vector<16xf32>
        %broadcast_in_dim3A_1748 = vector.shape_cast %broadcast_in_dim3A_1744 : vector<16xi32> to vector<16x1xi32>
        %gather3A_1749 = vector.shape_cast %broadcast_in_dim3A_1748 : vector<16x1xi32> to vector<16xi32>
        %gather3A_1750 = tpu.dynamic_gather %get3A_1491[%gather3A_1749] in [0] : vector<16xf32>, vector<16xi32> -> vector<16xf32>
        %broadcast_in_dim3A_1751 = vector.shape_cast %broadcast_in_dim3A_1744 : vector<16xi32> to vector<16x1xi32>
        %gather3A_1752 = vector.shape_cast %broadcast_in_dim3A_1751 : vector<16x1xi32> to vector<16xi32>
        %gather3A_1753 = tpu.dynamic_gather %get3A_1498[%gather3A_1752] in [0] : vector<16xf32>, vector<16xi32> -> vector<16xf32>
        %broadcast_in_dim3A_1754 = vector.shape_cast %broadcast_in_dim3A_1744 : vector<16xi32> to vector<16x1xi32>
        %gather3A_1755 = vector.shape_cast %broadcast_in_dim3A_1754 : vector<16x1xi32> to vector<16xi32>
        %gather3A_1756 = tpu.dynamic_gather %get3A_1505[%gather3A_1755] in [0] : vector<16xf32>, vector<16xi32> -> vector<16xf32>
        %mul3A_1757 = arith.constant 4 : i32
        %mul3A_1758 = arith.muli %select_n3A_1462, %mul3A_1757 : i32
        %get3A_1759 = arith.constant 0 : i32
        %get3A_1760 = arith.index_cast %get3A_1759 : i32 to index
        %get3A_1761 = arith.index_cast %mul3A_1758 : i32 to index
        %get3A_1762 = arith.index_cast %add3A_1742 : i32 to index
        %get3A_1763 = arith.constant 0 : index
        %get3A_1764 = tpu.vector_load %arg9[%get3A_1760, %get3A_1761, %get3A_1762, %get3A_1763] {strides = array<i32>} : memref<2x20x128x32xbf16, #tpu.memory_space<vmem>>, vector<32xbf16>,
        %unpack3A_1765 = tpu.unpack_subelements %get3A_1764, 0 {pack_format = #tpu.pack_format<interleaved>} : vector<32xbf16> -> vector<16xf32>
        %unpack3A_1766 = tpu.unpack_subelements %get3A_1764, 1 {pack_format = #tpu.pack_format<interleaved>} : vector<32xbf16> -> vector<16xf32>
        %mul3A_1767 = arith.constant 4 : i32
        %mul3A_1768 = arith.muli %select_n3A_1462, %mul3A_1767 : i32
        %add3A_1769 = arith.constant 1 : i32
        %add3A_1770 = arith.addi %mul3A_1768, %add3A_1769 : i32
        %get3A_1771 = arith.constant 0 : i32
        %get3A_1772 = arith.index_cast %get3A_1771 : i32 to index
        %get3A_1773 = arith.index_cast %add3A_1770 : i32 to index
        %get3A_1774 = arith.index_cast %add3A_1742 : i32 to index
        %get3A_1775 = arith.constant 0 : index
        %get3A_1776 = tpu.vector_load %arg9[%get3A_1772, %get3A_1773, %get3A_1774, %get3A_1775] {strides = array<i32>} : memref<2x20x128x32xbf16, #tpu.memory_space<vmem>>, vector<32xbf16>,
        %unpack3A_1777 = tpu.unpack_subelements %get3A_1776, 0 {pack_format = #tpu.pack_format<interleaved>} : vector<32xbf16> -> vector<16xf32>
        %unpack3A_1778 = tpu.unpack_subelements %get3A_1776, 1 {pack_format = #tpu.pack_format<interleaved>} : vector<32xbf16> -> vector<16xf32>
        %mul3A_1779 = arith.constant 4 : i32
        %mul3A_1780 = arith.muli %select_n3A_1462, %mul3A_1779 : i32
        %add3A_1781 = arith.constant 2 : i32
        %add3A_1782 = arith.addi %mul3A_1780, %add3A_1781 : i32
        %get3A_1783 = arith.constant 0 : i32
        %get3A_1784 = arith.index_cast %get3A_1783 : i32 to index
        %get3A_1785 = arith.index_cast %add3A_1782 : i32 to index
        %get3A_1786 = arith.index_cast %add3A_1742 : i32 to index
        %get3A_1787 = arith.constant 0 : index
        %get3A_1788 = tpu.vector_load %arg9[%get3A_1784, %get3A_1785, %get3A_1786, %get3A_1787] {strides = array<i32>} : memref<2x20x128x32xbf16, #tpu.memory_space<vmem>>, vector<32xbf16>,
        %unpack3A_1789 = tpu.unpack_subelements %get3A_1788, 0 {pack_format = #tpu.pack_format<interleaved>} : vector<32xbf16> -> vector<16xf32>
        %unpack3A_1790 = tpu.unpack_subelements %get3A_1788, 1 {pack_format = #tpu.pack_format<interleaved>} : vector<32xbf16> -> vector<16xf32>
        %mul3A_1791 = arith.constant 4 : i32
        %mul3A_1792 = arith.muli %select_n3A_1462, %mul3A_1791 : i32
        %add3A_1793 = arith.constant 3 : i32
        %add3A_1794 = arith.addi %mul3A_1792, %add3A_1793 : i32
        %get3A_1795 = arith.constant 0 : i32
        %get3A_1796 = arith.index_cast %get3A_1795 : i32 to index
        %get3A_1797 = arith.index_cast %add3A_1794 : i32 to index
        %get3A_1798 = arith.index_cast %add3A_1742 : i32 to index
        %get3A_1799 = arith.constant 0 : index
        %get3A_1800 = tpu.vector_load %arg9[%get3A_1796, %get3A_1797, %get3A_1798, %get3A_1799] {strides = array<i32>} : memref<2x20x128x32xbf16, #tpu.memory_space<vmem>>, vector<32xbf16>,
        %unpack3A_1801 = tpu.unpack_subelements %get3A_1800, 0 {pack_format = #tpu.pack_format<interleaved>} : vector<32xbf16> -> vector<16xf32>
        %unpack3A_1802 = tpu.unpack_subelements %get3A_1800, 1 {pack_format = #tpu.pack_format<interleaved>} : vector<32xbf16> -> vector<16xf32>
        %mul3A_1803 = arith.mulf %gather3A_1747, %unpack3A_1765 : vector<16xf32>
        %add3A_1804 = arith.addf %add3A_1732, %mul3A_1803 : vector<16xf32>
        %mul3A_1805 = arith.mulf %gather3A_1753, %unpack3A_1789 : vector<16xf32>
        %add3A_1806 = arith.addf %add3A_1804, %mul3A_1805 : vector<16xf32>
        %mul3A_1807 = arith.mulf %gather3A_1750, %unpack3A_1777 : vector<16xf32>
        %add3A_1808 = arith.addf %add3A_1806, %mul3A_1807 : vector<16xf32>
        %mul3A_1809 = arith.mulf %gather3A_1756, %unpack3A_1801 : vector<16xf32>
        %add3A_1810 = arith.addf %add3A_1808, %mul3A_1809 : vector<16xf32>
        %mul3A_1811 = arith.mulf %gather3A_1747, %unpack3A_1766 : vector<16xf32>
        %add3A_1812 = arith.addf %add3A_1740, %mul3A_1811 : vector<16xf32>
        %mul3A_1813 = arith.mulf %gather3A_1753, %unpack3A_1790 : vector<16xf32>
        %add3A_1814 = arith.addf %add3A_1812, %mul3A_1813 : vector<16xf32>
        %mul3A_1815 = arith.mulf %gather3A_1750, %unpack3A_1778 : vector<16xf32>
        %add3A_1816 = arith.addf %add3A_1814, %mul3A_1815 : vector<16xf32>
        %mul3A_1817 = arith.mulf %gather3A_1756, %unpack3A_1802 : vector<16xf32>
        %add3A_1818 = arith.addf %add3A_1816, %mul3A_1817 : vector<16xf32>
        %add3A_1819 = arith.constant 4 : i32
        %add3A_1820 = arith.addi %mul3A_1480, %add3A_1819 : i32
        %broadcast_in_dim3A_1821 = arith.constant 4 : i32
        %broadcast_in_dim3A_1822 = vector.broadcast %broadcast_in_dim3A_1821 : i32 to vector<16xi32>
        %broadcast_in_dim3A_1823 = vector.shape_cast %broadcast_in_dim3A_1822 : vector<16xi32> to vector<16x1xi32>
        %gather3A_1824 = vector.shape_cast %broadcast_in_dim3A_1823 : vector<16x1xi32> to vector<16xi32>
        %gather3A_1825 = tpu.dynamic_gather %get3A_1484[%gather3A_1824] in [0] : vector<16xf32>, vector<16xi32> -> vector<16xf32>
        %broadcast_in_dim3A_1826 = vector.shape_cast %broadcast_in_dim3A_1822 : vector<16xi32> to vector<16x1xi32>
        %gather3A_1827 = vector.shape_cast %broadcast_in_dim3A_1826 : vector<16x1xi32> to vector<16xi32>
        %gather3A_1828 = tpu.dynamic_gather %get3A_1491[%gather3A_1827] in [0] : vector<16xf32>, vector<16xi32> -> vector<16xf32>
        %broadcast_in_dim3A_1829 = vector.shape_cast %broadcast_in_dim3A_1822 : vector<16xi32> to vector<16x1xi32>
        %gather3A_1830 = vector.shape_cast %broadcast_in_dim3A_1829 : vector<16x1xi32> to vector<16xi32>
        %gather3A_1831 = tpu.dynamic_gather %get3A_1498[%gather3A_1830] in [0] : vector<16xf32>, vector<16xi32> -> vector<16xf32>
        %broadcast_in_dim3A_1832 = vector.shape_cast %broadcast_in_dim3A_1822 : vector<16xi32> to vector<16x1xi32>
        %gather3A_1833 = vector.shape_cast %broadcast_in_dim3A_1832 : vector<16x1xi32> to vector<16xi32>
        %gather3A_1834 = tpu.dynamic_gather %get3A_1505[%gather3A_1833] in [0] : vector<16xf32>, vector<16xi32> -> vector<16xf32>
        %mul3A_1835 = arith.constant 4 : i32
        %mul3A_1836 = arith.muli %select_n3A_1462, %mul3A_1835 : i32
        %get3A_1837 = arith.constant 0 : i32
        %get3A_1838 = arith.index_cast %get3A_1837 : i32 to index
        %get3A_1839 = arith.index_cast %mul3A_1836 : i32 to index
        %get3A_1840 = arith.index_cast %add3A_1820 : i32 to index
        %get3A_1841 = arith.constant 0 : index
        %get3A_1842 = tpu.vector_load %arg9[%get3A_1838, %get3A_1839, %get3A_1840, %get3A_1841] {strides = array<i32>} : memref<2x20x128x32xbf16, #tpu.memory_space<vmem>>, vector<32xbf16>,
        %unpack3A_1843 = tpu.unpack_subelements %get3A_1842, 0 {pack_format = #tpu.pack_format<interleaved>} : vector<32xbf16> -> vector<16xf32>
        %unpack3A_1844 = tpu.unpack_subelements %get3A_1842, 1 {pack_format = #tpu.pack_format<interleaved>} : vector<32xbf16> -> vector<16xf32>
        %mul3A_1845 = arith.constant 4 : i32
        %mul3A_1846 = arith.muli %select_n3A_1462, %mul3A_1845 : i32
        %add3A_1847 = arith.constant 1 : i32
        %add3A_1848 = arith.addi %mul3A_1846, %add3A_1847 : i32
        %get3A_1849 = arith.constant 0 : i32
        %get3A_1850 = arith.index_cast %get3A_1849 : i32 to index
        %get3A_1851 = arith.index_cast %add3A_1848 : i32 to index
        %get3A_1852 = arith.index_cast %add3A_1820 : i32 to index
        %get3A_1853 = arith.constant 0 : index
        %get3A_1854 = tpu.vector_load %arg9[%get3A_1850, %get3A_1851, %get3A_1852, %get3A_1853] {strides = array<i32>} : memref<2x20x128x32xbf16, #tpu.memory_space<vmem>>, vector<32xbf16>,
        %unpack3A_1855 = tpu.unpack_subelements %get3A_1854, 0 {pack_format = #tpu.pack_format<interleaved>} : vector<32xbf16> -> vector<16xf32>
        %unpack3A_1856 = tpu.unpack_subelements %get3A_1854, 1 {pack_format = #tpu.pack_format<interleaved>} : vector<32xbf16> -> vector<16xf32>
        %mul3A_1857 = arith.constant 4 : i32
        %mul3A_1858 = arith.muli %select_n3A_1462, %mul3A_1857 : i32
        %add3A_1859 = arith.constant 2 : i32
        %add3A_1860 = arith.addi %mul3A_1858, %add3A_1859 : i32
        %get3A_1861 = arith.constant 0 : i32
        %get3A_1862 = arith.index_cast %get3A_1861 : i32 to index
        %get3A_1863 = arith.index_cast %add3A_1860 : i32 to index
        %get3A_1864 = arith.index_cast %add3A_1820 : i32 to index
        %get3A_1865 = arith.constant 0 : index
        %get3A_1866 = tpu.vector_load %arg9[%get3A_1862, %get3A_1863, %get3A_1864, %get3A_1865] {strides = array<i32>} : memref<2x20x128x32xbf16, #tpu.memory_space<vmem>>, vector<32xbf16>,
        %unpack3A_1867 = tpu.unpack_subelements %get3A_1866, 0 {pack_format = #tpu.pack_format<interleaved>} : vector<32xbf16> -> vector<16xf32>
        %unpack3A_1868 = tpu.unpack_subelements %get3A_1866, 1 {pack_format = #tpu.pack_format<interleaved>} : vector<32xbf16> -> vector<16xf32>
        %mul3A_1869 = arith.constant 4 : i32
        %mul3A_1870 = arith.muli %select_n3A_1462, %mul3A_1869 : i32
        %add3A_1871 = arith.constant 3 : i32
        %add3A_1872 = arith.addi %mul3A_1870, %add3A_1871 : i32
        %get3A_1873 = arith.constant 0 : i32
        %get3A_1874 = arith.index_cast %get3A_1873 : i32 to index
        %get3A_1875 = arith.index_cast %add3A_1872 : i32 to index
        %get3A_1876 = arith.index_cast %add3A_1820 : i32 to index
        %get3A_1877 = arith.constant 0 : index
        %get3A_1878 = tpu.vector_load %arg9[%get3A_1874, %get3A_1875, %get3A_1876, %get3A_1877] {strides = array<i32>} : memref<2x20x128x32xbf16, #tpu.memory_space<vmem>>, vector<32xbf16>,
        %unpack3A_1879 = tpu.unpack_subelements %get3A_1878, 0 {pack_format = #tpu.pack_format<interleaved>} : vector<32xbf16> -> vector<16xf32>
        %unpack3A_1880 = tpu.unpack_subelements %get3A_1878, 1 {pack_format = #tpu.pack_format<interleaved>} : vector<32xbf16> -> vector<16xf32>
        %mul3A_1881 = arith.mulf %gather3A_1825, %unpack3A_1843 : vector<16xf32>
        %add3A_1882 = arith.addf %add3A_1810, %mul3A_1881 : vector<16xf32>
        %mul3A_1883 = arith.mulf %gather3A_1831, %unpack3A_1867 : vector<16xf32>
        %add3A_1884 = arith.addf %add3A_1882, %mul3A_1883 : vector<16xf32>
        %mul3A_1885 = arith.mulf %gather3A_1828, %unpack3A_1855 : vector<16xf32>
        %add3A_1886 = arith.addf %add3A_1884, %mul3A_1885 : vector<16xf32>
        %mul3A_1887 = arith.mulf %gather3A_1834, %unpack3A_1879 : vector<16xf32>
        %add3A_1888 = arith.addf %add3A_1886, %mul3A_1887 : vector<16xf32>
        %mul3A_1889 = arith.mulf %gather3A_1825, %unpack3A_1844 : vector<16xf32>
        %add3A_1890 = arith.addf %add3A_1818, %mul3A_1889 : vector<16xf32>
        %mul3A_1891 = arith.mulf %gather3A_1831, %unpack3A_1868 : vector<16xf32>
        %add3A_1892 = arith.addf %add3A_1890, %mul3A_1891 : vector<16xf32>
        %mul3A_1893 = arith.mulf %gather3A_1828, %unpack3A_1856 : vector<16xf32>
        %add3A_1894 = arith.addf %add3A_1892, %mul3A_1893 : vector<16xf32>
        %mul3A_1895 = arith.mulf %gather3A_1834, %unpack3A_1880 : vector<16xf32>
        %add3A_1896 = arith.addf %add3A_1894, %mul3A_1895 : vector<16xf32>
        %add3A_1897 = arith.constant 5 : i32
        %add3A_1898 = arith.addi %mul3A_1480, %add3A_1897 : i32
        %broadcast_in_dim3A_1899 = arith.constant 5 : i32
        %broadcast_in_dim3A_1900 = vector.broadcast %broadcast_in_dim3A_1899 : i32 to vector<16xi32>
        %broadcast_in_dim3A_1901 = vector.shape_cast %broadcast_in_dim3A_1900 : vector<16xi32> to vector<16x1xi32>
        %gather3A_1902 = vector.shape_cast %broadcast_in_dim3A_1901 : vector<16x1xi32> to vector<16xi32>
        %gather3A_1903 = tpu.dynamic_gather %get3A_1484[%gather3A_1902] in [0] : vector<16xf32>, vector<16xi32> -> vector<16xf32>
        %broadcast_in_dim3A_1904 = vector.shape_cast %broadcast_in_dim3A_1900 : vector<16xi32> to vector<16x1xi32>
        %gather3A_1905 = vector.shape_cast %broadcast_in_dim3A_1904 : vector<16x1xi32> to vector<16xi32>
        %gather3A_1906 = tpu.dynamic_gather %get3A_1491[%gather3A_1905] in [0] : vector<16xf32>, vector<16xi32> -> vector<16xf32>
        %broadcast_in_dim3A_1907 = vector.shape_cast %broadcast_in_dim3A_1900 : vector<16xi32> to vector<16x1xi32>
        %gather3A_1908 = vector.shape_cast %broadcast_in_dim3A_1907 : vector<16x1xi32> to vector<16xi32>
        %gather3A_1909 = tpu.dynamic_gather %get3A_1498[%gather3A_1908] in [0] : vector<16xf32>, vector<16xi32> -> vector<16xf32>
        %broadcast_in_dim3A_1910 = vector.shape_cast %broadcast_in_dim3A_1900 : vector<16xi32> to vector<16x1xi32>
        %gather3A_1911 = vector.shape_cast %broadcast_in_dim3A_1910 : vector<16x1xi32> to vector<16xi32>
        %gather3A_1912 = tpu.dynamic_gather %get3A_1505[%gather3A_1911] in [0] : vector<16xf32>, vector<16xi32> -> vector<16xf32>
        %mul3A_1913 = arith.constant 4 : i32
        %mul3A_1914 = arith.muli %select_n3A_1462, %mul3A_1913 : i32
        %get3A_1915 = arith.constant 0 : i32
        %get3A_1916 = arith.index_cast %get3A_1915 : i32 to index
        %get3A_1917 = arith.index_cast %mul3A_1914 : i32 to index
        %get3A_1918 = arith.index_cast %add3A_1898 : i32 to index
        %get3A_1919 = arith.constant 0 : index
        %get3A_1920 = tpu.vector_load %arg9[%get3A_1916, %get3A_1917, %get3A_1918, %get3A_1919] {strides = array<i32>} : memref<2x20x128x32xbf16, #tpu.memory_space<vmem>>, vector<32xbf16>,
        %unpack3A_1921 = tpu.unpack_subelements %get3A_1920, 0 {pack_format = #tpu.pack_format<interleaved>} : vector<32xbf16> -> vector<16xf32>
        %unpack3A_1922 = tpu.unpack_subelements %get3A_1920, 1 {pack_format = #tpu.pack_format<interleaved>} : vector<32xbf16> -> vector<16xf32>
        %mul3A_1923 = arith.constant 4 : i32
        %mul3A_1924 = arith.muli %select_n3A_1462, %mul3A_1923 : i32
        %add3A_1925 = arith.constant 1 : i32
        %add3A_1926 = arith.addi %mul3A_1924, %add3A_1925 : i32
        %get3A_1927 = arith.constant 0 : i32
        %get3A_1928 = arith.index_cast %get3A_1927 : i32 to index
        %get3A_1929 = arith.index_cast %add3A_1926 : i32 to index
        %get3A_1930 = arith.index_cast %add3A_1898 : i32 to index
        %get3A_1931 = arith.constant 0 : index
        %get3A_1932 = tpu.vector_load %arg9[%get3A_1928, %get3A_1929, %get3A_1930, %get3A_1931] {strides = array<i32>} : memref<2x20x128x32xbf16, #tpu.memory_space<vmem>>, vector<32xbf16>,
        %unpack3A_1933 = tpu.unpack_subelements %get3A_1932, 0 {pack_format = #tpu.pack_format<interleaved>} : vector<32xbf16> -> vector<16xf32>
        %unpack3A_1934 = tpu.unpack_subelements %get3A_1932, 1 {pack_format = #tpu.pack_format<interleaved>} : vector<32xbf16> -> vector<16xf32>
        %mul3A_1935 = arith.constant 4 : i32
        %mul3A_1936 = arith.muli %select_n3A_1462, %mul3A_1935 : i32
        %add3A_1937 = arith.constant 2 : i32
        %add3A_1938 = arith.addi %mul3A_1936, %add3A_1937 : i32
        %get3A_1939 = arith.constant 0 : i32
        %get3A_1940 = arith.index_cast %get3A_1939 : i32 to index
        %get3A_1941 = arith.index_cast %add3A_1938 : i32 to index
        %get3A_1942 = arith.index_cast %add3A_1898 : i32 to index
        %get3A_1943 = arith.constant 0 : index
        %get3A_1944 = tpu.vector_load %arg9[%get3A_1940, %get3A_1941, %get3A_1942, %get3A_1943] {strides = array<i32>} : memref<2x20x128x32xbf16, #tpu.memory_space<vmem>>, vector<32xbf16>,
        %unpack3A_1945 = tpu.unpack_subelements %get3A_1944, 0 {pack_format = #tpu.pack_format<interleaved>} : vector<32xbf16> -> vector<16xf32>
        %unpack3A_1946 = tpu.unpack_subelements %get3A_1944, 1 {pack_format = #tpu.pack_format<interleaved>} : vector<32xbf16> -> vector<16xf32>
        %mul3A_1947 = arith.constant 4 : i32
        %mul3A_1948 = arith.muli %select_n3A_1462, %mul3A_1947 : i32
        %add3A_1949 = arith.constant 3 : i32
        %add3A_1950 = arith.addi %mul3A_1948, %add3A_1949 : i32
        %get3A_1951 = arith.constant 0 : i32
        %get3A_1952 = arith.index_cast %get3A_1951 : i32 to index
        %get3A_1953 = arith.index_cast %add3A_1950 : i32 to index
        %get3A_1954 = arith.index_cast %add3A_1898 : i32 to index
        %get3A_1955 = arith.constant 0 : index
        %get3A_1956 = tpu.vector_load %arg9[%get3A_1952, %get3A_1953, %get3A_1954, %get3A_1955] {strides = array<i32>} : memref<2x20x128x32xbf16, #tpu.memory_space<vmem>>, vector<32xbf16>,
        %unpack3A_1957 = tpu.unpack_subelements %get3A_1956, 0 {pack_format = #tpu.pack_format<interleaved>} : vector<32xbf16> -> vector<16xf32>
        %unpack3A_1958 = tpu.unpack_subelements %get3A_1956, 1 {pack_format = #tpu.pack_format<interleaved>} : vector<32xbf16> -> vector<16xf32>
        %mul3A_1959 = arith.mulf %gather3A_1903, %unpack3A_1921 : vector<16xf32>
        %add3A_1960 = arith.addf %add3A_1888, %mul3A_1959 : vector<16xf32>
        %mul3A_1961 = arith.mulf %gather3A_1909, %unpack3A_1945 : vector<16xf32>
        %add3A_1962 = arith.addf %add3A_1960, %mul3A_1961 : vector<16xf32>
        %mul3A_1963 = arith.mulf %gather3A_1906, %unpack3A_1933 : vector<16xf32>
        %add3A_1964 = arith.addf %add3A_1962, %mul3A_1963 : vector<16xf32>
        %mul3A_1965 = arith.mulf %gather3A_1912, %unpack3A_1957 : vector<16xf32>
        %add3A_1966 = arith.addf %add3A_1964, %mul3A_1965 : vector<16xf32>
        %mul3A_1967 = arith.mulf %gather3A_1903, %unpack3A_1922 : vector<16xf32>
        %add3A_1968 = arith.addf %add3A_1896, %mul3A_1967 : vector<16xf32>
        %mul3A_1969 = arith.mulf %gather3A_1909, %unpack3A_1946 : vector<16xf32>
        %add3A_1970 = arith.addf %add3A_1968, %mul3A_1969 : vector<16xf32>
        %mul3A_1971 = arith.mulf %gather3A_1906, %unpack3A_1934 : vector<16xf32>
        %add3A_1972 = arith.addf %add3A_1970, %mul3A_1971 : vector<16xf32>
        %mul3A_1973 = arith.mulf %gather3A_1912, %unpack3A_1958 : vector<16xf32>
        %add3A_1974 = arith.addf %add3A_1972, %mul3A_1973 : vector<16xf32>
        %add3A_1975 = arith.constant 6 : i32
        %add3A_1976 = arith.addi %mul3A_1480, %add3A_1975 : i32
        %broadcast_in_dim3A_1977 = arith.constant 6 : i32
        %broadcast_in_dim3A_1978 = vector.broadcast %broadcast_in_dim3A_1977 : i32 to vector<16xi32>
        %broadcast_in_dim3A_1979 = vector.shape_cast %broadcast_in_dim3A_1978 : vector<16xi32> to vector<16x1xi32>
        %gather3A_1980 = vector.shape_cast %broadcast_in_dim3A_1979 : vector<16x1xi32> to vector<16xi32>
        %gather3A_1981 = tpu.dynamic_gather %get3A_1484[%gather3A_1980] in [0] : vector<16xf32>, vector<16xi32> -> vector<16xf32>
        %broadcast_in_dim3A_1982 = vector.shape_cast %broadcast_in_dim3A_1978 : vector<16xi32> to vector<16x1xi32>
        %gather3A_1983 = vector.shape_cast %broadcast_in_dim3A_1982 : vector<16x1xi32> to vector<16xi32>
        %gather3A_1984 = tpu.dynamic_gather %get3A_1491[%gather3A_1983] in [0] : vector<16xf32>, vector<16xi32> -> vector<16xf32>
        %broadcast_in_dim3A_1985 = vector.shape_cast %broadcast_in_dim3A_1978 : vector<16xi32> to vector<16x1xi32>
        %gather3A_1986 = vector.shape_cast %broadcast_in_dim3A_1985 : vector<16x1xi32> to vector<16xi32>
        %gather3A_1987 = tpu.dynamic_gather %get3A_1498[%gather3A_1986] in [0] : vector<16xf32>, vector<16xi32> -> vector<16xf32>
        %broadcast_in_dim3A_1988 = vector.shape_cast %broadcast_in_dim3A_1978 : vector<16xi32> to vector<16x1xi32>
        %gather3A_1989 = vector.shape_cast %broadcast_in_dim3A_1988 : vector<16x1xi32> to vector<16xi32>
        %gather3A_1990 = tpu.dynamic_gather %get3A_1505[%gather3A_1989] in [0] : vector<16xf32>, vector<16xi32> -> vector<16xf32>
        %mul3A_1991 = arith.constant 4 : i32
        %mul3A_1992 = arith.muli %select_n3A_1462, %mul3A_1991 : i32
        %get3A_1993 = arith.constant 0 : i32
        %get3A_1994 = arith.index_cast %get3A_1993 : i32 to index
        %get3A_1995 = arith.index_cast %mul3A_1992 : i32 to index
        %get3A_1996 = arith.index_cast %add3A_1976 : i32 to index
        %get3A_1997 = arith.constant 0 : index
        %get3A_1998 = tpu.vector_load %arg9[%get3A_1994, %get3A_1995, %get3A_1996, %get3A_1997] {strides = array<i32>} : memref<2x20x128x32xbf16, #tpu.memory_space<vmem>>, vector<32xbf16>,
        %unpack3A_1999 = tpu.unpack_subelements %get3A_1998, 0 {pack_format = #tpu.pack_format<interleaved>} : vector<32xbf16> -> vector<16xf32>
        %unpack3A_2000 = tpu.unpack_subelements %get3A_1998, 1 {pack_format = #tpu.pack_format<interleaved>} : vector<32xbf16> -> vector<16xf32>
        %mul3A_2001 = arith.constant 4 : i32
        %mul3A_2002 = arith.muli %select_n3A_1462, %mul3A_2001 : i32
        %add3A_2003 = arith.constant 1 : i32
        %add3A_2004 = arith.addi %mul3A_2002, %add3A_2003 : i32
        %get3A_2005 = arith.constant 0 : i32
        %get3A_2006 = arith.index_cast %get3A_2005 : i32 to index
        %get3A_2007 = arith.index_cast %add3A_2004 : i32 to index
        %get3A_2008 = arith.index_cast %add3A_1976 : i32 to index
        %get3A_2009 = arith.constant 0 : index
        %get3A_2010 = tpu.vector_load %arg9[%get3A_2006, %get3A_2007, %get3A_2008, %get3A_2009] {strides = array<i32>} : memref<2x20x128x32xbf16, #tpu.memory_space<vmem>>, vector<32xbf16>,
        %unpack3A_2011 = tpu.unpack_subelements %get3A_2010, 0 {pack_format = #tpu.pack_format<interleaved>} : vector<32xbf16> -> vector<16xf32>
        %unpack3A_2012 = tpu.unpack_subelements %get3A_2010, 1 {pack_format = #tpu.pack_format<interleaved>} : vector<32xbf16> -> vector<16xf32>
        %mul3A_2013 = arith.constant 4 : i32
        %mul3A_2014 = arith.muli %select_n3A_1462, %mul3A_2013 : i32
        %add3A_2015 = arith.constant 2 : i32
        %add3A_2016 = arith.addi %mul3A_2014, %add3A_2015 : i32
        %get3A_2017 = arith.constant 0 : i32
        %get3A_2018 = arith.index_cast %get3A_2017 : i32 to index
        %get3A_2019 = arith.index_cast %add3A_2016 : i32 to index
        %get3A_2020 = arith.index_cast %add3A_1976 : i32 to index
        %get3A_2021 = arith.constant 0 : index
        %get3A_2022 = tpu.vector_load %arg9[%get3A_2018, %get3A_2019, %get3A_2020, %get3A_2021] {strides = array<i32>} : memref<2x20x128x32xbf16, #tpu.memory_space<vmem>>, vector<32xbf16>,
        %unpack3A_2023 = tpu.unpack_subelements %get3A_2022, 0 {pack_format = #tpu.pack_format<interleaved>} : vector<32xbf16> -> vector<16xf32>
        %unpack3A_2024 = tpu.unpack_subelements %get3A_2022, 1 {pack_format = #tpu.pack_format<interleaved>} : vector<32xbf16> -> vector<16xf32>
        %mul3A_2025 = arith.constant 4 : i32
        %mul3A_2026 = arith.muli %select_n3A_1462, %mul3A_2025 : i32
        %add3A_2027 = arith.constant 3 : i32
        %add3A_2028 = arith.addi %mul3A_2026, %add3A_2027 : i32
        %get3A_2029 = arith.constant 0 : i32
        %get3A_2030 = arith.index_cast %get3A_2029 : i32 to index
        %get3A_2031 = arith.index_cast %add3A_2028 : i32 to index
        %get3A_2032 = arith.index_cast %add3A_1976 : i32 to index
        %get3A_2033 = arith.constant 0 : index
        %get3A_2034 = tpu.vector_load %arg9[%get3A_2030, %get3A_2031, %get3A_2032, %get3A_2033] {strides = array<i32>} : memref<2x20x128x32xbf16, #tpu.memory_space<vmem>>, vector<32xbf16>,
        %unpack3A_2035 = tpu.unpack_subelements %get3A_2034, 0 {pack_format = #tpu.pack_format<interleaved>} : vector<32xbf16> -> vector<16xf32>
        %unpack3A_2036 = tpu.unpack_subelements %get3A_2034, 1 {pack_format = #tpu.pack_format<interleaved>} : vector<32xbf16> -> vector<16xf32>
        %mul3A_2037 = arith.mulf %gather3A_1981, %unpack3A_1999 : vector<16xf32>
        %add3A_2038 = arith.addf %add3A_1966, %mul3A_2037 : vector<16xf32>
        %mul3A_2039 = arith.mulf %gather3A_1987, %unpack3A_2023 : vector<16xf32>
        %add3A_2040 = arith.addf %add3A_2038, %mul3A_2039 : vector<16xf32>
        %mul3A_2041 = arith.mulf %gather3A_1984, %unpack3A_2011 : vector<16xf32>
        %add3A_2042 = arith.addf %add3A_2040, %mul3A_2041 : vector<16xf32>
        %mul3A_2043 = arith.mulf %gather3A_1990, %unpack3A_2035 : vector<16xf32>
        %add3A_2044 = arith.addf %add3A_2042, %mul3A_2043 : vector<16xf32>
        %mul3A_2045 = arith.mulf %gather3A_1981, %unpack3A_2000 : vector<16xf32>
        %add3A_2046 = arith.addf %add3A_1974, %mul3A_2045 : vector<16xf32>
        %mul3A_2047 = arith.mulf %gather3A_1987, %unpack3A_2024 : vector<16xf32>
        %add3A_2048 = arith.addf %add3A_2046, %mul3A_2047 : vector<16xf32>
        %mul3A_2049 = arith.mulf %gather3A_1984, %unpack3A_2012 : vector<16xf32>
        %add3A_2050 = arith.addf %add3A_2048, %mul3A_2049 : vector<16xf32>
        %mul3A_2051 = arith.mulf %gather3A_1990, %unpack3A_2036 : vector<16xf32>
        %add3A_2052 = arith.addf %add3A_2050, %mul3A_2051 : vector<16xf32>
        %add3A_2053 = arith.constant 7 : i32
        %add3A_2054 = arith.addi %mul3A_1480, %add3A_2053 : i32
        %broadcast_in_dim3A_2055 = arith.constant 7 : i32
        %broadcast_in_dim3A_2056 = vector.broadcast %broadcast_in_dim3A_2055 : i32 to vector<16xi32>
        %broadcast_in_dim3A_2057 = vector.shape_cast %broadcast_in_dim3A_2056 : vector<16xi32> to vector<16x1xi32>
        %gather3A_2058 = vector.shape_cast %broadcast_in_dim3A_2057 : vector<16x1xi32> to vector<16xi32>
        %gather3A_2059 = tpu.dynamic_gather %get3A_1484[%gather3A_2058] in [0] : vector<16xf32>, vector<16xi32> -> vector<16xf32>
        %broadcast_in_dim3A_2060 = vector.shape_cast %broadcast_in_dim3A_2056 : vector<16xi32> to vector<16x1xi32>
        %gather3A_2061 = vector.shape_cast %broadcast_in_dim3A_2060 : vector<16x1xi32> to vector<16xi32>
        %gather3A_2062 = tpu.dynamic_gather %get3A_1491[%gather3A_2061] in [0] : vector<16xf32>, vector<16xi32> -> vector<16xf32>
        %broadcast_in_dim3A_2063 = vector.shape_cast %broadcast_in_dim3A_2056 : vector<16xi32> to vector<16x1xi32>
        %gather3A_2064 = vector.shape_cast %broadcast_in_dim3A_2063 : vector<16x1xi32> to vector<16xi32>
        %gather3A_2065 = tpu.dynamic_gather %get3A_1498[%gather3A_2064] in [0] : vector<16xf32>, vector<16xi32> -> vector<16xf32>
        %broadcast_in_dim3A_2066 = vector.shape_cast %broadcast_in_dim3A_2056 : vector<16xi32> to vector<16x1xi32>
        %gather3A_2067 = vector.shape_cast %broadcast_in_dim3A_2066 : vector<16x1xi32> to vector<16xi32>
        %gather3A_2068 = tpu.dynamic_gather %get3A_1505[%gather3A_2067] in [0] : vector<16xf32>, vector<16xi32> -> vector<16xf32>
        %mul3A_2069 = arith.constant 4 : i32
        %mul3A_2070 = arith.muli %select_n3A_1462, %mul3A_2069 : i32
        %get3A_2071 = arith.constant 0 : i32
        %get3A_2072 = arith.index_cast %get3A_2071 : i32 to index
        %get3A_2073 = arith.index_cast %mul3A_2070 : i32 to index
        %get3A_2074 = arith.index_cast %add3A_2054 : i32 to index
        %get3A_2075 = arith.constant 0 : index
        %get3A_2076 = tpu.vector_load %arg9[%get3A_2072, %get3A_2073, %get3A_2074, %get3A_2075] {strides = array<i32>} : memref<2x20x128x32xbf16, #tpu.memory_space<vmem>>, vector<32xbf16>,
        %unpack3A_2077 = tpu.unpack_subelements %get3A_2076, 0 {pack_format = #tpu.pack_format<interleaved>} : vector<32xbf16> -> vector<16xf32>
        %unpack3A_2078 = tpu.unpack_subelements %get3A_2076, 1 {pack_format = #tpu.pack_format<interleaved>} : vector<32xbf16> -> vector<16xf32>
        %mul3A_2079 = arith.constant 4 : i32
        %mul3A_2080 = arith.muli %select_n3A_1462, %mul3A_2079 : i32
        %add3A_2081 = arith.constant 1 : i32
        %add3A_2082 = arith.addi %mul3A_2080, %add3A_2081 : i32
        %get3A_2083 = arith.constant 0 : i32
        %get3A_2084 = arith.index_cast %get3A_2083 : i32 to index
        %get3A_2085 = arith.index_cast %add3A_2082 : i32 to index
        %get3A_2086 = arith.index_cast %add3A_2054 : i32 to index
        %get3A_2087 = arith.constant 0 : index
        %get3A_2088 = tpu.vector_load %arg9[%get3A_2084, %get3A_2085, %get3A_2086, %get3A_2087] {strides = array<i32>} : memref<2x20x128x32xbf16, #tpu.memory_space<vmem>>, vector<32xbf16>,
        %unpack3A_2089 = tpu.unpack_subelements %get3A_2088, 0 {pack_format = #tpu.pack_format<interleaved>} : vector<32xbf16> -> vector<16xf32>
        %unpack3A_2090 = tpu.unpack_subelements %get3A_2088, 1 {pack_format = #tpu.pack_format<interleaved>} : vector<32xbf16> -> vector<16xf32>
        %mul3A_2091 = arith.constant 4 : i32
        %mul3A_2092 = arith.muli %select_n3A_1462, %mul3A_2091 : i32
        %add3A_2093 = arith.constant 2 : i32
        %add3A_2094 = arith.addi %mul3A_2092, %add3A_2093 : i32
        %get3A_2095 = arith.constant 0 : i32
        %get3A_2096 = arith.index_cast %get3A_2095 : i32 to index
        %get3A_2097 = arith.index_cast %add3A_2094 : i32 to index
        %get3A_2098 = arith.index_cast %add3A_2054 : i32 to index
        %get3A_2099 = arith.constant 0 : index
        %get3A_2100 = tpu.vector_load %arg9[%get3A_2096, %get3A_2097, %get3A_2098, %get3A_2099] {strides = array<i32>} : memref<2x20x128x32xbf16, #tpu.memory_space<vmem>>, vector<32xbf16>,
        %unpack3A_2101 = tpu.unpack_subelements %get3A_2100, 0 {pack_format = #tpu.pack_format<interleaved>} : vector<32xbf16> -> vector<16xf32>
        %unpack3A_2102 = tpu.unpack_subelements %get3A_2100, 1 {pack_format = #tpu.pack_format<interleaved>} : vector<32xbf16> -> vector<16xf32>
        %mul3A_2103 = arith.constant 4 : i32
        %mul3A_2104 = arith.muli %select_n3A_1462, %mul3A_2103 : i32
        %add3A_2105 = arith.constant 3 : i32
        %add3A_2106 = arith.addi %mul3A_2104, %add3A_2105 : i32
        %get3A_2107 = arith.constant 0 : i32
        %get3A_2108 = arith.index_cast %get3A_2107 : i32 to index
        %get3A_2109 = arith.index_cast %add3A_2106 : i32 to index
        %get3A_2110 = arith.index_cast %add3A_2054 : i32 to index
        %get3A_2111 = arith.constant 0 : index
        %get3A_2112 = tpu.vector_load %arg9[%get3A_2108, %get3A_2109, %get3A_2110, %get3A_2111] {strides = array<i32>} : memref<2x20x128x32xbf16, #tpu.memory_space<vmem>>, vector<32xbf16>,
        %unpack3A_2113 = tpu.unpack_subelements %get3A_2112, 0 {pack_format = #tpu.pack_format<interleaved>} : vector<32xbf16> -> vector<16xf32>
        %unpack3A_2114 = tpu.unpack_subelements %get3A_2112, 1 {pack_format = #tpu.pack_format<interleaved>} : vector<32xbf16> -> vector<16xf32>
        %mul3A_2115 = arith.mulf %gather3A_2059, %unpack3A_2077 : vector<16xf32>
        %add3A_2116 = arith.addf %add3A_2044, %mul3A_2115 : vector<16xf32>
        %mul3A_2117 = arith.mulf %gather3A_2065, %unpack3A_2101 : vector<16xf32>
        %add3A_2118 = arith.addf %add3A_2116, %mul3A_2117 : vector<16xf32>
        %mul3A_2119 = arith.mulf %gather3A_2062, %unpack3A_2089 : vector<16xf32>
        %add3A_2120 = arith.addf %add3A_2118, %mul3A_2119 : vector<16xf32>
        %mul3A_2121 = arith.mulf %gather3A_2068, %unpack3A_2113 : vector<16xf32>
        %add3A_2122 = arith.addf %add3A_2120, %mul3A_2121 : vector<16xf32>
        %mul3A_2123 = arith.mulf %gather3A_2059, %unpack3A_2078 : vector<16xf32>
        %add3A_2124 = arith.addf %add3A_2052, %mul3A_2123 : vector<16xf32>
        %mul3A_2125 = arith.mulf %gather3A_2065, %unpack3A_2102 : vector<16xf32>
        %add3A_2126 = arith.addf %add3A_2124, %mul3A_2125 : vector<16xf32>
        %mul3A_2127 = arith.mulf %gather3A_2062, %unpack3A_2090 : vector<16xf32>
        %add3A_2128 = arith.addf %add3A_2126, %mul3A_2127 : vector<16xf32>
        %mul3A_2129 = arith.mulf %gather3A_2068, %unpack3A_2114 : vector<16xf32>
        %add3A_2130 = arith.addf %add3A_2128, %mul3A_2129 : vector<16xf32>
        %add3A_2131 = arith.constant 8 : i32
        %add3A_2132 = arith.addi %mul3A_1480, %add3A_2131 : i32
        %broadcast_in_dim3A_2133 = arith.constant 8 : i32
        %broadcast_in_dim3A_2134 = vector.broadcast %broadcast_in_dim3A_2133 : i32 to vector<16xi32>
        %broadcast_in_dim3A_2135 = vector.shape_cast %broadcast_in_dim3A_2134 : vector<16xi32> to vector<16x1xi32>
        %gather3A_2136 = vector.shape_cast %broadcast_in_dim3A_2135 : vector<16x1xi32> to vector<16xi32>
        %gather3A_2137 = tpu.dynamic_gather %get3A_1484[%gather3A_2136] in [0] : vector<16xf32>, vector<16xi32> -> vector<16xf32>
        %broadcast_in_dim3A_2138 = vector.shape_cast %broadcast_in_dim3A_2134 : vector<16xi32> to vector<16x1xi32>
        %gather3A_2139 = vector.shape_cast %broadcast_in_dim3A_2138 : vector<16x1xi32> to vector<16xi32>
        %gather3A_2140 = tpu.dynamic_gather %get3A_1491[%gather3A_2139] in [0] : vector<16xf32>, vector<16xi32> -> vector<16xf32>
        %broadcast_in_dim3A_2141 = vector.shape_cast %broadcast_in_dim3A_2134 : vector<16xi32> to vector<16x1xi32>
        %gather3A_2142 = vector.shape_cast %broadcast_in_dim3A_2141 : vector<16x1xi32> to vector<16xi32>
        %gather3A_2143 = tpu.dynamic_gather %get3A_1498[%gather3A_2142] in [0] : vector<16xf32>, vector<16xi32> -> vector<16xf32>
        %broadcast_in_dim3A_2144 = vector.shape_cast %broadcast_in_dim3A_2134 : vector<16xi32> to vector<16x1xi32>
        %gather3A_2145 = vector.shape_cast %broadcast_in_dim3A_2144 : vector<16x1xi32> to vector<16xi32>
        %gather3A_2146 = tpu.dynamic_gather %get3A_1505[%gather3A_2145] in [0] : vector<16xf32>, vector<16xi32> -> vector<16xf32>
        %mul3A_2147 = arith.constant 4 : i32
        %mul3A_2148 = arith.muli %select_n3A_1462, %mul3A_2147 : i32
        %get3A_2149 = arith.constant 0 : i32
        %get3A_2150 = arith.index_cast %get3A_2149 : i32 to index
        %get3A_2151 = arith.index_cast %mul3A_2148 : i32 to index
        %get3A_2152 = arith.index_cast %add3A_2132 : i32 to index
        %get3A_2153 = arith.constant 0 : index
        %get3A_2154 = tpu.vector_load %arg9[%get3A_2150, %get3A_2151, %get3A_2152, %get3A_2153] {strides = array<i32>} : memref<2x20x128x32xbf16, #tpu.memory_space<vmem>>, vector<32xbf16>,
        %unpack3A_2155 = tpu.unpack_subelements %get3A_2154, 0 {pack_format = #tpu.pack_format<interleaved>} : vector<32xbf16> -> vector<16xf32>
        %unpack3A_2156 = tpu.unpack_subelements %get3A_2154, 1 {pack_format = #tpu.pack_format<interleaved>} : vector<32xbf16> -> vector<16xf32>
        %mul3A_2157 = arith.constant 4 : i32
        %mul3A_2158 = arith.muli %select_n3A_1462, %mul3A_2157 : i32
        %add3A_2159 = arith.constant 1 : i32
        %add3A_2160 = arith.addi %mul3A_2158, %add3A_2159 : i32
        %get3A_2161 = arith.constant 0 : i32
        %get3A_2162 = arith.index_cast %get3A_2161 : i32 to index
        %get3A_2163 = arith.index_cast %add3A_2160 : i32 to index
        %get3A_2164 = arith.index_cast %add3A_2132 : i32 to index
        %get3A_2165 = arith.constant 0 : index
        %get3A_2166 = tpu.vector_load %arg9[%get3A_2162, %get3A_2163, %get3A_2164, %get3A_2165] {strides = array<i32>} : memref<2x20x128x32xbf16, #tpu.memory_space<vmem>>, vector<32xbf16>,
        %unpack3A_2167 = tpu.unpack_subelements %get3A_2166, 0 {pack_format = #tpu.pack_format<interleaved>} : vector<32xbf16> -> vector<16xf32>
        %unpack3A_2168 = tpu.unpack_subelements %get3A_2166, 1 {pack_format = #tpu.pack_format<interleaved>} : vector<32xbf16> -> vector<16xf32>
        %mul3A_2169 = arith.constant 4 : i32
        %mul3A_2170 = arith.muli %select_n3A_1462, %mul3A_2169 : i32
        %add3A_2171 = arith.constant 2 : i32
        %add3A_2172 = arith.addi %mul3A_2170, %add3A_2171 : i32
        %get3A_2173 = arith.constant 0 : i32
        %get3A_2174 = arith.index_cast %get3A_2173 : i32 to index
        %get3A_2175 = arith.index_cast %add3A_2172 : i32 to index
        %get3A_2176 = arith.index_cast %add3A_2132 : i32 to index
        %get3A_2177 = arith.constant 0 : index
        %get3A_2178 = tpu.vector_load %arg9[%get3A_2174, %get3A_2175, %get3A_2176, %get3A_2177] {strides = array<i32>} : memref<2x20x128x32xbf16, #tpu.memory_space<vmem>>, vector<32xbf16>,
        %unpack3A_2179 = tpu.unpack_subelements %get3A_2178, 0 {pack_format = #tpu.pack_format<interleaved>} : vector<32xbf16> -> vector<16xf32>
        %unpack3A_2180 = tpu.unpack_subelements %get3A_2178, 1 {pack_format = #tpu.pack_format<interleaved>} : vector<32xbf16> -> vector<16xf32>
        %mul3A_2181 = arith.constant 4 : i32
        %mul3A_2182 = arith.muli %select_n3A_1462, %mul3A_2181 : i32
        %add3A_2183 = arith.constant 3 : i32
        %add3A_2184 = arith.addi %mul3A_2182, %add3A_2183 : i32
        %get3A_2185 = arith.constant 0 : i32
        %get3A_2186 = arith.index_cast %get3A_2185 : i32 to index
        %get3A_2187 = arith.index_cast %add3A_2184 : i32 to index
        %get3A_2188 = arith.index_cast %add3A_2132 : i32 to index
        %get3A_2189 = arith.constant 0 : index
        %get3A_2190 = tpu.vector_load %arg9[%get3A_2186, %get3A_2187, %get3A_2188, %get3A_2189] {strides = array<i32>} : memref<2x20x128x32xbf16, #tpu.memory_space<vmem>>, vector<32xbf16>,
        %unpack3A_2191 = tpu.unpack_subelements %get3A_2190, 0 {pack_format = #tpu.pack_format<interleaved>} : vector<32xbf16> -> vector<16xf32>
        %unpack3A_2192 = tpu.unpack_subelements %get3A_2190, 1 {pack_format = #tpu.pack_format<interleaved>} : vector<32xbf16> -> vector<16xf32>
        %mul3A_2193 = arith.mulf %gather3A_2137, %unpack3A_2155 : vector<16xf32>
        %add3A_2194 = arith.addf %add3A_2122, %mul3A_2193 : vector<16xf32>
        %mul3A_2195 = arith.mulf %gather3A_2143, %unpack3A_2179 : vector<16xf32>
        %add3A_2196 = arith.addf %add3A_2194, %mul3A_2195 : vector<16xf32>
        %mul3A_2197 = arith.mulf %gather3A_2140, %unpack3A_2167 : vector<16xf32>
        %add3A_2198 = arith.addf %add3A_2196, %mul3A_2197 : vector<16xf32>
        %mul3A_2199 = arith.mulf %gather3A_2146, %unpack3A_2191 : vector<16xf32>
        %add3A_2200 = arith.addf %add3A_2198, %mul3A_2199 : vector<16xf32>
        %mul3A_2201 = arith.mulf %gather3A_2137, %unpack3A_2156 : vector<16xf32>
        %add3A_2202 = arith.addf %add3A_2130, %mul3A_2201 : vector<16xf32>
        %mul3A_2203 = arith.mulf %gather3A_2143, %unpack3A_2180 : vector<16xf32>
        %add3A_2204 = arith.addf %add3A_2202, %mul3A_2203 : vector<16xf32>
        %mul3A_2205 = arith.mulf %gather3A_2140, %unpack3A_2168 : vector<16xf32>
        %add3A_2206 = arith.addf %add3A_2204, %mul3A_2205 : vector<16xf32>
        %mul3A_2207 = arith.mulf %gather3A_2146, %unpack3A_2192 : vector<16xf32>
        %add3A_2208 = arith.addf %add3A_2206, %mul3A_2207 : vector<16xf32>
        %add3A_2209 = arith.constant 9 : i32
        %add3A_2210 = arith.addi %mul3A_1480, %add3A_2209 : i32
        %broadcast_in_dim3A_2211 = arith.constant 9 : i32
        %broadcast_in_dim3A_2212 = vector.broadcast %broadcast_in_dim3A_2211 : i32 to vector<16xi32>
        %broadcast_in_dim3A_2213 = vector.shape_cast %broadcast_in_dim3A_2212 : vector<16xi32> to vector<16x1xi32>
        %gather3A_2214 = vector.shape_cast %broadcast_in_dim3A_2213 : vector<16x1xi32> to vector<16xi32>
        %gather3A_2215 = tpu.dynamic_gather %get3A_1484[%gather3A_2214] in [0] : vector<16xf32>, vector<16xi32> -> vector<16xf32>
        %broadcast_in_dim3A_2216 = vector.shape_cast %broadcast_in_dim3A_2212 : vector<16xi32> to vector<16x1xi32>
        %gather3A_2217 = vector.shape_cast %broadcast_in_dim3A_2216 : vector<16x1xi32> to vector<16xi32>
        %gather3A_2218 = tpu.dynamic_gather %get3A_1491[%gather3A_2217] in [0] : vector<16xf32>, vector<16xi32> -> vector<16xf32>
        %broadcast_in_dim3A_2219 = vector.shape_cast %broadcast_in_dim3A_2212 : vector<16xi32> to vector<16x1xi32>
        %gather3A_2220 = vector.shape_cast %broadcast_in_dim3A_2219 : vector<16x1xi32> to vector<16xi32>
        %gather3A_2221 = tpu.dynamic_gather %get3A_1498[%gather3A_2220] in [0] : vector<16xf32>, vector<16xi32> -> vector<16xf32>
        %broadcast_in_dim3A_2222 = vector.shape_cast %broadcast_in_dim3A_2212 : vector<16xi32> to vector<16x1xi32>
        %gather3A_2223 = vector.shape_cast %broadcast_in_dim3A_2222 : vector<16x1xi32> to vector<16xi32>
        %gather3A_2224 = tpu.dynamic_gather %get3A_1505[%gather3A_2223] in [0] : vector<16xf32>, vector<16xi32> -> vector<16xf32>
        %mul3A_2225 = arith.constant 4 : i32
        %mul3A_2226 = arith.muli %select_n3A_1462, %mul3A_2225 : i32
        %get3A_2227 = arith.constant 0 : i32
        %get3A_2228 = arith.index_cast %get3A_2227 : i32 to index
        %get3A_2229 = arith.index_cast %mul3A_2226 : i32 to index
        %get3A_2230 = arith.index_cast %add3A_2210 : i32 to index
        %get3A_2231 = arith.constant 0 : index
        %get3A_2232 = tpu.vector_load %arg9[%get3A_2228, %get3A_2229, %get3A_2230, %get3A_2231] {strides = array<i32>} : memref<2x20x128x32xbf16, #tpu.memory_space<vmem>>, vector<32xbf16>,
        %unpack3A_2233 = tpu.unpack_subelements %get3A_2232, 0 {pack_format = #tpu.pack_format<interleaved>} : vector<32xbf16> -> vector<16xf32>
        %unpack3A_2234 = tpu.unpack_subelements %get3A_2232, 1 {pack_format = #tpu.pack_format<interleaved>} : vector<32xbf16> -> vector<16xf32>
        %mul3A_2235 = arith.constant 4 : i32
        %mul3A_2236 = arith.muli %select_n3A_1462, %mul3A_2235 : i32
        %add3A_2237 = arith.constant 1 : i32
        %add3A_2238 = arith.addi %mul3A_2236, %add3A_2237 : i32
        %get3A_2239 = arith.constant 0 : i32
        %get3A_2240 = arith.index_cast %get3A_2239 : i32 to index
        %get3A_2241 = arith.index_cast %add3A_2238 : i32 to index
        %get3A_2242 = arith.index_cast %add3A_2210 : i32 to index
        %get3A_2243 = arith.constant 0 : index
        %get3A_2244 = tpu.vector_load %arg9[%get3A_2240, %get3A_2241, %get3A_2242, %get3A_2243] {strides = array<i32>} : memref<2x20x128x32xbf16, #tpu.memory_space<vmem>>, vector<32xbf16>,
        %unpack3A_2245 = tpu.unpack_subelements %get3A_2244, 0 {pack_format = #tpu.pack_format<interleaved>} : vector<32xbf16> -> vector<16xf32>
        %unpack3A_2246 = tpu.unpack_subelements %get3A_2244, 1 {pack_format = #tpu.pack_format<interleaved>} : vector<32xbf16> -> vector<16xf32>
        %mul3A_2247 = arith.constant 4 : i32
        %mul3A_2248 = arith.muli %select_n3A_1462, %mul3A_2247 : i32
        %add3A_2249 = arith.constant 2 : i32
        %add3A_2250 = arith.addi %mul3A_2248, %add3A_2249 : i32
        %get3A_2251 = arith.constant 0 : i32
        %get3A_2252 = arith.index_cast %get3A_2251 : i32 to index
        %get3A_2253 = arith.index_cast %add3A_2250 : i32 to index
        %get3A_2254 = arith.index_cast %add3A_2210 : i32 to index
        %get3A_2255 = arith.constant 0 : index
        %get3A_2256 = tpu.vector_load %arg9[%get3A_2252, %get3A_2253, %get3A_2254, %get3A_2255] {strides = array<i32>} : memref<2x20x128x32xbf16, #tpu.memory_space<vmem>>, vector<32xbf16>,
        %unpack3A_2257 = tpu.unpack_subelements %get3A_2256, 0 {pack_format = #tpu.pack_format<interleaved>} : vector<32xbf16> -> vector<16xf32>
        %unpack3A_2258 = tpu.unpack_subelements %get3A_2256, 1 {pack_format = #tpu.pack_format<interleaved>} : vector<32xbf16> -> vector<16xf32>
        %mul3A_2259 = arith.constant 4 : i32
        %mul3A_2260 = arith.muli %select_n3A_1462, %mul3A_2259 : i32
        %add3A_2261 = arith.constant 3 : i32
        %add3A_2262 = arith.addi %mul3A_2260, %add3A_2261 : i32
        %get3A_2263 = arith.constant 0 : i32
        %get3A_2264 = arith.index_cast %get3A_2263 : i32 to index
        %get3A_2265 = arith.index_cast %add3A_2262 : i32 to index
        %get3A_2266 = arith.index_cast %add3A_2210 : i32 to index
        %get3A_2267 = arith.constant 0 : index
        %get3A_2268 = tpu.vector_load %arg9[%get3A_2264, %get3A_2265, %get3A_2266, %get3A_2267] {strides = array<i32>} : memref<2x20x128x32xbf16, #tpu.memory_space<vmem>>, vector<32xbf16>,
        %unpack3A_2269 = tpu.unpack_subelements %get3A_2268, 0 {pack_format = #tpu.pack_format<interleaved>} : vector<32xbf16> -> vector<16xf32>
        %unpack3A_2270 = tpu.unpack_subelements %get3A_2268, 1 {pack_format = #tpu.pack_format<interleaved>} : vector<32xbf16> -> vector<16xf32>
        %mul3A_2271 = arith.mulf %gather3A_2215, %unpack3A_2233 : vector<16xf32>
        %add3A_2272 = arith.addf %add3A_2200, %mul3A_2271 : vector<16xf32>
        %mul3A_2273 = arith.mulf %gather3A_2221, %unpack3A_2257 : vector<16xf32>
        %add3A_2274 = arith.addf %add3A_2272, %mul3A_2273 : vector<16xf32>
        %mul3A_2275 = arith.mulf %gather3A_2218, %unpack3A_2245 : vector<16xf32>
        %add3A_2276 = arith.addf %add3A_2274, %mul3A_2275 : vector<16xf32>
        %mul3A_2277 = arith.mulf %gather3A_2224, %unpack3A_2269 : vector<16xf32>
        %add3A_2278 = arith.addf %add3A_2276, %mul3A_2277 : vector<16xf32>
        %mul3A_2279 = arith.mulf %gather3A_2215, %unpack3A_2234 : vector<16xf32>
        %add3A_2280 = arith.addf %add3A_2208, %mul3A_2279 : vector<16xf32>
        %mul3A_2281 = arith.mulf %gather3A_2221, %unpack3A_2258 : vector<16xf32>
        %add3A_2282 = arith.addf %add3A_2280, %mul3A_2281 : vector<16xf32>
        %mul3A_2283 = arith.mulf %gather3A_2218, %unpack3A_2246 : vector<16xf32>
        %add3A_2284 = arith.addf %add3A_2282, %mul3A_2283 : vector<16xf32>
        %mul3A_2285 = arith.mulf %gather3A_2224, %unpack3A_2270 : vector<16xf32>
        %add3A_2286 = arith.addf %add3A_2284, %mul3A_2285 : vector<16xf32>
        %add3A_2287 = arith.constant 10 : i32
        %add3A_2288 = arith.addi %mul3A_1480, %add3A_2287 : i32
        %broadcast_in_dim3A_2289 = arith.constant 10 : i32
        %broadcast_in_dim3A_2290 = vector.broadcast %broadcast_in_dim3A_2289 : i32 to vector<16xi32>
        %broadcast_in_dim3A_2291 = vector.shape_cast %broadcast_in_dim3A_2290 : vector<16xi32> to vector<16x1xi32>
        %gather3A_2292 = vector.shape_cast %broadcast_in_dim3A_2291 : vector<16x1xi32> to vector<16xi32>
        %gather3A_2293 = tpu.dynamic_gather %get3A_1484[%gather3A_2292] in [0] : vector<16xf32>, vector<16xi32> -> vector<16xf32>
        %broadcast_in_dim3A_2294 = vector.shape_cast %broadcast_in_dim3A_2290 : vector<16xi32> to vector<16x1xi32>
        %gather3A_2295 = vector.shape_cast %broadcast_in_dim3A_2294 : vector<16x1xi32> to vector<16xi32>
        %gather3A_2296 = tpu.dynamic_gather %get3A_1491[%gather3A_2295] in [0] : vector<16xf32>, vector<16xi32> -> vector<16xf32>
        %broadcast_in_dim3A_2297 = vector.shape_cast %broadcast_in_dim3A_2290 : vector<16xi32> to vector<16x1xi32>
        %gather3A_2298 = vector.shape_cast %broadcast_in_dim3A_2297 : vector<16x1xi32> to vector<16xi32>
        %gather3A_2299 = tpu.dynamic_gather %get3A_1498[%gather3A_2298] in [0] : vector<16xf32>, vector<16xi32> -> vector<16xf32>
        %broadcast_in_dim3A_2300 = vector.shape_cast %broadcast_in_dim3A_2290 : vector<16xi32> to vector<16x1xi32>
        %gather3A_2301 = vector.shape_cast %broadcast_in_dim3A_2300 : vector<16x1xi32> to vector<16xi32>
        %gather3A_2302 = tpu.dynamic_gather %get3A_1505[%gather3A_2301] in [0] : vector<16xf32>, vector<16xi32> -> vector<16xf32>
        %mul3A_2303 = arith.constant 4 : i32
        %mul3A_2304 = arith.muli %select_n3A_1462, %mul3A_2303 : i32
        %get3A_2305 = arith.constant 0 : i32
        %get3A_2306 = arith.index_cast %get3A_2305 : i32 to index
        %get3A_2307 = arith.index_cast %mul3A_2304 : i32 to index
        %get3A_2308 = arith.index_cast %add3A_2288 : i32 to index
        %get3A_2309 = arith.constant 0 : index
        %get3A_2310 = tpu.vector_load %arg9[%get3A_2306, %get3A_2307, %get3A_2308, %get3A_2309] {strides = array<i32>} : memref<2x20x128x32xbf16, #tpu.memory_space<vmem>>, vector<32xbf16>,
        %unpack3A_2311 = tpu.unpack_subelements %get3A_2310, 0 {pack_format = #tpu.pack_format<interleaved>} : vector<32xbf16> -> vector<16xf32>
        %unpack3A_2312 = tpu.unpack_subelements %get3A_2310, 1 {pack_format = #tpu.pack_format<interleaved>} : vector<32xbf16> -> vector<16xf32>
        %mul3A_2313 = arith.constant 4 : i32
        %mul3A_2314 = arith.muli %select_n3A_1462, %mul3A_2313 : i32
        %add3A_2315 = arith.constant 1 : i32
        %add3A_2316 = arith.addi %mul3A_2314, %add3A_2315 : i32
        %get3A_2317 = arith.constant 0 : i32
        %get3A_2318 = arith.index_cast %get3A_2317 : i32 to index
        %get3A_2319 = arith.index_cast %add3A_2316 : i32 to index
        %get3A_2320 = arith.index_cast %add3A_2288 : i32 to index
        %get3A_2321 = arith.constant 0 : index
        %get3A_2322 = tpu.vector_load %arg9[%get3A_2318, %get3A_2319, %get3A_2320, %get3A_2321] {strides = array<i32>} : memref<2x20x128x32xbf16, #tpu.memory_space<vmem>>, vector<32xbf16>,
        %unpack3A_2323 = tpu.unpack_subelements %get3A_2322, 0 {pack_format = #tpu.pack_format<interleaved>} : vector<32xbf16> -> vector<16xf32>
        %unpack3A_2324 = tpu.unpack_subelements %get3A_2322, 1 {pack_format = #tpu.pack_format<interleaved>} : vector<32xbf16> -> vector<16xf32>
        %mul3A_2325 = arith.constant 4 : i32
        %mul3A_2326 = arith.muli %select_n3A_1462, %mul3A_2325 : i32
        %add3A_2327 = arith.constant 2 : i32
        %add3A_2328 = arith.addi %mul3A_2326, %add3A_2327 : i32
        %get3A_2329 = arith.constant 0 : i32
        %get3A_2330 = arith.index_cast %get3A_2329 : i32 to index
        %get3A_2331 = arith.index_cast %add3A_2328 : i32 to index
        %get3A_2332 = arith.index_cast %add3A_2288 : i32 to index
        %get3A_2333 = arith.constant 0 : index
        %get3A_2334 = tpu.vector_load %arg9[%get3A_2330, %get3A_2331, %get3A_2332, %get3A_2333] {strides = array<i32>} : memref<2x20x128x32xbf16, #tpu.memory_space<vmem>>, vector<32xbf16>,
        %unpack3A_2335 = tpu.unpack_subelements %get3A_2334, 0 {pack_format = #tpu.pack_format<interleaved>} : vector<32xbf16> -> vector<16xf32>
        %unpack3A_2336 = tpu.unpack_subelements %get3A_2334, 1 {pack_format = #tpu.pack_format<interleaved>} : vector<32xbf16> -> vector<16xf32>
        %mul3A_2337 = arith.constant 4 : i32
        %mul3A_2338 = arith.muli %select_n3A_1462, %mul3A_2337 : i32
        %add3A_2339 = arith.constant 3 : i32
        %add3A_2340 = arith.addi %mul3A_2338, %add3A_2339 : i32
        %get3A_2341 = arith.constant 0 : i32
        %get3A_2342 = arith.index_cast %get3A_2341 : i32 to index
        %get3A_2343 = arith.index_cast %add3A_2340 : i32 to index
        %get3A_2344 = arith.index_cast %add3A_2288 : i32 to index
        %get3A_2345 = arith.constant 0 : index
        %get3A_2346 = tpu.vector_load %arg9[%get3A_2342, %get3A_2343, %get3A_2344, %get3A_2345] {strides = array<i32>} : memref<2x20x128x32xbf16, #tpu.memory_space<vmem>>, vector<32xbf16>,
        %unpack3A_2347 = tpu.unpack_subelements %get3A_2346, 0 {pack_format = #tpu.pack_format<interleaved>} : vector<32xbf16> -> vector<16xf32>
        %unpack3A_2348 = tpu.unpack_subelements %get3A_2346, 1 {pack_format = #tpu.pack_format<interleaved>} : vector<32xbf16> -> vector<16xf32>
        %mul3A_2349 = arith.mulf %gather3A_2293, %unpack3A_2311 : vector<16xf32>
        %add3A_2350 = arith.addf %add3A_2278, %mul3A_2349 : vector<16xf32>
        %mul3A_2351 = arith.mulf %gather3A_2299, %unpack3A_2335 : vector<16xf32>
        %add3A_2352 = arith.addf %add3A_2350, %mul3A_2351 : vector<16xf32>
        %mul3A_2353 = arith.mulf %gather3A_2296, %unpack3A_2323 : vector<16xf32>
        %add3A_2354 = arith.addf %add3A_2352, %mul3A_2353 : vector<16xf32>
        %mul3A_2355 = arith.mulf %gather3A_2302, %unpack3A_2347 : vector<16xf32>
        %add3A_2356 = arith.addf %add3A_2354, %mul3A_2355 : vector<16xf32>
        %mul3A_2357 = arith.mulf %gather3A_2293, %unpack3A_2312 : vector<16xf32>
        %add3A_2358 = arith.addf %add3A_2286, %mul3A_2357 : vector<16xf32>
        %mul3A_2359 = arith.mulf %gather3A_2299, %unpack3A_2336 : vector<16xf32>
        %add3A_2360 = arith.addf %add3A_2358, %mul3A_2359 : vector<16xf32>
        %mul3A_2361 = arith.mulf %gather3A_2296, %unpack3A_2324 : vector<16xf32>
        %add3A_2362 = arith.addf %add3A_2360, %mul3A_2361 : vector<16xf32>
        %mul3A_2363 = arith.mulf %gather3A_2302, %unpack3A_2348 : vector<16xf32>
        %add3A_2364 = arith.addf %add3A_2362, %mul3A_2363 : vector<16xf32>
        %add3A_2365 = arith.constant 11 : i32
        %add3A_2366 = arith.addi %mul3A_1480, %add3A_2365 : i32
        %broadcast_in_dim3A_2367 = arith.constant 11 : i32
        %broadcast_in_dim3A_2368 = vector.broadcast %broadcast_in_dim3A_2367 : i32 to vector<16xi32>
        %broadcast_in_dim3A_2369 = vector.shape_cast %broadcast_in_dim3A_2368 : vector<16xi32> to vector<16x1xi32>
        %gather3A_2370 = vector.shape_cast %broadcast_in_dim3A_2369 : vector<16x1xi32> to vector<16xi32>
        %gather3A_2371 = tpu.dynamic_gather %get3A_1484[%gather3A_2370] in [0] : vector<16xf32>, vector<16xi32> -> vector<16xf32>
        %broadcast_in_dim3A_2372 = vector.shape_cast %broadcast_in_dim3A_2368 : vector<16xi32> to vector<16x1xi32>
        %gather3A_2373 = vector.shape_cast %broadcast_in_dim3A_2372 : vector<16x1xi32> to vector<16xi32>
        %gather3A_2374 = tpu.dynamic_gather %get3A_1491[%gather3A_2373] in [0] : vector<16xf32>, vector<16xi32> -> vector<16xf32>
        %broadcast_in_dim3A_2375 = vector.shape_cast %broadcast_in_dim3A_2368 : vector<16xi32> to vector<16x1xi32>
        %gather3A_2376 = vector.shape_cast %broadcast_in_dim3A_2375 : vector<16x1xi32> to vector<16xi32>
        %gather3A_2377 = tpu.dynamic_gather %get3A_1498[%gather3A_2376] in [0] : vector<16xf32>, vector<16xi32> -> vector<16xf32>
        %broadcast_in_dim3A_2378 = vector.shape_cast %broadcast_in_dim3A_2368 : vector<16xi32> to vector<16x1xi32>
        %gather3A_2379 = vector.shape_cast %broadcast_in_dim3A_2378 : vector<16x1xi32> to vector<16xi32>
        %gather3A_2380 = tpu.dynamic_gather %get3A_1505[%gather3A_2379] in [0] : vector<16xf32>, vector<16xi32> -> vector<16xf32>
        %mul3A_2381 = arith.constant 4 : i32
        %mul3A_2382 = arith.muli %select_n3A_1462, %mul3A_2381 : i32
        %get3A_2383 = arith.constant 0 : i32
        %get3A_2384 = arith.index_cast %get3A_2383 : i32 to index
        %get3A_2385 = arith.index_cast %mul3A_2382 : i32 to index
        %get3A_2386 = arith.index_cast %add3A_2366 : i32 to index
        %get3A_2387 = arith.constant 0 : index
        %get3A_2388 = tpu.vector_load %arg9[%get3A_2384, %get3A_2385, %get3A_2386, %get3A_2387] {strides = array<i32>} : memref<2x20x128x32xbf16, #tpu.memory_space<vmem>>, vector<32xbf16>,
        %unpack3A_2389 = tpu.unpack_subelements %get3A_2388, 0 {pack_format = #tpu.pack_format<interleaved>} : vector<32xbf16> -> vector<16xf32>
        %unpack3A_2390 = tpu.unpack_subelements %get3A_2388, 1 {pack_format = #tpu.pack_format<interleaved>} : vector<32xbf16> -> vector<16xf32>
        %mul3A_2391 = arith.constant 4 : i32
        %mul3A_2392 = arith.muli %select_n3A_1462, %mul3A_2391 : i32
        %add3A_2393 = arith.constant 1 : i32
        %add3A_2394 = arith.addi %mul3A_2392, %add3A_2393 : i32
        %get3A_2395 = arith.constant 0 : i32
        %get3A_2396 = arith.index_cast %get3A_2395 : i32 to index
        %get3A_2397 = arith.index_cast %add3A_2394 : i32 to index
        %get3A_2398 = arith.index_cast %add3A_2366 : i32 to index
        %get3A_2399 = arith.constant 0 : index
        %get3A_2400 = tpu.vector_load %arg9[%get3A_2396, %get3A_2397, %get3A_2398, %get3A_2399] {strides = array<i32>} : memref<2x20x128x32xbf16, #tpu.memory_space<vmem>>, vector<32xbf16>,
        %unpack3A_2401 = tpu.unpack_subelements %get3A_2400, 0 {pack_format = #tpu.pack_format<interleaved>} : vector<32xbf16> -> vector<16xf32>
        %unpack3A_2402 = tpu.unpack_subelements %get3A_2400, 1 {pack_format = #tpu.pack_format<interleaved>} : vector<32xbf16> -> vector<16xf32>
        %mul3A_2403 = arith.constant 4 : i32
        %mul3A_2404 = arith.muli %select_n3A_1462, %mul3A_2403 : i32
        %add3A_2405 = arith.constant 2 : i32
        %add3A_2406 = arith.addi %mul3A_2404, %add3A_2405 : i32
        %get3A_2407 = arith.constant 0 : i32
        %get3A_2408 = arith.index_cast %get3A_2407 : i32 to index
        %get3A_2409 = arith.index_cast %add3A_2406 : i32 to index
        %get3A_2410 = arith.index_cast %add3A_2366 : i32 to index
        %get3A_2411 = arith.constant 0 : index
        %get3A_2412 = tpu.vector_load %arg9[%get3A_2408, %get3A_2409, %get3A_2410, %get3A_2411] {strides = array<i32>} : memref<2x20x128x32xbf16, #tpu.memory_space<vmem>>, vector<32xbf16>,
        %unpack3A_2413 = tpu.unpack_subelements %get3A_2412, 0 {pack_format = #tpu.pack_format<interleaved>} : vector<32xbf16> -> vector<16xf32>
        %unpack3A_2414 = tpu.unpack_subelements %get3A_2412, 1 {pack_format = #tpu.pack_format<interleaved>} : vector<32xbf16> -> vector<16xf32>
        %mul3A_2415 = arith.constant 4 : i32
        %mul3A_2416 = arith.muli %select_n3A_1462, %mul3A_2415 : i32
        %add3A_2417 = arith.constant 3 : i32
        %add3A_2418 = arith.addi %mul3A_2416, %add3A_2417 : i32
        %get3A_2419 = arith.constant 0 : i32
        %get3A_2420 = arith.index_cast %get3A_2419 : i32 to index
        %get3A_2421 = arith.index_cast %add3A_2418 : i32 to index
        %get3A_2422 = arith.index_cast %add3A_2366 : i32 to index
        %get3A_2423 = arith.constant 0 : index
        %get3A_2424 = tpu.vector_load %arg9[%get3A_2420, %get3A_2421, %get3A_2422, %get3A_2423] {strides = array<i32>} : memref<2x20x128x32xbf16, #tpu.memory_space<vmem>>, vector<32xbf16>,
        %unpack3A_2425 = tpu.unpack_subelements %get3A_2424, 0 {pack_format = #tpu.pack_format<interleaved>} : vector<32xbf16> -> vector<16xf32>
        %unpack3A_2426 = tpu.unpack_subelements %get3A_2424, 1 {pack_format = #tpu.pack_format<interleaved>} : vector<32xbf16> -> vector<16xf32>
        %mul3A_2427 = arith.mulf %gather3A_2371, %unpack3A_2389 : vector<16xf32>
        %add3A_2428 = arith.addf %add3A_2356, %mul3A_2427 : vector<16xf32>
        %mul3A_2429 = arith.mulf %gather3A_2377, %unpack3A_2413 : vector<16xf32>
        %add3A_2430 = arith.addf %add3A_2428, %mul3A_2429 : vector<16xf32>
        %mul3A_2431 = arith.mulf %gather3A_2374, %unpack3A_2401 : vector<16xf32>
        %add3A_2432 = arith.addf %add3A_2430, %mul3A_2431 : vector<16xf32>
        %mul3A_2433 = arith.mulf %gather3A_2380, %unpack3A_2425 : vector<16xf32>
        %add3A_2434 = arith.addf %add3A_2432, %mul3A_2433 : vector<16xf32>
        %mul3A_2435 = arith.mulf %gather3A_2371, %unpack3A_2390 : vector<16xf32>
        %add3A_2436 = arith.addf %add3A_2364, %mul3A_2435 : vector<16xf32>
        %mul3A_2437 = arith.mulf %gather3A_2377, %unpack3A_2414 : vector<16xf32>
        %add3A_2438 = arith.addf %add3A_2436, %mul3A_2437 : vector<16xf32>
        %mul3A_2439 = arith.mulf %gather3A_2374, %unpack3A_2402 : vector<16xf32>
        %add3A_2440 = arith.addf %add3A_2438, %mul3A_2439 : vector<16xf32>
        %mul3A_2441 = arith.mulf %gather3A_2380, %unpack3A_2426 : vector<16xf32>
        %add3A_2442 = arith.addf %add3A_2440, %mul3A_2441 : vector<16xf32>
        %add3A_2443 = arith.constant 12 : i32
        %add3A_2444 = arith.addi %mul3A_1480, %add3A_2443 : i32
        %broadcast_in_dim3A_2445 = arith.constant 12 : i32
        %broadcast_in_dim3A_2446 = vector.broadcast %broadcast_in_dim3A_2445 : i32 to vector<16xi32>
        %broadcast_in_dim3A_2447 = vector.shape_cast %broadcast_in_dim3A_2446 : vector<16xi32> to vector<16x1xi32>
        %gather3A_2448 = vector.shape_cast %broadcast_in_dim3A_2447 : vector<16x1xi32> to vector<16xi32>
        %gather3A_2449 = tpu.dynamic_gather %get3A_1484[%gather3A_2448] in [0] : vector<16xf32>, vector<16xi32> -> vector<16xf32>
        %broadcast_in_dim3A_2450 = vector.shape_cast %broadcast_in_dim3A_2446 : vector<16xi32> to vector<16x1xi32>
        %gather3A_2451 = vector.shape_cast %broadcast_in_dim3A_2450 : vector<16x1xi32> to vector<16xi32>
        %gather3A_2452 = tpu.dynamic_gather %get3A_1491[%gather3A_2451] in [0] : vector<16xf32>, vector<16xi32> -> vector<16xf32>
        %broadcast_in_dim3A_2453 = vector.shape_cast %broadcast_in_dim3A_2446 : vector<16xi32> to vector<16x1xi32>
        %gather3A_2454 = vector.shape_cast %broadcast_in_dim3A_2453 : vector<16x1xi32> to vector<16xi32>
        %gather3A_2455 = tpu.dynamic_gather %get3A_1498[%gather3A_2454] in [0] : vector<16xf32>, vector<16xi32> -> vector<16xf32>
        %broadcast_in_dim3A_2456 = vector.shape_cast %broadcast_in_dim3A_2446 : vector<16xi32> to vector<16x1xi32>
        %gather3A_2457 = vector.shape_cast %broadcast_in_dim3A_2456 : vector<16x1xi32> to vector<16xi32>
        %gather3A_2458 = tpu.dynamic_gather %get3A_1505[%gather3A_2457] in [0] : vector<16xf32>, vector<16xi32> -> vector<16xf32>
        %mul3A_2459 = arith.constant 4 : i32
        %mul3A_2460 = arith.muli %select_n3A_1462, %mul3A_2459 : i32
        %get3A_2461 = arith.constant 0 : i32
        %get3A_2462 = arith.index_cast %get3A_2461 : i32 to index
        %get3A_2463 = arith.index_cast %mul3A_2460 : i32 to index
        %get3A_2464 = arith.index_cast %add3A_2444 : i32 to index
        %get3A_2465 = arith.constant 0 : index
        %get3A_2466 = tpu.vector_load %arg9[%get3A_2462, %get3A_2463, %get3A_2464, %get3A_2465] {strides = array<i32>} : memref<2x20x128x32xbf16, #tpu.memory_space<vmem>>, vector<32xbf16>,
        %unpack3A_2467 = tpu.unpack_subelements %get3A_2466, 0 {pack_format = #tpu.pack_format<interleaved>} : vector<32xbf16> -> vector<16xf32>
        %unpack3A_2468 = tpu.unpack_subelements %get3A_2466, 1 {pack_format = #tpu.pack_format<interleaved>} : vector<32xbf16> -> vector<16xf32>
        %mul3A_2469 = arith.constant 4 : i32
        %mul3A_2470 = arith.muli %select_n3A_1462, %mul3A_2469 : i32
        %add3A_2471 = arith.constant 1 : i32
        %add3A_2472 = arith.addi %mul3A_2470, %add3A_2471 : i32
        %get3A_2473 = arith.constant 0 : i32
        %get3A_2474 = arith.index_cast %get3A_2473 : i32 to index
        %get3A_2475 = arith.index_cast %add3A_2472 : i32 to index
        %get3A_2476 = arith.index_cast %add3A_2444 : i32 to index
        %get3A_2477 = arith.constant 0 : index
        %get3A_2478 = tpu.vector_load %arg9[%get3A_2474, %get3A_2475, %get3A_2476, %get3A_2477] {strides = array<i32>} : memref<2x20x128x32xbf16, #tpu.memory_space<vmem>>, vector<32xbf16>,
        %unpack3A_2479 = tpu.unpack_subelements %get3A_2478, 0 {pack_format = #tpu.pack_format<interleaved>} : vector<32xbf16> -> vector<16xf32>
        %unpack3A_2480 = tpu.unpack_subelements %get3A_2478, 1 {pack_format = #tpu.pack_format<interleaved>} : vector<32xbf16> -> vector<16xf32>
        %mul3A_2481 = arith.constant 4 : i32
        %mul3A_2482 = arith.muli %select_n3A_1462, %mul3A_2481 : i32
        %add3A_2483 = arith.constant 2 : i32
        %add3A_2484 = arith.addi %mul3A_2482, %add3A_2483 : i32
        %get3A_2485 = arith.constant 0 : i32
        %get3A_2486 = arith.index_cast %get3A_2485 : i32 to index
        %get3A_2487 = arith.index_cast %add3A_2484 : i32 to index
        %get3A_2488 = arith.index_cast %add3A_2444 : i32 to index
        %get3A_2489 = arith.constant 0 : index
        %get3A_2490 = tpu.vector_load %arg9[%get3A_2486, %get3A_2487, %get3A_2488, %get3A_2489] {strides = array<i32>} : memref<2x20x128x32xbf16, #tpu.memory_space<vmem>>, vector<32xbf16>,
        %unpack3A_2491 = tpu.unpack_subelements %get3A_2490, 0 {pack_format = #tpu.pack_format<interleaved>} : vector<32xbf16> -> vector<16xf32>
        %unpack3A_2492 = tpu.unpack_subelements %get3A_2490, 1 {pack_format = #tpu.pack_format<interleaved>} : vector<32xbf16> -> vector<16xf32>
        %mul3A_2493 = arith.constant 4 : i32
        %mul3A_2494 = arith.muli %select_n3A_1462, %mul3A_2493 : i32
        %add3A_2495 = arith.constant 3 : i32
        %add3A_2496 = arith.addi %mul3A_2494, %add3A_2495 : i32
        %get3A_2497 = arith.constant 0 : i32
        %get3A_2498 = arith.index_cast %get3A_2497 : i32 to index
        %get3A_2499 = arith.index_cast %add3A_2496 : i32 to index
        %get3A_2500 = arith.index_cast %add3A_2444 : i32 to index
        %get3A_2501 = arith.constant 0 : index
        %get3A_2502 = tpu.vector_load %arg9[%get3A_2498, %get3A_2499, %get3A_2500, %get3A_2501] {strides = array<i32>} : memref<2x20x128x32xbf16, #tpu.memory_space<vmem>>, vector<32xbf16>,
        %unpack3A_2503 = tpu.unpack_subelements %get3A_2502, 0 {pack_format = #tpu.pack_format<interleaved>} : vector<32xbf16> -> vector<16xf32>
        %unpack3A_2504 = tpu.unpack_subelements %get3A_2502, 1 {pack_format = #tpu.pack_format<interleaved>} : vector<32xbf16> -> vector<16xf32>
        %mul3A_2505 = arith.mulf %gather3A_2449, %unpack3A_2467 : vector<16xf32>
        %add3A_2506 = arith.addf %add3A_2434, %mul3A_2505 : vector<16xf32>
        %mul3A_2507 = arith.mulf %gather3A_2455, %unpack3A_2491 : vector<16xf32>
        %add3A_2508 = arith.addf %add3A_2506, %mul3A_2507 : vector<16xf32>
        %mul3A_2509 = arith.mulf %gather3A_2452, %unpack3A_2479 : vector<16xf32>
        %add3A_2510 = arith.addf %add3A_2508, %mul3A_2509 : vector<16xf32>
        %mul3A_2511 = arith.mulf %gather3A_2458, %unpack3A_2503 : vector<16xf32>
        %add3A_2512 = arith.addf %add3A_2510, %mul3A_2511 : vector<16xf32>
        %mul3A_2513 = arith.mulf %gather3A_2449, %unpack3A_2468 : vector<16xf32>
        %add3A_2514 = arith.addf %add3A_2442, %mul3A_2513 : vector<16xf32>
        %mul3A_2515 = arith.mulf %gather3A_2455, %unpack3A_2492 : vector<16xf32>
        %add3A_2516 = arith.addf %add3A_2514, %mul3A_2515 : vector<16xf32>
        %mul3A_2517 = arith.mulf %gather3A_2452, %unpack3A_2480 : vector<16xf32>
        %add3A_2518 = arith.addf %add3A_2516, %mul3A_2517 : vector<16xf32>
        %mul3A_2519 = arith.mulf %gather3A_2458, %unpack3A_2504 : vector<16xf32>
        %add3A_2520 = arith.addf %add3A_2518, %mul3A_2519 : vector<16xf32>
        %add3A_2521 = arith.constant 13 : i32
        %add3A_2522 = arith.addi %mul3A_1480, %add3A_2521 : i32
        %broadcast_in_dim3A_2523 = arith.constant 13 : i32
        %broadcast_in_dim3A_2524 = vector.broadcast %broadcast_in_dim3A_2523 : i32 to vector<16xi32>
        %broadcast_in_dim3A_2525 = vector.shape_cast %broadcast_in_dim3A_2524 : vector<16xi32> to vector<16x1xi32>
        %gather3A_2526 = vector.shape_cast %broadcast_in_dim3A_2525 : vector<16x1xi32> to vector<16xi32>
        %gather3A_2527 = tpu.dynamic_gather %get3A_1484[%gather3A_2526] in [0] : vector<16xf32>, vector<16xi32> -> vector<16xf32>
        %broadcast_in_dim3A_2528 = vector.shape_cast %broadcast_in_dim3A_2524 : vector<16xi32> to vector<16x1xi32>
        %gather3A_2529 = vector.shape_cast %broadcast_in_dim3A_2528 : vector<16x1xi32> to vector<16xi32>
        %gather3A_2530 = tpu.dynamic_gather %get3A_1491[%gather3A_2529] in [0] : vector<16xf32>, vector<16xi32> -> vector<16xf32>
        %broadcast_in_dim3A_2531 = vector.shape_cast %broadcast_in_dim3A_2524 : vector<16xi32> to vector<16x1xi32>
        %gather3A_2532 = vector.shape_cast %broadcast_in_dim3A_2531 : vector<16x1xi32> to vector<16xi32>
        %gather3A_2533 = tpu.dynamic_gather %get3A_1498[%gather3A_2532] in [0] : vector<16xf32>, vector<16xi32> -> vector<16xf32>
        %broadcast_in_dim3A_2534 = vector.shape_cast %broadcast_in_dim3A_2524 : vector<16xi32> to vector<16x1xi32>
        %gather3A_2535 = vector.shape_cast %broadcast_in_dim3A_2534 : vector<16x1xi32> to vector<16xi32>
        %gather3A_2536 = tpu.dynamic_gather %get3A_1505[%gather3A_2535] in [0] : vector<16xf32>, vector<16xi32> -> vector<16xf32>
        %mul3A_2537 = arith.constant 4 : i32
        %mul3A_2538 = arith.muli %select_n3A_1462, %mul3A_2537 : i32
        %get3A_2539 = arith.constant 0 : i32
        %get3A_2540 = arith.index_cast %get3A_2539 : i32 to index
        %get3A_2541 = arith.index_cast %mul3A_2538 : i32 to index
        %get3A_2542 = arith.index_cast %add3A_2522 : i32 to index
        %get3A_2543 = arith.constant 0 : index
        %get3A_2544 = tpu.vector_load %arg9[%get3A_2540, %get3A_2541, %get3A_2542, %get3A_2543] {strides = array<i32>} : memref<2x20x128x32xbf16, #tpu.memory_space<vmem>>, vector<32xbf16>,
        %unpack3A_2545 = tpu.unpack_subelements %get3A_2544, 0 {pack_format = #tpu.pack_format<interleaved>} : vector<32xbf16> -> vector<16xf32>
        %unpack3A_2546 = tpu.unpack_subelements %get3A_2544, 1 {pack_format = #tpu.pack_format<interleaved>} : vector<32xbf16> -> vector<16xf32>
        %mul3A_2547 = arith.constant 4 : i32
        %mul3A_2548 = arith.muli %select_n3A_1462, %mul3A_2547 : i32
        %add3A_2549 = arith.constant 1 : i32
        %add3A_2550 = arith.addi %mul3A_2548, %add3A_2549 : i32
        %get3A_2551 = arith.constant 0 : i32
        %get3A_2552 = arith.index_cast %get3A_2551 : i32 to index
        %get3A_2553 = arith.index_cast %add3A_2550 : i32 to index
        %get3A_2554 = arith.index_cast %add3A_2522 : i32 to index
        %get3A_2555 = arith.constant 0 : index
        %get3A_2556 = tpu.vector_load %arg9[%get3A_2552, %get3A_2553, %get3A_2554, %get3A_2555] {strides = array<i32>} : memref<2x20x128x32xbf16, #tpu.memory_space<vmem>>, vector<32xbf16>,
        %unpack3A_2557 = tpu.unpack_subelements %get3A_2556, 0 {pack_format = #tpu.pack_format<interleaved>} : vector<32xbf16> -> vector<16xf32>
        %unpack3A_2558 = tpu.unpack_subelements %get3A_2556, 1 {pack_format = #tpu.pack_format<interleaved>} : vector<32xbf16> -> vector<16xf32>
        %mul3A_2559 = arith.constant 4 : i32
        %mul3A_2560 = arith.muli %select_n3A_1462, %mul3A_2559 : i32
        %add3A_2561 = arith.constant 2 : i32
        %add3A_2562 = arith.addi %mul3A_2560, %add3A_2561 : i32
        %get3A_2563 = arith.constant 0 : i32
        %get3A_2564 = arith.index_cast %get3A_2563 : i32 to index
        %get3A_2565 = arith.index_cast %add3A_2562 : i32 to index
        %get3A_2566 = arith.index_cast %add3A_2522 : i32 to index
        %get3A_2567 = arith.constant 0 : index
        %get3A_2568 = tpu.vector_load %arg9[%get3A_2564, %get3A_2565, %get3A_2566, %get3A_2567] {strides = array<i32>} : memref<2x20x128x32xbf16, #tpu.memory_space<vmem>>, vector<32xbf16>,
        %unpack3A_2569 = tpu.unpack_subelements %get3A_2568, 0 {pack_format = #tpu.pack_format<interleaved>} : vector<32xbf16> -> vector<16xf32>
        %unpack3A_2570 = tpu.unpack_subelements %get3A_2568, 1 {pack_format = #tpu.pack_format<interleaved>} : vector<32xbf16> -> vector<16xf32>
        %mul3A_2571 = arith.constant 4 : i32
        %mul3A_2572 = arith.muli %select_n3A_1462, %mul3A_2571 : i32
        %add3A_2573 = arith.constant 3 : i32
        %add3A_2574 = arith.addi %mul3A_2572, %add3A_2573 : i32
        %get3A_2575 = arith.constant 0 : i32
        %get3A_2576 = arith.index_cast %get3A_2575 : i32 to index
        %get3A_2577 = arith.index_cast %add3A_2574 : i32 to index
        %get3A_2578 = arith.index_cast %add3A_2522 : i32 to index
        %get3A_2579 = arith.constant 0 : index
        %get3A_2580 = tpu.vector_load %arg9[%get3A_2576, %get3A_2577, %get3A_2578, %get3A_2579] {strides = array<i32>} : memref<2x20x128x32xbf16, #tpu.memory_space<vmem>>, vector<32xbf16>,
        %unpack3A_2581 = tpu.unpack_subelements %get3A_2580, 0 {pack_format = #tpu.pack_format<interleaved>} : vector<32xbf16> -> vector<16xf32>
        %unpack3A_2582 = tpu.unpack_subelements %get3A_2580, 1 {pack_format = #tpu.pack_format<interleaved>} : vector<32xbf16> -> vector<16xf32>
        %mul3A_2583 = arith.mulf %gather3A_2527, %unpack3A_2545 : vector<16xf32>
        %add3A_2584 = arith.addf %add3A_2512, %mul3A_2583 : vector<16xf32>
        %mul3A_2585 = arith.mulf %gather3A_2533, %unpack3A_2569 : vector<16xf32>
        %add3A_2586 = arith.addf %add3A_2584, %mul3A_2585 : vector<16xf32>
        %mul3A_2587 = arith.mulf %gather3A_2530, %unpack3A_2557 : vector<16xf32>
        %add3A_2588 = arith.addf %add3A_2586, %mul3A_2587 : vector<16xf32>
        %mul3A_2589 = arith.mulf %gather3A_2536, %unpack3A_2581 : vector<16xf32>
        %add3A_2590 = arith.addf %add3A_2588, %mul3A_2589 : vector<16xf32>
        %mul3A_2591 = arith.mulf %gather3A_2527, %unpack3A_2546 : vector<16xf32>
        %add3A_2592 = arith.addf %add3A_2520, %mul3A_2591 : vector<16xf32>
        %mul3A_2593 = arith.mulf %gather3A_2533, %unpack3A_2570 : vector<16xf32>
        %add3A_2594 = arith.addf %add3A_2592, %mul3A_2593 : vector<16xf32>
        %mul3A_2595 = arith.mulf %gather3A_2530, %unpack3A_2558 : vector<16xf32>
        %add3A_2596 = arith.addf %add3A_2594, %mul3A_2595 : vector<16xf32>
        %mul3A_2597 = arith.mulf %gather3A_2536, %unpack3A_2582 : vector<16xf32>
        %add3A_2598 = arith.addf %add3A_2596, %mul3A_2597 : vector<16xf32>
        %add3A_2599 = arith.constant 14 : i32
        %add3A_2600 = arith.addi %mul3A_1480, %add3A_2599 : i32
        %broadcast_in_dim3A_2601 = arith.constant 14 : i32
        %broadcast_in_dim3A_2602 = vector.broadcast %broadcast_in_dim3A_2601 : i32 to vector<16xi32>
        %broadcast_in_dim3A_2603 = vector.shape_cast %broadcast_in_dim3A_2602 : vector<16xi32> to vector<16x1xi32>
        %gather3A_2604 = vector.shape_cast %broadcast_in_dim3A_2603 : vector<16x1xi32> to vector<16xi32>
        %gather3A_2605 = tpu.dynamic_gather %get3A_1484[%gather3A_2604] in [0] : vector<16xf32>, vector<16xi32> -> vector<16xf32>
        %broadcast_in_dim3A_2606 = vector.shape_cast %broadcast_in_dim3A_2602 : vector<16xi32> to vector<16x1xi32>
        %gather3A_2607 = vector.shape_cast %broadcast_in_dim3A_2606 : vector<16x1xi32> to vector<16xi32>
        %gather3A_2608 = tpu.dynamic_gather %get3A_1491[%gather3A_2607] in [0] : vector<16xf32>, vector<16xi32> -> vector<16xf32>
        %broadcast_in_dim3A_2609 = vector.shape_cast %broadcast_in_dim3A_2602 : vector<16xi32> to vector<16x1xi32>
        %gather3A_2610 = vector.shape_cast %broadcast_in_dim3A_2609 : vector<16x1xi32> to vector<16xi32>
        %gather3A_2611 = tpu.dynamic_gather %get3A_1498[%gather3A_2610] in [0] : vector<16xf32>, vector<16xi32> -> vector<16xf32>
        %broadcast_in_dim3A_2612 = vector.shape_cast %broadcast_in_dim3A_2602 : vector<16xi32> to vector<16x1xi32>
        %gather3A_2613 = vector.shape_cast %broadcast_in_dim3A_2612 : vector<16x1xi32> to vector<16xi32>
        %gather3A_2614 = tpu.dynamic_gather %get3A_1505[%gather3A_2613] in [0] : vector<16xf32>, vector<16xi32> -> vector<16xf32>
        %mul3A_2615 = arith.constant 4 : i32
        %mul3A_2616 = arith.muli %select_n3A_1462, %mul3A_2615 : i32
        %get3A_2617 = arith.constant 0 : i32
        %get3A_2618 = arith.index_cast %get3A_2617 : i32 to index
        %get3A_2619 = arith.index_cast %mul3A_2616 : i32 to index
        %get3A_2620 = arith.index_cast %add3A_2600 : i32 to index
        %get3A_2621 = arith.constant 0 : index
        %get3A_2622 = tpu.vector_load %arg9[%get3A_2618, %get3A_2619, %get3A_2620, %get3A_2621] {strides = array<i32>} : memref<2x20x128x32xbf16, #tpu.memory_space<vmem>>, vector<32xbf16>,
        %unpack3A_2623 = tpu.unpack_subelements %get3A_2622, 0 {pack_format = #tpu.pack_format<interleaved>} : vector<32xbf16> -> vector<16xf32>
        %unpack3A_2624 = tpu.unpack_subelements %get3A_2622, 1 {pack_format = #tpu.pack_format<interleaved>} : vector<32xbf16> -> vector<16xf32>
        %mul3A_2625 = arith.constant 4 : i32
        %mul3A_2626 = arith.muli %select_n3A_1462, %mul3A_2625 : i32
        %add3A_2627 = arith.constant 1 : i32
        %add3A_2628 = arith.addi %mul3A_2626, %add3A_2627 : i32
        %get3A_2629 = arith.constant 0 : i32
        %get3A_2630 = arith.index_cast %get3A_2629 : i32 to index
        %get3A_2631 = arith.index_cast %add3A_2628 : i32 to index
        %get3A_2632 = arith.index_cast %add3A_2600 : i32 to index
        %get3A_2633 = arith.constant 0 : index
        %get3A_2634 = tpu.vector_load %arg9[%get3A_2630, %get3A_2631, %get3A_2632, %get3A_2633] {strides = array<i32>} : memref<2x20x128x32xbf16, #tpu.memory_space<vmem>>, vector<32xbf16>,
        %unpack3A_2635 = tpu.unpack_subelements %get3A_2634, 0 {pack_format = #tpu.pack_format<interleaved>} : vector<32xbf16> -> vector<16xf32>
        %unpack3A_2636 = tpu.unpack_subelements %get3A_2634, 1 {pack_format = #tpu.pack_format<interleaved>} : vector<32xbf16> -> vector<16xf32>
        %mul3A_2637 = arith.constant 4 : i32
        %mul3A_2638 = arith.muli %select_n3A_1462, %mul3A_2637 : i32
        %add3A_2639 = arith.constant 2 : i32
        %add3A_2640 = arith.addi %mul3A_2638, %add3A_2639 : i32
        %get3A_2641 = arith.constant 0 : i32
        %get3A_2642 = arith.index_cast %get3A_2641 : i32 to index
        %get3A_2643 = arith.index_cast %add3A_2640 : i32 to index
        %get3A_2644 = arith.index_cast %add3A_2600 : i32 to index
        %get3A_2645 = arith.constant 0 : index
        %get3A_2646 = tpu.vector_load %arg9[%get3A_2642, %get3A_2643, %get3A_2644, %get3A_2645] {strides = array<i32>} : memref<2x20x128x32xbf16, #tpu.memory_space<vmem>>, vector<32xbf16>,
        %unpack3A_2647 = tpu.unpack_subelements %get3A_2646, 0 {pack_format = #tpu.pack_format<interleaved>} : vector<32xbf16> -> vector<16xf32>
        %unpack3A_2648 = tpu.unpack_subelements %get3A_2646, 1 {pack_format = #tpu.pack_format<interleaved>} : vector<32xbf16> -> vector<16xf32>
        %mul3A_2649 = arith.constant 4 : i32
        %mul3A_2650 = arith.muli %select_n3A_1462, %mul3A_2649 : i32
        %add3A_2651 = arith.constant 3 : i32
        %add3A_2652 = arith.addi %mul3A_2650, %add3A_2651 : i32
        %get3A_2653 = arith.constant 0 : i32
        %get3A_2654 = arith.index_cast %get3A_2653 : i32 to index
        %get3A_2655 = arith.index_cast %add3A_2652 : i32 to index
        %get3A_2656 = arith.index_cast %add3A_2600 : i32 to index
        %get3A_2657 = arith.constant 0 : index
        %get3A_2658 = tpu.vector_load %arg9[%get3A_2654, %get3A_2655, %get3A_2656, %get3A_2657] {strides = array<i32>} : memref<2x20x128x32xbf16, #tpu.memory_space<vmem>>, vector<32xbf16>,
        %unpack3A_2659 = tpu.unpack_subelements %get3A_2658, 0 {pack_format = #tpu.pack_format<interleaved>} : vector<32xbf16> -> vector<16xf32>
        %unpack3A_2660 = tpu.unpack_subelements %get3A_2658, 1 {pack_format = #tpu.pack_format<interleaved>} : vector<32xbf16> -> vector<16xf32>
        %mul3A_2661 = arith.mulf %gather3A_2605, %unpack3A_2623 : vector<16xf32>
        %add3A_2662 = arith.addf %add3A_2590, %mul3A_2661 : vector<16xf32>
        %mul3A_2663 = arith.mulf %gather3A_2611, %unpack3A_2647 : vector<16xf32>
        %add3A_2664 = arith.addf %add3A_2662, %mul3A_2663 : vector<16xf32>
        %mul3A_2665 = arith.mulf %gather3A_2608, %unpack3A_2635 : vector<16xf32>
        %add3A_2666 = arith.addf %add3A_2664, %mul3A_2665 : vector<16xf32>
        %mul3A_2667 = arith.mulf %gather3A_2614, %unpack3A_2659 : vector<16xf32>
        %add3A_2668 = arith.addf %add3A_2666, %mul3A_2667 : vector<16xf32>
        %mul3A_2669 = arith.mulf %gather3A_2605, %unpack3A_2624 : vector<16xf32>
        %add3A_2670 = arith.addf %add3A_2598, %mul3A_2669 : vector<16xf32>
        %mul3A_2671 = arith.mulf %gather3A_2611, %unpack3A_2648 : vector<16xf32>
        %add3A_2672 = arith.addf %add3A_2670, %mul3A_2671 : vector<16xf32>
        %mul3A_2673 = arith.mulf %gather3A_2608, %unpack3A_2636 : vector<16xf32>
        %add3A_2674 = arith.addf %add3A_2672, %mul3A_2673 : vector<16xf32>
        %mul3A_2675 = arith.mulf %gather3A_2614, %unpack3A_2660 : vector<16xf32>
        %add3A_2676 = arith.addf %add3A_2674, %mul3A_2675 : vector<16xf32>
        %add3A_2677 = arith.constant 15 : i32
        %add3A_2678 = arith.addi %mul3A_1480, %add3A_2677 : i32
        %broadcast_in_dim3A_2679 = arith.constant 15 : i32
        %broadcast_in_dim3A_2680 = vector.broadcast %broadcast_in_dim3A_2679 : i32 to vector<16xi32>
        %broadcast_in_dim3A_2681 = vector.shape_cast %broadcast_in_dim3A_2680 : vector<16xi32> to vector<16x1xi32>
        %gather3A_2682 = vector.shape_cast %broadcast_in_dim3A_2681 : vector<16x1xi32> to vector<16xi32>
        %gather3A_2683 = tpu.dynamic_gather %get3A_1484[%gather3A_2682] in [0] : vector<16xf32>, vector<16xi32> -> vector<16xf32>
        %broadcast_in_dim3A_2684 = vector.shape_cast %broadcast_in_dim3A_2680 : vector<16xi32> to vector<16x1xi32>
        %gather3A_2685 = vector.shape_cast %broadcast_in_dim3A_2684 : vector<16x1xi32> to vector<16xi32>
        %gather3A_2686 = tpu.dynamic_gather %get3A_1491[%gather3A_2685] in [0] : vector<16xf32>, vector<16xi32> -> vector<16xf32>
        %broadcast_in_dim3A_2687 = vector.shape_cast %broadcast_in_dim3A_2680 : vector<16xi32> to vector<16x1xi32>
        %gather3A_2688 = vector.shape_cast %broadcast_in_dim3A_2687 : vector<16x1xi32> to vector<16xi32>
        %gather3A_2689 = tpu.dynamic_gather %get3A_1498[%gather3A_2688] in [0] : vector<16xf32>, vector<16xi32> -> vector<16xf32>
        %broadcast_in_dim3A_2690 = vector.shape_cast %broadcast_in_dim3A_2680 : vector<16xi32> to vector<16x1xi32>
        %gather3A_2691 = vector.shape_cast %broadcast_in_dim3A_2690 : vector<16x1xi32> to vector<16xi32>
        %gather3A_2692 = tpu.dynamic_gather %get3A_1505[%gather3A_2691] in [0] : vector<16xf32>, vector<16xi32> -> vector<16xf32>
        %mul3A_2693 = arith.constant 4 : i32
        %mul3A_2694 = arith.muli %select_n3A_1462, %mul3A_2693 : i32
        %get3A_2695 = arith.constant 0 : i32
        %get3A_2696 = arith.index_cast %get3A_2695 : i32 to index
        %get3A_2697 = arith.index_cast %mul3A_2694 : i32 to index
        %get3A_2698 = arith.index_cast %add3A_2678 : i32 to index
        %get3A_2699 = arith.constant 0 : index
        %get3A_2700 = tpu.vector_load %arg9[%get3A_2696, %get3A_2697, %get3A_2698, %get3A_2699] {strides = array<i32>} : memref<2x20x128x32xbf16, #tpu.memory_space<vmem>>, vector<32xbf16>,
        %unpack3A_2701 = tpu.unpack_subelements %get3A_2700, 0 {pack_format = #tpu.pack_format<interleaved>} : vector<32xbf16> -> vector<16xf32>
        %unpack3A_2702 = tpu.unpack_subelements %get3A_2700, 1 {pack_format = #tpu.pack_format<interleaved>} : vector<32xbf16> -> vector<16xf32>
        %mul3A_2703 = arith.constant 4 : i32
        %mul3A_2704 = arith.muli %select_n3A_1462, %mul3A_2703 : i32
        %add3A_2705 = arith.constant 1 : i32
        %add3A_2706 = arith.addi %mul3A_2704, %add3A_2705 : i32
        %get3A_2707 = arith.constant 0 : i32
        %get3A_2708 = arith.index_cast %get3A_2707 : i32 to index
        %get3A_2709 = arith.index_cast %add3A_2706 : i32 to index
        %get3A_2710 = arith.index_cast %add3A_2678 : i32 to index
        %get3A_2711 = arith.constant 0 : index
        %get3A_2712 = tpu.vector_load %arg9[%get3A_2708, %get3A_2709, %get3A_2710, %get3A_2711] {strides = array<i32>} : memref<2x20x128x32xbf16, #tpu.memory_space<vmem>>, vector<32xbf16>,
        %unpack3A_2713 = tpu.unpack_subelements %get3A_2712, 0 {pack_format = #tpu.pack_format<interleaved>} : vector<32xbf16> -> vector<16xf32>
        %unpack3A_2714 = tpu.unpack_subelements %get3A_2712, 1 {pack_format = #tpu.pack_format<interleaved>} : vector<32xbf16> -> vector<16xf32>
        %mul3A_2715 = arith.constant 4 : i32
        %mul3A_2716 = arith.muli %select_n3A_1462, %mul3A_2715 : i32
        %add3A_2717 = arith.constant 2 : i32
        %add3A_2718 = arith.addi %mul3A_2716, %add3A_2717 : i32
        %get3A_2719 = arith.constant 0 : i32
        %get3A_2720 = arith.index_cast %get3A_2719 : i32 to index
        %get3A_2721 = arith.index_cast %add3A_2718 : i32 to index
        %get3A_2722 = arith.index_cast %add3A_2678 : i32 to index
        %get3A_2723 = arith.constant 0 : index
        %get3A_2724 = tpu.vector_load %arg9[%get3A_2720, %get3A_2721, %get3A_2722, %get3A_2723] {strides = array<i32>} : memref<2x20x128x32xbf16, #tpu.memory_space<vmem>>, vector<32xbf16>,
        %unpack3A_2725 = tpu.unpack_subelements %get3A_2724, 0 {pack_format = #tpu.pack_format<interleaved>} : vector<32xbf16> -> vector<16xf32>
        %unpack3A_2726 = tpu.unpack_subelements %get3A_2724, 1 {pack_format = #tpu.pack_format<interleaved>} : vector<32xbf16> -> vector<16xf32>
        %mul3A_2727 = arith.constant 4 : i32
        %mul3A_2728 = arith.muli %select_n3A_1462, %mul3A_2727 : i32
        %add3A_2729 = arith.constant 3 : i32
        %add3A_2730 = arith.addi %mul3A_2728, %add3A_2729 : i32
        %get3A_2731 = arith.constant 0 : i32
        %get3A_2732 = arith.index_cast %get3A_2731 : i32 to index
        %get3A_2733 = arith.index_cast %add3A_2730 : i32 to index
        %get3A_2734 = arith.index_cast %add3A_2678 : i32 to index
        %get3A_2735 = arith.constant 0 : index
        %get3A_2736 = tpu.vector_load %arg9[%get3A_2732, %get3A_2733, %get3A_2734, %get3A_2735] {strides = array<i32>} : memref<2x20x128x32xbf16, #tpu.memory_space<vmem>>, vector<32xbf16>,
        %unpack3A_2737 = tpu.unpack_subelements %get3A_2736, 0 {pack_format = #tpu.pack_format<interleaved>} : vector<32xbf16> -> vector<16xf32>
        %unpack3A_2738 = tpu.unpack_subelements %get3A_2736, 1 {pack_format = #tpu.pack_format<interleaved>} : vector<32xbf16> -> vector<16xf32>
        %mul3A_2739 = arith.mulf %gather3A_2683, %unpack3A_2701 : vector<16xf32>
        %add3A_2740 = arith.addf %add3A_2668, %mul3A_2739 : vector<16xf32>
        %mul3A_2741 = arith.mulf %gather3A_2689, %unpack3A_2725 : vector<16xf32>
        %add3A_2742 = arith.addf %add3A_2740, %mul3A_2741 : vector<16xf32>
        %mul3A_2743 = arith.mulf %gather3A_2686, %unpack3A_2713 : vector<16xf32>
        %add3A_2744 = arith.addf %add3A_2742, %mul3A_2743 : vector<16xf32>
        %mul3A_2745 = arith.mulf %gather3A_2692, %unpack3A_2737 : vector<16xf32>
        %add3A_2746 = arith.addf %add3A_2744, %mul3A_2745 : vector<16xf32>
        %mul3A_2747 = arith.mulf %gather3A_2683, %unpack3A_2702 : vector<16xf32>
        %add3A_2748 = arith.addf %add3A_2676, %mul3A_2747 : vector<16xf32>
        %mul3A_2749 = arith.mulf %gather3A_2689, %unpack3A_2726 : vector<16xf32>
        %add3A_2750 = arith.addf %add3A_2748, %mul3A_2749 : vector<16xf32>
        %mul3A_2751 = arith.mulf %gather3A_2686, %unpack3A_2714 : vector<16xf32>
        %add3A_2752 = arith.addf %add3A_2750, %mul3A_2751 : vector<16xf32>
        %mul3A_2753 = arith.mulf %gather3A_2692, %unpack3A_2738 : vector<16xf32>
        %add3A_2754 = arith.addf %add3A_2752, %mul3A_2753 : vector<16xf32>
        %mul3A_2755 = arith.constant 256 : i32
        %mul3A_2756 = arith.muli %select_n3A_1462, %mul3A_2755 : i32
        %mul3A_2757 = arith.constant 32 : i32
        %mul3A_2758 = arith.muli %select_n3A_1476, %mul3A_2757 : i32
        %add3A_2759 = arith.addi %mul3A_2756, %mul3A_2758 : i32
        %swap3A = arith.constant 0 : i32
        %swap3A_2760 = arith.index_cast %swap3A : i32 to index
        %swap3A_2761 = arith.index_cast %add3A_2759 : i32 to index
        %swap3A_2762 = tpu.vector_load %arg10[%swap3A_2760, %swap3A_2761] {strides = array<i32>} : memref<2x1280xf32, #tpu.memory_space<vmem>>, vector<16xf32>,
        tpu.vector_store %arg10[%swap3A_2760, %swap3A_2761], %add3A_2746 {strides = array<i32>} : memref<2x1280xf32, #tpu.memory_space<vmem>>, vector<16xf32>,
        %add3A_2763 = arith.constant 16 : i32
        %add3A_2764 = arith.addi %add3A_2759, %add3A_2763 : i32
        %swap3A_2765 = arith.constant 0 : i32
        %swap3A_2766 = arith.index_cast %swap3A_2765 : i32 to index
        %swap3A_2767 = arith.index_cast %add3A_2764 : i32 to index
        %swap3A_2768 = tpu.vector_load %arg10[%swap3A_2766, %swap3A_2767] {strides = array<i32>} : memref<2x1280xf32, #tpu.memory_space<vmem>>, vector<16xf32>,
        tpu.vector_store %arg10[%swap3A_2766, %swap3A_2767], %add3A_2754 {strides = array<i32>} : memref<2x1280xf32, #tpu.memory_space<vmem>>, vector<16xf32>,
        %scan3A_2769 = arith.constant 0 : i32
        scf.yield %scan3A_2769 : i32
      }
      %scan3A_962 = arith.constant 40 : i32
      %mul3A_963 = arith.constant 40 : i32
      %mul3A_964 = arith.muli %mul3A_558, %mul3A_963 : i32
      %add3A_965 = arith.addi %mul3A_2, %mul3A_964 : i32
      %mul3A_966 = arith.constant 32 : i32
      %mul3A_967 = arith.muli %add3A_965, %mul3A_966 : i32
      %dma_start3A_968 = arith.constant 0 : i32
      %dma_start3A_969 = arith.constant 0 : i32
      %dma_start3A_970 = tpu.memref_slice %arg10[%dma_start3A_968, %dma_start3A_969] : memref<2x1280xf32, #tpu.memory_space<vmem>> -> memref<1x1280xf32, #tpu.memory_space<vmem>>
      %dma_start3A_971 = tpu.memref_squeeze %dma_start3A_970 : memref<1x1280xf32, #tpu.memory_space<vmem>> -> memref<1280xf32, #tpu.memory_space<vmem>>
      %dma_start3A_972 = tpu.memref_slice %arg6[%mul3A_967] : memref<2785280xf32, #tpu.memory_space<hbm>> -> memref<1280xf32, #tpu.memory_space<hbm>>
      %dma_start3A_973 = tpu.memref_slice %arg6[%mul3A_967] : memref<2785280xf32, #tpu.memory_space<hbm>> -> memref<1280xf32, #tpu.memory_space<hbm>>
      %dma_start3A_974 = arith.constant 0 : i32
      %dma_start3A_975 = tpu.memref_slice %arg10[%dma_start3A_968, %dma_start3A_974] : memref<2x1280xf32, #tpu.memory_space<vmem>> -> memref<1x1280xf32, #tpu.memory_space<vmem>>
      %dma_start3A_976 = tpu.memref_squeeze %dma_start3A_975 : memref<1x1280xf32, #tpu.memory_space<vmem>> -> memref<1280xf32, #tpu.memory_space<vmem>>
      tpu.enqueue_dma source(%dma_start3A_976 : memref<1280xf32, #tpu.memory_space<vmem>>) target(%dma_start3A_973 : memref<1280xf32, #tpu.memory_space<hbm>>) target_semaphore(%arg17 : memref<!tpu.dma_semaphore, #tpu.memory_space<semaphore_mem>>)
      %add3A_977 = arith.constant 2 : i32
      %add3A_978 = arith.addi %mul3A_558, %add3A_977 : i32
      %min3A_979 = arith.constant 67 : i32
      %min3A_980 = arith.minsi %add3A_978, %min3A_979 : i32
      %mul3A_981 = arith.constant 40 : i32
      %mul3A_982 = arith.muli %min3A_980, %mul3A_981 : i32
      %add3A_983 = arith.addi %mul3A_2, %mul3A_982 : i32
      %mul3A_984 = arith.constant 64 : i32
      %mul3A_985 = arith.muli %add3A_983, %mul3A_984 : i32
      %dma_start3A_986 = arith.constant 0 : i32
      %dma_start3A_987 = arith.constant 0 : i32
      %dma_start3A_988 = tpu.memref_slice %arg8[%dma_start3A_986, %dma_start3A_987] : memref<2x2560xf32, #tpu.memory_space<vmem>> -> memref<1x2560xf32, #tpu.memory_space<vmem>>
      %dma_start3A_989 = tpu.memref_squeeze %dma_start3A_988 : memref<1x2560xf32, #tpu.memory_space<vmem>> -> memref<2560xf32, #tpu.memory_space<vmem>>
      %dma_start3A_990 = tpu.memref_slice %arg4[%mul3A_985] : memref<5570560xf32, #tpu.memory_space<hbm>> -> memref<2560xf32, #tpu.memory_space<hbm>>
      %dma_start3A_991 = arith.constant 0 : i32
      %dma_start3A_992 = tpu.memref_slice %arg8[%dma_start3A_986, %dma_start3A_991] : memref<2x2560xf32, #tpu.memory_space<vmem>> -> memref<1x2560xf32, #tpu.memory_space<vmem>>
      %dma_start3A_993 = tpu.memref_squeeze %dma_start3A_992 : memref<1x2560xf32, #tpu.memory_space<vmem>> -> memref<2560xf32, #tpu.memory_space<vmem>>
      %dma_start3A_994 = tpu.memref_slice %arg4[%mul3A_985] : memref<5570560xf32, #tpu.memory_space<hbm>> -> memref<2560xf32, #tpu.memory_space<hbm>>
      tpu.enqueue_dma source(%dma_start3A_994 : memref<2560xf32, #tpu.memory_space<hbm>>) target(%dma_start3A_993 : memref<2560xf32, #tpu.memory_space<vmem>>) target_semaphore(%arg13 : memref<!tpu.dma_semaphore, #tpu.memory_space<semaphore_mem>>)
      %add3A_995 = arith.constant 1 : i32
      %add3A_996 = arith.addi %mul3A_558, %add3A_995 : i32
      %add3A_997 = arith.constant 1 : i32
      %add3A_998 = arith.addi %add3A_996, %add3A_997 : i32
      %min3A_999 = arith.constant 67 : i32
      %min3A_1000 = arith.minsi %add3A_998, %min3A_999 : i32
      %mul3A_1001 = arith.constant 40 : i32
      %mul3A_1002 = arith.muli %min3A_1000, %mul3A_1001 : i32
      %add3A_1003 = arith.addi %mul3A_2, %mul3A_1002 : i32
      %jit3A_1004 = arith.constant 2 : i32
      %div3A_1005 = arith.divsi %add3A_1003, %jit3A_1004 : i32
      %sign3A_1006 = arith.constant 0 : i32
      %sign3A_1007 = arith.cmpi sgt, %add3A_1003, %sign3A_1006 : i32
      %sign3A_1008 = arith.extui %sign3A_1007 : i1 to i32
      %sign3A_1009 = arith.constant 0 : i32
      %sign3A_1010 = arith.cmpi slt, %add3A_1003, %sign3A_1009 : i32
      %sign3A_1011 = arith.extui %sign3A_1010 : i1 to i32
      %sign3A_1012 = arith.subi %sign3A_1008, %sign3A_1011 : i32
      %sign3A_1013 = arith.constant 0 : i32
      %sign3A_1014 = arith.cmpi sgt, %jit3A_1004, %sign3A_1013 : i32
      %sign3A_1015 = arith.extui %sign3A_1014 : i1 to i32
      %sign3A_1016 = arith.constant 0 : i32
      %sign3A_1017 = arith.cmpi slt, %jit3A_1004, %sign3A_1016 : i32
      %sign3A_1018 = arith.extui %sign3A_1017 : i1 to i32
      %sign3A_1019 = arith.subi %sign3A_1015, %sign3A_1018 : i32
      %ne3A_1020 = arith.cmpi ne, %sign3A_1012, %sign3A_1019 : i32
      %rem3A_1021 = arith.remsi %add3A_1003, %jit3A_1004 : i32
      %ne3A_1022 = arith.constant 0 : i32
      %ne3A_1023 = arith.cmpi ne, %rem3A_1021, %ne3A_1022 : i32
      %and3A_1024 = arith.andi %ne3A_1020, %ne3A_1023 : i1
      %sub3A_1025 = arith.constant 1 : i32
      %sub3A_1026 = arith.subi %div3A_1005, %sub3A_1025 : i32
      %select_n3A_1027 = arith.select %and3A_1024, %sub3A_1026, %div3A_1005 : i32
      %dma_wait3A_1028 = arith.constant 0 : i32
      %dma_wait3A_1029 = arith.constant 0 : i32
      %dma_wait3A_1030 = arith.constant 0 : i32
      %dma_wait3A_1031 = tpu.memref_slice %arg7[%dma_wait3A_1028, %dma_wait3A_1029, %dma_wait3A_1030] : memref<2x20x128xi32, #tpu.memory_space<vmem>> -> memref<1x20x128xi32, #tpu.memory_space<vmem>>
      %dma_wait3A_1032 = tpu.memref_squeeze %dma_wait3A_1031 : memref<1x20x128xi32, #tpu.memory_space<vmem>> -> memref<20x128xi32, #tpu.memory_space<vmem>>
      %dma_wait3A_1033 = arith.constant 0 : i32
      %dma_wait3A_1034 = tpu.memref_slice %arg3[%select_n3A_1027, %dma_wait3A_1033] : memref<43520x128xi32, #tpu.memory_space<hbm>> -> memref<20x128xi32, #tpu.memory_space<hbm>>
      %dma_wait3A_1035 = arith.constant 0 : i32
      %dma_wait3A_1036 = arith.constant 0 : i32
      %dma_wait3A_1037 = tpu.memref_slice %arg7[%dma_wait3A_1028, %dma_wait3A_1035, %dma_wait3A_1036] : memref<2x20x128xi32, #tpu.memory_space<vmem>> -> memref<1x20x128xi32, #tpu.memory_space<vmem>>
      %dma_wait3A_1038 = tpu.memref_squeeze %dma_wait3A_1037 : memref<1x20x128xi32, #tpu.memory_space<vmem>> -> memref<20x128xi32, #tpu.memory_space<vmem>>
      %dma_wait3A_1039 = arith.constant 0 : i32
      %dma_wait3A_1040 = tpu.memref_slice %arg3[%select_n3A_1027, %dma_wait3A_1039] : memref<43520x128xi32, #tpu.memory_space<hbm>> -> memref<20x128xi32, #tpu.memory_space<hbm>>
      tpu.wait_dma2 semaphore(%arg11 : memref<!tpu.dma_semaphore, #tpu.memory_space<semaphore_mem>>) src(%dma_wait3A_1040 : memref<20x128xi32, #tpu.memory_space<hbm>>) dst(%dma_wait3A_1038 : memref<20x128xi32, #tpu.memory_space<vmem>>)
      %dma_start3A_1041 = arith.constant 0 : i32
      %dma_start3A_1042 = arith.constant 0 : i32
      %dma_start3A_1043 = arith.constant 0 : i32
      %dma_start3A_1044 = arith.constant 0 : i32
      %dma_start3A_1045 = arith.constant 0 : i32
      %dma_start3A_1046 = arith.constant 0 : i32
      %dma_start3A_1047 = tpu.memref_slice %arg9[%dma_start3A_1043, %dma_start3A_1044, %dma_start3A_1045, %dma_start3A_1046] : memref<2x20x128x32xbf16, #tpu.memory_space<vmem>> -> memref<1x1x128x32xbf16, #tpu.memory_space<vmem>>
      %dma_start3A_1048 = tpu.memref_squeeze %dma_start3A_1047 : memref<1x1x128x32xbf16, #tpu.memory_space<vmem>> -> memref<128x32xbf16, #tpu.memory_space<vmem>>
      %dma_start3A_1049 = arith.constant 0 : i32
      %dma_start3A_1050 = tpu.memref_slice %arg7[%dma_start3A_1041, %dma_start3A_1042, %dma_start3A_1049] : memref<2x20x128xi32, #tpu.memory_space<vmem>> -> memref<1x1x128xi32, #tpu.memory_space<vmem>>
      %dma_start3A_1051 = tpu.memref_squeeze %dma_start3A_1050 : memref<1x1x128xi32, #tpu.memory_space<vmem>> -> memref<128xi32, #tpu.memory_space<vmem>>
      %dma_start3A_1052 = arith.constant 0 : i32
      %dma_start3A_1053 = arith.constant 0 : i32
      %dma_start3A_1054 = tpu.memref_slice %arg2[%dma_start3A_1052, %dma_start3A_1053] : memref<87040x32xbf16, #tpu.memory_space<hbm>> -> memref<87040x32xbf16, #tpu.memory_space<hbm>>
      tpu.enqueue_indirect_dma source(%dma_start3A_1054 : memref<87040x32xbf16, #tpu.memory_space<hbm>>) target(%dma_start3A_1048 : memref<128x32xbf16, #tpu.memory_space<vmem>>) offsets(%dma_start3A_1051 : memref<128xi32, #tpu.memory_space<vmem>>) semaphore(%arg15 : memref<!tpu.dma_semaphore, #tpu.memory_space<semaphore_mem>>)
      %dma_start3A_1055 = arith.constant 0 : i32
      %dma_start3A_1056 = arith.constant 1 : i32
      %dma_start3A_1057 = arith.constant 0 : i32
      %dma_start3A_1058 = arith.constant 1 : i32
      %dma_start3A_1059 = arith.constant 0 : i32
      %dma_start3A_1060 = arith.constant 0 : i32
      %dma_start3A_1061 = tpu.memref_slice %arg9[%dma_start3A_1057, %dma_start3A_1058, %dma_start3A_1059, %dma_start3A_1060] : memref<2x20x128x32xbf16, #tpu.memory_space<vmem>> -> memref<1x1x128x32xbf16, #tpu.memory_space<vmem>>
      %dma_start3A_1062 = tpu.memref_squeeze %dma_start3A_1061 : memref<1x1x128x32xbf16, #tpu.memory_space<vmem>> -> memref<128x32xbf16, #tpu.memory_space<vmem>>
      %dma_start3A_1063 = arith.constant 0 : i32
      %dma_start3A_1064 = tpu.memref_slice %arg7[%dma_start3A_1055, %dma_start3A_1056, %dma_start3A_1063] : memref<2x20x128xi32, #tpu.memory_space<vmem>> -> memref<1x1x128xi32, #tpu.memory_space<vmem>>
      %dma_start3A_1065 = tpu.memref_squeeze %dma_start3A_1064 : memref<1x1x128xi32, #tpu.memory_space<vmem>> -> memref<128xi32, #tpu.memory_space<vmem>>
      %dma_start3A_1066 = arith.constant 0 : i32
      %dma_start3A_1067 = arith.constant 0 : i32
      %dma_start3A_1068 = tpu.memref_slice %arg2[%dma_start3A_1066, %dma_start3A_1067] : memref<87040x32xbf16, #tpu.memory_space<hbm>> -> memref<87040x32xbf16, #tpu.memory_space<hbm>>
      tpu.enqueue_indirect_dma source(%dma_start3A_1068 : memref<87040x32xbf16, #tpu.memory_space<hbm>>) target(%dma_start3A_1062 : memref<128x32xbf16, #tpu.memory_space<vmem>>) offsets(%dma_start3A_1065 : memref<128xi32, #tpu.memory_space<vmem>>) semaphore(%arg15 : memref<!tpu.dma_semaphore, #tpu.memory_space<semaphore_mem>>)
      %dma_start3A_1069 = arith.constant 0 : i32
      %dma_start3A_1070 = arith.constant 2 : i32
      %dma_start3A_1071 = arith.constant 0 : i32
      %dma_start3A_1072 = arith.constant 2 : i32
      %dma_start3A_1073 = arith.constant 0 : i32
      %dma_start3A_1074 = arith.constant 0 : i32
      %dma_start3A_1075 = tpu.memref_slice %arg9[%dma_start3A_1071, %dma_start3A_1072, %dma_start3A_1073, %dma_start3A_1074] : memref<2x20x128x32xbf16, #tpu.memory_space<vmem>> -> memref<1x1x128x32xbf16, #tpu.memory_space<vmem>>
      %dma_start3A_1076 = tpu.memref_squeeze %dma_start3A_1075 : memref<1x1x128x32xbf16, #tpu.memory_space<vmem>> -> memref<128x32xbf16, #tpu.memory_space<vmem>>
      %dma_start3A_1077 = arith.constant 0 : i32
      %dma_start3A_1078 = tpu.memref_slice %arg7[%dma_start3A_1069, %dma_start3A_1070, %dma_start3A_1077] : memref<2x20x128xi32, #tpu.memory_space<vmem>> -> memref<1x1x128xi32, #tpu.memory_space<vmem>>
      %dma_start3A_1079 = tpu.memref_squeeze %dma_start3A_1078 : memref<1x1x128xi32, #tpu.memory_space<vmem>> -> memref<128xi32, #tpu.memory_space<vmem>>
      %dma_start3A_1080 = arith.constant 0 : i32
      %dma_start3A_1081 = arith.constant 0 : i32
      %dma_start3A_1082 = tpu.memref_slice %arg2[%dma_start3A_1080, %dma_start3A_1081] : memref<87040x32xbf16, #tpu.memory_space<hbm>> -> memref<87040x32xbf16, #tpu.memory_space<hbm>>
      tpu.enqueue_indirect_dma source(%dma_start3A_1082 : memref<87040x32xbf16, #tpu.memory_space<hbm>>) target(%dma_start3A_1076 : memref<128x32xbf16, #tpu.memory_space<vmem>>) offsets(%dma_start3A_1079 : memref<128xi32, #tpu.memory_space<vmem>>) semaphore(%arg15 : memref<!tpu.dma_semaphore, #tpu.memory_space<semaphore_mem>>)
      %dma_start3A_1083 = arith.constant 0 : i32
      %dma_start3A_1084 = arith.constant 3 : i32
      %dma_start3A_1085 = arith.constant 0 : i32
      %dma_start3A_1086 = arith.constant 3 : i32
      %dma_start3A_1087 = arith.constant 0 : i32
      %dma_start3A_1088 = arith.constant 0 : i32
      %dma_start3A_1089 = tpu.memref_slice %arg9[%dma_start3A_1085, %dma_start3A_1086, %dma_start3A_1087, %dma_start3A_1088] : memref<2x20x128x32xbf16, #tpu.memory_space<vmem>> -> memref<1x1x128x32xbf16, #tpu.memory_space<vmem>>
      %dma_start3A_1090 = tpu.memref_squeeze %dma_start3A_1089 : memref<1x1x128x32xbf16, #tpu.memory_space<vmem>> -> memref<128x32xbf16, #tpu.memory_space<vmem>>
      %dma_start3A_1091 = arith.constant 0 : i32
      %dma_start3A_1092 = tpu.memref_slice %arg7[%dma_start3A_1083, %dma_start3A_1084, %dma_start3A_1091] : memref<2x20x128xi32, #tpu.memory_space<vmem>> -> memref<1x1x128xi32, #tpu.memory_space<vmem>>
      %dma_start3A_1093 = tpu.memref_squeeze %dma_start3A_1092 : memref<1x1x128xi32, #tpu.memory_space<vmem>> -> memref<128xi32, #tpu.memory_space<vmem>>
      %dma_start3A_1094 = arith.constant 0 : i32
      %dma_start3A_1095 = arith.constant 0 : i32
      %dma_start3A_1096 = tpu.memref_slice %arg2[%dma_start3A_1094, %dma_start3A_1095] : memref<87040x32xbf16, #tpu.memory_space<hbm>> -> memref<87040x32xbf16, #tpu.memory_space<hbm>>
      tpu.enqueue_indirect_dma source(%dma_start3A_1096 : memref<87040x32xbf16, #tpu.memory_space<hbm>>) target(%dma_start3A_1090 : memref<128x32xbf16, #tpu.memory_space<vmem>>) offsets(%dma_start3A_1093 : memref<128xi32, #tpu.memory_space<vmem>>) semaphore(%arg15 : memref<!tpu.dma_semaphore, #tpu.memory_space<semaphore_mem>>)
      %dma_start3A_1097 = arith.constant 0 : i32
      %dma_start3A_1098 = arith.constant 4 : i32
      %dma_start3A_1099 = arith.constant 0 : i32
      %dma_start3A_1100 = arith.constant 4 : i32
      %dma_start3A_1101 = arith.constant 0 : i32
      %dma_start3A_1102 = arith.constant 0 : i32
      %dma_start3A_1103 = tpu.memref_slice %arg9[%dma_start3A_1099, %dma_start3A_1100, %dma_start3A_1101, %dma_start3A_1102] : memref<2x20x128x32xbf16, #tpu.memory_space<vmem>> -> memref<1x1x128x32xbf16, #tpu.memory_space<vmem>>
      %dma_start3A_1104 = tpu.memref_squeeze %dma_start3A_1103 : memref<1x1x128x32xbf16, #tpu.memory_space<vmem>> -> memref<128x32xbf16, #tpu.memory_space<vmem>>
      %dma_start3A_1105 = arith.constant 0 : i32
      %dma_start3A_1106 = tpu.memref_slice %arg7[%dma_start3A_1097, %dma_start3A_1098, %dma_start3A_1105] : memref<2x20x128xi32, #tpu.memory_space<vmem>> -> memref<1x1x128xi32, #tpu.memory_space<vmem>>
      %dma_start3A_1107 = tpu.memref_squeeze %dma_start3A_1106 : memref<1x1x128xi32, #tpu.memory_space<vmem>> -> memref<128xi32, #tpu.memory_space<vmem>>
      %dma_start3A_1108 = arith.constant 0 : i32
      %dma_start3A_1109 = arith.constant 0 : i32
      %dma_start3A_1110 = tpu.memref_slice %arg2[%dma_start3A_1108, %dma_start3A_1109] : memref<87040x32xbf16, #tpu.memory_space<hbm>> -> memref<87040x32xbf16, #tpu.memory_space<hbm>>
      tpu.enqueue_indirect_dma source(%dma_start3A_1110 : memref<87040x32xbf16, #tpu.memory_space<hbm>>) target(%dma_start3A_1104 : memref<128x32xbf16, #tpu.memory_space<vmem>>) offsets(%dma_start3A_1107 : memref<128xi32, #tpu.memory_space<vmem>>) semaphore(%arg15 : memref<!tpu.dma_semaphore, #tpu.memory_space<semaphore_mem>>)
      %dma_start3A_1111 = arith.constant 0 : i32
      %dma_start3A_1112 = arith.constant 5 : i32
      %dma_start3A_1113 = arith.constant 0 : i32
      %dma_start3A_1114 = arith.constant 5 : i32
      %dma_start3A_1115 = arith.constant 0 : i32
      %dma_start3A_1116 = arith.constant 0 : i32
      %dma_start3A_1117 = tpu.memref_slice %arg9[%dma_start3A_1113, %dma_start3A_1114, %dma_start3A_1115, %dma_start3A_1116] : memref<2x20x128x32xbf16, #tpu.memory_space<vmem>> -> memref<1x1x128x32xbf16, #tpu.memory_space<vmem>>
      %dma_start3A_1118 = tpu.memref_squeeze %dma_start3A_1117 : memref<1x1x128x32xbf16, #tpu.memory_space<vmem>> -> memref<128x32xbf16, #tpu.memory_space<vmem>>
      %dma_start3A_1119 = arith.constant 0 : i32
      %dma_start3A_1120 = tpu.memref_slice %arg7[%dma_start3A_1111, %dma_start3A_1112, %dma_start3A_1119] : memref<2x20x128xi32, #tpu.memory_space<vmem>> -> memref<1x1x128xi32, #tpu.memory_space<vmem>>
      %dma_start3A_1121 = tpu.memref_squeeze %dma_start3A_1120 : memref<1x1x128xi32, #tpu.memory_space<vmem>> -> memref<128xi32, #tpu.memory_space<vmem>>
      %dma_start3A_1122 = arith.constant 0 : i32
      %dma_start3A_1123 = arith.constant 0 : i32
      %dma_start3A_1124 = tpu.memref_slice %arg2[%dma_start3A_1122, %dma_start3A_1123] : memref<87040x32xbf16, #tpu.memory_space<hbm>> -> memref<87040x32xbf16, #tpu.memory_space<hbm>>
      tpu.enqueue_indirect_dma source(%dma_start3A_1124 : memref<87040x32xbf16, #tpu.memory_space<hbm>>) target(%dma_start3A_1118 : memref<128x32xbf16, #tpu.memory_space<vmem>>) offsets(%dma_start3A_1121 : memref<128xi32, #tpu.memory_space<vmem>>) semaphore(%arg15 : memref<!tpu.dma_semaphore, #tpu.memory_space<semaphore_mem>>)
      %dma_start3A_1125 = arith.constant 0 : i32
      %dma_start3A_1126 = arith.constant 6 : i32
      %dma_start3A_1127 = arith.constant 0 : i32
      %dma_start3A_1128 = arith.constant 6 : i32
      %dma_start3A_1129 = arith.constant 0 : i32
      %dma_start3A_1130 = arith.constant 0 : i32
      %dma_start3A_1131 = tpu.memref_slice %arg9[%dma_start3A_1127, %dma_start3A_1128, %dma_start3A_1129, %dma_start3A_1130] : memref<2x20x128x32xbf16, #tpu.memory_space<vmem>> -> memref<1x1x128x32xbf16, #tpu.memory_space<vmem>>
      %dma_start3A_1132 = tpu.memref_squeeze %dma_start3A_1131 : memref<1x1x128x32xbf16, #tpu.memory_space<vmem>> -> memref<128x32xbf16, #tpu.memory_space<vmem>>
      %dma_start3A_1133 = arith.constant 0 : i32
      %dma_start3A_1134 = tpu.memref_slice %arg7[%dma_start3A_1125, %dma_start3A_1126, %dma_start3A_1133] : memref<2x20x128xi32, #tpu.memory_space<vmem>> -> memref<1x1x128xi32, #tpu.memory_space<vmem>>
      %dma_start3A_1135 = tpu.memref_squeeze %dma_start3A_1134 : memref<1x1x128xi32, #tpu.memory_space<vmem>> -> memref<128xi32, #tpu.memory_space<vmem>>
      %dma_start3A_1136 = arith.constant 0 : i32
      %dma_start3A_1137 = arith.constant 0 : i32
      %dma_start3A_1138 = tpu.memref_slice %arg2[%dma_start3A_1136, %dma_start3A_1137] : memref<87040x32xbf16, #tpu.memory_space<hbm>> -> memref<87040x32xbf16, #tpu.memory_space<hbm>>
      tpu.enqueue_indirect_dma source(%dma_start3A_1138 : memref<87040x32xbf16, #tpu.memory_space<hbm>>) target(%dma_start3A_1132 : memref<128x32xbf16, #tpu.memory_space<vmem>>) offsets(%dma_start3A_1135 : memref<128xi32, #tpu.memory_space<vmem>>) semaphore(%arg15 : memref<!tpu.dma_semaphore, #tpu.memory_space<semaphore_mem>>)
      %dma_start3A_1139 = arith.constant 0 : i32
      %dma_start3A_1140 = arith.constant 7 : i32
      %dma_start3A_1141 = arith.constant 0 : i32
      %dma_start3A_1142 = arith.constant 7 : i32
      %dma_start3A_1143 = arith.constant 0 : i32
      %dma_start3A_1144 = arith.constant 0 : i32
      %dma_start3A_1145 = tpu.memref_slice %arg9[%dma_start3A_1141, %dma_start3A_1142, %dma_start3A_1143, %dma_start3A_1144] : memref<2x20x128x32xbf16, #tpu.memory_space<vmem>> -> memref<1x1x128x32xbf16, #tpu.memory_space<vmem>>
      %dma_start3A_1146 = tpu.memref_squeeze %dma_start3A_1145 : memref<1x1x128x32xbf16, #tpu.memory_space<vmem>> -> memref<128x32xbf16, #tpu.memory_space<vmem>>
      %dma_start3A_1147 = arith.constant 0 : i32
      %dma_start3A_1148 = tpu.memref_slice %arg7[%dma_start3A_1139, %dma_start3A_1140, %dma_start3A_1147] : memref<2x20x128xi32, #tpu.memory_space<vmem>> -> memref<1x1x128xi32, #tpu.memory_space<vmem>>
      %dma_start3A_1149 = tpu.memref_squeeze %dma_start3A_1148 : memref<1x1x128xi32, #tpu.memory_space<vmem>> -> memref<128xi32, #tpu.memory_space<vmem>>
      %dma_start3A_1150 = arith.constant 0 : i32
      %dma_start3A_1151 = arith.constant 0 : i32
      %dma_start3A_1152 = tpu.memref_slice %arg2[%dma_start3A_1150, %dma_start3A_1151] : memref<87040x32xbf16, #tpu.memory_space<hbm>> -> memref<87040x32xbf16, #tpu.memory_space<hbm>>
      tpu.enqueue_indirect_dma source(%dma_start3A_1152 : memref<87040x32xbf16, #tpu.memory_space<hbm>>) target(%dma_start3A_1146 : memref<128x32xbf16, #tpu.memory_space<vmem>>) offsets(%dma_start3A_1149 : memref<128xi32, #tpu.memory_space<vmem>>) semaphore(%arg15 : memref<!tpu.dma_semaphore, #tpu.memory_space<semaphore_mem>>)
      %dma_start3A_1153 = arith.constant 0 : i32
      %dma_start3A_1154 = arith.constant 8 : i32
      %dma_start3A_1155 = arith.constant 0 : i32
      %dma_start3A_1156 = arith.constant 8 : i32
      %dma_start3A_1157 = arith.constant 0 : i32
      %dma_start3A_1158 = arith.constant 0 : i32
      %dma_start3A_1159 = tpu.memref_slice %arg9[%dma_start3A_1155, %dma_start3A_1156, %dma_start3A_1157, %dma_start3A_1158] : memref<2x20x128x32xbf16, #tpu.memory_space<vmem>> -> memref<1x1x128x32xbf16, #tpu.memory_space<vmem>>
      %dma_start3A_1160 = tpu.memref_squeeze %dma_start3A_1159 : memref<1x1x128x32xbf16, #tpu.memory_space<vmem>> -> memref<128x32xbf16, #tpu.memory_space<vmem>>
      %dma_start3A_1161 = arith.constant 0 : i32
      %dma_start3A_1162 = tpu.memref_slice %arg7[%dma_start3A_1153, %dma_start3A_1154, %dma_start3A_1161] : memref<2x20x128xi32, #tpu.memory_space<vmem>> -> memref<1x1x128xi32, #tpu.memory_space<vmem>>
      %dma_start3A_1163 = tpu.memref_squeeze %dma_start3A_1162 : memref<1x1x128xi32, #tpu.memory_space<vmem>> -> memref<128xi32, #tpu.memory_space<vmem>>
      %dma_start3A_1164 = arith.constant 0 : i32
      %dma_start3A_1165 = arith.constant 0 : i32
      %dma_start3A_1166 = tpu.memref_slice %arg2[%dma_start3A_1164, %dma_start3A_1165] : memref<87040x32xbf16, #tpu.memory_space<hbm>> -> memref<87040x32xbf16, #tpu.memory_space<hbm>>
      tpu.enqueue_indirect_dma source(%dma_start3A_1166 : memref<87040x32xbf16, #tpu.memory_space<hbm>>) target(%dma_start3A_1160 : memref<128x32xbf16, #tpu.memory_space<vmem>>) offsets(%dma_start3A_1163 : memref<128xi32, #tpu.memory_space<vmem>>) semaphore(%arg15 : memref<!tpu.dma_semaphore, #tpu.memory_space<semaphore_mem>>)
      %dma_start3A_1167 = arith.constant 0 : i32
      %dma_start3A_1168 = arith.constant 9 : i32
      %dma_start3A_1169 = arith.constant 0 : i32
      %dma_start3A_1170 = arith.constant 9 : i32
      %dma_start3A_1171 = arith.constant 0 : i32
      %dma_start3A_1172 = arith.constant 0 : i32
      %dma_start3A_1173 = tpu.memref_slice %arg9[%dma_start3A_1169, %dma_start3A_1170, %dma_start3A_1171, %dma_start3A_1172] : memref<2x20x128x32xbf16, #tpu.memory_space<vmem>> -> memref<1x1x128x32xbf16, #tpu.memory_space<vmem>>
      %dma_start3A_1174 = tpu.memref_squeeze %dma_start3A_1173 : memref<1x1x128x32xbf16, #tpu.memory_space<vmem>> -> memref<128x32xbf16, #tpu.memory_space<vmem>>
      %dma_start3A_1175 = arith.constant 0 : i32
      %dma_start3A_1176 = tpu.memref_slice %arg7[%dma_start3A_1167, %dma_start3A_1168, %dma_start3A_1175] : memref<2x20x128xi32, #tpu.memory_space<vmem>> -> memref<1x1x128xi32, #tpu.memory_space<vmem>>
      %dma_start3A_1177 = tpu.memref_squeeze %dma_start3A_1176 : memref<1x1x128xi32, #tpu.memory_space<vmem>> -> memref<128xi32, #tpu.memory_space<vmem>>
      %dma_start3A_1178 = arith.constant 0 : i32
      %dma_start3A_1179 = arith.constant 0 : i32
      %dma_start3A_1180 = tpu.memref_slice %arg2[%dma_start3A_1178, %dma_start3A_1179] : memref<87040x32xbf16, #tpu.memory_space<hbm>> -> memref<87040x32xbf16, #tpu.memory_space<hbm>>
      tpu.enqueue_indirect_dma source(%dma_start3A_1180 : memref<87040x32xbf16, #tpu.memory_space<hbm>>) target(%dma_start3A_1174 : memref<128x32xbf16, #tpu.memory_space<vmem>>) offsets(%dma_start3A_1177 : memref<128xi32, #tpu.memory_space<vmem>>) semaphore(%arg15 : memref<!tpu.dma_semaphore, #tpu.memory_space<semaphore_mem>>)
      %dma_start3A_1181 = arith.constant 0 : i32
      %dma_start3A_1182 = arith.constant 10 : i32
      %dma_start3A_1183 = arith.constant 0 : i32
      %dma_start3A_1184 = arith.constant 10 : i32
      %dma_start3A_1185 = arith.constant 0 : i32
      %dma_start3A_1186 = arith.constant 0 : i32
      %dma_start3A_1187 = tpu.memref_slice %arg9[%dma_start3A_1183, %dma_start3A_1184, %dma_start3A_1185, %dma_start3A_1186] : memref<2x20x128x32xbf16, #tpu.memory_space<vmem>> -> memref<1x1x128x32xbf16, #tpu.memory_space<vmem>>
      %dma_start3A_1188 = tpu.memref_squeeze %dma_start3A_1187 : memref<1x1x128x32xbf16, #tpu.memory_space<vmem>> -> memref<128x32xbf16, #tpu.memory_space<vmem>>
      %dma_start3A_1189 = arith.constant 0 : i32
      %dma_start3A_1190 = tpu.memref_slice %arg7[%dma_start3A_1181, %dma_start3A_1182, %dma_start3A_1189] : memref<2x20x128xi32, #tpu.memory_space<vmem>> -> memref<1x1x128xi32, #tpu.memory_space<vmem>>
      %dma_start3A_1191 = tpu.memref_squeeze %dma_start3A_1190 : memref<1x1x128xi32, #tpu.memory_space<vmem>> -> memref<128xi32, #tpu.memory_space<vmem>>
      %dma_start3A_1192 = arith.constant 0 : i32
      %dma_start3A_1193 = arith.constant 0 : i32
      %dma_start3A_1194 = tpu.memref_slice %arg2[%dma_start3A_1192, %dma_start3A_1193] : memref<87040x32xbf16, #tpu.memory_space<hbm>> -> memref<87040x32xbf16, #tpu.memory_space<hbm>>
      tpu.enqueue_indirect_dma source(%dma_start3A_1194 : memref<87040x32xbf16, #tpu.memory_space<hbm>>) target(%dma_start3A_1188 : memref<128x32xbf16, #tpu.memory_space<vmem>>) offsets(%dma_start3A_1191 : memref<128xi32, #tpu.memory_space<vmem>>) semaphore(%arg15 : memref<!tpu.dma_semaphore, #tpu.memory_space<semaphore_mem>>)
      %dma_start3A_1195 = arith.constant 0 : i32
      %dma_start3A_1196 = arith.constant 11 : i32
      %dma_start3A_1197 = arith.constant 0 : i32
      %dma_start3A_1198 = arith.constant 11 : i32
      %dma_start3A_1199 = arith.constant 0 : i32
      %dma_start3A_1200 = arith.constant 0 : i32
      %dma_start3A_1201 = tpu.memref_slice %arg9[%dma_start3A_1197, %dma_start3A_1198, %dma_start3A_1199, %dma_start3A_1200] : memref<2x20x128x32xbf16, #tpu.memory_space<vmem>> -> memref<1x1x128x32xbf16, #tpu.memory_space<vmem>>
      %dma_start3A_1202 = tpu.memref_squeeze %dma_start3A_1201 : memref<1x1x128x32xbf16, #tpu.memory_space<vmem>> -> memref<128x32xbf16, #tpu.memory_space<vmem>>
      %dma_start3A_1203 = arith.constant 0 : i32
      %dma_start3A_1204 = tpu.memref_slice %arg7[%dma_start3A_1195, %dma_start3A_1196, %dma_start3A_1203] : memref<2x20x128xi32, #tpu.memory_space<vmem>> -> memref<1x1x128xi32, #tpu.memory_space<vmem>>
      %dma_start3A_1205 = tpu.memref_squeeze %dma_start3A_1204 : memref<1x1x128xi32, #tpu.memory_space<vmem>> -> memref<128xi32, #tpu.memory_space<vmem>>
      %dma_start3A_1206 = arith.constant 0 : i32
      %dma_start3A_1207 = arith.constant 0 : i32
      %dma_start3A_1208 = tpu.memref_slice %arg2[%dma_start3A_1206, %dma_start3A_1207] : memref<87040x32xbf16, #tpu.memory_space<hbm>> -> memref<87040x32xbf16, #tpu.memory_space<hbm>>
      tpu.enqueue_indirect_dma source(%dma_start3A_1208 : memref<87040x32xbf16, #tpu.memory_space<hbm>>) target(%dma_start3A_1202 : memref<128x32xbf16, #tpu.memory_space<vmem>>) offsets(%dma_start3A_1205 : memref<128xi32, #tpu.memory_space<vmem>>) semaphore(%arg15 : memref<!tpu.dma_semaphore, #tpu.memory_space<semaphore_mem>>)
      %dma_start3A_1209 = arith.constant 0 : i32
      %dma_start3A_1210 = arith.constant 12 : i32
      %dma_start3A_1211 = arith.constant 0 : i32
      %dma_start3A_1212 = arith.constant 12 : i32
      %dma_start3A_1213 = arith.constant 0 : i32
      %dma_start3A_1214 = arith.constant 0 : i32
      %dma_start3A_1215 = tpu.memref_slice %arg9[%dma_start3A_1211, %dma_start3A_1212, %dma_start3A_1213, %dma_start3A_1214] : memref<2x20x128x32xbf16, #tpu.memory_space<vmem>> -> memref<1x1x128x32xbf16, #tpu.memory_space<vmem>>
      %dma_start3A_1216 = tpu.memref_squeeze %dma_start3A_1215 : memref<1x1x128x32xbf16, #tpu.memory_space<vmem>> -> memref<128x32xbf16, #tpu.memory_space<vmem>>
      %dma_start3A_1217 = arith.constant 0 : i32
      %dma_start3A_1218 = tpu.memref_slice %arg7[%dma_start3A_1209, %dma_start3A_1210, %dma_start3A_1217] : memref<2x20x128xi32, #tpu.memory_space<vmem>> -> memref<1x1x128xi32, #tpu.memory_space<vmem>>
      %dma_start3A_1219 = tpu.memref_squeeze %dma_start3A_1218 : memref<1x1x128xi32, #tpu.memory_space<vmem>> -> memref<128xi32, #tpu.memory_space<vmem>>
      %dma_start3A_1220 = arith.constant 0 : i32
      %dma_start3A_1221 = arith.constant 0 : i32
      %dma_start3A_1222 = tpu.memref_slice %arg2[%dma_start3A_1220, %dma_start3A_1221] : memref<87040x32xbf16, #tpu.memory_space<hbm>> -> memref<87040x32xbf16, #tpu.memory_space<hbm>>
      tpu.enqueue_indirect_dma source(%dma_start3A_1222 : memref<87040x32xbf16, #tpu.memory_space<hbm>>) target(%dma_start3A_1216 : memref<128x32xbf16, #tpu.memory_space<vmem>>) offsets(%dma_start3A_1219 : memref<128xi32, #tpu.memory_space<vmem>>) semaphore(%arg15 : memref<!tpu.dma_semaphore, #tpu.memory_space<semaphore_mem>>)
      %dma_start3A_1223 = arith.constant 0 : i32
      %dma_start3A_1224 = arith.constant 13 : i32
      %dma_start3A_1225 = arith.constant 0 : i32
      %dma_start3A_1226 = arith.constant 13 : i32
      %dma_start3A_1227 = arith.constant 0 : i32
      %dma_start3A_1228 = arith.constant 0 : i32
      %dma_start3A_1229 = tpu.memref_slice %arg9[%dma_start3A_1225, %dma_start3A_1226, %dma_start3A_1227, %dma_start3A_1228] : memref<2x20x128x32xbf16, #tpu.memory_space<vmem>> -> memref<1x1x128x32xbf16, #tpu.memory_space<vmem>>
      %dma_start3A_1230 = tpu.memref_squeeze %dma_start3A_1229 : memref<1x1x128x32xbf16, #tpu.memory_space<vmem>> -> memref<128x32xbf16, #tpu.memory_space<vmem>>
      %dma_start3A_1231 = arith.constant 0 : i32
      %dma_start3A_1232 = tpu.memref_slice %arg7[%dma_start3A_1223, %dma_start3A_1224, %dma_start3A_1231] : memref<2x20x128xi32, #tpu.memory_space<vmem>> -> memref<1x1x128xi32, #tpu.memory_space<vmem>>
      %dma_start3A_1233 = tpu.memref_squeeze %dma_start3A_1232 : memref<1x1x128xi32, #tpu.memory_space<vmem>> -> memref<128xi32, #tpu.memory_space<vmem>>
      %dma_start3A_1234 = arith.constant 0 : i32
      %dma_start3A_1235 = arith.constant 0 : i32
      %dma_start3A_1236 = tpu.memref_slice %arg2[%dma_start3A_1234, %dma_start3A_1235] : memref<87040x32xbf16, #tpu.memory_space<hbm>> -> memref<87040x32xbf16, #tpu.memory_space<hbm>>
      tpu.enqueue_indirect_dma source(%dma_start3A_1236 : memref<87040x32xbf16, #tpu.memory_space<hbm>>) target(%dma_start3A_1230 : memref<128x32xbf16, #tpu.memory_space<vmem>>) offsets(%dma_start3A_1233 : memref<128xi32, #tpu.memory_space<vmem>>) semaphore(%arg15 : memref<!tpu.dma_semaphore, #tpu.memory_space<semaphore_mem>>)
      %dma_start3A_1237 = arith.constant 0 : i32
      %dma_start3A_1238 = arith.constant 14 : i32
      %dma_start3A_1239 = arith.constant 0 : i32
      %dma_start3A_1240 = arith.constant 14 : i32
      %dma_start3A_1241 = arith.constant 0 : i32
      %dma_start3A_1242 = arith.constant 0 : i32
      %dma_start3A_1243 = tpu.memref_slice %arg9[%dma_start3A_1239, %dma_start3A_1240, %dma_start3A_1241, %dma_start3A_1242] : memref<2x20x128x32xbf16, #tpu.memory_space<vmem>> -> memref<1x1x128x32xbf16, #tpu.memory_space<vmem>>
      %dma_start3A_1244 = tpu.memref_squeeze %dma_start3A_1243 : memref<1x1x128x32xbf16, #tpu.memory_space<vmem>> -> memref<128x32xbf16, #tpu.memory_space<vmem>>
      %dma_start3A_1245 = arith.constant 0 : i32
      %dma_start3A_1246 = tpu.memref_slice %arg7[%dma_start3A_1237, %dma_start3A_1238, %dma_start3A_1245] : memref<2x20x128xi32, #tpu.memory_space<vmem>> -> memref<1x1x128xi32, #tpu.memory_space<vmem>>
      %dma_start3A_1247 = tpu.memref_squeeze %dma_start3A_1246 : memref<1x1x128xi32, #tpu.memory_space<vmem>> -> memref<128xi32, #tpu.memory_space<vmem>>
      %dma_start3A_1248 = arith.constant 0 : i32
      %dma_start3A_1249 = arith.constant 0 : i32
      %dma_start3A_1250 = tpu.memref_slice %arg2[%dma_start3A_1248, %dma_start3A_1249] : memref<87040x32xbf16, #tpu.memory_space<hbm>> -> memref<87040x32xbf16, #tpu.memory_space<hbm>>
      tpu.enqueue_indirect_dma source(%dma_start3A_1250 : memref<87040x32xbf16, #tpu.memory_space<hbm>>) target(%dma_start3A_1244 : memref<128x32xbf16, #tpu.memory_space<vmem>>) offsets(%dma_start3A_1247 : memref<128xi32, #tpu.memory_space<vmem>>) semaphore(%arg15 : memref<!tpu.dma_semaphore, #tpu.memory_space<semaphore_mem>>)
      %dma_start3A_1251 = arith.constant 0 : i32
      %dma_start3A_1252 = arith.constant 15 : i32
      %dma_start3A_1253 = arith.constant 0 : i32
      %dma_start3A_1254 = arith.constant 15 : i32
      %dma_start3A_1255 = arith.constant 0 : i32
      %dma_start3A_1256 = arith.constant 0 : i32
      %dma_start3A_1257 = tpu.memref_slice %arg9[%dma_start3A_1253, %dma_start3A_1254, %dma_start3A_1255, %dma_start3A_1256] : memref<2x20x128x32xbf16, #tpu.memory_space<vmem>> -> memref<1x1x128x32xbf16, #tpu.memory_space<vmem>>
      %dma_start3A_1258 = tpu.memref_squeeze %dma_start3A_1257 : memref<1x1x128x32xbf16, #tpu.memory_space<vmem>> -> memref<128x32xbf16, #tpu.memory_space<vmem>>
      %dma_start3A_1259 = arith.constant 0 : i32
      %dma_start3A_1260 = tpu.memref_slice %arg7[%dma_start3A_1251, %dma_start3A_1252, %dma_start3A_1259] : memref<2x20x128xi32, #tpu.memory_space<vmem>> -> memref<1x1x128xi32, #tpu.memory_space<vmem>>
      %dma_start3A_1261 = tpu.memref_squeeze %dma_start3A_1260 : memref<1x1x128xi32, #tpu.memory_space<vmem>> -> memref<128xi32, #tpu.memory_space<vmem>>
      %dma_start3A_1262 = arith.constant 0 : i32
      %dma_start3A_1263 = arith.constant 0 : i32
      %dma_start3A_1264 = tpu.memref_slice %arg2[%dma_start3A_1262, %dma_start3A_1263] : memref<87040x32xbf16, #tpu.memory_space<hbm>> -> memref<87040x32xbf16, #tpu.memory_space<hbm>>
      tpu.enqueue_indirect_dma source(%dma_start3A_1264 : memref<87040x32xbf16, #tpu.memory_space<hbm>>) target(%dma_start3A_1258 : memref<128x32xbf16, #tpu.memory_space<vmem>>) offsets(%dma_start3A_1261 : memref<128xi32, #tpu.memory_space<vmem>>) semaphore(%arg15 : memref<!tpu.dma_semaphore, #tpu.memory_space<semaphore_mem>>)
      %dma_start3A_1265 = arith.constant 0 : i32
      %dma_start3A_1266 = arith.constant 16 : i32
      %dma_start3A_1267 = arith.constant 0 : i32
      %dma_start3A_1268 = arith.constant 16 : i32
      %dma_start3A_1269 = arith.constant 0 : i32
      %dma_start3A_1270 = arith.constant 0 : i32
      %dma_start3A_1271 = tpu.memref_slice %arg9[%dma_start3A_1267, %dma_start3A_1268, %dma_start3A_1269, %dma_start3A_1270] : memref<2x20x128x32xbf16, #tpu.memory_space<vmem>> -> memref<1x1x128x32xbf16, #tpu.memory_space<vmem>>
      %dma_start3A_1272 = tpu.memref_squeeze %dma_start3A_1271 : memref<1x1x128x32xbf16, #tpu.memory_space<vmem>> -> memref<128x32xbf16, #tpu.memory_space<vmem>>
      %dma_start3A_1273 = arith.constant 0 : i32
      %dma_start3A_1274 = tpu.memref_slice %arg7[%dma_start3A_1265, %dma_start3A_1266, %dma_start3A_1273] : memref<2x20x128xi32, #tpu.memory_space<vmem>> -> memref<1x1x128xi32, #tpu.memory_space<vmem>>
      %dma_start3A_1275 = tpu.memref_squeeze %dma_start3A_1274 : memref<1x1x128xi32, #tpu.memory_space<vmem>> -> memref<128xi32, #tpu.memory_space<vmem>>
      %dma_start3A_1276 = arith.constant 0 : i32
      %dma_start3A_1277 = arith.constant 0 : i32
      %dma_start3A_1278 = tpu.memref_slice %arg2[%dma_start3A_1276, %dma_start3A_1277] : memref<87040x32xbf16, #tpu.memory_space<hbm>> -> memref<87040x32xbf16, #tpu.memory_space<hbm>>
      tpu.enqueue_indirect_dma source(%dma_start3A_1278 : memref<87040x32xbf16, #tpu.memory_space<hbm>>) target(%dma_start3A_1272 : memref<128x32xbf16, #tpu.memory_space<vmem>>) offsets(%dma_start3A_1275 : memref<128xi32, #tpu.memory_space<vmem>>) semaphore(%arg15 : memref<!tpu.dma_semaphore, #tpu.memory_space<semaphore_mem>>)
      %dma_start3A_1279 = arith.constant 0 : i32
      %dma_start3A_1280 = arith.constant 17 : i32
      %dma_start3A_1281 = arith.constant 0 : i32
      %dma_start3A_1282 = arith.constant 17 : i32
      %dma_start3A_1283 = arith.constant 0 : i32
      %dma_start3A_1284 = arith.constant 0 : i32
      %dma_start3A_1285 = tpu.memref_slice %arg9[%dma_start3A_1281, %dma_start3A_1282, %dma_start3A_1283, %dma_start3A_1284] : memref<2x20x128x32xbf16, #tpu.memory_space<vmem>> -> memref<1x1x128x32xbf16, #tpu.memory_space<vmem>>
      %dma_start3A_1286 = tpu.memref_squeeze %dma_start3A_1285 : memref<1x1x128x32xbf16, #tpu.memory_space<vmem>> -> memref<128x32xbf16, #tpu.memory_space<vmem>>
      %dma_start3A_1287 = arith.constant 0 : i32
      %dma_start3A_1288 = tpu.memref_slice %arg7[%dma_start3A_1279, %dma_start3A_1280, %dma_start3A_1287] : memref<2x20x128xi32, #tpu.memory_space<vmem>> -> memref<1x1x128xi32, #tpu.memory_space<vmem>>
      %dma_start3A_1289 = tpu.memref_squeeze %dma_start3A_1288 : memref<1x1x128xi32, #tpu.memory_space<vmem>> -> memref<128xi32, #tpu.memory_space<vmem>>
      %dma_start3A_1290 = arith.constant 0 : i32
      %dma_start3A_1291 = arith.constant 0 : i32
      %dma_start3A_1292 = tpu.memref_slice %arg2[%dma_start3A_1290, %dma_start3A_1291] : memref<87040x32xbf16, #tpu.memory_space<hbm>> -> memref<87040x32xbf16, #tpu.memory_space<hbm>>
      tpu.enqueue_indirect_dma source(%dma_start3A_1292 : memref<87040x32xbf16, #tpu.memory_space<hbm>>) target(%dma_start3A_1286 : memref<128x32xbf16, #tpu.memory_space<vmem>>) offsets(%dma_start3A_1289 : memref<128xi32, #tpu.memory_space<vmem>>) semaphore(%arg15 : memref<!tpu.dma_semaphore, #tpu.memory_space<semaphore_mem>>)
      %dma_start3A_1293 = arith.constant 0 : i32
      %dma_start3A_1294 = arith.constant 18 : i32
      %dma_start3A_1295 = arith.constant 0 : i32
      %dma_start3A_1296 = arith.constant 18 : i32
      %dma_start3A_1297 = arith.constant 0 : i32
      %dma_start3A_1298 = arith.constant 0 : i32
      %dma_start3A_1299 = tpu.memref_slice %arg9[%dma_start3A_1295, %dma_start3A_1296, %dma_start3A_1297, %dma_start3A_1298] : memref<2x20x128x32xbf16, #tpu.memory_space<vmem>> -> memref<1x1x128x32xbf16, #tpu.memory_space<vmem>>
      %dma_start3A_1300 = tpu.memref_squeeze %dma_start3A_1299 : memref<1x1x128x32xbf16, #tpu.memory_space<vmem>> -> memref<128x32xbf16, #tpu.memory_space<vmem>>
      %dma_start3A_1301 = arith.constant 0 : i32
      %dma_start3A_1302 = tpu.memref_slice %arg7[%dma_start3A_1293, %dma_start3A_1294, %dma_start3A_1301] : memref<2x20x128xi32, #tpu.memory_space<vmem>> -> memref<1x1x128xi32, #tpu.memory_space<vmem>>
      %dma_start3A_1303 = tpu.memref_squeeze %dma_start3A_1302 : memref<1x1x128xi32, #tpu.memory_space<vmem>> -> memref<128xi32, #tpu.memory_space<vmem>>
      %dma_start3A_1304 = arith.constant 0 : i32
      %dma_start3A_1305 = arith.constant 0 : i32
      %dma_start3A_1306 = tpu.memref_slice %arg2[%dma_start3A_1304, %dma_start3A_1305] : memref<87040x32xbf16, #tpu.memory_space<hbm>> -> memref<87040x32xbf16, #tpu.memory_space<hbm>>
      tpu.enqueue_indirect_dma source(%dma_start3A_1306 : memref<87040x32xbf16, #tpu.memory_space<hbm>>) target(%dma_start3A_1300 : memref<128x32xbf16, #tpu.memory_space<vmem>>) offsets(%dma_start3A_1303 : memref<128xi32, #tpu.memory_space<vmem>>) semaphore(%arg15 : memref<!tpu.dma_semaphore, #tpu.memory_space<semaphore_mem>>)
      %dma_start3A_1307 = arith.constant 0 : i32
      %dma_start3A_1308 = arith.constant 19 : i32
      %dma_start3A_1309 = arith.constant 0 : i32
      %dma_start3A_1310 = arith.constant 19 : i32
      %dma_start3A_1311 = arith.constant 0 : i32
      %dma_start3A_1312 = arith.constant 0 : i32
      %dma_start3A_1313 = tpu.memref_slice %arg9[%dma_start3A_1309, %dma_start3A_1310, %dma_start3A_1311, %dma_start3A_1312] : memref<2x20x128x32xbf16, #tpu.memory_space<vmem>> -> memref<1x1x128x32xbf16, #tpu.memory_space<vmem>>
      %dma_start3A_1314 = tpu.memref_squeeze %dma_start3A_1313 : memref<1x1x128x32xbf16, #tpu.memory_space<vmem>> -> memref<128x32xbf16, #tpu.memory_space<vmem>>
      %dma_start3A_1315 = arith.constant 0 : i32
      %dma_start3A_1316 = tpu.memref_slice %arg7[%dma_start3A_1307, %dma_start3A_1308, %dma_start3A_1315] : memref<2x20x128xi32, #tpu.memory_space<vmem>> -> memref<1x1x128xi32, #tpu.memory_space<vmem>>
      %dma_start3A_1317 = tpu.memref_squeeze %dma_start3A_1316 : memref<1x1x128xi32, #tpu.memory_space<vmem>> -> memref<128xi32, #tpu.memory_space<vmem>>
      %dma_start3A_1318 = arith.constant 0 : i32
      %dma_start3A_1319 = arith.constant 0 : i32
      %dma_start3A_1320 = tpu.memref_slice %arg2[%dma_start3A_1318, %dma_start3A_1319] : memref<87040x32xbf16, #tpu.memory_space<hbm>> -> memref<87040x32xbf16, #tpu.memory_space<hbm>>
      tpu.enqueue_indirect_dma source(%dma_start3A_1320 : memref<87040x32xbf16, #tpu.memory_space<hbm>>) target(%dma_start3A_1314 : memref<128x32xbf16, #tpu.memory_space<vmem>>) offsets(%dma_start3A_1317 : memref<128xi32, #tpu.memory_space<vmem>>) semaphore(%arg15 : memref<!tpu.dma_semaphore, #tpu.memory_space<semaphore_mem>>)
      %dma_wait3A_1321 = arith.constant 1 : i32
      %dma_wait3A_1322 = arith.constant 0 : i32
      %dma_wait3A_1323 = arith.constant 0 : i32
      %dma_wait3A_1324 = arith.constant 0 : i32
      %dma_wait3A_1325 = tpu.memref_slice %arg9[%dma_wait3A_1321, %dma_wait3A_1322, %dma_wait3A_1323, %dma_wait3A_1324] : memref<2x20x128x32xbf16, #tpu.memory_space<vmem>> -> memref<1x20x128x32xbf16, #tpu.memory_space<vmem>>
      %dma_wait3A_1326 = tpu.memref_squeeze %dma_wait3A_1325 : memref<1x20x128x32xbf16, #tpu.memory_space<vmem>> -> memref<20x128x32xbf16, #tpu.memory_space<vmem>>
      %dma_wait3A_1327 = arith.constant 0 : i32
      %dma_wait3A_1328 = arith.constant 0 : i32
      %dma_wait3A_1329 = arith.constant 0 : i32
      %dma_wait3A_1330 = tpu.memref_slice %arg9[%dma_wait3A_1321, %dma_wait3A_1327, %dma_wait3A_1328, %dma_wait3A_1329] : memref<2x20x128x32xbf16, #tpu.memory_space<vmem>> -> memref<1x20x128x32xbf16, #tpu.memory_space<vmem>>
      %dma_wait3A_1331 = tpu.memref_squeeze %dma_wait3A_1330 : memref<1x20x128x32xbf16, #tpu.memory_space<vmem>> -> memref<20x128x32xbf16, #tpu.memory_space<vmem>>
      tpu.wait_dma2 semaphore(%arg16 : memref<!tpu.dma_semaphore, #tpu.memory_space<semaphore_mem>>) src(%arg5 : memref<20x128x32xbf16, #tpu.memory_space<hbm>>) dst(%dma_wait3A_1331 : memref<20x128x32xbf16, #tpu.memory_space<vmem>>)
      %add3A_1332 = arith.constant 2 : i32
      %add3A_1333 = arith.addi %add3A_996, %add3A_1332 : i32
      %min3A_1334 = arith.constant 67 : i32
      %min3A_1335 = arith.minsi %add3A_1333, %min3A_1334 : i32
      %mul3A_1336 = arith.constant 40 : i32
      %mul3A_1337 = arith.muli %min3A_1335, %mul3A_1336 : i32
      %add3A_1338 = arith.addi %mul3A_2, %mul3A_1337 : i32
      %jit3A_1339 = arith.constant 2 : i32
      %div3A_1340 = arith.divsi %add3A_1338, %jit3A_1339 : i32
      %sign3A_1341 = arith.constant 0 : i32
      %sign3A_1342 = arith.cmpi sgt, %add3A_1338, %sign3A_1341 : i32
      %sign3A_1343 = arith.extui %sign3A_1342 : i1 to i32
      %sign3A_1344 = arith.constant 0 : i32
      %sign3A_1345 = arith.cmpi slt, %add3A_1338, %sign3A_1344 : i32
      %sign3A_1346 = arith.extui %sign3A_1345 : i1 to i32
      %sign3A_1347 = arith.subi %sign3A_1343, %sign3A_1346 : i32
      %sign3A_1348 = arith.constant 0 : i32
      %sign3A_1349 = arith.cmpi sgt, %jit3A_1339, %sign3A_1348 : i32
      %sign3A_1350 = arith.extui %sign3A_1349 : i1 to i32
      %sign3A_1351 = arith.constant 0 : i32
      %sign3A_1352 = arith.cmpi slt, %jit3A_1339, %sign3A_1351 : i32
      %sign3A_1353 = arith.extui %sign3A_1352 : i1 to i32
      %sign3A_1354 = arith.subi %sign3A_1350, %sign3A_1353 : i32
      %ne3A_1355 = arith.cmpi ne, %sign3A_1347, %sign3A_1354 : i32
      %rem3A_1356 = arith.remsi %add3A_1338, %jit3A_1339 : i32
      %ne3A_1357 = arith.constant 0 : i32
      %ne3A_1358 = arith.cmpi ne, %rem3A_1356, %ne3A_1357 : i32
      %and3A_1359 = arith.andi %ne3A_1355, %ne3A_1358 : i1
      %sub3A_1360 = arith.constant 1 : i32
      %sub3A_1361 = arith.subi %div3A_1340, %sub3A_1360 : i32
      %select_n3A_1362 = arith.select %and3A_1359, %sub3A_1361, %div3A_1340 : i32
      %dma_start3A_1363 = arith.constant 1 : i32
      %dma_start3A_1364 = arith.constant 0 : i32
      %dma_start3A_1365 = arith.constant 0 : i32
      %dma_start3A_1366 = tpu.memref_slice %arg7[%dma_start3A_1363, %dma_start3A_1364, %dma_start3A_1365] : memref<2x20x128xi32, #tpu.memory_space<vmem>> -> memref<1x20x128xi32, #tpu.memory_space<vmem>>
      %dma_start3A_1367 = tpu.memref_squeeze %dma_start3A_1366 : memref<1x20x128xi32, #tpu.memory_space<vmem>> -> memref<20x128xi32, #tpu.memory_space<vmem>>
      %dma_start3A_1368 = arith.constant 0 : i32
      %dma_start3A_1369 = tpu.memref_slice %arg3[%select_n3A_1362, %dma_start3A_1368] : memref<43520x128xi32, #tpu.memory_space<hbm>> -> memref<20x128xi32, #tpu.memory_space<hbm>>
      %dma_start3A_1370 = arith.constant 0 : i32
      %dma_start3A_1371 = arith.constant 0 : i32
      %dma_start3A_1372 = tpu.memref_slice %arg7[%dma_start3A_1363, %dma_start3A_1370, %dma_start3A_1371] : memref<2x20x128xi32, #tpu.memory_space<vmem>> -> memref<1x20x128xi32, #tpu.memory_space<vmem>>
      %dma_start3A_1373 = tpu.memref_squeeze %dma_start3A_1372 : memref<1x20x128xi32, #tpu.memory_space<vmem>> -> memref<20x128xi32, #tpu.memory_space<vmem>>
      %dma_start3A_1374 = arith.constant 0 : i32
      %dma_start3A_1375 = tpu.memref_slice %arg3[%select_n3A_1362, %dma_start3A_1374] : memref<43520x128xi32, #tpu.memory_space<hbm>> -> memref<20x128xi32, #tpu.memory_space<hbm>>
      tpu.enqueue_dma source(%dma_start3A_1375 : memref<20x128xi32, #tpu.memory_space<hbm>>) target(%dma_start3A_1373 : memref<20x128xi32, #tpu.memory_space<vmem>>) target_semaphore(%arg12 : memref<!tpu.dma_semaphore, #tpu.memory_space<semaphore_mem>>)
      %ge3A_1376 = arith.constant 2 : i32
      %ge3A_1377 = arith.cmpi sge, %add3A_996, %ge3A_1376 : i32
      %convert_element_type3A_1378 = arith.extui %ge3A_1377 : i1 to i32
      %cond3A_1379 = arith.constant 0 : i32
      %cond3A_1380 = arith.cmpi ne, %convert_element_type3A_1378, %cond3A_1379 : i32
      scf.if %cond3A_1380 {
        %sub3A_1437 = arith.constant 2 : i32
        %sub3A_1438 = arith.subi %add3A_996, %sub3A_1437 : i32
        %mul3A_1439 = arith.constant 40 : i32
        %mul3A_1440 = arith.muli %sub3A_1438, %mul3A_1439 : i32
        %add3A_1441 = arith.addi %mul3A_2, %mul3A_1440 : i32
        %mul3A_1442 = arith.constant 32 : i32
        %mul3A_1443 = arith.muli %add3A_1441, %mul3A_1442 : i32
        %dma_wait3A_1444 = arith.constant 1 : i32
        %dma_wait3A_1445 = arith.constant 0 : i32
        %dma_wait3A_1446 = tpu.memref_slice %arg10[%dma_wait3A_1444, %dma_wait3A_1445] : memref<2x1280xf32, #tpu.memory_space<vmem>> -> memref<1x1280xf32, #tpu.memory_space<vmem>>
        %dma_wait3A_1447 = tpu.memref_squeeze %dma_wait3A_1446 : memref<1x1280xf32, #tpu.memory_space<vmem>> -> memref<1280xf32, #tpu.memory_space<vmem>>
        %dma_wait3A_1448 = tpu.memref_slice %arg6[%mul3A_1443] : memref<2785280xf32, #tpu.memory_space<hbm>> -> memref<1280xf32, #tpu.memory_space<hbm>>
        %dma_wait3A_1449 = tpu.memref_slice %arg6[%mul3A_1443] : memref<2785280xf32, #tpu.memory_space<hbm>> -> memref<1280xf32, #tpu.memory_space<hbm>>
        %dma_wait3A_1450 = arith.constant 0 : i32
        %dma_wait3A_1451 = tpu.memref_slice %arg10[%dma_wait3A_1444, %dma_wait3A_1450] : memref<2x1280xf32, #tpu.memory_space<vmem>> -> memref<1x1280xf32, #tpu.memory_space<vmem>>
        %dma_wait3A_1452 = tpu.memref_squeeze %dma_wait3A_1451 : memref<1x1280xf32, #tpu.memory_space<vmem>> -> memref<1280xf32, #tpu.memory_space<vmem>>
        tpu.wait_dma2 semaphore(%arg18 : memref<!tpu.dma_semaphore, #tpu.memory_space<semaphore_mem>>) src(%dma_wait3A_1452 : memref<1280xf32, #tpu.memory_space<vmem>>) dst(%dma_wait3A_1449 : memref<1280xf32, #tpu.memory_space<hbm>>)
      } else {
      }
      %min3A_1381 = arith.constant 67 : i32
      %min3A_1382 = arith.minsi %add3A_996, %min3A_1381 : i32
      %mul3A_1383 = arith.constant 40 : i32
      %mul3A_1384 = arith.muli %min3A_1382, %mul3A_1383 : i32
      %add3A_1385 = arith.addi %mul3A_2, %mul3A_1384 : i32
      %mul3A_1386 = arith.constant 64 : i32
      %mul3A_1387 = arith.muli %add3A_1385, %mul3A_1386 : i32
      %dma_wait3A_1388 = arith.constant 1 : i32
      %dma_wait3A_1389 = arith.constant 0 : i32
      %dma_wait3A_1390 = tpu.memref_slice %arg8[%dma_wait3A_1388, %dma_wait3A_1389] : memref<2x2560xf32, #tpu.memory_space<vmem>> -> memref<1x2560xf32, #tpu.memory_space<vmem>>
      %dma_wait3A_1391 = tpu.memref_squeeze %dma_wait3A_1390 : memref<1x2560xf32, #tpu.memory_space<vmem>> -> memref<2560xf32, #tpu.memory_space<vmem>>
      %dma_wait3A_1392 = tpu.memref_slice %arg4[%mul3A_1387] : memref<5570560xf32, #tpu.memory_space<hbm>> -> memref<2560xf32, #tpu.memory_space<hbm>>
      %dma_wait3A_1393 = arith.constant 0 : i32
      %dma_wait3A_1394 = tpu.memref_slice %arg8[%dma_wait3A_1388, %dma_wait3A_1393] : memref<2x2560xf32, #tpu.memory_space<vmem>> -> memref<1x2560xf32, #tpu.memory_space<vmem>>
      %dma_wait3A_1395 = tpu.memref_squeeze %dma_wait3A_1394 : memref<1x2560xf32, #tpu.memory_space<vmem>> -> memref<2560xf32, #tpu.memory_space<vmem>>
      %dma_wait3A_1396 = tpu.memref_slice %arg4[%mul3A_1387] : memref<5570560xf32, #tpu.memory_space<hbm>> -> memref<2560xf32, #tpu.memory_space<hbm>>
      tpu.wait_dma2 semaphore(%arg14 : memref<!tpu.dma_semaphore, #tpu.memory_space<semaphore_mem>>) src(%dma_wait3A_1396 : memref<2560xf32, #tpu.memory_space<hbm>>) dst(%dma_wait3A_1395 : memref<2560xf32, #tpu.memory_space<vmem>>)
      %scan3A_1397 = arith.constant 0 : i32
      %scan3A_1398 = arith.constant 0 : i32
      %scan3A_1399 = arith.constant 40 : i32
      %scan3A_1400 = arith.addi %scan3A_1398, %scan3A_1399 : i32
      %scan3A_1401 = arith.constant 1 : i32
      %scan3A_1402 = scf.for %scan3A_1437 = %scan3A_1398 to %scan3A_1400 step %scan3A_1401 iter_args(%scan3A_1438 = %scan3A_1397) -> (i32)  : i32 {
        %jit3A_1439 = arith.constant 8 : i32
        %div3A_1440 = arith.divsi %scan3A_1437, %jit3A_1439 : i32
        %sign3A_1441 = arith.constant 0 : i32
        %sign3A_1442 = arith.cmpi sgt, %scan3A_1437, %sign3A_1441 : i32
        %sign3A_1443 = arith.extui %sign3A_1442 : i1 to i32
        %sign3A_1444 = arith.constant 0 : i32
        %sign3A_1445 = arith.cmpi slt, %scan3A_1437, %sign3A_1444 : i32
        %sign3A_1446 = arith.extui %sign3A_1445 : i1 to i32
        %sign3A_1447 = arith.subi %sign3A_1443, %sign3A_1446 : i32
        %sign3A_1448 = arith.constant 0 : i32
        %sign3A_1449 = arith.cmpi sgt, %jit3A_1439, %sign3A_1448 : i32
        %sign3A_1450 = arith.extui %sign3A_1449 : i1 to i32
        %sign3A_1451 = arith.constant 0 : i32
        %sign3A_1452 = arith.cmpi slt, %jit3A_1439, %sign3A_1451 : i32
        %sign3A_1453 = arith.extui %sign3A_1452 : i1 to i32
        %sign3A_1454 = arith.subi %sign3A_1450, %sign3A_1453 : i32
        %ne3A_1455 = arith.cmpi ne, %sign3A_1447, %sign3A_1454 : i32
        %rem3A_1456 = arith.remsi %scan3A_1437, %jit3A_1439 : i32
        %ne3A_1457 = arith.constant 0 : i32
        %ne3A_1458 = arith.cmpi ne, %rem3A_1456, %ne3A_1457 : i32
        %and3A_1459 = arith.andi %ne3A_1455, %ne3A_1458 : i1
        %sub3A_1460 = arith.constant 1 : i32
        %sub3A_1461 = arith.subi %div3A_1440, %sub3A_1460 : i32
        %select_n3A_1462 = arith.select %and3A_1459, %sub3A_1461, %div3A_1440 : i32
        %jit3A_1463 = arith.constant 8 : i32
        %eq3A = arith.constant 0 : i32
        %eq3A_1464 = arith.cmpi eq, %jit3A_1463, %eq3A : i32
        %jit3A_1465 = arith.constant 1 : i32
        %select_n3A_1466 = arith.select %eq3A_1464, %jit3A_1465, %jit3A_1463 : i32
        %rem3A_1467 = arith.remsi %scan3A_1437, %select_n3A_1466 : i32
        %ne3A_1468 = arith.constant 0 : i32
        %ne3A_1469 = arith.cmpi ne, %rem3A_1467, %ne3A_1468 : i32
        %lt3A = arith.constant 0 : i32
        %lt3A_1470 = arith.cmpi slt, %rem3A_1467, %lt3A : i32
        %lt3A_1471 = arith.constant 0 : i32
        %lt3A_1472 = arith.cmpi slt, %select_n3A_1466, %lt3A_1471 : i32
        %ne3A_1473 = arith.xori %lt3A_1470, %lt3A_1472 : i1
        %and3A_1474 = arith.andi %ne3A_1473, %ne3A_1469 : i1
        %add3A_1475 = arith.addi %rem3A_1467, %select_n3A_1466 : i32
        %select_n3A_1476 = arith.select %and3A_1474, %add3A_1475, %rem3A_1467 : i32
        %mul3A_1477 = arith.constant 512 : i32
        %mul3A_1478 = arith.muli %select_n3A_1462, %mul3A_1477 : i32
        %mul3A_1479 = arith.constant 16 : i32
        %mul3A_1480 = arith.muli %select_n3A_1476, %mul3A_1479 : i32
        %add3A_1481 = arith.addi %mul3A_1478, %mul3A_1480 : i32
        %get3A = arith.constant 1 : i32
        %get3A_1482 = arith.index_cast %get3A : i32 to index
        %get3A_1483 = arith.index_cast %add3A_1481 : i32 to index
        %get3A_1484 = tpu.vector_load %arg8[%get3A_1482, %get3A_1483] {strides = array<i32>} : memref<2x2560xf32, #tpu.memory_space<vmem>>, vector<16xf32>,
        %add3A_1485 = arith.addi %mul3A_1478, %mul3A_1480 : i32
        %add3A_1486 = arith.constant 128 : i32
        %add3A_1487 = arith.addi %add3A_1485, %add3A_1486 : i32
        %get3A_1488 = arith.constant 1 : i32
        %get3A_1489 = arith.index_cast %get3A_1488 : i32 to index
        %get3A_1490 = arith.index_cast %add3A_1487 : i32 to index
        %get3A_1491 = tpu.vector_load %arg8[%get3A_1489, %get3A_1490] {strides = array<i32>} : memref<2x2560xf32, #tpu.memory_space<vmem>>, vector<16xf32>,
        %add3A_1492 = arith.addi %mul3A_1478, %mul3A_1480 : i32
        %add3A_1493 = arith.constant 256 : i32
        %add3A_1494 = arith.addi %add3A_1492, %add3A_1493 : i32
        %get3A_1495 = arith.constant 1 : i32
        %get3A_1496 = arith.index_cast %get3A_1495 : i32 to index
        %get3A_1497 = arith.index_cast %add3A_1494 : i32 to index
        %get3A_1498 = tpu.vector_load %arg8[%get3A_1496, %get3A_1497] {strides = array<i32>} : memref<2x2560xf32, #tpu.memory_space<vmem>>, vector<16xf32>,
        %add3A_1499 = arith.addi %mul3A_1478, %mul3A_1480 : i32
        %add3A_1500 = arith.constant 384 : i32
        %add3A_1501 = arith.addi %add3A_1499, %add3A_1500 : i32
        %get3A_1502 = arith.constant 1 : i32
        %get3A_1503 = arith.index_cast %get3A_1502 : i32 to index
        %get3A_1504 = arith.index_cast %add3A_1501 : i32 to index
        %get3A_1505 = tpu.vector_load %arg8[%get3A_1503, %get3A_1504] {strides = array<i32>} : memref<2x2560xf32, #tpu.memory_space<vmem>>, vector<16xf32>,
        %broadcast_in_dim3A = arith.constant 0.000000e+00 : f32
        %broadcast_in_dim3A_1506 = vector.broadcast %broadcast_in_dim3A : f32 to vector<16xf32>
        %broadcast_in_dim3A_1507 = arith.constant 0.000000e+00 : f32
        %broadcast_in_dim3A_1508 = vector.broadcast %broadcast_in_dim3A_1507 : f32 to vector<16xf32>
        %add3A_1509 = arith.constant 0 : i32
        %add3A_1510 = arith.addi %mul3A_1480, %add3A_1509 : i32
        %broadcast_in_dim3A_1511 = arith.constant 0 : i32
        %broadcast_in_dim3A_1512 = vector.broadcast %broadcast_in_dim3A_1511 : i32 to vector<16xi32>
        %broadcast_in_dim3A_1513 = vector.shape_cast %broadcast_in_dim3A_1512 : vector<16xi32> to vector<16x1xi32>
        %gather3A = vector.shape_cast %broadcast_in_dim3A_1513 : vector<16x1xi32> to vector<16xi32>
        %gather3A_1514 = tpu.dynamic_gather %get3A_1484[%gather3A] in [0] : vector<16xf32>, vector<16xi32> -> vector<16xf32>
        %broadcast_in_dim3A_1515 = vector.shape_cast %broadcast_in_dim3A_1512 : vector<16xi32> to vector<16x1xi32>
        %gather3A_1516 = vector.shape_cast %broadcast_in_dim3A_1515 : vector<16x1xi32> to vector<16xi32>
        %gather3A_1517 = tpu.dynamic_gather %get3A_1491[%gather3A_1516] in [0] : vector<16xf32>, vector<16xi32> -> vector<16xf32>
        %broadcast_in_dim3A_1518 = vector.shape_cast %broadcast_in_dim3A_1512 : vector<16xi32> to vector<16x1xi32>
        %gather3A_1519 = vector.shape_cast %broadcast_in_dim3A_1518 : vector<16x1xi32> to vector<16xi32>
        %gather3A_1520 = tpu.dynamic_gather %get3A_1498[%gather3A_1519] in [0] : vector<16xf32>, vector<16xi32> -> vector<16xf32>
        %broadcast_in_dim3A_1521 = vector.shape_cast %broadcast_in_dim3A_1512 : vector<16xi32> to vector<16x1xi32>
        %gather3A_1522 = vector.shape_cast %broadcast_in_dim3A_1521 : vector<16x1xi32> to vector<16xi32>
        %gather3A_1523 = tpu.dynamic_gather %get3A_1505[%gather3A_1522] in [0] : vector<16xf32>, vector<16xi32> -> vector<16xf32>
        %mul3A_1524 = arith.constant 4 : i32
        %mul3A_1525 = arith.muli %select_n3A_1462, %mul3A_1524 : i32
        %get3A_1526 = arith.constant 1 : i32
        %get3A_1527 = arith.index_cast %get3A_1526 : i32 to index
        %get3A_1528 = arith.index_cast %mul3A_1525 : i32 to index
        %get3A_1529 = arith.index_cast %add3A_1510 : i32 to index
        %get3A_1530 = arith.constant 0 : index
        %get3A_1531 = tpu.vector_load %arg9[%get3A_1527, %get3A_1528, %get3A_1529, %get3A_1530] {strides = array<i32>} : memref<2x20x128x32xbf16, #tpu.memory_space<vmem>>, vector<32xbf16>,
        %unpack3A = tpu.unpack_subelements %get3A_1531, 0 {pack_format = #tpu.pack_format<interleaved>} : vector<32xbf16> -> vector<16xf32>
        %unpack3A_1532 = tpu.unpack_subelements %get3A_1531, 1 {pack_format = #tpu.pack_format<interleaved>} : vector<32xbf16> -> vector<16xf32>
        %mul3A_1533 = arith.constant 4 : i32
        %mul3A_1534 = arith.muli %select_n3A_1462, %mul3A_1533 : i32
        %add3A_1535 = arith.constant 1 : i32
        %add3A_1536 = arith.addi %mul3A_1534, %add3A_1535 : i32
        %get3A_1537 = arith.constant 1 : i32
        %get3A_1538 = arith.index_cast %get3A_1537 : i32 to index
        %get3A_1539 = arith.index_cast %add3A_1536 : i32 to index
        %get3A_1540 = arith.index_cast %add3A_1510 : i32 to index
        %get3A_1541 = arith.constant 0 : index
        %get3A_1542 = tpu.vector_load %arg9[%get3A_1538, %get3A_1539, %get3A_1540, %get3A_1541] {strides = array<i32>} : memref<2x20x128x32xbf16, #tpu.memory_space<vmem>>, vector<32xbf16>,
        %unpack3A_1543 = tpu.unpack_subelements %get3A_1542, 0 {pack_format = #tpu.pack_format<interleaved>} : vector<32xbf16> -> vector<16xf32>
        %unpack3A_1544 = tpu.unpack_subelements %get3A_1542, 1 {pack_format = #tpu.pack_format<interleaved>} : vector<32xbf16> -> vector<16xf32>
        %mul3A_1545 = arith.constant 4 : i32
        %mul3A_1546 = arith.muli %select_n3A_1462, %mul3A_1545 : i32
        %add3A_1547 = arith.constant 2 : i32
        %add3A_1548 = arith.addi %mul3A_1546, %add3A_1547 : i32
        %get3A_1549 = arith.constant 1 : i32
        %get3A_1550 = arith.index_cast %get3A_1549 : i32 to index
        %get3A_1551 = arith.index_cast %add3A_1548 : i32 to index
        %get3A_1552 = arith.index_cast %add3A_1510 : i32 to index
        %get3A_1553 = arith.constant 0 : index
        %get3A_1554 = tpu.vector_load %arg9[%get3A_1550, %get3A_1551, %get3A_1552, %get3A_1553] {strides = array<i32>} : memref<2x20x128x32xbf16, #tpu.memory_space<vmem>>, vector<32xbf16>,
        %unpack3A_1555 = tpu.unpack_subelements %get3A_1554, 0 {pack_format = #tpu.pack_format<interleaved>} : vector<32xbf16> -> vector<16xf32>
        %unpack3A_1556 = tpu.unpack_subelements %get3A_1554, 1 {pack_format = #tpu.pack_format<interleaved>} : vector<32xbf16> -> vector<16xf32>
        %mul3A_1557 = arith.constant 4 : i32
        %mul3A_1558 = arith.muli %select_n3A_1462, %mul3A_1557 : i32
        %add3A_1559 = arith.constant 3 : i32
        %add3A_1560 = arith.addi %mul3A_1558, %add3A_1559 : i32
        %get3A_1561 = arith.constant 1 : i32
        %get3A_1562 = arith.index_cast %get3A_1561 : i32 to index
        %get3A_1563 = arith.index_cast %add3A_1560 : i32 to index
        %get3A_1564 = arith.index_cast %add3A_1510 : i32 to index
        %get3A_1565 = arith.constant 0 : index
        %get3A_1566 = tpu.vector_load %arg9[%get3A_1562, %get3A_1563, %get3A_1564, %get3A_1565] {strides = array<i32>} : memref<2x20x128x32xbf16, #tpu.memory_space<vmem>>, vector<32xbf16>,
        %unpack3A_1567 = tpu.unpack_subelements %get3A_1566, 0 {pack_format = #tpu.pack_format<interleaved>} : vector<32xbf16> -> vector<16xf32>
        %unpack3A_1568 = tpu.unpack_subelements %get3A_1566, 1 {pack_format = #tpu.pack_format<interleaved>} : vector<32xbf16> -> vector<16xf32>
        %mul3A_1569 = arith.mulf %gather3A_1514, %unpack3A : vector<16xf32>
        %add3A_1570 = arith.addf %broadcast_in_dim3A_1506, %mul3A_1569 : vector<16xf32>
        %mul3A_1571 = arith.mulf %gather3A_1520, %unpack3A_1555 : vector<16xf32>
        %add3A_1572 = arith.addf %add3A_1570, %mul3A_1571 : vector<16xf32>
        %mul3A_1573 = arith.mulf %gather3A_1517, %unpack3A_1543 : vector<16xf32>
        %add3A_1574 = arith.addf %add3A_1572, %mul3A_1573 : vector<16xf32>
        %mul3A_1575 = arith.mulf %gather3A_1523, %unpack3A_1567 : vector<16xf32>
        %add3A_1576 = arith.addf %add3A_1574, %mul3A_1575 : vector<16xf32>
        %mul3A_1577 = arith.mulf %gather3A_1514, %unpack3A_1532 : vector<16xf32>
        %add3A_1578 = arith.addf %broadcast_in_dim3A_1508, %mul3A_1577 : vector<16xf32>
        %mul3A_1579 = arith.mulf %gather3A_1520, %unpack3A_1556 : vector<16xf32>
        %add3A_1580 = arith.addf %add3A_1578, %mul3A_1579 : vector<16xf32>
        %mul3A_1581 = arith.mulf %gather3A_1517, %unpack3A_1544 : vector<16xf32>
        %add3A_1582 = arith.addf %add3A_1580, %mul3A_1581 : vector<16xf32>
        %mul3A_1583 = arith.mulf %gather3A_1523, %unpack3A_1568 : vector<16xf32>
        %add3A_1584 = arith.addf %add3A_1582, %mul3A_1583 : vector<16xf32>
        %add3A_1585 = arith.constant 1 : i32
        %add3A_1586 = arith.addi %mul3A_1480, %add3A_1585 : i32
        %broadcast_in_dim3A_1587 = arith.constant 1 : i32
        %broadcast_in_dim3A_1588 = vector.broadcast %broadcast_in_dim3A_1587 : i32 to vector<16xi32>
        %broadcast_in_dim3A_1589 = vector.shape_cast %broadcast_in_dim3A_1588 : vector<16xi32> to vector<16x1xi32>
        %gather3A_1590 = vector.shape_cast %broadcast_in_dim3A_1589 : vector<16x1xi32> to vector<16xi32>
        %gather3A_1591 = tpu.dynamic_gather %get3A_1484[%gather3A_1590] in [0] : vector<16xf32>, vector<16xi32> -> vector<16xf32>
        %broadcast_in_dim3A_1592 = vector.shape_cast %broadcast_in_dim3A_1588 : vector<16xi32> to vector<16x1xi32>
        %gather3A_1593 = vector.shape_cast %broadcast_in_dim3A_1592 : vector<16x1xi32> to vector<16xi32>
        %gather3A_1594 = tpu.dynamic_gather %get3A_1491[%gather3A_1593] in [0] : vector<16xf32>, vector<16xi32> -> vector<16xf32>
        %broadcast_in_dim3A_1595 = vector.shape_cast %broadcast_in_dim3A_1588 : vector<16xi32> to vector<16x1xi32>
        %gather3A_1596 = vector.shape_cast %broadcast_in_dim3A_1595 : vector<16x1xi32> to vector<16xi32>
        %gather3A_1597 = tpu.dynamic_gather %get3A_1498[%gather3A_1596] in [0] : vector<16xf32>, vector<16xi32> -> vector<16xf32>
        %broadcast_in_dim3A_1598 = vector.shape_cast %broadcast_in_dim3A_1588 : vector<16xi32> to vector<16x1xi32>
        %gather3A_1599 = vector.shape_cast %broadcast_in_dim3A_1598 : vector<16x1xi32> to vector<16xi32>
        %gather3A_1600 = tpu.dynamic_gather %get3A_1505[%gather3A_1599] in [0] : vector<16xf32>, vector<16xi32> -> vector<16xf32>
        %mul3A_1601 = arith.constant 4 : i32
        %mul3A_1602 = arith.muli %select_n3A_1462, %mul3A_1601 : i32
        %get3A_1603 = arith.constant 1 : i32
        %get3A_1604 = arith.index_cast %get3A_1603 : i32 to index
        %get3A_1605 = arith.index_cast %mul3A_1602 : i32 to index
        %get3A_1606 = arith.index_cast %add3A_1586 : i32 to index
        %get3A_1607 = arith.constant 0 : index
        %get3A_1608 = tpu.vector_load %arg9[%get3A_1604, %get3A_1605, %get3A_1606, %get3A_1607] {strides = array<i32>} : memref<2x20x128x32xbf16, #tpu.memory_space<vmem>>, vector<32xbf16>,
        %unpack3A_1609 = tpu.unpack_subelements %get3A_1608, 0 {pack_format = #tpu.pack_format<interleaved>} : vector<32xbf16> -> vector<16xf32>
        %unpack3A_1610 = tpu.unpack_subelements %get3A_1608, 1 {pack_format = #tpu.pack_format<interleaved>} : vector<32xbf16> -> vector<16xf32>
        %mul3A_1611 = arith.constant 4 : i32
        %mul3A_1612 = arith.muli %select_n3A_1462, %mul3A_1611 : i32
        %add3A_1613 = arith.constant 1 : i32
        %add3A_1614 = arith.addi %mul3A_1612, %add3A_1613 : i32
        %get3A_1615 = arith.constant 1 : i32
        %get3A_1616 = arith.index_cast %get3A_1615 : i32 to index
        %get3A_1617 = arith.index_cast %add3A_1614 : i32 to index
        %get3A_1618 = arith.index_cast %add3A_1586 : i32 to index
        %get3A_1619 = arith.constant 0 : index
        %get3A_1620 = tpu.vector_load %arg9[%get3A_1616, %get3A_1617, %get3A_1618, %get3A_1619] {strides = array<i32>} : memref<2x20x128x32xbf16, #tpu.memory_space<vmem>>, vector<32xbf16>,
        %unpack3A_1621 = tpu.unpack_subelements %get3A_1620, 0 {pack_format = #tpu.pack_format<interleaved>} : vector<32xbf16> -> vector<16xf32>
        %unpack3A_1622 = tpu.unpack_subelements %get3A_1620, 1 {pack_format = #tpu.pack_format<interleaved>} : vector<32xbf16> -> vector<16xf32>
        %mul3A_1623 = arith.constant 4 : i32
        %mul3A_1624 = arith.muli %select_n3A_1462, %mul3A_1623 : i32
        %add3A_1625 = arith.constant 2 : i32
        %add3A_1626 = arith.addi %mul3A_1624, %add3A_1625 : i32
        %get3A_1627 = arith.constant 1 : i32
        %get3A_1628 = arith.index_cast %get3A_1627 : i32 to index
        %get3A_1629 = arith.index_cast %add3A_1626 : i32 to index
        %get3A_1630 = arith.index_cast %add3A_1586 : i32 to index
        %get3A_1631 = arith.constant 0 : index
        %get3A_1632 = tpu.vector_load %arg9[%get3A_1628, %get3A_1629, %get3A_1630, %get3A_1631] {strides = array<i32>} : memref<2x20x128x32xbf16, #tpu.memory_space<vmem>>, vector<32xbf16>,
        %unpack3A_1633 = tpu.unpack_subelements %get3A_1632, 0 {pack_format = #tpu.pack_format<interleaved>} : vector<32xbf16> -> vector<16xf32>
        %unpack3A_1634 = tpu.unpack_subelements %get3A_1632, 1 {pack_format = #tpu.pack_format<interleaved>} : vector<32xbf16> -> vector<16xf32>
        %mul3A_1635 = arith.constant 4 : i32
        %mul3A_1636 = arith.muli %select_n3A_1462, %mul3A_1635 : i32
        %add3A_1637 = arith.constant 3 : i32
        %add3A_1638 = arith.addi %mul3A_1636, %add3A_1637 : i32
        %get3A_1639 = arith.constant 1 : i32
        %get3A_1640 = arith.index_cast %get3A_1639 : i32 to index
        %get3A_1641 = arith.index_cast %add3A_1638 : i32 to index
        %get3A_1642 = arith.index_cast %add3A_1586 : i32 to index
        %get3A_1643 = arith.constant 0 : index
        %get3A_1644 = tpu.vector_load %arg9[%get3A_1640, %get3A_1641, %get3A_1642, %get3A_1643] {strides = array<i32>} : memref<2x20x128x32xbf16, #tpu.memory_space<vmem>>, vector<32xbf16>,
        %unpack3A_1645 = tpu.unpack_subelements %get3A_1644, 0 {pack_format = #tpu.pack_format<interleaved>} : vector<32xbf16> -> vector<16xf32>
        %unpack3A_1646 = tpu.unpack_subelements %get3A_1644, 1 {pack_format = #tpu.pack_format<interleaved>} : vector<32xbf16> -> vector<16xf32>
        %mul3A_1647 = arith.mulf %gather3A_1591, %unpack3A_1609 : vector<16xf32>
        %add3A_1648 = arith.addf %add3A_1576, %mul3A_1647 : vector<16xf32>
        %mul3A_1649 = arith.mulf %gather3A_1597, %unpack3A_1633 : vector<16xf32>
        %add3A_1650 = arith.addf %add3A_1648, %mul3A_1649 : vector<16xf32>
        %mul3A_1651 = arith.mulf %gather3A_1594, %unpack3A_1621 : vector<16xf32>
        %add3A_1652 = arith.addf %add3A_1650, %mul3A_1651 : vector<16xf32>
        %mul3A_1653 = arith.mulf %gather3A_1600, %unpack3A_1645 : vector<16xf32>
        %add3A_1654 = arith.addf %add3A_1652, %mul3A_1653 : vector<16xf32>
        %mul3A_1655 = arith.mulf %gather3A_1591, %unpack3A_1610 : vector<16xf32>
        %add3A_1656 = arith.addf %add3A_1584, %mul3A_1655 : vector<16xf32>
        %mul3A_1657 = arith.mulf %gather3A_1597, %unpack3A_1634 : vector<16xf32>
        %add3A_1658 = arith.addf %add3A_1656, %mul3A_1657 : vector<16xf32>
        %mul3A_1659 = arith.mulf %gather3A_1594, %unpack3A_1622 : vector<16xf32>
        %add3A_1660 = arith.addf %add3A_1658, %mul3A_1659 : vector<16xf32>
        %mul3A_1661 = arith.mulf %gather3A_1600, %unpack3A_1646 : vector<16xf32>
        %add3A_1662 = arith.addf %add3A_1660, %mul3A_1661 : vector<16xf32>
        %add3A_1663 = arith.constant 2 : i32
        %add3A_1664 = arith.addi %mul3A_1480, %add3A_1663 : i32
        %broadcast_in_dim3A_1665 = arith.constant 2 : i32
        %broadcast_in_dim3A_1666 = vector.broadcast %broadcast_in_dim3A_1665 : i32 to vector<16xi32>
        %broadcast_in_dim3A_1667 = vector.shape_cast %broadcast_in_dim3A_1666 : vector<16xi32> to vector<16x1xi32>
        %gather3A_1668 = vector.shape_cast %broadcast_in_dim3A_1667 : vector<16x1xi32> to vector<16xi32>
        %gather3A_1669 = tpu.dynamic_gather %get3A_1484[%gather3A_1668] in [0] : vector<16xf32>, vector<16xi32> -> vector<16xf32>
        %broadcast_in_dim3A_1670 = vector.shape_cast %broadcast_in_dim3A_1666 : vector<16xi32> to vector<16x1xi32>
        %gather3A_1671 = vector.shape_cast %broadcast_in_dim3A_1670 : vector<16x1xi32> to vector<16xi32>
        %gather3A_1672 = tpu.dynamic_gather %get3A_1491[%gather3A_1671] in [0] : vector<16xf32>, vector<16xi32> -> vector<16xf32>
        %broadcast_in_dim3A_1673 = vector.shape_cast %broadcast_in_dim3A_1666 : vector<16xi32> to vector<16x1xi32>
        %gather3A_1674 = vector.shape_cast %broadcast_in_dim3A_1673 : vector<16x1xi32> to vector<16xi32>
        %gather3A_1675 = tpu.dynamic_gather %get3A_1498[%gather3A_1674] in [0] : vector<16xf32>, vector<16xi32> -> vector<16xf32>
        %broadcast_in_dim3A_1676 = vector.shape_cast %broadcast_in_dim3A_1666 : vector<16xi32> to vector<16x1xi32>
        %gather3A_1677 = vector.shape_cast %broadcast_in_dim3A_1676 : vector<16x1xi32> to vector<16xi32>
        %gather3A_1678 = tpu.dynamic_gather %get3A_1505[%gather3A_1677] in [0] : vector<16xf32>, vector<16xi32> -> vector<16xf32>
        %mul3A_1679 = arith.constant 4 : i32
        %mul3A_1680 = arith.muli %select_n3A_1462, %mul3A_1679 : i32
        %get3A_1681 = arith.constant 1 : i32
        %get3A_1682 = arith.index_cast %get3A_1681 : i32 to index
        %get3A_1683 = arith.index_cast %mul3A_1680 : i32 to index
        %get3A_1684 = arith.index_cast %add3A_1664 : i32 to index
        %get3A_1685 = arith.constant 0 : index
        %get3A_1686 = tpu.vector_load %arg9[%get3A_1682, %get3A_1683, %get3A_1684, %get3A_1685] {strides = array<i32>} : memref<2x20x128x32xbf16, #tpu.memory_space<vmem>>, vector<32xbf16>,
        %unpack3A_1687 = tpu.unpack_subelements %get3A_1686, 0 {pack_format = #tpu.pack_format<interleaved>} : vector<32xbf16> -> vector<16xf32>
        %unpack3A_1688 = tpu.unpack_subelements %get3A_1686, 1 {pack_format = #tpu.pack_format<interleaved>} : vector<32xbf16> -> vector<16xf32>
        %mul3A_1689 = arith.constant 4 : i32
        %mul3A_1690 = arith.muli %select_n3A_1462, %mul3A_1689 : i32
        %add3A_1691 = arith.constant 1 : i32
        %add3A_1692 = arith.addi %mul3A_1690, %add3A_1691 : i32
        %get3A_1693 = arith.constant 1 : i32
        %get3A_1694 = arith.index_cast %get3A_1693 : i32 to index
        %get3A_1695 = arith.index_cast %add3A_1692 : i32 to index
        %get3A_1696 = arith.index_cast %add3A_1664 : i32 to index
        %get3A_1697 = arith.constant 0 : index
        %get3A_1698 = tpu.vector_load %arg9[%get3A_1694, %get3A_1695, %get3A_1696, %get3A_1697] {strides = array<i32>} : memref<2x20x128x32xbf16, #tpu.memory_space<vmem>>, vector<32xbf16>,
        %unpack3A_1699 = tpu.unpack_subelements %get3A_1698, 0 {pack_format = #tpu.pack_format<interleaved>} : vector<32xbf16> -> vector<16xf32>
        %unpack3A_1700 = tpu.unpack_subelements %get3A_1698, 1 {pack_format = #tpu.pack_format<interleaved>} : vector<32xbf16> -> vector<16xf32>
        %mul3A_1701 = arith.constant 4 : i32
        %mul3A_1702 = arith.muli %select_n3A_1462, %mul3A_1701 : i32
        %add3A_1703 = arith.constant 2 : i32
        %add3A_1704 = arith.addi %mul3A_1702, %add3A_1703 : i32
        %get3A_1705 = arith.constant 1 : i32
        %get3A_1706 = arith.index_cast %get3A_1705 : i32 to index
        %get3A_1707 = arith.index_cast %add3A_1704 : i32 to index
        %get3A_1708 = arith.index_cast %add3A_1664 : i32 to index
        %get3A_1709 = arith.constant 0 : index
        %get3A_1710 = tpu.vector_load %arg9[%get3A_1706, %get3A_1707, %get3A_1708, %get3A_1709] {strides = array<i32>} : memref<2x20x128x32xbf16, #tpu.memory_space<vmem>>, vector<32xbf16>,
        %unpack3A_1711 = tpu.unpack_subelements %get3A_1710, 0 {pack_format = #tpu.pack_format<interleaved>} : vector<32xbf16> -> vector<16xf32>
        %unpack3A_1712 = tpu.unpack_subelements %get3A_1710, 1 {pack_format = #tpu.pack_format<interleaved>} : vector<32xbf16> -> vector<16xf32>
        %mul3A_1713 = arith.constant 4 : i32
        %mul3A_1714 = arith.muli %select_n3A_1462, %mul3A_1713 : i32
        %add3A_1715 = arith.constant 3 : i32
        %add3A_1716 = arith.addi %mul3A_1714, %add3A_1715 : i32
        %get3A_1717 = arith.constant 1 : i32
        %get3A_1718 = arith.index_cast %get3A_1717 : i32 to index
        %get3A_1719 = arith.index_cast %add3A_1716 : i32 to index
        %get3A_1720 = arith.index_cast %add3A_1664 : i32 to index
        %get3A_1721 = arith.constant 0 : index
        %get3A_1722 = tpu.vector_load %arg9[%get3A_1718, %get3A_1719, %get3A_1720, %get3A_1721] {strides = array<i32>} : memref<2x20x128x32xbf16, #tpu.memory_space<vmem>>, vector<32xbf16>,
        %unpack3A_1723 = tpu.unpack_subelements %get3A_1722, 0 {pack_format = #tpu.pack_format<interleaved>} : vector<32xbf16> -> vector<16xf32>
        %unpack3A_1724 = tpu.unpack_subelements %get3A_1722, 1 {pack_format = #tpu.pack_format<interleaved>} : vector<32xbf16> -> vector<16xf32>
        %mul3A_1725 = arith.mulf %gather3A_1669, %unpack3A_1687 : vector<16xf32>
        %add3A_1726 = arith.addf %add3A_1654, %mul3A_1725 : vector<16xf32>
        %mul3A_1727 = arith.mulf %gather3A_1675, %unpack3A_1711 : vector<16xf32>
        %add3A_1728 = arith.addf %add3A_1726, %mul3A_1727 : vector<16xf32>
        %mul3A_1729 = arith.mulf %gather3A_1672, %unpack3A_1699 : vector<16xf32>
        %add3A_1730 = arith.addf %add3A_1728, %mul3A_1729 : vector<16xf32>
        %mul3A_1731 = arith.mulf %gather3A_1678, %unpack3A_1723 : vector<16xf32>
        %add3A_1732 = arith.addf %add3A_1730, %mul3A_1731 : vector<16xf32>
        %mul3A_1733 = arith.mulf %gather3A_1669, %unpack3A_1688 : vector<16xf32>
        %add3A_1734 = arith.addf %add3A_1662, %mul3A_1733 : vector<16xf32>
        %mul3A_1735 = arith.mulf %gather3A_1675, %unpack3A_1712 : vector<16xf32>
        %add3A_1736 = arith.addf %add3A_1734, %mul3A_1735 : vector<16xf32>
        %mul3A_1737 = arith.mulf %gather3A_1672, %unpack3A_1700 : vector<16xf32>
        %add3A_1738 = arith.addf %add3A_1736, %mul3A_1737 : vector<16xf32>
        %mul3A_1739 = arith.mulf %gather3A_1678, %unpack3A_1724 : vector<16xf32>
        %add3A_1740 = arith.addf %add3A_1738, %mul3A_1739 : vector<16xf32>
        %add3A_1741 = arith.constant 3 : i32
        %add3A_1742 = arith.addi %mul3A_1480, %add3A_1741 : i32
        %broadcast_in_dim3A_1743 = arith.constant 3 : i32
        %broadcast_in_dim3A_1744 = vector.broadcast %broadcast_in_dim3A_1743 : i32 to vector<16xi32>
        %broadcast_in_dim3A_1745 = vector.shape_cast %broadcast_in_dim3A_1744 : vector<16xi32> to vector<16x1xi32>
        %gather3A_1746 = vector.shape_cast %broadcast_in_dim3A_1745 : vector<16x1xi32> to vector<16xi32>
        %gather3A_1747 = tpu.dynamic_gather %get3A_1484[%gather3A_1746] in [0] : vector<16xf32>, vector<16xi32> -> vector<16xf32>
        %broadcast_in_dim3A_1748 = vector.shape_cast %broadcast_in_dim3A_1744 : vector<16xi32> to vector<16x1xi32>
        %gather3A_1749 = vector.shape_cast %broadcast_in_dim3A_1748 : vector<16x1xi32> to vector<16xi32>
        %gather3A_1750 = tpu.dynamic_gather %get3A_1491[%gather3A_1749] in [0] : vector<16xf32>, vector<16xi32> -> vector<16xf32>
        %broadcast_in_dim3A_1751 = vector.shape_cast %broadcast_in_dim3A_1744 : vector<16xi32> to vector<16x1xi32>
        %gather3A_1752 = vector.shape_cast %broadcast_in_dim3A_1751 : vector<16x1xi32> to vector<16xi32>
        %gather3A_1753 = tpu.dynamic_gather %get3A_1498[%gather3A_1752] in [0] : vector<16xf32>, vector<16xi32> -> vector<16xf32>
        %broadcast_in_dim3A_1754 = vector.shape_cast %broadcast_in_dim3A_1744 : vector<16xi32> to vector<16x1xi32>
        %gather3A_1755 = vector.shape_cast %broadcast_in_dim3A_1754 : vector<16x1xi32> to vector<16xi32>
        %gather3A_1756 = tpu.dynamic_gather %get3A_1505[%gather3A_1755] in [0] : vector<16xf32>, vector<16xi32> -> vector<16xf32>
        %mul3A_1757 = arith.constant 4 : i32
        %mul3A_1758 = arith.muli %select_n3A_1462, %mul3A_1757 : i32
        %get3A_1759 = arith.constant 1 : i32
        %get3A_1760 = arith.index_cast %get3A_1759 : i32 to index
        %get3A_1761 = arith.index_cast %mul3A_1758 : i32 to index
        %get3A_1762 = arith.index_cast %add3A_1742 : i32 to index
        %get3A_1763 = arith.constant 0 : index
        %get3A_1764 = tpu.vector_load %arg9[%get3A_1760, %get3A_1761, %get3A_1762, %get3A_1763] {strides = array<i32>} : memref<2x20x128x32xbf16, #tpu.memory_space<vmem>>, vector<32xbf16>,
        %unpack3A_1765 = tpu.unpack_subelements %get3A_1764, 0 {pack_format = #tpu.pack_format<interleaved>} : vector<32xbf16> -> vector<16xf32>
        %unpack3A_1766 = tpu.unpack_subelements %get3A_1764, 1 {pack_format = #tpu.pack_format<interleaved>} : vector<32xbf16> -> vector<16xf32>
        %mul3A_1767 = arith.constant 4 : i32
        %mul3A_1768 = arith.muli %select_n3A_1462, %mul3A_1767 : i32
        %add3A_1769 = arith.constant 1 : i32
        %add3A_1770 = arith.addi %mul3A_1768, %add3A_1769 : i32
        %get3A_1771 = arith.constant 1 : i32
        %get3A_1772 = arith.index_cast %get3A_1771 : i32 to index
        %get3A_1773 = arith.index_cast %add3A_1770 : i32 to index
        %get3A_1774 = arith.index_cast %add3A_1742 : i32 to index
        %get3A_1775 = arith.constant 0 : index
        %get3A_1776 = tpu.vector_load %arg9[%get3A_1772, %get3A_1773, %get3A_1774, %get3A_1775] {strides = array<i32>} : memref<2x20x128x32xbf16, #tpu.memory_space<vmem>>, vector<32xbf16>,
        %unpack3A_1777 = tpu.unpack_subelements %get3A_1776, 0 {pack_format = #tpu.pack_format<interleaved>} : vector<32xbf16> -> vector<16xf32>
        %unpack3A_1778 = tpu.unpack_subelements %get3A_1776, 1 {pack_format = #tpu.pack_format<interleaved>} : vector<32xbf16> -> vector<16xf32>
        %mul3A_1779 = arith.constant 4 : i32
        %mul3A_1780 = arith.muli %select_n3A_1462, %mul3A_1779 : i32
        %add3A_1781 = arith.constant 2 : i32
        %add3A_1782 = arith.addi %mul3A_1780, %add3A_1781 : i32
        %get3A_1783 = arith.constant 1 : i32
        %get3A_1784 = arith.index_cast %get3A_1783 : i32 to index
        %get3A_1785 = arith.index_cast %add3A_1782 : i32 to index
        %get3A_1786 = arith.index_cast %add3A_1742 : i32 to index
        %get3A_1787 = arith.constant 0 : index
        %get3A_1788 = tpu.vector_load %arg9[%get3A_1784, %get3A_1785, %get3A_1786, %get3A_1787] {strides = array<i32>} : memref<2x20x128x32xbf16, #tpu.memory_space<vmem>>, vector<32xbf16>,
        %unpack3A_1789 = tpu.unpack_subelements %get3A_1788, 0 {pack_format = #tpu.pack_format<interleaved>} : vector<32xbf16> -> vector<16xf32>
        %unpack3A_1790 = tpu.unpack_subelements %get3A_1788, 1 {pack_format = #tpu.pack_format<interleaved>} : vector<32xbf16> -> vector<16xf32>
        %mul3A_1791 = arith.constant 4 : i32
        %mul3A_1792 = arith.muli %select_n3A_1462, %mul3A_1791 : i32
        %add3A_1793 = arith.constant 3 : i32
        %add3A_1794 = arith.addi %mul3A_1792, %add3A_1793 : i32
        %get3A_1795 = arith.constant 1 : i32
        %get3A_1796 = arith.index_cast %get3A_1795 : i32 to index
        %get3A_1797 = arith.index_cast %add3A_1794 : i32 to index
        %get3A_1798 = arith.index_cast %add3A_1742 : i32 to index
        %get3A_1799 = arith.constant 0 : index
        %get3A_1800 = tpu.vector_load %arg9[%get3A_1796, %get3A_1797, %get3A_1798, %get3A_1799] {strides = array<i32>} : memref<2x20x128x32xbf16, #tpu.memory_space<vmem>>, vector<32xbf16>,
        %unpack3A_1801 = tpu.unpack_subelements %get3A_1800, 0 {pack_format = #tpu.pack_format<interleaved>} : vector<32xbf16> -> vector<16xf32>
        %unpack3A_1802 = tpu.unpack_subelements %get3A_1800, 1 {pack_format = #tpu.pack_format<interleaved>} : vector<32xbf16> -> vector<16xf32>
        %mul3A_1803 = arith.mulf %gather3A_1747, %unpack3A_1765 : vector<16xf32>
        %add3A_1804 = arith.addf %add3A_1732, %mul3A_1803 : vector<16xf32>
        %mul3A_1805 = arith.mulf %gather3A_1753, %unpack3A_1789 : vector<16xf32>
        %add3A_1806 = arith.addf %add3A_1804, %mul3A_1805 : vector<16xf32>
        %mul3A_1807 = arith.mulf %gather3A_1750, %unpack3A_1777 : vector<16xf32>
        %add3A_1808 = arith.addf %add3A_1806, %mul3A_1807 : vector<16xf32>
        %mul3A_1809 = arith.mulf %gather3A_1756, %unpack3A_1801 : vector<16xf32>
        %add3A_1810 = arith.addf %add3A_1808, %mul3A_1809 : vector<16xf32>
        %mul3A_1811 = arith.mulf %gather3A_1747, %unpack3A_1766 : vector<16xf32>
        %add3A_1812 = arith.addf %add3A_1740, %mul3A_1811 : vector<16xf32>
        %mul3A_1813 = arith.mulf %gather3A_1753, %unpack3A_1790 : vector<16xf32>
        %add3A_1814 = arith.addf %add3A_1812, %mul3A_1813 : vector<16xf32>
        %mul3A_1815 = arith.mulf %gather3A_1750, %unpack3A_1778 : vector<16xf32>
        %add3A_1816 = arith.addf %add3A_1814, %mul3A_1815 : vector<16xf32>
        %mul3A_1817 = arith.mulf %gather3A_1756, %unpack3A_1802 : vector<16xf32>
        %add3A_1818 = arith.addf %add3A_1816, %mul3A_1817 : vector<16xf32>
        %add3A_1819 = arith.constant 4 : i32
        %add3A_1820 = arith.addi %mul3A_1480, %add3A_1819 : i32
        %broadcast_in_dim3A_1821 = arith.constant 4 : i32
        %broadcast_in_dim3A_1822 = vector.broadcast %broadcast_in_dim3A_1821 : i32 to vector<16xi32>
        %broadcast_in_dim3A_1823 = vector.shape_cast %broadcast_in_dim3A_1822 : vector<16xi32> to vector<16x1xi32>
        %gather3A_1824 = vector.shape_cast %broadcast_in_dim3A_1823 : vector<16x1xi32> to vector<16xi32>
        %gather3A_1825 = tpu.dynamic_gather %get3A_1484[%gather3A_1824] in [0] : vector<16xf32>, vector<16xi32> -> vector<16xf32>
        %broadcast_in_dim3A_1826 = vector.shape_cast %broadcast_in_dim3A_1822 : vector<16xi32> to vector<16x1xi32>
        %gather3A_1827 = vector.shape_cast %broadcast_in_dim3A_1826 : vector<16x1xi32> to vector<16xi32>
        %gather3A_1828 = tpu.dynamic_gather %get3A_1491[%gather3A_1827] in [0] : vector<16xf32>, vector<16xi32> -> vector<16xf32>
        %broadcast_in_dim3A_1829 = vector.shape_cast %broadcast_in_dim3A_1822 : vector<16xi32> to vector<16x1xi32>
        %gather3A_1830 = vector.shape_cast %broadcast_in_dim3A_1829 : vector<16x1xi32> to vector<16xi32>
        %gather3A_1831 = tpu.dynamic_gather %get3A_1498[%gather3A_1830] in [0] : vector<16xf32>, vector<16xi32> -> vector<16xf32>
        %broadcast_in_dim3A_1832 = vector.shape_cast %broadcast_in_dim3A_1822 : vector<16xi32> to vector<16x1xi32>
        %gather3A_1833 = vector.shape_cast %broadcast_in_dim3A_1832 : vector<16x1xi32> to vector<16xi32>
        %gather3A_1834 = tpu.dynamic_gather %get3A_1505[%gather3A_1833] in [0] : vector<16xf32>, vector<16xi32> -> vector<16xf32>
        %mul3A_1835 = arith.constant 4 : i32
        %mul3A_1836 = arith.muli %select_n3A_1462, %mul3A_1835 : i32
        %get3A_1837 = arith.constant 1 : i32
        %get3A_1838 = arith.index_cast %get3A_1837 : i32 to index
        %get3A_1839 = arith.index_cast %mul3A_1836 : i32 to index
        %get3A_1840 = arith.index_cast %add3A_1820 : i32 to index
        %get3A_1841 = arith.constant 0 : index
        %get3A_1842 = tpu.vector_load %arg9[%get3A_1838, %get3A_1839, %get3A_1840, %get3A_1841] {strides = array<i32>} : memref<2x20x128x32xbf16, #tpu.memory_space<vmem>>, vector<32xbf16>,
        %unpack3A_1843 = tpu.unpack_subelements %get3A_1842, 0 {pack_format = #tpu.pack_format<interleaved>} : vector<32xbf16> -> vector<16xf32>
        %unpack3A_1844 = tpu.unpack_subelements %get3A_1842, 1 {pack_format = #tpu.pack_format<interleaved>} : vector<32xbf16> -> vector<16xf32>
        %mul3A_1845 = arith.constant 4 : i32
        %mul3A_1846 = arith.muli %select_n3A_1462, %mul3A_1845 : i32
        %add3A_1847 = arith.constant 1 : i32
        %add3A_1848 = arith.addi %mul3A_1846, %add3A_1847 : i32
        %get3A_1849 = arith.constant 1 : i32
        %get3A_1850 = arith.index_cast %get3A_1849 : i32 to index
        %get3A_1851 = arith.index_cast %add3A_1848 : i32 to index
        %get3A_1852 = arith.index_cast %add3A_1820 : i32 to index
        %get3A_1853 = arith.constant 0 : index
        %get3A_1854 = tpu.vector_load %arg9[%get3A_1850, %get3A_1851, %get3A_1852, %get3A_1853] {strides = array<i32>} : memref<2x20x128x32xbf16, #tpu.memory_space<vmem>>, vector<32xbf16>,
        %unpack3A_1855 = tpu.unpack_subelements %get3A_1854, 0 {pack_format = #tpu.pack_format<interleaved>} : vector<32xbf16> -> vector<16xf32>
        %unpack3A_1856 = tpu.unpack_subelements %get3A_1854, 1 {pack_format = #tpu.pack_format<interleaved>} : vector<32xbf16> -> vector<16xf32>
        %mul3A_1857 = arith.constant 4 : i32
        %mul3A_1858 = arith.muli %select_n3A_1462, %mul3A_1857 : i32
        %add3A_1859 = arith.constant 2 : i32
        %add3A_1860 = arith.addi %mul3A_1858, %add3A_1859 : i32
        %get3A_1861 = arith.constant 1 : i32
        %get3A_1862 = arith.index_cast %get3A_1861 : i32 to index
        %get3A_1863 = arith.index_cast %add3A_1860 : i32 to index
        %get3A_1864 = arith.index_cast %add3A_1820 : i32 to index
        %get3A_1865 = arith.constant 0 : index
        %get3A_1866 = tpu.vector_load %arg9[%get3A_1862, %get3A_1863, %get3A_1864, %get3A_1865] {strides = array<i32>} : memref<2x20x128x32xbf16, #tpu.memory_space<vmem>>, vector<32xbf16>,
        %unpack3A_1867 = tpu.unpack_subelements %get3A_1866, 0 {pack_format = #tpu.pack_format<interleaved>} : vector<32xbf16> -> vector<16xf32>
        %unpack3A_1868 = tpu.unpack_subelements %get3A_1866, 1 {pack_format = #tpu.pack_format<interleaved>} : vector<32xbf16> -> vector<16xf32>
        %mul3A_1869 = arith.constant 4 : i32
        %mul3A_1870 = arith.muli %select_n3A_1462, %mul3A_1869 : i32
        %add3A_1871 = arith.constant 3 : i32
        %add3A_1872 = arith.addi %mul3A_1870, %add3A_1871 : i32
        %get3A_1873 = arith.constant 1 : i32
        %get3A_1874 = arith.index_cast %get3A_1873 : i32 to index
        %get3A_1875 = arith.index_cast %add3A_1872 : i32 to index
        %get3A_1876 = arith.index_cast %add3A_1820 : i32 to index
        %get3A_1877 = arith.constant 0 : index
        %get3A_1878 = tpu.vector_load %arg9[%get3A_1874, %get3A_1875, %get3A_1876, %get3A_1877] {strides = array<i32>} : memref<2x20x128x32xbf16, #tpu.memory_space<vmem>>, vector<32xbf16>,
        %unpack3A_1879 = tpu.unpack_subelements %get3A_1878, 0 {pack_format = #tpu.pack_format<interleaved>} : vector<32xbf16> -> vector<16xf32>
        %unpack3A_1880 = tpu.unpack_subelements %get3A_1878, 1 {pack_format = #tpu.pack_format<interleaved>} : vector<32xbf16> -> vector<16xf32>
        %mul3A_1881 = arith.mulf %gather3A_1825, %unpack3A_1843 : vector<16xf32>
        %add3A_1882 = arith.addf %add3A_1810, %mul3A_1881 : vector<16xf32>
        %mul3A_1883 = arith.mulf %gather3A_1831, %unpack3A_1867 : vector<16xf32>
        %add3A_1884 = arith.addf %add3A_1882, %mul3A_1883 : vector<16xf32>
        %mul3A_1885 = arith.mulf %gather3A_1828, %unpack3A_1855 : vector<16xf32>
        %add3A_1886 = arith.addf %add3A_1884, %mul3A_1885 : vector<16xf32>
        %mul3A_1887 = arith.mulf %gather3A_1834, %unpack3A_1879 : vector<16xf32>
        %add3A_1888 = arith.addf %add3A_1886, %mul3A_1887 : vector<16xf32>
        %mul3A_1889 = arith.mulf %gather3A_1825, %unpack3A_1844 : vector<16xf32>
        %add3A_1890 = arith.addf %add3A_1818, %mul3A_1889 : vector<16xf32>
        %mul3A_1891 = arith.mulf %gather3A_1831, %unpack3A_1868 : vector<16xf32>
        %add3A_1892 = arith.addf %add3A_1890, %mul3A_1891 : vector<16xf32>
        %mul3A_1893 = arith.mulf %gather3A_1828, %unpack3A_1856 : vector<16xf32>
        %add3A_1894 = arith.addf %add3A_1892, %mul3A_1893 : vector<16xf32>
        %mul3A_1895 = arith.mulf %gather3A_1834, %unpack3A_1880 : vector<16xf32>
        %add3A_1896 = arith.addf %add3A_1894, %mul3A_1895 : vector<16xf32>
        %add3A_1897 = arith.constant 5 : i32
        %add3A_1898 = arith.addi %mul3A_1480, %add3A_1897 : i32
        %broadcast_in_dim3A_1899 = arith.constant 5 : i32
        %broadcast_in_dim3A_1900 = vector.broadcast %broadcast_in_dim3A_1899 : i32 to vector<16xi32>
        %broadcast_in_dim3A_1901 = vector.shape_cast %broadcast_in_dim3A_1900 : vector<16xi32> to vector<16x1xi32>
        %gather3A_1902 = vector.shape_cast %broadcast_in_dim3A_1901 : vector<16x1xi32> to vector<16xi32>
        %gather3A_1903 = tpu.dynamic_gather %get3A_1484[%gather3A_1902] in [0] : vector<16xf32>, vector<16xi32> -> vector<16xf32>
        %broadcast_in_dim3A_1904 = vector.shape_cast %broadcast_in_dim3A_1900 : vector<16xi32> to vector<16x1xi32>
        %gather3A_1905 = vector.shape_cast %broadcast_in_dim3A_1904 : vector<16x1xi32> to vector<16xi32>
        %gather3A_1906 = tpu.dynamic_gather %get3A_1491[%gather3A_1905] in [0] : vector<16xf32>, vector<16xi32> -> vector<16xf32>
        %broadcast_in_dim3A_1907 = vector.shape_cast %broadcast_in_dim3A_1900 : vector<16xi32> to vector<16x1xi32>
        %gather3A_1908 = vector.shape_cast %broadcast_in_dim3A_1907 : vector<16x1xi32> to vector<16xi32>
        %gather3A_1909 = tpu.dynamic_gather %get3A_1498[%gather3A_1908] in [0] : vector<16xf32>, vector<16xi32> -> vector<16xf32>
        %broadcast_in_dim3A_1910 = vector.shape_cast %broadcast_in_dim3A_1900 : vector<16xi32> to vector<16x1xi32>
        %gather3A_1911 = vector.shape_cast %broadcast_in_dim3A_1910 : vector<16x1xi32> to vector<16xi32>
        %gather3A_1912 = tpu.dynamic_gather %get3A_1505[%gather3A_1911] in [0] : vector<16xf32>, vector<16xi32> -> vector<16xf32>
        %mul3A_1913 = arith.constant 4 : i32
        %mul3A_1914 = arith.muli %select_n3A_1462, %mul3A_1913 : i32
        %get3A_1915 = arith.constant 1 : i32
        %get3A_1916 = arith.index_cast %get3A_1915 : i32 to index
        %get3A_1917 = arith.index_cast %mul3A_1914 : i32 to index
        %get3A_1918 = arith.index_cast %add3A_1898 : i32 to index
        %get3A_1919 = arith.constant 0 : index
        %get3A_1920 = tpu.vector_load %arg9[%get3A_1916, %get3A_1917, %get3A_1918, %get3A_1919] {strides = array<i32>} : memref<2x20x128x32xbf16, #tpu.memory_space<vmem>>, vector<32xbf16>,
        %unpack3A_1921 = tpu.unpack_subelements %get3A_1920, 0 {pack_format = #tpu.pack_format<interleaved>} : vector<32xbf16> -> vector<16xf32>
        %unpack3A_1922 = tpu.unpack_subelements %get3A_1920, 1 {pack_format = #tpu.pack_format<interleaved>} : vector<32xbf16> -> vector<16xf32>
        %mul3A_1923 = arith.constant 4 : i32
        %mul3A_1924 = arith.muli %select_n3A_1462, %mul3A_1923 : i32
        %add3A_1925 = arith.constant 1 : i32
        %add3A_1926 = arith.addi %mul3A_1924, %add3A_1925 : i32
        %get3A_1927 = arith.constant 1 : i32
        %get3A_1928 = arith.index_cast %get3A_1927 : i32 to index
        %get3A_1929 = arith.index_cast %add3A_1926 : i32 to index
        %get3A_1930 = arith.index_cast %add3A_1898 : i32 to index
        %get3A_1931 = arith.constant 0 : index
        %get3A_1932 = tpu.vector_load %arg9[%get3A_1928, %get3A_1929, %get3A_1930, %get3A_1931] {strides = array<i32>} : memref<2x20x128x32xbf16, #tpu.memory_space<vmem>>, vector<32xbf16>,
        %unpack3A_1933 = tpu.unpack_subelements %get3A_1932, 0 {pack_format = #tpu.pack_format<interleaved>} : vector<32xbf16> -> vector<16xf32>
        %unpack3A_1934 = tpu.unpack_subelements %get3A_1932, 1 {pack_format = #tpu.pack_format<interleaved>} : vector<32xbf16> -> vector<16xf32>
        %mul3A_1935 = arith.constant 4 : i32
        %mul3A_1936 = arith.muli %select_n3A_1462, %mul3A_1935 : i32
        %add3A_1937 = arith.constant 2 : i32
        %add3A_1938 = arith.addi %mul3A_1936, %add3A_1937 : i32
        %get3A_1939 = arith.constant 1 : i32
        %get3A_1940 = arith.index_cast %get3A_1939 : i32 to index
        %get3A_1941 = arith.index_cast %add3A_1938 : i32 to index
        %get3A_1942 = arith.index_cast %add3A_1898 : i32 to index
        %get3A_1943 = arith.constant 0 : index
        %get3A_1944 = tpu.vector_load %arg9[%get3A_1940, %get3A_1941, %get3A_1942, %get3A_1943] {strides = array<i32>} : memref<2x20x128x32xbf16, #tpu.memory_space<vmem>>, vector<32xbf16>,
        %unpack3A_1945 = tpu.unpack_subelements %get3A_1944, 0 {pack_format = #tpu.pack_format<interleaved>} : vector<32xbf16> -> vector<16xf32>
        %unpack3A_1946 = tpu.unpack_subelements %get3A_1944, 1 {pack_format = #tpu.pack_format<interleaved>} : vector<32xbf16> -> vector<16xf32>
        %mul3A_1947 = arith.constant 4 : i32
        %mul3A_1948 = arith.muli %select_n3A_1462, %mul3A_1947 : i32
        %add3A_1949 = arith.constant 3 : i32
        %add3A_1950 = arith.addi %mul3A_1948, %add3A_1949 : i32
        %get3A_1951 = arith.constant 1 : i32
        %get3A_1952 = arith.index_cast %get3A_1951 : i32 to index
        %get3A_1953 = arith.index_cast %add3A_1950 : i32 to index
        %get3A_1954 = arith.index_cast %add3A_1898 : i32 to index
        %get3A_1955 = arith.constant 0 : index
        %get3A_1956 = tpu.vector_load %arg9[%get3A_1952, %get3A_1953, %get3A_1954, %get3A_1955] {strides = array<i32>} : memref<2x20x128x32xbf16, #tpu.memory_space<vmem>>, vector<32xbf16>,
        %unpack3A_1957 = tpu.unpack_subelements %get3A_1956, 0 {pack_format = #tpu.pack_format<interleaved>} : vector<32xbf16> -> vector<16xf32>
        %unpack3A_1958 = tpu.unpack_subelements %get3A_1956, 1 {pack_format = #tpu.pack_format<interleaved>} : vector<32xbf16> -> vector<16xf32>
        %mul3A_1959 = arith.mulf %gather3A_1903, %unpack3A_1921 : vector<16xf32>
        %add3A_1960 = arith.addf %add3A_1888, %mul3A_1959 : vector<16xf32>
        %mul3A_1961 = arith.mulf %gather3A_1909, %unpack3A_1945 : vector<16xf32>
        %add3A_1962 = arith.addf %add3A_1960, %mul3A_1961 : vector<16xf32>
        %mul3A_1963 = arith.mulf %gather3A_1906, %unpack3A_1933 : vector<16xf32>
        %add3A_1964 = arith.addf %add3A_1962, %mul3A_1963 : vector<16xf32>
        %mul3A_1965 = arith.mulf %gather3A_1912, %unpack3A_1957 : vector<16xf32>
        %add3A_1966 = arith.addf %add3A_1964, %mul3A_1965 : vector<16xf32>
        %mul3A_1967 = arith.mulf %gather3A_1903, %unpack3A_1922 : vector<16xf32>
        %add3A_1968 = arith.addf %add3A_1896, %mul3A_1967 : vector<16xf32>
        %mul3A_1969 = arith.mulf %gather3A_1909, %unpack3A_1946 : vector<16xf32>
        %add3A_1970 = arith.addf %add3A_1968, %mul3A_1969 : vector<16xf32>
        %mul3A_1971 = arith.mulf %gather3A_1906, %unpack3A_1934 : vector<16xf32>
        %add3A_1972 = arith.addf %add3A_1970, %mul3A_1971 : vector<16xf32>
        %mul3A_1973 = arith.mulf %gather3A_1912, %unpack3A_1958 : vector<16xf32>
        %add3A_1974 = arith.addf %add3A_1972, %mul3A_1973 : vector<16xf32>
        %add3A_1975 = arith.constant 6 : i32
        %add3A_1976 = arith.addi %mul3A_1480, %add3A_1975 : i32
        %broadcast_in_dim3A_1977 = arith.constant 6 : i32
        %broadcast_in_dim3A_1978 = vector.broadcast %broadcast_in_dim3A_1977 : i32 to vector<16xi32>
        %broadcast_in_dim3A_1979 = vector.shape_cast %broadcast_in_dim3A_1978 : vector<16xi32> to vector<16x1xi32>
        %gather3A_1980 = vector.shape_cast %broadcast_in_dim3A_1979 : vector<16x1xi32> to vector<16xi32>
        %gather3A_1981 = tpu.dynamic_gather %get3A_1484[%gather3A_1980] in [0] : vector<16xf32>, vector<16xi32> -> vector<16xf32>
        %broadcast_in_dim3A_1982 = vector.shape_cast %broadcast_in_dim3A_1978 : vector<16xi32> to vector<16x1xi32>
        %gather3A_1983 = vector.shape_cast %broadcast_in_dim3A_1982 : vector<16x1xi32> to vector<16xi32>
        %gather3A_1984 = tpu.dynamic_gather %get3A_1491[%gather3A_1983] in [0] : vector<16xf32>, vector<16xi32> -> vector<16xf32>
        %broadcast_in_dim3A_1985 = vector.shape_cast %broadcast_in_dim3A_1978 : vector<16xi32> to vector<16x1xi32>
        %gather3A_1986 = vector.shape_cast %broadcast_in_dim3A_1985 : vector<16x1xi32> to vector<16xi32>
        %gather3A_1987 = tpu.dynamic_gather %get3A_1498[%gather3A_1986] in [0] : vector<16xf32>, vector<16xi32> -> vector<16xf32>
        %broadcast_in_dim3A_1988 = vector.shape_cast %broadcast_in_dim3A_1978 : vector<16xi32> to vector<16x1xi32>
        %gather3A_1989 = vector.shape_cast %broadcast_in_dim3A_1988 : vector<16x1xi32> to vector<16xi32>
        %gather3A_1990 = tpu.dynamic_gather %get3A_1505[%gather3A_1989] in [0] : vector<16xf32>, vector<16xi32> -> vector<16xf32>
        %mul3A_1991 = arith.constant 4 : i32
        %mul3A_1992 = arith.muli %select_n3A_1462, %mul3A_1991 : i32
        %get3A_1993 = arith.constant 1 : i32
        %get3A_1994 = arith.index_cast %get3A_1993 : i32 to index
        %get3A_1995 = arith.index_cast %mul3A_1992 : i32 to index
        %get3A_1996 = arith.index_cast %add3A_1976 : i32 to index
        %get3A_1997 = arith.constant 0 : index
        %get3A_1998 = tpu.vector_load %arg9[%get3A_1994, %get3A_1995, %get3A_1996, %get3A_1997] {strides = array<i32>} : memref<2x20x128x32xbf16, #tpu.memory_space<vmem>>, vector<32xbf16>,
        %unpack3A_1999 = tpu.unpack_subelements %get3A_1998, 0 {pack_format = #tpu.pack_format<interleaved>} : vector<32xbf16> -> vector<16xf32>
        %unpack3A_2000 = tpu.unpack_subelements %get3A_1998, 1 {pack_format = #tpu.pack_format<interleaved>} : vector<32xbf16> -> vector<16xf32>
        %mul3A_2001 = arith.constant 4 : i32
        %mul3A_2002 = arith.muli %select_n3A_1462, %mul3A_2001 : i32
        %add3A_2003 = arith.constant 1 : i32
        %add3A_2004 = arith.addi %mul3A_2002, %add3A_2003 : i32
        %get3A_2005 = arith.constant 1 : i32
        %get3A_2006 = arith.index_cast %get3A_2005 : i32 to index
        %get3A_2007 = arith.index_cast %add3A_2004 : i32 to index
        %get3A_2008 = arith.index_cast %add3A_1976 : i32 to index
        %get3A_2009 = arith.constant 0 : index
        %get3A_2010 = tpu.vector_load %arg9[%get3A_2006, %get3A_2007, %get3A_2008, %get3A_2009] {strides = array<i32>} : memref<2x20x128x32xbf16, #tpu.memory_space<vmem>>, vector<32xbf16>,
        %unpack3A_2011 = tpu.unpack_subelements %get3A_2010, 0 {pack_format = #tpu.pack_format<interleaved>} : vector<32xbf16> -> vector<16xf32>
        %unpack3A_2012 = tpu.unpack_subelements %get3A_2010, 1 {pack_format = #tpu.pack_format<interleaved>} : vector<32xbf16> -> vector<16xf32>
        %mul3A_2013 = arith.constant 4 : i32
        %mul3A_2014 = arith.muli %select_n3A_1462, %mul3A_2013 : i32
        %add3A_2015 = arith.constant 2 : i32
        %add3A_2016 = arith.addi %mul3A_2014, %add3A_2015 : i32
        %get3A_2017 = arith.constant 1 : i32
        %get3A_2018 = arith.index_cast %get3A_2017 : i32 to index
        %get3A_2019 = arith.index_cast %add3A_2016 : i32 to index
        %get3A_2020 = arith.index_cast %add3A_1976 : i32 to index
        %get3A_2021 = arith.constant 0 : index
        %get3A_2022 = tpu.vector_load %arg9[%get3A_2018, %get3A_2019, %get3A_2020, %get3A_2021] {strides = array<i32>} : memref<2x20x128x32xbf16, #tpu.memory_space<vmem>>, vector<32xbf16>,
        %unpack3A_2023 = tpu.unpack_subelements %get3A_2022, 0 {pack_format = #tpu.pack_format<interleaved>} : vector<32xbf16> -> vector<16xf32>
        %unpack3A_2024 = tpu.unpack_subelements %get3A_2022, 1 {pack_format = #tpu.pack_format<interleaved>} : vector<32xbf16> -> vector<16xf32>
        %mul3A_2025 = arith.constant 4 : i32
        %mul3A_2026 = arith.muli %select_n3A_1462, %mul3A_2025 : i32
        %add3A_2027 = arith.constant 3 : i32
        %add3A_2028 = arith.addi %mul3A_2026, %add3A_2027 : i32
        %get3A_2029 = arith.constant 1 : i32
        %get3A_2030 = arith.index_cast %get3A_2029 : i32 to index
        %get3A_2031 = arith.index_cast %add3A_2028 : i32 to index
        %get3A_2032 = arith.index_cast %add3A_1976 : i32 to index
        %get3A_2033 = arith.constant 0 : index
        %get3A_2034 = tpu.vector_load %arg9[%get3A_2030, %get3A_2031, %get3A_2032, %get3A_2033] {strides = array<i32>} : memref<2x20x128x32xbf16, #tpu.memory_space<vmem>>, vector<32xbf16>,
        %unpack3A_2035 = tpu.unpack_subelements %get3A_2034, 0 {pack_format = #tpu.pack_format<interleaved>} : vector<32xbf16> -> vector<16xf32>
        %unpack3A_2036 = tpu.unpack_subelements %get3A_2034, 1 {pack_format = #tpu.pack_format<interleaved>} : vector<32xbf16> -> vector<16xf32>
        %mul3A_2037 = arith.mulf %gather3A_1981, %unpack3A_1999 : vector<16xf32>
        %add3A_2038 = arith.addf %add3A_1966, %mul3A_2037 : vector<16xf32>
        %mul3A_2039 = arith.mulf %gather3A_1987, %unpack3A_2023 : vector<16xf32>
        %add3A_2040 = arith.addf %add3A_2038, %mul3A_2039 : vector<16xf32>
        %mul3A_2041 = arith.mulf %gather3A_1984, %unpack3A_2011 : vector<16xf32>
        %add3A_2042 = arith.addf %add3A_2040, %mul3A_2041 : vector<16xf32>
        %mul3A_2043 = arith.mulf %gather3A_1990, %unpack3A_2035 : vector<16xf32>
        %add3A_2044 = arith.addf %add3A_2042, %mul3A_2043 : vector<16xf32>
        %mul3A_2045 = arith.mulf %gather3A_1981, %unpack3A_2000 : vector<16xf32>
        %add3A_2046 = arith.addf %add3A_1974, %mul3A_2045 : vector<16xf32>
        %mul3A_2047 = arith.mulf %gather3A_1987, %unpack3A_2024 : vector<16xf32>
        %add3A_2048 = arith.addf %add3A_2046, %mul3A_2047 : vector<16xf32>
        %mul3A_2049 = arith.mulf %gather3A_1984, %unpack3A_2012 : vector<16xf32>
        %add3A_2050 = arith.addf %add3A_2048, %mul3A_2049 : vector<16xf32>
        %mul3A_2051 = arith.mulf %gather3A_1990, %unpack3A_2036 : vector<16xf32>
        %add3A_2052 = arith.addf %add3A_2050, %mul3A_2051 : vector<16xf32>
        %add3A_2053 = arith.constant 7 : i32
        %add3A_2054 = arith.addi %mul3A_1480, %add3A_2053 : i32
        %broadcast_in_dim3A_2055 = arith.constant 7 : i32
        %broadcast_in_dim3A_2056 = vector.broadcast %broadcast_in_dim3A_2055 : i32 to vector<16xi32>
        %broadcast_in_dim3A_2057 = vector.shape_cast %broadcast_in_dim3A_2056 : vector<16xi32> to vector<16x1xi32>
        %gather3A_2058 = vector.shape_cast %broadcast_in_dim3A_2057 : vector<16x1xi32> to vector<16xi32>
        %gather3A_2059 = tpu.dynamic_gather %get3A_1484[%gather3A_2058] in [0] : vector<16xf32>, vector<16xi32> -> vector<16xf32>
        %broadcast_in_dim3A_2060 = vector.shape_cast %broadcast_in_dim3A_2056 : vector<16xi32> to vector<16x1xi32>
        %gather3A_2061 = vector.shape_cast %broadcast_in_dim3A_2060 : vector<16x1xi32> to vector<16xi32>
        %gather3A_2062 = tpu.dynamic_gather %get3A_1491[%gather3A_2061] in [0] : vector<16xf32>, vector<16xi32> -> vector<16xf32>
        %broadcast_in_dim3A_2063 = vector.shape_cast %broadcast_in_dim3A_2056 : vector<16xi32> to vector<16x1xi32>
        %gather3A_2064 = vector.shape_cast %broadcast_in_dim3A_2063 : vector<16x1xi32> to vector<16xi32>
        %gather3A_2065 = tpu.dynamic_gather %get3A_1498[%gather3A_2064] in [0] : vector<16xf32>, vector<16xi32> -> vector<16xf32>
        %broadcast_in_dim3A_2066 = vector.shape_cast %broadcast_in_dim3A_2056 : vector<16xi32> to vector<16x1xi32>
        %gather3A_2067 = vector.shape_cast %broadcast_in_dim3A_2066 : vector<16x1xi32> to vector<16xi32>
        %gather3A_2068 = tpu.dynamic_gather %get3A_1505[%gather3A_2067] in [0] : vector<16xf32>, vector<16xi32> -> vector<16xf32>
        %mul3A_2069 = arith.constant 4 : i32
        %mul3A_2070 = arith.muli %select_n3A_1462, %mul3A_2069 : i32
        %get3A_2071 = arith.constant 1 : i32
        %get3A_2072 = arith.index_cast %get3A_2071 : i32 to index
        %get3A_2073 = arith.index_cast %mul3A_2070 : i32 to index
        %get3A_2074 = arith.index_cast %add3A_2054 : i32 to index
        %get3A_2075 = arith.constant 0 : index
        %get3A_2076 = tpu.vector_load %arg9[%get3A_2072, %get3A_2073, %get3A_2074, %get3A_2075] {strides = array<i32>} : memref<2x20x128x32xbf16, #tpu.memory_space<vmem>>, vector<32xbf16>,
        %unpack3A_2077 = tpu.unpack_subelements %get3A_2076, 0 {pack_format = #tpu.pack_format<interleaved>} : vector<32xbf16> -> vector<16xf32>
        %unpack3A_2078 = tpu.unpack_subelements %get3A_2076, 1 {pack_format = #tpu.pack_format<interleaved>} : vector<32xbf16> -> vector<16xf32>
        %mul3A_2079 = arith.constant 4 : i32
        %mul3A_2080 = arith.muli %select_n3A_1462, %mul3A_2079 : i32
        %add3A_2081 = arith.constant 1 : i32
        %add3A_2082 = arith.addi %mul3A_2080, %add3A_2081 : i32
        %get3A_2083 = arith.constant 1 : i32
        %get3A_2084 = arith.index_cast %get3A_2083 : i32 to index
        %get3A_2085 = arith.index_cast %add3A_2082 : i32 to index
        %get3A_2086 = arith.index_cast %add3A_2054 : i32 to index
        %get3A_2087 = arith.constant 0 : index
        %get3A_2088 = tpu.vector_load %arg9[%get3A_2084, %get3A_2085, %get3A_2086, %get3A_2087] {strides = array<i32>} : memref<2x20x128x32xbf16, #tpu.memory_space<vmem>>, vector<32xbf16>,
        %unpack3A_2089 = tpu.unpack_subelements %get3A_2088, 0 {pack_format = #tpu.pack_format<interleaved>} : vector<32xbf16> -> vector<16xf32>
        %unpack3A_2090 = tpu.unpack_subelements %get3A_2088, 1 {pack_format = #tpu.pack_format<interleaved>} : vector<32xbf16> -> vector<16xf32>
        %mul3A_2091 = arith.constant 4 : i32
        %mul3A_2092 = arith.muli %select_n3A_1462, %mul3A_2091 : i32
        %add3A_2093 = arith.constant 2 : i32
        %add3A_2094 = arith.addi %mul3A_2092, %add3A_2093 : i32
        %get3A_2095 = arith.constant 1 : i32
        %get3A_2096 = arith.index_cast %get3A_2095 : i32 to index
        %get3A_2097 = arith.index_cast %add3A_2094 : i32 to index
        %get3A_2098 = arith.index_cast %add3A_2054 : i32 to index
        %get3A_2099 = arith.constant 0 : index
        %get3A_2100 = tpu.vector_load %arg9[%get3A_2096, %get3A_2097, %get3A_2098, %get3A_2099] {strides = array<i32>} : memref<2x20x128x32xbf16, #tpu.memory_space<vmem>>, vector<32xbf16>,
        %unpack3A_2101 = tpu.unpack_subelements %get3A_2100, 0 {pack_format = #tpu.pack_format<interleaved>} : vector<32xbf16> -> vector<16xf32>
        %unpack3A_2102 = tpu.unpack_subelements %get3A_2100, 1 {pack_format = #tpu.pack_format<interleaved>} : vector<32xbf16> -> vector<16xf32>
        %mul3A_2103 = arith.constant 4 : i32
        %mul3A_2104 = arith.muli %select_n3A_1462, %mul3A_2103 : i32
        %add3A_2105 = arith.constant 3 : i32
        %add3A_2106 = arith.addi %mul3A_2104, %add3A_2105 : i32
        %get3A_2107 = arith.constant 1 : i32
        %get3A_2108 = arith.index_cast %get3A_2107 : i32 to index
        %get3A_2109 = arith.index_cast %add3A_2106 : i32 to index
        %get3A_2110 = arith.index_cast %add3A_2054 : i32 to index
        %get3A_2111 = arith.constant 0 : index
        %get3A_2112 = tpu.vector_load %arg9[%get3A_2108, %get3A_2109, %get3A_2110, %get3A_2111] {strides = array<i32>} : memref<2x20x128x32xbf16, #tpu.memory_space<vmem>>, vector<32xbf16>,
        %unpack3A_2113 = tpu.unpack_subelements %get3A_2112, 0 {pack_format = #tpu.pack_format<interleaved>} : vector<32xbf16> -> vector<16xf32>
        %unpack3A_2114 = tpu.unpack_subelements %get3A_2112, 1 {pack_format = #tpu.pack_format<interleaved>} : vector<32xbf16> -> vector<16xf32>
        %mul3A_2115 = arith.mulf %gather3A_2059, %unpack3A_2077 : vector<16xf32>
        %add3A_2116 = arith.addf %add3A_2044, %mul3A_2115 : vector<16xf32>
        %mul3A_2117 = arith.mulf %gather3A_2065, %unpack3A_2101 : vector<16xf32>
        %add3A_2118 = arith.addf %add3A_2116, %mul3A_2117 : vector<16xf32>
        %mul3A_2119 = arith.mulf %gather3A_2062, %unpack3A_2089 : vector<16xf32>
        %add3A_2120 = arith.addf %add3A_2118, %mul3A_2119 : vector<16xf32>
        %mul3A_2121 = arith.mulf %gather3A_2068, %unpack3A_2113 : vector<16xf32>
        %add3A_2122 = arith.addf %add3A_2120, %mul3A_2121 : vector<16xf32>
        %mul3A_2123 = arith.mulf %gather3A_2059, %unpack3A_2078 : vector<16xf32>
        %add3A_2124 = arith.addf %add3A_2052, %mul3A_2123 : vector<16xf32>
        %mul3A_2125 = arith.mulf %gather3A_2065, %unpack3A_2102 : vector<16xf32>
        %add3A_2126 = arith.addf %add3A_2124, %mul3A_2125 : vector<16xf32>
        %mul3A_2127 = arith.mulf %gather3A_2062, %unpack3A_2090 : vector<16xf32>
        %add3A_2128 = arith.addf %add3A_2126, %mul3A_2127 : vector<16xf32>
        %mul3A_2129 = arith.mulf %gather3A_2068, %unpack3A_2114 : vector<16xf32>
        %add3A_2130 = arith.addf %add3A_2128, %mul3A_2129 : vector<16xf32>
        %add3A_2131 = arith.constant 8 : i32
        %add3A_2132 = arith.addi %mul3A_1480, %add3A_2131 : i32
        %broadcast_in_dim3A_2133 = arith.constant 8 : i32
        %broadcast_in_dim3A_2134 = vector.broadcast %broadcast_in_dim3A_2133 : i32 to vector<16xi32>
        %broadcast_in_dim3A_2135 = vector.shape_cast %broadcast_in_dim3A_2134 : vector<16xi32> to vector<16x1xi32>
        %gather3A_2136 = vector.shape_cast %broadcast_in_dim3A_2135 : vector<16x1xi32> to vector<16xi32>
        %gather3A_2137 = tpu.dynamic_gather %get3A_1484[%gather3A_2136] in [0] : vector<16xf32>, vector<16xi32> -> vector<16xf32>
        %broadcast_in_dim3A_2138 = vector.shape_cast %broadcast_in_dim3A_2134 : vector<16xi32> to vector<16x1xi32>
        %gather3A_2139 = vector.shape_cast %broadcast_in_dim3A_2138 : vector<16x1xi32> to vector<16xi32>
        %gather3A_2140 = tpu.dynamic_gather %get3A_1491[%gather3A_2139] in [0] : vector<16xf32>, vector<16xi32> -> vector<16xf32>
        %broadcast_in_dim3A_2141 = vector.shape_cast %broadcast_in_dim3A_2134 : vector<16xi32> to vector<16x1xi32>
        %gather3A_2142 = vector.shape_cast %broadcast_in_dim3A_2141 : vector<16x1xi32> to vector<16xi32>
        %gather3A_2143 = tpu.dynamic_gather %get3A_1498[%gather3A_2142] in [0] : vector<16xf32>, vector<16xi32> -> vector<16xf32>
        %broadcast_in_dim3A_2144 = vector.shape_cast %broadcast_in_dim3A_2134 : vector<16xi32> to vector<16x1xi32>
        %gather3A_2145 = vector.shape_cast %broadcast_in_dim3A_2144 : vector<16x1xi32> to vector<16xi32>
        %gather3A_2146 = tpu.dynamic_gather %get3A_1505[%gather3A_2145] in [0] : vector<16xf32>, vector<16xi32> -> vector<16xf32>
        %mul3A_2147 = arith.constant 4 : i32
        %mul3A_2148 = arith.muli %select_n3A_1462, %mul3A_2147 : i32
        %get3A_2149 = arith.constant 1 : i32
        %get3A_2150 = arith.index_cast %get3A_2149 : i32 to index
        %get3A_2151 = arith.index_cast %mul3A_2148 : i32 to index
        %get3A_2152 = arith.index_cast %add3A_2132 : i32 to index
        %get3A_2153 = arith.constant 0 : index
        %get3A_2154 = tpu.vector_load %arg9[%get3A_2150, %get3A_2151, %get3A_2152, %get3A_2153] {strides = array<i32>} : memref<2x20x128x32xbf16, #tpu.memory_space<vmem>>, vector<32xbf16>,
        %unpack3A_2155 = tpu.unpack_subelements %get3A_2154, 0 {pack_format = #tpu.pack_format<interleaved>} : vector<32xbf16> -> vector<16xf32>
        %unpack3A_2156 = tpu.unpack_subelements %get3A_2154, 1 {pack_format = #tpu.pack_format<interleaved>} : vector<32xbf16> -> vector<16xf32>
        %mul3A_2157 = arith.constant 4 : i32
        %mul3A_2158 = arith.muli %select_n3A_1462, %mul3A_2157 : i32
        %add3A_2159 = arith.constant 1 : i32
        %add3A_2160 = arith.addi %mul3A_2158, %add3A_2159 : i32
        %get3A_2161 = arith.constant 1 : i32
        %get3A_2162 = arith.index_cast %get3A_2161 : i32 to index
        %get3A_2163 = arith.index_cast %add3A_2160 : i32 to index
        %get3A_2164 = arith.index_cast %add3A_2132 : i32 to index
        %get3A_2165 = arith.constant 0 : index
        %get3A_2166 = tpu.vector_load %arg9[%get3A_2162, %get3A_2163, %get3A_2164, %get3A_2165] {strides = array<i32>} : memref<2x20x128x32xbf16, #tpu.memory_space<vmem>>, vector<32xbf16>,
        %unpack3A_2167 = tpu.unpack_subelements %get3A_2166, 0 {pack_format = #tpu.pack_format<interleaved>} : vector<32xbf16> -> vector<16xf32>
        %unpack3A_2168 = tpu.unpack_subelements %get3A_2166, 1 {pack_format = #tpu.pack_format<interleaved>} : vector<32xbf16> -> vector<16xf32>
        %mul3A_2169 = arith.constant 4 : i32
        %mul3A_2170 = arith.muli %select_n3A_1462, %mul3A_2169 : i32
        %add3A_2171 = arith.constant 2 : i32
        %add3A_2172 = arith.addi %mul3A_2170, %add3A_2171 : i32
        %get3A_2173 = arith.constant 1 : i32
        %get3A_2174 = arith.index_cast %get3A_2173 : i32 to index
        %get3A_2175 = arith.index_cast %add3A_2172 : i32 to index
        %get3A_2176 = arith.index_cast %add3A_2132 : i32 to index
        %get3A_2177 = arith.constant 0 : index
        %get3A_2178 = tpu.vector_load %arg9[%get3A_2174, %get3A_2175, %get3A_2176, %get3A_2177] {strides = array<i32>} : memref<2x20x128x32xbf16, #tpu.memory_space<vmem>>, vector<32xbf16>,
        %unpack3A_2179 = tpu.unpack_subelements %get3A_2178, 0 {pack_format = #tpu.pack_format<interleaved>} : vector<32xbf16> -> vector<16xf32>
        %unpack3A_2180 = tpu.unpack_subelements %get3A_2178, 1 {pack_format = #tpu.pack_format<interleaved>} : vector<32xbf16> -> vector<16xf32>
        %mul3A_2181 = arith.constant 4 : i32
        %mul3A_2182 = arith.muli %select_n3A_1462, %mul3A_2181 : i32
        %add3A_2183 = arith.constant 3 : i32
        %add3A_2184 = arith.addi %mul3A_2182, %add3A_2183 : i32
        %get3A_2185 = arith.constant 1 : i32
        %get3A_2186 = arith.index_cast %get3A_2185 : i32 to index
        %get3A_2187 = arith.index_cast %add3A_2184 : i32 to index
        %get3A_2188 = arith.index_cast %add3A_2132 : i32 to index
        %get3A_2189 = arith.constant 0 : index
        %get3A_2190 = tpu.vector_load %arg9[%get3A_2186, %get3A_2187, %get3A_2188, %get3A_2189] {strides = array<i32>} : memref<2x20x128x32xbf16, #tpu.memory_space<vmem>>, vector<32xbf16>,
        %unpack3A_2191 = tpu.unpack_subelements %get3A_2190, 0 {pack_format = #tpu.pack_format<interleaved>} : vector<32xbf16> -> vector<16xf32>
        %unpack3A_2192 = tpu.unpack_subelements %get3A_2190, 1 {pack_format = #tpu.pack_format<interleaved>} : vector<32xbf16> -> vector<16xf32>
        %mul3A_2193 = arith.mulf %gather3A_2137, %unpack3A_2155 : vector<16xf32>
        %add3A_2194 = arith.addf %add3A_2122, %mul3A_2193 : vector<16xf32>
        %mul3A_2195 = arith.mulf %gather3A_2143, %unpack3A_2179 : vector<16xf32>
        %add3A_2196 = arith.addf %add3A_2194, %mul3A_2195 : vector<16xf32>
        %mul3A_2197 = arith.mulf %gather3A_2140, %unpack3A_2167 : vector<16xf32>
        %add3A_2198 = arith.addf %add3A_2196, %mul3A_2197 : vector<16xf32>
        %mul3A_2199 = arith.mulf %gather3A_2146, %unpack3A_2191 : vector<16xf32>
        %add3A_2200 = arith.addf %add3A_2198, %mul3A_2199 : vector<16xf32>
        %mul3A_2201 = arith.mulf %gather3A_2137, %unpack3A_2156 : vector<16xf32>
        %add3A_2202 = arith.addf %add3A_2130, %mul3A_2201 : vector<16xf32>
        %mul3A_2203 = arith.mulf %gather3A_2143, %unpack3A_2180 : vector<16xf32>
        %add3A_2204 = arith.addf %add3A_2202, %mul3A_2203 : vector<16xf32>
        %mul3A_2205 = arith.mulf %gather3A_2140, %unpack3A_2168 : vector<16xf32>
        %add3A_2206 = arith.addf %add3A_2204, %mul3A_2205 : vector<16xf32>
        %mul3A_2207 = arith.mulf %gather3A_2146, %unpack3A_2192 : vector<16xf32>
        %add3A_2208 = arith.addf %add3A_2206, %mul3A_2207 : vector<16xf32>
        %add3A_2209 = arith.constant 9 : i32
        %add3A_2210 = arith.addi %mul3A_1480, %add3A_2209 : i32
        %broadcast_in_dim3A_2211 = arith.constant 9 : i32
        %broadcast_in_dim3A_2212 = vector.broadcast %broadcast_in_dim3A_2211 : i32 to vector<16xi32>
        %broadcast_in_dim3A_2213 = vector.shape_cast %broadcast_in_dim3A_2212 : vector<16xi32> to vector<16x1xi32>
        %gather3A_2214 = vector.shape_cast %broadcast_in_dim3A_2213 : vector<16x1xi32> to vector<16xi32>
        %gather3A_2215 = tpu.dynamic_gather %get3A_1484[%gather3A_2214] in [0] : vector<16xf32>, vector<16xi32> -> vector<16xf32>
        %broadcast_in_dim3A_2216 = vector.shape_cast %broadcast_in_dim3A_2212 : vector<16xi32> to vector<16x1xi32>
        %gather3A_2217 = vector.shape_cast %broadcast_in_dim3A_2216 : vector<16x1xi32> to vector<16xi32>
        %gather3A_2218 = tpu.dynamic_gather %get3A_1491[%gather3A_2217] in [0] : vector<16xf32>, vector<16xi32> -> vector<16xf32>
        %broadcast_in_dim3A_2219 = vector.shape_cast %broadcast_in_dim3A_2212 : vector<16xi32> to vector<16x1xi32>
        %gather3A_2220 = vector.shape_cast %broadcast_in_dim3A_2219 : vector<16x1xi32> to vector<16xi32>
        %gather3A_2221 = tpu.dynamic_gather %get3A_1498[%gather3A_2220] in [0] : vector<16xf32>, vector<16xi32> -> vector<16xf32>
        %broadcast_in_dim3A_2222 = vector.shape_cast %broadcast_in_dim3A_2212 : vector<16xi32> to vector<16x1xi32>
        %gather3A_2223 = vector.shape_cast %broadcast_in_dim3A_2222 : vector<16x1xi32> to vector<16xi32>
        %gather3A_2224 = tpu.dynamic_gather %get3A_1505[%gather3A_2223] in [0] : vector<16xf32>, vector<16xi32> -> vector<16xf32>
        %mul3A_2225 = arith.constant 4 : i32
        %mul3A_2226 = arith.muli %select_n3A_1462, %mul3A_2225 : i32
        %get3A_2227 = arith.constant 1 : i32
        %get3A_2228 = arith.index_cast %get3A_2227 : i32 to index
        %get3A_2229 = arith.index_cast %mul3A_2226 : i32 to index
        %get3A_2230 = arith.index_cast %add3A_2210 : i32 to index
        %get3A_2231 = arith.constant 0 : index
        %get3A_2232 = tpu.vector_load %arg9[%get3A_2228, %get3A_2229, %get3A_2230, %get3A_2231] {strides = array<i32>} : memref<2x20x128x32xbf16, #tpu.memory_space<vmem>>, vector<32xbf16>,
        %unpack3A_2233 = tpu.unpack_subelements %get3A_2232, 0 {pack_format = #tpu.pack_format<interleaved>} : vector<32xbf16> -> vector<16xf32>
        %unpack3A_2234 = tpu.unpack_subelements %get3A_2232, 1 {pack_format = #tpu.pack_format<interleaved>} : vector<32xbf16> -> vector<16xf32>
        %mul3A_2235 = arith.constant 4 : i32
        %mul3A_2236 = arith.muli %select_n3A_1462, %mul3A_2235 : i32
        %add3A_2237 = arith.constant 1 : i32
        %add3A_2238 = arith.addi %mul3A_2236, %add3A_2237 : i32
        %get3A_2239 = arith.constant 1 : i32
        %get3A_2240 = arith.index_cast %get3A_2239 : i32 to index
        %get3A_2241 = arith.index_cast %add3A_2238 : i32 to index
        %get3A_2242 = arith.index_cast %add3A_2210 : i32 to index
        %get3A_2243 = arith.constant 0 : index
        %get3A_2244 = tpu.vector_load %arg9[%get3A_2240, %get3A_2241, %get3A_2242, %get3A_2243] {strides = array<i32>} : memref<2x20x128x32xbf16, #tpu.memory_space<vmem>>, vector<32xbf16>,
        %unpack3A_2245 = tpu.unpack_subelements %get3A_2244, 0 {pack_format = #tpu.pack_format<interleaved>} : vector<32xbf16> -> vector<16xf32>
        %unpack3A_2246 = tpu.unpack_subelements %get3A_2244, 1 {pack_format = #tpu.pack_format<interleaved>} : vector<32xbf16> -> vector<16xf32>
        %mul3A_2247 = arith.constant 4 : i32
        %mul3A_2248 = arith.muli %select_n3A_1462, %mul3A_2247 : i32
        %add3A_2249 = arith.constant 2 : i32
        %add3A_2250 = arith.addi %mul3A_2248, %add3A_2249 : i32
        %get3A_2251 = arith.constant 1 : i32
        %get3A_2252 = arith.index_cast %get3A_2251 : i32 to index
        %get3A_2253 = arith.index_cast %add3A_2250 : i32 to index
        %get3A_2254 = arith.index_cast %add3A_2210 : i32 to index
        %get3A_2255 = arith.constant 0 : index
        %get3A_2256 = tpu.vector_load %arg9[%get3A_2252, %get3A_2253, %get3A_2254, %get3A_2255] {strides = array<i32>} : memref<2x20x128x32xbf16, #tpu.memory_space<vmem>>, vector<32xbf16>,
        %unpack3A_2257 = tpu.unpack_subelements %get3A_2256, 0 {pack_format = #tpu.pack_format<interleaved>} : vector<32xbf16> -> vector<16xf32>
        %unpack3A_2258 = tpu.unpack_subelements %get3A_2256, 1 {pack_format = #tpu.pack_format<interleaved>} : vector<32xbf16> -> vector<16xf32>
        %mul3A_2259 = arith.constant 4 : i32
        %mul3A_2260 = arith.muli %select_n3A_1462, %mul3A_2259 : i32
        %add3A_2261 = arith.constant 3 : i32
        %add3A_2262 = arith.addi %mul3A_2260, %add3A_2261 : i32
        %get3A_2263 = arith.constant 1 : i32
        %get3A_2264 = arith.index_cast %get3A_2263 : i32 to index
        %get3A_2265 = arith.index_cast %add3A_2262 : i32 to index
        %get3A_2266 = arith.index_cast %add3A_2210 : i32 to index
        %get3A_2267 = arith.constant 0 : index
        %get3A_2268 = tpu.vector_load %arg9[%get3A_2264, %get3A_2265, %get3A_2266, %get3A_2267] {strides = array<i32>} : memref<2x20x128x32xbf16, #tpu.memory_space<vmem>>, vector<32xbf16>,
        %unpack3A_2269 = tpu.unpack_subelements %get3A_2268, 0 {pack_format = #tpu.pack_format<interleaved>} : vector<32xbf16> -> vector<16xf32>
        %unpack3A_2270 = tpu.unpack_subelements %get3A_2268, 1 {pack_format = #tpu.pack_format<interleaved>} : vector<32xbf16> -> vector<16xf32>
        %mul3A_2271 = arith.mulf %gather3A_2215, %unpack3A_2233 : vector<16xf32>
        %add3A_2272 = arith.addf %add3A_2200, %mul3A_2271 : vector<16xf32>
        %mul3A_2273 = arith.mulf %gather3A_2221, %unpack3A_2257 : vector<16xf32>
        %add3A_2274 = arith.addf %add3A_2272, %mul3A_2273 : vector<16xf32>
        %mul3A_2275 = arith.mulf %gather3A_2218, %unpack3A_2245 : vector<16xf32>
        %add3A_2276 = arith.addf %add3A_2274, %mul3A_2275 : vector<16xf32>
        %mul3A_2277 = arith.mulf %gather3A_2224, %unpack3A_2269 : vector<16xf32>
        %add3A_2278 = arith.addf %add3A_2276, %mul3A_2277 : vector<16xf32>
        %mul3A_2279 = arith.mulf %gather3A_2215, %unpack3A_2234 : vector<16xf32>
        %add3A_2280 = arith.addf %add3A_2208, %mul3A_2279 : vector<16xf32>
        %mul3A_2281 = arith.mulf %gather3A_2221, %unpack3A_2258 : vector<16xf32>
        %add3A_2282 = arith.addf %add3A_2280, %mul3A_2281 : vector<16xf32>
        %mul3A_2283 = arith.mulf %gather3A_2218, %unpack3A_2246 : vector<16xf32>
        %add3A_2284 = arith.addf %add3A_2282, %mul3A_2283 : vector<16xf32>
        %mul3A_2285 = arith.mulf %gather3A_2224, %unpack3A_2270 : vector<16xf32>
        %add3A_2286 = arith.addf %add3A_2284, %mul3A_2285 : vector<16xf32>
        %add3A_2287 = arith.constant 10 : i32
        %add3A_2288 = arith.addi %mul3A_1480, %add3A_2287 : i32
        %broadcast_in_dim3A_2289 = arith.constant 10 : i32
        %broadcast_in_dim3A_2290 = vector.broadcast %broadcast_in_dim3A_2289 : i32 to vector<16xi32>
        %broadcast_in_dim3A_2291 = vector.shape_cast %broadcast_in_dim3A_2290 : vector<16xi32> to vector<16x1xi32>
        %gather3A_2292 = vector.shape_cast %broadcast_in_dim3A_2291 : vector<16x1xi32> to vector<16xi32>
        %gather3A_2293 = tpu.dynamic_gather %get3A_1484[%gather3A_2292] in [0] : vector<16xf32>, vector<16xi32> -> vector<16xf32>
        %broadcast_in_dim3A_2294 = vector.shape_cast %broadcast_in_dim3A_2290 : vector<16xi32> to vector<16x1xi32>
        %gather3A_2295 = vector.shape_cast %broadcast_in_dim3A_2294 : vector<16x1xi32> to vector<16xi32>
        %gather3A_2296 = tpu.dynamic_gather %get3A_1491[%gather3A_2295] in [0] : vector<16xf32>, vector<16xi32> -> vector<16xf32>
        %broadcast_in_dim3A_2297 = vector.shape_cast %broadcast_in_dim3A_2290 : vector<16xi32> to vector<16x1xi32>
        %gather3A_2298 = vector.shape_cast %broadcast_in_dim3A_2297 : vector<16x1xi32> to vector<16xi32>
        %gather3A_2299 = tpu.dynamic_gather %get3A_1498[%gather3A_2298] in [0] : vector<16xf32>, vector<16xi32> -> vector<16xf32>
        %broadcast_in_dim3A_2300 = vector.shape_cast %broadcast_in_dim3A_2290 : vector<16xi32> to vector<16x1xi32>
        %gather3A_2301 = vector.shape_cast %broadcast_in_dim3A_2300 : vector<16x1xi32> to vector<16xi32>
        %gather3A_2302 = tpu.dynamic_gather %get3A_1505[%gather3A_2301] in [0] : vector<16xf32>, vector<16xi32> -> vector<16xf32>
        %mul3A_2303 = arith.constant 4 : i32
        %mul3A_2304 = arith.muli %select_n3A_1462, %mul3A_2303 : i32
        %get3A_2305 = arith.constant 1 : i32
        %get3A_2306 = arith.index_cast %get3A_2305 : i32 to index
        %get3A_2307 = arith.index_cast %mul3A_2304 : i32 to index
        %get3A_2308 = arith.index_cast %add3A_2288 : i32 to index
        %get3A_2309 = arith.constant 0 : index
        %get3A_2310 = tpu.vector_load %arg9[%get3A_2306, %get3A_2307, %get3A_2308, %get3A_2309] {strides = array<i32>} : memref<2x20x128x32xbf16, #tpu.memory_space<vmem>>, vector<32xbf16>,
        %unpack3A_2311 = tpu.unpack_subelements %get3A_2310, 0 {pack_format = #tpu.pack_format<interleaved>} : vector<32xbf16> -> vector<16xf32>
        %unpack3A_2312 = tpu.unpack_subelements %get3A_2310, 1 {pack_format = #tpu.pack_format<interleaved>} : vector<32xbf16> -> vector<16xf32>
        %mul3A_2313 = arith.constant 4 : i32
        %mul3A_2314 = arith.muli %select_n3A_1462, %mul3A_2313 : i32
        %add3A_2315 = arith.constant 1 : i32
        %add3A_2316 = arith.addi %mul3A_2314, %add3A_2315 : i32
        %get3A_2317 = arith.constant 1 : i32
        %get3A_2318 = arith.index_cast %get3A_2317 : i32 to index
        %get3A_2319 = arith.index_cast %add3A_2316 : i32 to index
        %get3A_2320 = arith.index_cast %add3A_2288 : i32 to index
        %get3A_2321 = arith.constant 0 : index
        %get3A_2322 = tpu.vector_load %arg9[%get3A_2318, %get3A_2319, %get3A_2320, %get3A_2321] {strides = array<i32>} : memref<2x20x128x32xbf16, #tpu.memory_space<vmem>>, vector<32xbf16>,
        %unpack3A_2323 = tpu.unpack_subelements %get3A_2322, 0 {pack_format = #tpu.pack_format<interleaved>} : vector<32xbf16> -> vector<16xf32>
        %unpack3A_2324 = tpu.unpack_subelements %get3A_2322, 1 {pack_format = #tpu.pack_format<interleaved>} : vector<32xbf16> -> vector<16xf32>
        %mul3A_2325 = arith.constant 4 : i32
        %mul3A_2326 = arith.muli %select_n3A_1462, %mul3A_2325 : i32
        %add3A_2327 = arith.constant 2 : i32
        %add3A_2328 = arith.addi %mul3A_2326, %add3A_2327 : i32
        %get3A_2329 = arith.constant 1 : i32
        %get3A_2330 = arith.index_cast %get3A_2329 : i32 to index
        %get3A_2331 = arith.index_cast %add3A_2328 : i32 to index
        %get3A_2332 = arith.index_cast %add3A_2288 : i32 to index
        %get3A_2333 = arith.constant 0 : index
        %get3A_2334 = tpu.vector_load %arg9[%get3A_2330, %get3A_2331, %get3A_2332, %get3A_2333] {strides = array<i32>} : memref<2x20x128x32xbf16, #tpu.memory_space<vmem>>, vector<32xbf16>,
        %unpack3A_2335 = tpu.unpack_subelements %get3A_2334, 0 {pack_format = #tpu.pack_format<interleaved>} : vector<32xbf16> -> vector<16xf32>
        %unpack3A_2336 = tpu.unpack_subelements %get3A_2334, 1 {pack_format = #tpu.pack_format<interleaved>} : vector<32xbf16> -> vector<16xf32>
        %mul3A_2337 = arith.constant 4 : i32
        %mul3A_2338 = arith.muli %select_n3A_1462, %mul3A_2337 : i32
        %add3A_2339 = arith.constant 3 : i32
        %add3A_2340 = arith.addi %mul3A_2338, %add3A_2339 : i32
        %get3A_2341 = arith.constant 1 : i32
        %get3A_2342 = arith.index_cast %get3A_2341 : i32 to index
        %get3A_2343 = arith.index_cast %add3A_2340 : i32 to index
        %get3A_2344 = arith.index_cast %add3A_2288 : i32 to index
        %get3A_2345 = arith.constant 0 : index
        %get3A_2346 = tpu.vector_load %arg9[%get3A_2342, %get3A_2343, %get3A_2344, %get3A_2345] {strides = array<i32>} : memref<2x20x128x32xbf16, #tpu.memory_space<vmem>>, vector<32xbf16>,
        %unpack3A_2347 = tpu.unpack_subelements %get3A_2346, 0 {pack_format = #tpu.pack_format<interleaved>} : vector<32xbf16> -> vector<16xf32>
        %unpack3A_2348 = tpu.unpack_subelements %get3A_2346, 1 {pack_format = #tpu.pack_format<interleaved>} : vector<32xbf16> -> vector<16xf32>
        %mul3A_2349 = arith.mulf %gather3A_2293, %unpack3A_2311 : vector<16xf32>
        %add3A_2350 = arith.addf %add3A_2278, %mul3A_2349 : vector<16xf32>
        %mul3A_2351 = arith.mulf %gather3A_2299, %unpack3A_2335 : vector<16xf32>
        %add3A_2352 = arith.addf %add3A_2350, %mul3A_2351 : vector<16xf32>
        %mul3A_2353 = arith.mulf %gather3A_2296, %unpack3A_2323 : vector<16xf32>
        %add3A_2354 = arith.addf %add3A_2352, %mul3A_2353 : vector<16xf32>
        %mul3A_2355 = arith.mulf %gather3A_2302, %unpack3A_2347 : vector<16xf32>
        %add3A_2356 = arith.addf %add3A_2354, %mul3A_2355 : vector<16xf32>
        %mul3A_2357 = arith.mulf %gather3A_2293, %unpack3A_2312 : vector<16xf32>
        %add3A_2358 = arith.addf %add3A_2286, %mul3A_2357 : vector<16xf32>
        %mul3A_2359 = arith.mulf %gather3A_2299, %unpack3A_2336 : vector<16xf32>
        %add3A_2360 = arith.addf %add3A_2358, %mul3A_2359 : vector<16xf32>
        %mul3A_2361 = arith.mulf %gather3A_2296, %unpack3A_2324 : vector<16xf32>
        %add3A_2362 = arith.addf %add3A_2360, %mul3A_2361 : vector<16xf32>
        %mul3A_2363 = arith.mulf %gather3A_2302, %unpack3A_2348 : vector<16xf32>
        %add3A_2364 = arith.addf %add3A_2362, %mul3A_2363 : vector<16xf32>
        %add3A_2365 = arith.constant 11 : i32
        %add3A_2366 = arith.addi %mul3A_1480, %add3A_2365 : i32
        %broadcast_in_dim3A_2367 = arith.constant 11 : i32
        %broadcast_in_dim3A_2368 = vector.broadcast %broadcast_in_dim3A_2367 : i32 to vector<16xi32>
        %broadcast_in_dim3A_2369 = vector.shape_cast %broadcast_in_dim3A_2368 : vector<16xi32> to vector<16x1xi32>
        %gather3A_2370 = vector.shape_cast %broadcast_in_dim3A_2369 : vector<16x1xi32> to vector<16xi32>
        %gather3A_2371 = tpu.dynamic_gather %get3A_1484[%gather3A_2370] in [0] : vector<16xf32>, vector<16xi32> -> vector<16xf32>
        %broadcast_in_dim3A_2372 = vector.shape_cast %broadcast_in_dim3A_2368 : vector<16xi32> to vector<16x1xi32>
        %gather3A_2373 = vector.shape_cast %broadcast_in_dim3A_2372 : vector<16x1xi32> to vector<16xi32>
        %gather3A_2374 = tpu.dynamic_gather %get3A_1491[%gather3A_2373] in [0] : vector<16xf32>, vector<16xi32> -> vector<16xf32>
        %broadcast_in_dim3A_2375 = vector.shape_cast %broadcast_in_dim3A_2368 : vector<16xi32> to vector<16x1xi32>
        %gather3A_2376 = vector.shape_cast %broadcast_in_dim3A_2375 : vector<16x1xi32> to vector<16xi32>
        %gather3A_2377 = tpu.dynamic_gather %get3A_1498[%gather3A_2376] in [0] : vector<16xf32>, vector<16xi32> -> vector<16xf32>
        %broadcast_in_dim3A_2378 = vector.shape_cast %broadcast_in_dim3A_2368 : vector<16xi32> to vector<16x1xi32>
        %gather3A_2379 = vector.shape_cast %broadcast_in_dim3A_2378 : vector<16x1xi32> to vector<16xi32>
        %gather3A_2380 = tpu.dynamic_gather %get3A_1505[%gather3A_2379] in [0] : vector<16xf32>, vector<16xi32> -> vector<16xf32>
        %mul3A_2381 = arith.constant 4 : i32
        %mul3A_2382 = arith.muli %select_n3A_1462, %mul3A_2381 : i32
        %get3A_2383 = arith.constant 1 : i32
        %get3A_2384 = arith.index_cast %get3A_2383 : i32 to index
        %get3A_2385 = arith.index_cast %mul3A_2382 : i32 to index
        %get3A_2386 = arith.index_cast %add3A_2366 : i32 to index
        %get3A_2387 = arith.constant 0 : index
        %get3A_2388 = tpu.vector_load %arg9[%get3A_2384, %get3A_2385, %get3A_2386, %get3A_2387] {strides = array<i32>} : memref<2x20x128x32xbf16, #tpu.memory_space<vmem>>, vector<32xbf16>,
        %unpack3A_2389 = tpu.unpack_subelements %get3A_2388, 0 {pack_format = #tpu.pack_format<interleaved>} : vector<32xbf16> -> vector<16xf32>
        %unpack3A_2390 = tpu.unpack_subelements %get3A_2388, 1 {pack_format = #tpu.pack_format<interleaved>} : vector<32xbf16> -> vector<16xf32>
        %mul3A_2391 = arith.constant 4 : i32
        %mul3A_2392 = arith.muli %select_n3A_1462, %mul3A_2391 : i32
        %add3A_2393 = arith.constant 1 : i32
        %add3A_2394 = arith.addi %mul3A_2392, %add3A_2393 : i32
        %get3A_2395 = arith.constant 1 : i32
        %get3A_2396 = arith.index_cast %get3A_2395 : i32 to index
        %get3A_2397 = arith.index_cast %add3A_2394 : i32 to index
        %get3A_2398 = arith.index_cast %add3A_2366 : i32 to index
        %get3A_2399 = arith.constant 0 : index
        %get3A_2400 = tpu.vector_load %arg9[%get3A_2396, %get3A_2397, %get3A_2398, %get3A_2399] {strides = array<i32>} : memref<2x20x128x32xbf16, #tpu.memory_space<vmem>>, vector<32xbf16>,
        %unpack3A_2401 = tpu.unpack_subelements %get3A_2400, 0 {pack_format = #tpu.pack_format<interleaved>} : vector<32xbf16> -> vector<16xf32>
        %unpack3A_2402 = tpu.unpack_subelements %get3A_2400, 1 {pack_format = #tpu.pack_format<interleaved>} : vector<32xbf16> -> vector<16xf32>
        %mul3A_2403 = arith.constant 4 : i32
        %mul3A_2404 = arith.muli %select_n3A_1462, %mul3A_2403 : i32
        %add3A_2405 = arith.constant 2 : i32
        %add3A_2406 = arith.addi %mul3A_2404, %add3A_2405 : i32
        %get3A_2407 = arith.constant 1 : i32
        %get3A_2408 = arith.index_cast %get3A_2407 : i32 to index
        %get3A_2409 = arith.index_cast %add3A_2406 : i32 to index
        %get3A_2410 = arith.index_cast %add3A_2366 : i32 to index
        %get3A_2411 = arith.constant 0 : index
        %get3A_2412 = tpu.vector_load %arg9[%get3A_2408, %get3A_2409, %get3A_2410, %get3A_2411] {strides = array<i32>} : memref<2x20x128x32xbf16, #tpu.memory_space<vmem>>, vector<32xbf16>,
        %unpack3A_2413 = tpu.unpack_subelements %get3A_2412, 0 {pack_format = #tpu.pack_format<interleaved>} : vector<32xbf16> -> vector<16xf32>
        %unpack3A_2414 = tpu.unpack_subelements %get3A_2412, 1 {pack_format = #tpu.pack_format<interleaved>} : vector<32xbf16> -> vector<16xf32>
        %mul3A_2415 = arith.constant 4 : i32
        %mul3A_2416 = arith.muli %select_n3A_1462, %mul3A_2415 : i32
        %add3A_2417 = arith.constant 3 : i32
        %add3A_2418 = arith.addi %mul3A_2416, %add3A_2417 : i32
        %get3A_2419 = arith.constant 1 : i32
        %get3A_2420 = arith.index_cast %get3A_2419 : i32 to index
        %get3A_2421 = arith.index_cast %add3A_2418 : i32 to index
        %get3A_2422 = arith.index_cast %add3A_2366 : i32 to index
        %get3A_2423 = arith.constant 0 : index
        %get3A_2424 = tpu.vector_load %arg9[%get3A_2420, %get3A_2421, %get3A_2422, %get3A_2423] {strides = array<i32>} : memref<2x20x128x32xbf16, #tpu.memory_space<vmem>>, vector<32xbf16>,
        %unpack3A_2425 = tpu.unpack_subelements %get3A_2424, 0 {pack_format = #tpu.pack_format<interleaved>} : vector<32xbf16> -> vector<16xf32>
        %unpack3A_2426 = tpu.unpack_subelements %get3A_2424, 1 {pack_format = #tpu.pack_format<interleaved>} : vector<32xbf16> -> vector<16xf32>
        %mul3A_2427 = arith.mulf %gather3A_2371, %unpack3A_2389 : vector<16xf32>
        %add3A_2428 = arith.addf %add3A_2356, %mul3A_2427 : vector<16xf32>
        %mul3A_2429 = arith.mulf %gather3A_2377, %unpack3A_2413 : vector<16xf32>
        %add3A_2430 = arith.addf %add3A_2428, %mul3A_2429 : vector<16xf32>
        %mul3A_2431 = arith.mulf %gather3A_2374, %unpack3A_2401 : vector<16xf32>
        %add3A_2432 = arith.addf %add3A_2430, %mul3A_2431 : vector<16xf32>
        %mul3A_2433 = arith.mulf %gather3A_2380, %unpack3A_2425 : vector<16xf32>
        %add3A_2434 = arith.addf %add3A_2432, %mul3A_2433 : vector<16xf32>
        %mul3A_2435 = arith.mulf %gather3A_2371, %unpack3A_2390 : vector<16xf32>
        %add3A_2436 = arith.addf %add3A_2364, %mul3A_2435 : vector<16xf32>
        %mul3A_2437 = arith.mulf %gather3A_2377, %unpack3A_2414 : vector<16xf32>
        %add3A_2438 = arith.addf %add3A_2436, %mul3A_2437 : vector<16xf32>
        %mul3A_2439 = arith.mulf %gather3A_2374, %unpack3A_2402 : vector<16xf32>
        %add3A_2440 = arith.addf %add3A_2438, %mul3A_2439 : vector<16xf32>
        %mul3A_2441 = arith.mulf %gather3A_2380, %unpack3A_2426 : vector<16xf32>
        %add3A_2442 = arith.addf %add3A_2440, %mul3A_2441 : vector<16xf32>
        %add3A_2443 = arith.constant 12 : i32
        %add3A_2444 = arith.addi %mul3A_1480, %add3A_2443 : i32
        %broadcast_in_dim3A_2445 = arith.constant 12 : i32
        %broadcast_in_dim3A_2446 = vector.broadcast %broadcast_in_dim3A_2445 : i32 to vector<16xi32>
        %broadcast_in_dim3A_2447 = vector.shape_cast %broadcast_in_dim3A_2446 : vector<16xi32> to vector<16x1xi32>
        %gather3A_2448 = vector.shape_cast %broadcast_in_dim3A_2447 : vector<16x1xi32> to vector<16xi32>
        %gather3A_2449 = tpu.dynamic_gather %get3A_1484[%gather3A_2448] in [0] : vector<16xf32>, vector<16xi32> -> vector<16xf32>
        %broadcast_in_dim3A_2450 = vector.shape_cast %broadcast_in_dim3A_2446 : vector<16xi32> to vector<16x1xi32>
        %gather3A_2451 = vector.shape_cast %broadcast_in_dim3A_2450 : vector<16x1xi32> to vector<16xi32>
        %gather3A_2452 = tpu.dynamic_gather %get3A_1491[%gather3A_2451] in [0] : vector<16xf32>, vector<16xi32> -> vector<16xf32>
        %broadcast_in_dim3A_2453 = vector.shape_cast %broadcast_in_dim3A_2446 : vector<16xi32> to vector<16x1xi32>
        %gather3A_2454 = vector.shape_cast %broadcast_in_dim3A_2453 : vector<16x1xi32> to vector<16xi32>
        %gather3A_2455 = tpu.dynamic_gather %get3A_1498[%gather3A_2454] in [0] : vector<16xf32>, vector<16xi32> -> vector<16xf32>
        %broadcast_in_dim3A_2456 = vector.shape_cast %broadcast_in_dim3A_2446 : vector<16xi32> to vector<16x1xi32>
        %gather3A_2457 = vector.shape_cast %broadcast_in_dim3A_2456 : vector<16x1xi32> to vector<16xi32>
        %gather3A_2458 = tpu.dynamic_gather %get3A_1505[%gather3A_2457] in [0] : vector<16xf32>, vector<16xi32> -> vector<16xf32>
        %mul3A_2459 = arith.constant 4 : i32
        %mul3A_2460 = arith.muli %select_n3A_1462, %mul3A_2459 : i32
        %get3A_2461 = arith.constant 1 : i32
        %get3A_2462 = arith.index_cast %get3A_2461 : i32 to index
        %get3A_2463 = arith.index_cast %mul3A_2460 : i32 to index
        %get3A_2464 = arith.index_cast %add3A_2444 : i32 to index
        %get3A_2465 = arith.constant 0 : index
        %get3A_2466 = tpu.vector_load %arg9[%get3A_2462, %get3A_2463, %get3A_2464, %get3A_2465] {strides = array<i32>} : memref<2x20x128x32xbf16, #tpu.memory_space<vmem>>, vector<32xbf16>,
        %unpack3A_2467 = tpu.unpack_subelements %get3A_2466, 0 {pack_format = #tpu.pack_format<interleaved>} : vector<32xbf16> -> vector<16xf32>
        %unpack3A_2468 = tpu.unpack_subelements %get3A_2466, 1 {pack_format = #tpu.pack_format<interleaved>} : vector<32xbf16> -> vector<16xf32>
        %mul3A_2469 = arith.constant 4 : i32
        %mul3A_2470 = arith.muli %select_n3A_1462, %mul3A_2469 : i32
        %add3A_2471 = arith.constant 1 : i32
        %add3A_2472 = arith.addi %mul3A_2470, %add3A_2471 : i32
        %get3A_2473 = arith.constant 1 : i32
        %get3A_2474 = arith.index_cast %get3A_2473 : i32 to index
        %get3A_2475 = arith.index_cast %add3A_2472 : i32 to index
        %get3A_2476 = arith.index_cast %add3A_2444 : i32 to index
        %get3A_2477 = arith.constant 0 : index
        %get3A_2478 = tpu.vector_load %arg9[%get3A_2474, %get3A_2475, %get3A_2476, %get3A_2477] {strides = array<i32>} : memref<2x20x128x32xbf16, #tpu.memory_space<vmem>>, vector<32xbf16>,
        %unpack3A_2479 = tpu.unpack_subelements %get3A_2478, 0 {pack_format = #tpu.pack_format<interleaved>} : vector<32xbf16> -> vector<16xf32>
        %unpack3A_2480 = tpu.unpack_subelements %get3A_2478, 1 {pack_format = #tpu.pack_format<interleaved>} : vector<32xbf16> -> vector<16xf32>
        %mul3A_2481 = arith.constant 4 : i32
        %mul3A_2482 = arith.muli %select_n3A_1462, %mul3A_2481 : i32
        %add3A_2483 = arith.constant 2 : i32
        %add3A_2484 = arith.addi %mul3A_2482, %add3A_2483 : i32
        %get3A_2485 = arith.constant 1 : i32
        %get3A_2486 = arith.index_cast %get3A_2485 : i32 to index
        %get3A_2487 = arith.index_cast %add3A_2484 : i32 to index
        %get3A_2488 = arith.index_cast %add3A_2444 : i32 to index
        %get3A_2489 = arith.constant 0 : index
        %get3A_2490 = tpu.vector_load %arg9[%get3A_2486, %get3A_2487, %get3A_2488, %get3A_2489] {strides = array<i32>} : memref<2x20x128x32xbf16, #tpu.memory_space<vmem>>, vector<32xbf16>,
        %unpack3A_2491 = tpu.unpack_subelements %get3A_2490, 0 {pack_format = #tpu.pack_format<interleaved>} : vector<32xbf16> -> vector<16xf32>
        %unpack3A_2492 = tpu.unpack_subelements %get3A_2490, 1 {pack_format = #tpu.pack_format<interleaved>} : vector<32xbf16> -> vector<16xf32>
        %mul3A_2493 = arith.constant 4 : i32
        %mul3A_2494 = arith.muli %select_n3A_1462, %mul3A_2493 : i32
        %add3A_2495 = arith.constant 3 : i32
        %add3A_2496 = arith.addi %mul3A_2494, %add3A_2495 : i32
        %get3A_2497 = arith.constant 1 : i32
        %get3A_2498 = arith.index_cast %get3A_2497 : i32 to index
        %get3A_2499 = arith.index_cast %add3A_2496 : i32 to index
        %get3A_2500 = arith.index_cast %add3A_2444 : i32 to index
        %get3A_2501 = arith.constant 0 : index
        %get3A_2502 = tpu.vector_load %arg9[%get3A_2498, %get3A_2499, %get3A_2500, %get3A_2501] {strides = array<i32>} : memref<2x20x128x32xbf16, #tpu.memory_space<vmem>>, vector<32xbf16>,
        %unpack3A_2503 = tpu.unpack_subelements %get3A_2502, 0 {pack_format = #tpu.pack_format<interleaved>} : vector<32xbf16> -> vector<16xf32>
        %unpack3A_2504 = tpu.unpack_subelements %get3A_2502, 1 {pack_format = #tpu.pack_format<interleaved>} : vector<32xbf16> -> vector<16xf32>
        %mul3A_2505 = arith.mulf %gather3A_2449, %unpack3A_2467 : vector<16xf32>
        %add3A_2506 = arith.addf %add3A_2434, %mul3A_2505 : vector<16xf32>
        %mul3A_2507 = arith.mulf %gather3A_2455, %unpack3A_2491 : vector<16xf32>
        %add3A_2508 = arith.addf %add3A_2506, %mul3A_2507 : vector<16xf32>
        %mul3A_2509 = arith.mulf %gather3A_2452, %unpack3A_2479 : vector<16xf32>
        %add3A_2510 = arith.addf %add3A_2508, %mul3A_2509 : vector<16xf32>
        %mul3A_2511 = arith.mulf %gather3A_2458, %unpack3A_2503 : vector<16xf32>
        %add3A_2512 = arith.addf %add3A_2510, %mul3A_2511 : vector<16xf32>
        %mul3A_2513 = arith.mulf %gather3A_2449, %unpack3A_2468 : vector<16xf32>
        %add3A_2514 = arith.addf %add3A_2442, %mul3A_2513 : vector<16xf32>
        %mul3A_2515 = arith.mulf %gather3A_2455, %unpack3A_2492 : vector<16xf32>
        %add3A_2516 = arith.addf %add3A_2514, %mul3A_2515 : vector<16xf32>
        %mul3A_2517 = arith.mulf %gather3A_2452, %unpack3A_2480 : vector<16xf32>
        %add3A_2518 = arith.addf %add3A_2516, %mul3A_2517 : vector<16xf32>
        %mul3A_2519 = arith.mulf %gather3A_2458, %unpack3A_2504 : vector<16xf32>
        %add3A_2520 = arith.addf %add3A_2518, %mul3A_2519 : vector<16xf32>
        %add3A_2521 = arith.constant 13 : i32
        %add3A_2522 = arith.addi %mul3A_1480, %add3A_2521 : i32
        %broadcast_in_dim3A_2523 = arith.constant 13 : i32
        %broadcast_in_dim3A_2524 = vector.broadcast %broadcast_in_dim3A_2523 : i32 to vector<16xi32>
        %broadcast_in_dim3A_2525 = vector.shape_cast %broadcast_in_dim3A_2524 : vector<16xi32> to vector<16x1xi32>
        %gather3A_2526 = vector.shape_cast %broadcast_in_dim3A_2525 : vector<16x1xi32> to vector<16xi32>
        %gather3A_2527 = tpu.dynamic_gather %get3A_1484[%gather3A_2526] in [0] : vector<16xf32>, vector<16xi32> -> vector<16xf32>
        %broadcast_in_dim3A_2528 = vector.shape_cast %broadcast_in_dim3A_2524 : vector<16xi32> to vector<16x1xi32>
        %gather3A_2529 = vector.shape_cast %broadcast_in_dim3A_2528 : vector<16x1xi32> to vector<16xi32>
        %gather3A_2530 = tpu.dynamic_gather %get3A_1491[%gather3A_2529] in [0] : vector<16xf32>, vector<16xi32> -> vector<16xf32>
        %broadcast_in_dim3A_2531 = vector.shape_cast %broadcast_in_dim3A_2524 : vector<16xi32> to vector<16x1xi32>
        %gather3A_2532 = vector.shape_cast %broadcast_in_dim3A_2531 : vector<16x1xi32> to vector<16xi32>
        %gather3A_2533 = tpu.dynamic_gather %get3A_1498[%gather3A_2532] in [0] : vector<16xf32>, vector<16xi32> -> vector<16xf32>
        %broadcast_in_dim3A_2534 = vector.shape_cast %broadcast_in_dim3A_2524 : vector<16xi32> to vector<16x1xi32>
        %gather3A_2535 = vector.shape_cast %broadcast_in_dim3A_2534 : vector<16x1xi32> to vector<16xi32>
        %gather3A_2536 = tpu.dynamic_gather %get3A_1505[%gather3A_2535] in [0] : vector<16xf32>, vector<16xi32> -> vector<16xf32>
        %mul3A_2537 = arith.constant 4 : i32
        %mul3A_2538 = arith.muli %select_n3A_1462, %mul3A_2537 : i32
        %get3A_2539 = arith.constant 1 : i32
        %get3A_2540 = arith.index_cast %get3A_2539 : i32 to index
        %get3A_2541 = arith.index_cast %mul3A_2538 : i32 to index
        %get3A_2542 = arith.index_cast %add3A_2522 : i32 to index
        %get3A_2543 = arith.constant 0 : index
        %get3A_2544 = tpu.vector_load %arg9[%get3A_2540, %get3A_2541, %get3A_2542, %get3A_2543] {strides = array<i32>} : memref<2x20x128x32xbf16, #tpu.memory_space<vmem>>, vector<32xbf16>,
        %unpack3A_2545 = tpu.unpack_subelements %get3A_2544, 0 {pack_format = #tpu.pack_format<interleaved>} : vector<32xbf16> -> vector<16xf32>
        %unpack3A_2546 = tpu.unpack_subelements %get3A_2544, 1 {pack_format = #tpu.pack_format<interleaved>} : vector<32xbf16> -> vector<16xf32>
        %mul3A_2547 = arith.constant 4 : i32
        %mul3A_2548 = arith.muli %select_n3A_1462, %mul3A_2547 : i32
        %add3A_2549 = arith.constant 1 : i32
        %add3A_2550 = arith.addi %mul3A_2548, %add3A_2549 : i32
        %get3A_2551 = arith.constant 1 : i32
        %get3A_2552 = arith.index_cast %get3A_2551 : i32 to index
        %get3A_2553 = arith.index_cast %add3A_2550 : i32 to index
        %get3A_2554 = arith.index_cast %add3A_2522 : i32 to index
        %get3A_2555 = arith.constant 0 : index
        %get3A_2556 = tpu.vector_load %arg9[%get3A_2552, %get3A_2553, %get3A_2554, %get3A_2555] {strides = array<i32>} : memref<2x20x128x32xbf16, #tpu.memory_space<vmem>>, vector<32xbf16>,
        %unpack3A_2557 = tpu.unpack_subelements %get3A_2556, 0 {pack_format = #tpu.pack_format<interleaved>} : vector<32xbf16> -> vector<16xf32>
        %unpack3A_2558 = tpu.unpack_subelements %get3A_2556, 1 {pack_format = #tpu.pack_format<interleaved>} : vector<32xbf16> -> vector<16xf32>
        %mul3A_2559 = arith.constant 4 : i32
        %mul3A_2560 = arith.muli %select_n3A_1462, %mul3A_2559 : i32
        %add3A_2561 = arith.constant 2 : i32
        %add3A_2562 = arith.addi %mul3A_2560, %add3A_2561 : i32
        %get3A_2563 = arith.constant 1 : i32
        %get3A_2564 = arith.index_cast %get3A_2563 : i32 to index
        %get3A_2565 = arith.index_cast %add3A_2562 : i32 to index
        %get3A_2566 = arith.index_cast %add3A_2522 : i32 to index
        %get3A_2567 = arith.constant 0 : index
        %get3A_2568 = tpu.vector_load %arg9[%get3A_2564, %get3A_2565, %get3A_2566, %get3A_2567] {strides = array<i32>} : memref<2x20x128x32xbf16, #tpu.memory_space<vmem>>, vector<32xbf16>,
        %unpack3A_2569 = tpu.unpack_subelements %get3A_2568, 0 {pack_format = #tpu.pack_format<interleaved>} : vector<32xbf16> -> vector<16xf32>
        %unpack3A_2570 = tpu.unpack_subelements %get3A_2568, 1 {pack_format = #tpu.pack_format<interleaved>} : vector<32xbf16> -> vector<16xf32>
        %mul3A_2571 = arith.constant 4 : i32
        %mul3A_2572 = arith.muli %select_n3A_1462, %mul3A_2571 : i32
        %add3A_2573 = arith.constant 3 : i32
        %add3A_2574 = arith.addi %mul3A_2572, %add3A_2573 : i32
        %get3A_2575 = arith.constant 1 : i32
        %get3A_2576 = arith.index_cast %get3A_2575 : i32 to index
        %get3A_2577 = arith.index_cast %add3A_2574 : i32 to index
        %get3A_2578 = arith.index_cast %add3A_2522 : i32 to index
        %get3A_2579 = arith.constant 0 : index
        %get3A_2580 = tpu.vector_load %arg9[%get3A_2576, %get3A_2577, %get3A_2578, %get3A_2579] {strides = array<i32>} : memref<2x20x128x32xbf16, #tpu.memory_space<vmem>>, vector<32xbf16>,
        %unpack3A_2581 = tpu.unpack_subelements %get3A_2580, 0 {pack_format = #tpu.pack_format<interleaved>} : vector<32xbf16> -> vector<16xf32>
        %unpack3A_2582 = tpu.unpack_subelements %get3A_2580, 1 {pack_format = #tpu.pack_format<interleaved>} : vector<32xbf16> -> vector<16xf32>
        %mul3A_2583 = arith.mulf %gather3A_2527, %unpack3A_2545 : vector<16xf32>
        %add3A_2584 = arith.addf %add3A_2512, %mul3A_2583 : vector<16xf32>
        %mul3A_2585 = arith.mulf %gather3A_2533, %unpack3A_2569 : vector<16xf32>
        %add3A_2586 = arith.addf %add3A_2584, %mul3A_2585 : vector<16xf32>
        %mul3A_2587 = arith.mulf %gather3A_2530, %unpack3A_2557 : vector<16xf32>
        %add3A_2588 = arith.addf %add3A_2586, %mul3A_2587 : vector<16xf32>
        %mul3A_2589 = arith.mulf %gather3A_2536, %unpack3A_2581 : vector<16xf32>
        %add3A_2590 = arith.addf %add3A_2588, %mul3A_2589 : vector<16xf32>
        %mul3A_2591 = arith.mulf %gather3A_2527, %unpack3A_2546 : vector<16xf32>
        %add3A_2592 = arith.addf %add3A_2520, %mul3A_2591 : vector<16xf32>
        %mul3A_2593 = arith.mulf %gather3A_2533, %unpack3A_2570 : vector<16xf32>
        %add3A_2594 = arith.addf %add3A_2592, %mul3A_2593 : vector<16xf32>
        %mul3A_2595 = arith.mulf %gather3A_2530, %unpack3A_2558 : vector<16xf32>
        %add3A_2596 = arith.addf %add3A_2594, %mul3A_2595 : vector<16xf32>
        %mul3A_2597 = arith.mulf %gather3A_2536, %unpack3A_2582 : vector<16xf32>
        %add3A_2598 = arith.addf %add3A_2596, %mul3A_2597 : vector<16xf32>
        %add3A_2599 = arith.constant 14 : i32
        %add3A_2600 = arith.addi %mul3A_1480, %add3A_2599 : i32
        %broadcast_in_dim3A_2601 = arith.constant 14 : i32
        %broadcast_in_dim3A_2602 = vector.broadcast %broadcast_in_dim3A_2601 : i32 to vector<16xi32>
        %broadcast_in_dim3A_2603 = vector.shape_cast %broadcast_in_dim3A_2602 : vector<16xi32> to vector<16x1xi32>
        %gather3A_2604 = vector.shape_cast %broadcast_in_dim3A_2603 : vector<16x1xi32> to vector<16xi32>
        %gather3A_2605 = tpu.dynamic_gather %get3A_1484[%gather3A_2604] in [0] : vector<16xf32>, vector<16xi32> -> vector<16xf32>
        %broadcast_in_dim3A_2606 = vector.shape_cast %broadcast_in_dim3A_2602 : vector<16xi32> to vector<16x1xi32>
        %gather3A_2607 = vector.shape_cast %broadcast_in_dim3A_2606 : vector<16x1xi32> to vector<16xi32>
        %gather3A_2608 = tpu.dynamic_gather %get3A_1491[%gather3A_2607] in [0] : vector<16xf32>, vector<16xi32> -> vector<16xf32>
        %broadcast_in_dim3A_2609 = vector.shape_cast %broadcast_in_dim3A_2602 : vector<16xi32> to vector<16x1xi32>
        %gather3A_2610 = vector.shape_cast %broadcast_in_dim3A_2609 : vector<16x1xi32> to vector<16xi32>
        %gather3A_2611 = tpu.dynamic_gather %get3A_1498[%gather3A_2610] in [0] : vector<16xf32>, vector<16xi32> -> vector<16xf32>
        %broadcast_in_dim3A_2612 = vector.shape_cast %broadcast_in_dim3A_2602 : vector<16xi32> to vector<16x1xi32>
        %gather3A_2613 = vector.shape_cast %broadcast_in_dim3A_2612 : vector<16x1xi32> to vector<16xi32>
        %gather3A_2614 = tpu.dynamic_gather %get3A_1505[%gather3A_2613] in [0] : vector<16xf32>, vector<16xi32> -> vector<16xf32>
        %mul3A_2615 = arith.constant 4 : i32
        %mul3A_2616 = arith.muli %select_n3A_1462, %mul3A_2615 : i32
        %get3A_2617 = arith.constant 1 : i32
        %get3A_2618 = arith.index_cast %get3A_2617 : i32 to index
        %get3A_2619 = arith.index_cast %mul3A_2616 : i32 to index
        %get3A_2620 = arith.index_cast %add3A_2600 : i32 to index
        %get3A_2621 = arith.constant 0 : index
        %get3A_2622 = tpu.vector_load %arg9[%get3A_2618, %get3A_2619, %get3A_2620, %get3A_2621] {strides = array<i32>} : memref<2x20x128x32xbf16, #tpu.memory_space<vmem>>, vector<32xbf16>,
        %unpack3A_2623 = tpu.unpack_subelements %get3A_2622, 0 {pack_format = #tpu.pack_format<interleaved>} : vector<32xbf16> -> vector<16xf32>
        %unpack3A_2624 = tpu.unpack_subelements %get3A_2622, 1 {pack_format = #tpu.pack_format<interleaved>} : vector<32xbf16> -> vector<16xf32>
        %mul3A_2625 = arith.constant 4 : i32
        %mul3A_2626 = arith.muli %select_n3A_1462, %mul3A_2625 : i32
        %add3A_2627 = arith.constant 1 : i32
        %add3A_2628 = arith.addi %mul3A_2626, %add3A_2627 : i32
        %get3A_2629 = arith.constant 1 : i32
        %get3A_2630 = arith.index_cast %get3A_2629 : i32 to index
        %get3A_2631 = arith.index_cast %add3A_2628 : i32 to index
        %get3A_2632 = arith.index_cast %add3A_2600 : i32 to index
        %get3A_2633 = arith.constant 0 : index
        %get3A_2634 = tpu.vector_load %arg9[%get3A_2630, %get3A_2631, %get3A_2632, %get3A_2633] {strides = array<i32>} : memref<2x20x128x32xbf16, #tpu.memory_space<vmem>>, vector<32xbf16>,
        %unpack3A_2635 = tpu.unpack_subelements %get3A_2634, 0 {pack_format = #tpu.pack_format<interleaved>} : vector<32xbf16> -> vector<16xf32>
        %unpack3A_2636 = tpu.unpack_subelements %get3A_2634, 1 {pack_format = #tpu.pack_format<interleaved>} : vector<32xbf16> -> vector<16xf32>
        %mul3A_2637 = arith.constant 4 : i32
        %mul3A_2638 = arith.muli %select_n3A_1462, %mul3A_2637 : i32
        %add3A_2639 = arith.constant 2 : i32
        %add3A_2640 = arith.addi %mul3A_2638, %add3A_2639 : i32
        %get3A_2641 = arith.constant 1 : i32
        %get3A_2642 = arith.index_cast %get3A_2641 : i32 to index
        %get3A_2643 = arith.index_cast %add3A_2640 : i32 to index
        %get3A_2644 = arith.index_cast %add3A_2600 : i32 to index
        %get3A_2645 = arith.constant 0 : index
        %get3A_2646 = tpu.vector_load %arg9[%get3A_2642, %get3A_2643, %get3A_2644, %get3A_2645] {strides = array<i32>} : memref<2x20x128x32xbf16, #tpu.memory_space<vmem>>, vector<32xbf16>,
        %unpack3A_2647 = tpu.unpack_subelements %get3A_2646, 0 {pack_format = #tpu.pack_format<interleaved>} : vector<32xbf16> -> vector<16xf32>
        %unpack3A_2648 = tpu.unpack_subelements %get3A_2646, 1 {pack_format = #tpu.pack_format<interleaved>} : vector<32xbf16> -> vector<16xf32>
        %mul3A_2649 = arith.constant 4 : i32
        %mul3A_2650 = arith.muli %select_n3A_1462, %mul3A_2649 : i32
        %add3A_2651 = arith.constant 3 : i32
        %add3A_2652 = arith.addi %mul3A_2650, %add3A_2651 : i32
        %get3A_2653 = arith.constant 1 : i32
        %get3A_2654 = arith.index_cast %get3A_2653 : i32 to index
        %get3A_2655 = arith.index_cast %add3A_2652 : i32 to index
        %get3A_2656 = arith.index_cast %add3A_2600 : i32 to index
        %get3A_2657 = arith.constant 0 : index
        %get3A_2658 = tpu.vector_load %arg9[%get3A_2654, %get3A_2655, %get3A_2656, %get3A_2657] {strides = array<i32>} : memref<2x20x128x32xbf16, #tpu.memory_space<vmem>>, vector<32xbf16>,
        %unpack3A_2659 = tpu.unpack_subelements %get3A_2658, 0 {pack_format = #tpu.pack_format<interleaved>} : vector<32xbf16> -> vector<16xf32>
        %unpack3A_2660 = tpu.unpack_subelements %get3A_2658, 1 {pack_format = #tpu.pack_format<interleaved>} : vector<32xbf16> -> vector<16xf32>
        %mul3A_2661 = arith.mulf %gather3A_2605, %unpack3A_2623 : vector<16xf32>
        %add3A_2662 = arith.addf %add3A_2590, %mul3A_2661 : vector<16xf32>
        %mul3A_2663 = arith.mulf %gather3A_2611, %unpack3A_2647 : vector<16xf32>
        %add3A_2664 = arith.addf %add3A_2662, %mul3A_2663 : vector<16xf32>
        %mul3A_2665 = arith.mulf %gather3A_2608, %unpack3A_2635 : vector<16xf32>
        %add3A_2666 = arith.addf %add3A_2664, %mul3A_2665 : vector<16xf32>
        %mul3A_2667 = arith.mulf %gather3A_2614, %unpack3A_2659 : vector<16xf32>
        %add3A_2668 = arith.addf %add3A_2666, %mul3A_2667 : vector<16xf32>
        %mul3A_2669 = arith.mulf %gather3A_2605, %unpack3A_2624 : vector<16xf32>
        %add3A_2670 = arith.addf %add3A_2598, %mul3A_2669 : vector<16xf32>
        %mul3A_2671 = arith.mulf %gather3A_2611, %unpack3A_2648 : vector<16xf32>
        %add3A_2672 = arith.addf %add3A_2670, %mul3A_2671 : vector<16xf32>
        %mul3A_2673 = arith.mulf %gather3A_2608, %unpack3A_2636 : vector<16xf32>
        %add3A_2674 = arith.addf %add3A_2672, %mul3A_2673 : vector<16xf32>
        %mul3A_2675 = arith.mulf %gather3A_2614, %unpack3A_2660 : vector<16xf32>
        %add3A_2676 = arith.addf %add3A_2674, %mul3A_2675 : vector<16xf32>
        %add3A_2677 = arith.constant 15 : i32
        %add3A_2678 = arith.addi %mul3A_1480, %add3A_2677 : i32
        %broadcast_in_dim3A_2679 = arith.constant 15 : i32
        %broadcast_in_dim3A_2680 = vector.broadcast %broadcast_in_dim3A_2679 : i32 to vector<16xi32>
        %broadcast_in_dim3A_2681 = vector.shape_cast %broadcast_in_dim3A_2680 : vector<16xi32> to vector<16x1xi32>
        %gather3A_2682 = vector.shape_cast %broadcast_in_dim3A_2681 : vector<16x1xi32> to vector<16xi32>
        %gather3A_2683 = tpu.dynamic_gather %get3A_1484[%gather3A_2682] in [0] : vector<16xf32>, vector<16xi32> -> vector<16xf32>
        %broadcast_in_dim3A_2684 = vector.shape_cast %broadcast_in_dim3A_2680 : vector<16xi32> to vector<16x1xi32>
        %gather3A_2685 = vector.shape_cast %broadcast_in_dim3A_2684 : vector<16x1xi32> to vector<16xi32>
        %gather3A_2686 = tpu.dynamic_gather %get3A_1491[%gather3A_2685] in [0] : vector<16xf32>, vector<16xi32> -> vector<16xf32>
        %broadcast_in_dim3A_2687 = vector.shape_cast %broadcast_in_dim3A_2680 : vector<16xi32> to vector<16x1xi32>
        %gather3A_2688 = vector.shape_cast %broadcast_in_dim3A_2687 : vector<16x1xi32> to vector<16xi32>
        %gather3A_2689 = tpu.dynamic_gather %get3A_1498[%gather3A_2688] in [0] : vector<16xf32>, vector<16xi32> -> vector<16xf32>
        %broadcast_in_dim3A_2690 = vector.shape_cast %broadcast_in_dim3A_2680 : vector<16xi32> to vector<16x1xi32>
        %gather3A_2691 = vector.shape_cast %broadcast_in_dim3A_2690 : vector<16x1xi32> to vector<16xi32>
        %gather3A_2692 = tpu.dynamic_gather %get3A_1505[%gather3A_2691] in [0] : vector<16xf32>, vector<16xi32> -> vector<16xf32>
        %mul3A_2693 = arith.constant 4 : i32
        %mul3A_2694 = arith.muli %select_n3A_1462, %mul3A_2693 : i32
        %get3A_2695 = arith.constant 1 : i32
        %get3A_2696 = arith.index_cast %get3A_2695 : i32 to index
        %get3A_2697 = arith.index_cast %mul3A_2694 : i32 to index
        %get3A_2698 = arith.index_cast %add3A_2678 : i32 to index
        %get3A_2699 = arith.constant 0 : index
        %get3A_2700 = tpu.vector_load %arg9[%get3A_2696, %get3A_2697, %get3A_2698, %get3A_2699] {strides = array<i32>} : memref<2x20x128x32xbf16, #tpu.memory_space<vmem>>, vector<32xbf16>,
        %unpack3A_2701 = tpu.unpack_subelements %get3A_2700, 0 {pack_format = #tpu.pack_format<interleaved>} : vector<32xbf16> -> vector<16xf32>
        %unpack3A_2702 = tpu.unpack_subelements %get3A_2700, 1 {pack_format = #tpu.pack_format<interleaved>} : vector<32xbf16> -> vector<16xf32>
        %mul3A_2703 = arith.constant 4 : i32
        %mul3A_2704 = arith.muli %select_n3A_1462, %mul3A_2703 : i32
        %add3A_2705 = arith.constant 1 : i32
        %add3A_2706 = arith.addi %mul3A_2704, %add3A_2705 : i32
        %get3A_2707 = arith.constant 1 : i32
        %get3A_2708 = arith.index_cast %get3A_2707 : i32 to index
        %get3A_2709 = arith.index_cast %add3A_2706 : i32 to index
        %get3A_2710 = arith.index_cast %add3A_2678 : i32 to index
        %get3A_2711 = arith.constant 0 : index
        %get3A_2712 = tpu.vector_load %arg9[%get3A_2708, %get3A_2709, %get3A_2710, %get3A_2711] {strides = array<i32>} : memref<2x20x128x32xbf16, #tpu.memory_space<vmem>>, vector<32xbf16>,
        %unpack3A_2713 = tpu.unpack_subelements %get3A_2712, 0 {pack_format = #tpu.pack_format<interleaved>} : vector<32xbf16> -> vector<16xf32>
        %unpack3A_2714 = tpu.unpack_subelements %get3A_2712, 1 {pack_format = #tpu.pack_format<interleaved>} : vector<32xbf16> -> vector<16xf32>
        %mul3A_2715 = arith.constant 4 : i32
        %mul3A_2716 = arith.muli %select_n3A_1462, %mul3A_2715 : i32
        %add3A_2717 = arith.constant 2 : i32
        %add3A_2718 = arith.addi %mul3A_2716, %add3A_2717 : i32
        %get3A_2719 = arith.constant 1 : i32
        %get3A_2720 = arith.index_cast %get3A_2719 : i32 to index
        %get3A_2721 = arith.index_cast %add3A_2718 : i32 to index
        %get3A_2722 = arith.index_cast %add3A_2678 : i32 to index
        %get3A_2723 = arith.constant 0 : index
        %get3A_2724 = tpu.vector_load %arg9[%get3A_2720, %get3A_2721, %get3A_2722, %get3A_2723] {strides = array<i32>} : memref<2x20x128x32xbf16, #tpu.memory_space<vmem>>, vector<32xbf16>,
        %unpack3A_2725 = tpu.unpack_subelements %get3A_2724, 0 {pack_format = #tpu.pack_format<interleaved>} : vector<32xbf16> -> vector<16xf32>
        %unpack3A_2726 = tpu.unpack_subelements %get3A_2724, 1 {pack_format = #tpu.pack_format<interleaved>} : vector<32xbf16> -> vector<16xf32>
        %mul3A_2727 = arith.constant 4 : i32
        %mul3A_2728 = arith.muli %select_n3A_1462, %mul3A_2727 : i32
        %add3A_2729 = arith.constant 3 : i32
        %add3A_2730 = arith.addi %mul3A_2728, %add3A_2729 : i32
        %get3A_2731 = arith.constant 1 : i32
        %get3A_2732 = arith.index_cast %get3A_2731 : i32 to index
        %get3A_2733 = arith.index_cast %add3A_2730 : i32 to index
        %get3A_2734 = arith.index_cast %add3A_2678 : i32 to index
        %get3A_2735 = arith.constant 0 : index
        %get3A_2736 = tpu.vector_load %arg9[%get3A_2732, %get3A_2733, %get3A_2734, %get3A_2735] {strides = array<i32>} : memref<2x20x128x32xbf16, #tpu.memory_space<vmem>>, vector<32xbf16>,
        %unpack3A_2737 = tpu.unpack_subelements %get3A_2736, 0 {pack_format = #tpu.pack_format<interleaved>} : vector<32xbf16> -> vector<16xf32>
        %unpack3A_2738 = tpu.unpack_subelements %get3A_2736, 1 {pack_format = #tpu.pack_format<interleaved>} : vector<32xbf16> -> vector<16xf32>
        %mul3A_2739 = arith.mulf %gather3A_2683, %unpack3A_2701 : vector<16xf32>
        %add3A_2740 = arith.addf %add3A_2668, %mul3A_2739 : vector<16xf32>
        %mul3A_2741 = arith.mulf %gather3A_2689, %unpack3A_2725 : vector<16xf32>
        %add3A_2742 = arith.addf %add3A_2740, %mul3A_2741 : vector<16xf32>
        %mul3A_2743 = arith.mulf %gather3A_2686, %unpack3A_2713 : vector<16xf32>
        %add3A_2744 = arith.addf %add3A_2742, %mul3A_2743 : vector<16xf32>
        %mul3A_2745 = arith.mulf %gather3A_2692, %unpack3A_2737 : vector<16xf32>
        %add3A_2746 = arith.addf %add3A_2744, %mul3A_2745 : vector<16xf32>
        %mul3A_2747 = arith.mulf %gather3A_2683, %unpack3A_2702 : vector<16xf32>
        %add3A_2748 = arith.addf %add3A_2676, %mul3A_2747 : vector<16xf32>
        %mul3A_2749 = arith.mulf %gather3A_2689, %unpack3A_2726 : vector<16xf32>
        %add3A_2750 = arith.addf %add3A_2748, %mul3A_2749 : vector<16xf32>
        %mul3A_2751 = arith.mulf %gather3A_2686, %unpack3A_2714 : vector<16xf32>
        %add3A_2752 = arith.addf %add3A_2750, %mul3A_2751 : vector<16xf32>
        %mul3A_2753 = arith.mulf %gather3A_2692, %unpack3A_2738 : vector<16xf32>
        %add3A_2754 = arith.addf %add3A_2752, %mul3A_2753 : vector<16xf32>
        %mul3A_2755 = arith.constant 256 : i32
        %mul3A_2756 = arith.muli %select_n3A_1462, %mul3A_2755 : i32
        %mul3A_2757 = arith.constant 32 : i32
        %mul3A_2758 = arith.muli %select_n3A_1476, %mul3A_2757 : i32
        %add3A_2759 = arith.addi %mul3A_2756, %mul3A_2758 : i32
        %swap3A = arith.constant 1 : i32
        %swap3A_2760 = arith.index_cast %swap3A : i32 to index
        %swap3A_2761 = arith.index_cast %add3A_2759 : i32 to index
        %swap3A_2762 = tpu.vector_load %arg10[%swap3A_2760, %swap3A_2761] {strides = array<i32>} : memref<2x1280xf32, #tpu.memory_space<vmem>>, vector<16xf32>,
        tpu.vector_store %arg10[%swap3A_2760, %swap3A_2761], %add3A_2746 {strides = array<i32>} : memref<2x1280xf32, #tpu.memory_space<vmem>>, vector<16xf32>,
        %add3A_2763 = arith.constant 16 : i32
        %add3A_2764 = arith.addi %add3A_2759, %add3A_2763 : i32
        %swap3A_2765 = arith.constant 1 : i32
        %swap3A_2766 = arith.index_cast %swap3A_2765 : i32 to index
        %swap3A_2767 = arith.index_cast %add3A_2764 : i32 to index
        %swap3A_2768 = tpu.vector_load %arg10[%swap3A_2766, %swap3A_2767] {strides = array<i32>} : memref<2x1280xf32, #tpu.memory_space<vmem>>, vector<16xf32>,
        tpu.vector_store %arg10[%swap3A_2766, %swap3A_2767], %add3A_2754 {strides = array<i32>} : memref<2x1280xf32, #tpu.memory_space<vmem>>, vector<16xf32>,
        %scan3A_2769 = arith.constant 0 : i32
        scf.yield %scan3A_2769 : i32
      }
      %scan3A_1403 = arith.constant 40 : i32
      %mul3A_1404 = arith.constant 40 : i32
      %mul3A_1405 = arith.muli %add3A_996, %mul3A_1404 : i32
      %add3A_1406 = arith.addi %mul3A_2, %mul3A_1405 : i32
      %mul3A_1407 = arith.constant 32 : i32
      %mul3A_1408 = arith.muli %add3A_1406, %mul3A_1407 : i32
      %dma_start3A_1409 = arith.constant 1 : i32
      %dma_start3A_1410 = arith.constant 0 : i32
      %dma_start3A_1411 = tpu.memref_slice %arg10[%dma_start3A_1409, %dma_start3A_1410] : memref<2x1280xf32, #tpu.memory_space<vmem>> -> memref<1x1280xf32, #tpu.memory_space<vmem>>
      %dma_start3A_1412 = tpu.memref_squeeze %dma_start3A_1411 : memref<1x1280xf32, #tpu.memory_space<vmem>> -> memref<1280xf32, #tpu.memory_space<vmem>>
      %dma_start3A_1413 = tpu.memref_slice %arg6[%mul3A_1408] : memref<2785280xf32, #tpu.memory_space<hbm>> -> memref<1280xf32, #tpu.memory_space<hbm>>
      %dma_start3A_1414 = tpu.memref_slice %arg6[%mul3A_1408] : memref<2785280xf32, #tpu.memory_space<hbm>> -> memref<1280xf32, #tpu.memory_space<hbm>>
      %dma_start3A_1415 = arith.constant 0 : i32
      %dma_start3A_1416 = tpu.memref_slice %arg10[%dma_start3A_1409, %dma_start3A_1415] : memref<2x1280xf32, #tpu.memory_space<vmem>> -> memref<1x1280xf32, #tpu.memory_space<vmem>>
      %dma_start3A_1417 = tpu.memref_squeeze %dma_start3A_1416 : memref<1x1280xf32, #tpu.memory_space<vmem>> -> memref<1280xf32, #tpu.memory_space<vmem>>
      tpu.enqueue_dma source(%dma_start3A_1417 : memref<1280xf32, #tpu.memory_space<vmem>>) target(%dma_start3A_1414 : memref<1280xf32, #tpu.memory_space<hbm>>) target_semaphore(%arg18 : memref<!tpu.dma_semaphore, #tpu.memory_space<semaphore_mem>>)
      %add3A_1418 = arith.constant 2 : i32
      %add3A_1419 = arith.addi %add3A_996, %add3A_1418 : i32
      %min3A_1420 = arith.constant 67 : i32
      %min3A_1421 = arith.minsi %add3A_1419, %min3A_1420 : i32
      %mul3A_1422 = arith.constant 40 : i32
      %mul3A_1423 = arith.muli %min3A_1421, %mul3A_1422 : i32
      %add3A_1424 = arith.addi %mul3A_2, %mul3A_1423 : i32
      %mul3A_1425 = arith.constant 64 : i32
      %mul3A_1426 = arith.muli %add3A_1424, %mul3A_1425 : i32
      %dma_start3A_1427 = arith.constant 1 : i32
      %dma_start3A_1428 = arith.constant 0 : i32
      %dma_start3A_1429 = tpu.memref_slice %arg8[%dma_start3A_1427, %dma_start3A_1428] : memref<2x2560xf32, #tpu.memory_space<vmem>> -> memref<1x2560xf32, #tpu.memory_space<vmem>>
      %dma_start3A_1430 = tpu.memref_squeeze %dma_start3A_1429 : memref<1x2560xf32, #tpu.memory_space<vmem>> -> memref<2560xf32, #tpu.memory_space<vmem>>
      %dma_start3A_1431 = tpu.memref_slice %arg4[%mul3A_1426] : memref<5570560xf32, #tpu.memory_space<hbm>> -> memref<2560xf32, #tpu.memory_space<hbm>>
      %dma_start3A_1432 = arith.constant 0 : i32
      %dma_start3A_1433 = tpu.memref_slice %arg8[%dma_start3A_1427, %dma_start3A_1432] : memref<2x2560xf32, #tpu.memory_space<vmem>> -> memref<1x2560xf32, #tpu.memory_space<vmem>>
      %dma_start3A_1434 = tpu.memref_squeeze %dma_start3A_1433 : memref<1x2560xf32, #tpu.memory_space<vmem>> -> memref<2560xf32, #tpu.memory_space<vmem>>
      %dma_start3A_1435 = tpu.memref_slice %arg4[%mul3A_1426] : memref<5570560xf32, #tpu.memory_space<hbm>> -> memref<2560xf32, #tpu.memory_space<hbm>>
      tpu.enqueue_dma source(%dma_start3A_1435 : memref<2560xf32, #tpu.memory_space<hbm>>) target(%dma_start3A_1434 : memref<2560xf32, #tpu.memory_space<vmem>>) target_semaphore(%arg14 : memref<!tpu.dma_semaphore, #tpu.memory_space<semaphore_mem>>)
      %scan3A_1436 = arith.constant 0 : i32
      scf.yield %scan3A_1436 : i32
    }
    %scan3A_440 = arith.constant 34 : i32
    %dma_wait3A_441 = arith.constant 0 : i32
    %dma_wait3A_442 = arith.constant 0 : i32
    %dma_wait3A_443 = arith.constant 0 : i32
    %dma_wait3A_444 = arith.constant 0 : i32
    %dma_wait3A_445 = tpu.memref_slice %arg9[%dma_wait3A_441, %dma_wait3A_442, %dma_wait3A_443, %dma_wait3A_444] : memref<2x20x128x32xbf16, #tpu.memory_space<vmem>> -> memref<1x20x128x32xbf16, #tpu.memory_space<vmem>>
    %dma_wait3A_446 = tpu.memref_squeeze %dma_wait3A_445 : memref<1x20x128x32xbf16, #tpu.memory_space<vmem>> -> memref<20x128x32xbf16, #tpu.memory_space<vmem>>
    %dma_wait3A_447 = arith.constant 0 : i32
    %dma_wait3A_448 = arith.constant 0 : i32
    %dma_wait3A_449 = arith.constant 0 : i32
    %dma_wait3A_450 = tpu.memref_slice %arg9[%dma_wait3A_441, %dma_wait3A_447, %dma_wait3A_448, %dma_wait3A_449] : memref<2x20x128x32xbf16, #tpu.memory_space<vmem>> -> memref<1x20x128x32xbf16, #tpu.memory_space<vmem>>
    %dma_wait3A_451 = tpu.memref_squeeze %dma_wait3A_450 : memref<1x20x128x32xbf16, #tpu.memory_space<vmem>> -> memref<20x128x32xbf16, #tpu.memory_space<vmem>>
    tpu.wait_dma2 semaphore(%arg15 : memref<!tpu.dma_semaphore, #tpu.memory_space<semaphore_mem>>) src(%arg5 : memref<20x128x32xbf16, #tpu.memory_space<hbm>>) dst(%dma_wait3A_451 : memref<20x128x32xbf16, #tpu.memory_space<vmem>>)
    %min3A_452 = arith.constant 69 : i32
    %min3A_453 = arith.constant 67 : i32
    %min3A_454 = arith.minsi %min3A_452, %min3A_453 : i32
    %mul3A_455 = arith.constant 40 : i32
    %mul3A_456 = arith.muli %min3A_454, %mul3A_455 : i32
    %add3A_457 = arith.addi %mul3A_2, %mul3A_456 : i32
    %jit3A_458 = arith.constant 2 : i32
    %div3A_459 = arith.divsi %add3A_457, %jit3A_458 : i32
    %sign3A_460 = arith.constant 0 : i32
    %sign3A_461 = arith.cmpi sgt, %add3A_457, %sign3A_460 : i32
    %sign3A_462 = arith.extui %sign3A_461 : i1 to i32
    %sign3A_463 = arith.constant 0 : i32
    %sign3A_464 = arith.cmpi slt, %add3A_457, %sign3A_463 : i32
    %sign3A_465 = arith.extui %sign3A_464 : i1 to i32
    %sign3A_466 = arith.subi %sign3A_462, %sign3A_465 : i32
    %sign3A_467 = arith.constant 0 : i32
    %sign3A_468 = arith.cmpi sgt, %jit3A_458, %sign3A_467 : i32
    %sign3A_469 = arith.extui %sign3A_468 : i1 to i32
    %sign3A_470 = arith.constant 0 : i32
    %sign3A_471 = arith.cmpi slt, %jit3A_458, %sign3A_470 : i32
    %sign3A_472 = arith.extui %sign3A_471 : i1 to i32
    %sign3A_473 = arith.subi %sign3A_469, %sign3A_472 : i32
    %ne3A_474 = arith.cmpi ne, %sign3A_466, %sign3A_473 : i32
    %rem3A_475 = arith.remsi %add3A_457, %jit3A_458 : i32
    %ne3A_476 = arith.constant 0 : i32
    %ne3A_477 = arith.cmpi ne, %rem3A_475, %ne3A_476 : i32
    %and3A_478 = arith.andi %ne3A_474, %ne3A_477 : i1
    %sub3A_479 = arith.constant 1 : i32
    %sub3A_480 = arith.subi %div3A_459, %sub3A_479 : i32
    %select_n3A_481 = arith.select %and3A_478, %sub3A_480, %div3A_459 : i32
    %dma_wait3A_482 = arith.constant 1 : i32
    %dma_wait3A_483 = arith.constant 0 : i32
    %dma_wait3A_484 = arith.constant 0 : i32
    %dma_wait3A_485 = tpu.memref_slice %arg7[%dma_wait3A_482, %dma_wait3A_483, %dma_wait3A_484] : memref<2x20x128xi32, #tpu.memory_space<vmem>> -> memref<1x20x128xi32, #tpu.memory_space<vmem>>
    %dma_wait3A_486 = tpu.memref_squeeze %dma_wait3A_485 : memref<1x20x128xi32, #tpu.memory_space<vmem>> -> memref<20x128xi32, #tpu.memory_space<vmem>>
    %dma_wait3A_487 = arith.constant 0 : i32
    %dma_wait3A_488 = tpu.memref_slice %arg3[%select_n3A_481, %dma_wait3A_487] : memref<43520x128xi32, #tpu.memory_space<hbm>> -> memref<20x128xi32, #tpu.memory_space<hbm>>
    %dma_wait3A_489 = arith.constant 0 : i32
    %dma_wait3A_490 = arith.constant 0 : i32
    %dma_wait3A_491 = tpu.memref_slice %arg7[%dma_wait3A_482, %dma_wait3A_489, %dma_wait3A_490] : memref<2x20x128xi32, #tpu.memory_space<vmem>> -> memref<1x20x128xi32, #tpu.memory_space<vmem>>
    %dma_wait3A_492 = tpu.memref_squeeze %dma_wait3A_491 : memref<1x20x128xi32, #tpu.memory_space<vmem>> -> memref<20x128xi32, #tpu.memory_space<vmem>>
    %dma_wait3A_493 = arith.constant 0 : i32
    %dma_wait3A_494 = tpu.memref_slice %arg3[%select_n3A_481, %dma_wait3A_493] : memref<43520x128xi32, #tpu.memory_space<hbm>> -> memref<20x128xi32, #tpu.memory_space<hbm>>
    tpu.wait_dma2 semaphore(%arg12 : memref<!tpu.dma_semaphore, #tpu.memory_space<semaphore_mem>>) src(%dma_wait3A_494 : memref<20x128xi32, #tpu.memory_space<hbm>>) dst(%dma_wait3A_492 : memref<20x128xi32, #tpu.memory_space<vmem>>)
    %min3A_495 = arith.constant 68 : i32
    %min3A_496 = arith.constant 67 : i32
    %min3A_497 = arith.minsi %min3A_495, %min3A_496 : i32
    %mul3A_498 = arith.constant 40 : i32
    %mul3A_499 = arith.muli %min3A_497, %mul3A_498 : i32
    %add3A_500 = arith.addi %mul3A_2, %mul3A_499 : i32
    %mul3A_501 = arith.constant 64 : i32
    %mul3A_502 = arith.muli %add3A_500, %mul3A_501 : i32
    %dma_wait3A_503 = arith.constant 0 : i32
    %dma_wait3A_504 = arith.constant 0 : i32
    %dma_wait3A_505 = tpu.memref_slice %arg8[%dma_wait3A_503, %dma_wait3A_504] : memref<2x2560xf32, #tpu.memory_space<vmem>> -> memref<1x2560xf32, #tpu.memory_space<vmem>>
    %dma_wait3A_506 = tpu.memref_squeeze %dma_wait3A_505 : memref<1x2560xf32, #tpu.memory_space<vmem>> -> memref<2560xf32, #tpu.memory_space<vmem>>
    %dma_wait3A_507 = tpu.memref_slice %arg4[%mul3A_502] : memref<5570560xf32, #tpu.memory_space<hbm>> -> memref<2560xf32, #tpu.memory_space<hbm>>
    %dma_wait3A_508 = arith.constant 0 : i32
    %dma_wait3A_509 = tpu.memref_slice %arg8[%dma_wait3A_503, %dma_wait3A_508] : memref<2x2560xf32, #tpu.memory_space<vmem>> -> memref<1x2560xf32, #tpu.memory_space<vmem>>
    %dma_wait3A_510 = tpu.memref_squeeze %dma_wait3A_509 : memref<1x2560xf32, #tpu.memory_space<vmem>> -> memref<2560xf32, #tpu.memory_space<vmem>>
    %dma_wait3A_511 = tpu.memref_slice %arg4[%mul3A_502] : memref<5570560xf32, #tpu.memory_space<hbm>> -> memref<2560xf32, #tpu.memory_space<hbm>>
    tpu.wait_dma2 semaphore(%arg13 : memref<!tpu.dma_semaphore, #tpu.memory_space<semaphore_mem>>) src(%dma_wait3A_511 : memref<2560xf32, #tpu.memory_space<hbm>>) dst(%dma_wait3A_510 : memref<2560xf32, #tpu.memory_space<vmem>>)
    %min3A_512 = arith.constant 69 : i32
    %min3A_513 = arith.constant 67 : i32
    %min3A_514 = arith.minsi %min3A_512, %min3A_513 : i32
    %mul3A_515 = arith.constant 40 : i32
    %mul3A_516 = arith.muli %min3A_514, %mul3A_515 : i32
    %add3A_517 = arith.addi %mul3A_2, %mul3A_516 : i32
    %mul3A_518 = arith.constant 64 : i32
    %mul3A_519 = arith.muli %add3A_517, %mul3A_518 : i32
    %dma_wait3A_520 = arith.constant 1 : i32
    %dma_wait3A_521 = arith.constant 0 : i32
    %dma_wait3A_522 = tpu.memref_slice %arg8[%dma_wait3A_520, %dma_wait3A_521] : memref<2x2560xf32, #tpu.memory_space<vmem>> -> memref<1x2560xf32, #tpu.memory_space<vmem>>
    %dma_wait3A_523 = tpu.memref_squeeze %dma_wait3A_522 : memref<1x2560xf32, #tpu.memory_space<vmem>> -> memref<2560xf32, #tpu.memory_space<vmem>>
    %dma_wait3A_524 = tpu.memref_slice %arg4[%mul3A_519] : memref<5570560xf32, #tpu.memory_space<hbm>> -> memref<2560xf32, #tpu.memory_space<hbm>>
    %dma_wait3A_525 = arith.constant 0 : i32
    %dma_wait3A_526 = tpu.memref_slice %arg8[%dma_wait3A_520, %dma_wait3A_525] : memref<2x2560xf32, #tpu.memory_space<vmem>> -> memref<1x2560xf32, #tpu.memory_space<vmem>>
    %dma_wait3A_527 = tpu.memref_squeeze %dma_wait3A_526 : memref<1x2560xf32, #tpu.memory_space<vmem>> -> memref<2560xf32, #tpu.memory_space<vmem>>
    %dma_wait3A_528 = tpu.memref_slice %arg4[%mul3A_519] : memref<5570560xf32, #tpu.memory_space<hbm>> -> memref<2560xf32, #tpu.memory_space<hbm>>
    tpu.wait_dma2 semaphore(%arg14 : memref<!tpu.dma_semaphore, #tpu.memory_space<semaphore_mem>>) src(%dma_wait3A_528 : memref<2560xf32, #tpu.memory_space<hbm>>) dst(%dma_wait3A_527 : memref<2560xf32, #tpu.memory_space<vmem>>)
    %add3A_529 = arith.constant 2640 : i32
    %add3A_530 = arith.addi %mul3A_2, %add3A_529 : i32
    %mul3A_531 = arith.constant 32 : i32
    %mul3A_532 = arith.muli %add3A_530, %mul3A_531 : i32
    %dma_wait3A_533 = arith.constant 0 : i32
    %dma_wait3A_534 = arith.constant 0 : i32
    %dma_wait3A_535 = tpu.memref_slice %arg10[%dma_wait3A_533, %dma_wait3A_534] : memref<2x1280xf32, #tpu.memory_space<vmem>> -> memref<1x1280xf32, #tpu.memory_space<vmem>>
    %dma_wait3A_536 = tpu.memref_squeeze %dma_wait3A_535 : memref<1x1280xf32, #tpu.memory_space<vmem>> -> memref<1280xf32, #tpu.memory_space<vmem>>
    %dma_wait3A_537 = tpu.memref_slice %arg6[%mul3A_532] : memref<2785280xf32, #tpu.memory_space<hbm>> -> memref<1280xf32, #tpu.memory_space<hbm>>
    %dma_wait3A_538 = tpu.memref_slice %arg6[%mul3A_532] : memref<2785280xf32, #tpu.memory_space<hbm>> -> memref<1280xf32, #tpu.memory_space<hbm>>
    %dma_wait3A_539 = arith.constant 0 : i32
    %dma_wait3A_540 = tpu.memref_slice %arg10[%dma_wait3A_533, %dma_wait3A_539] : memref<2x1280xf32, #tpu.memory_space<vmem>> -> memref<1x1280xf32, #tpu.memory_space<vmem>>
    %dma_wait3A_541 = tpu.memref_squeeze %dma_wait3A_540 : memref<1x1280xf32, #tpu.memory_space<vmem>> -> memref<1280xf32, #tpu.memory_space<vmem>>
    tpu.wait_dma2 semaphore(%arg17 : memref<!tpu.dma_semaphore, #tpu.memory_space<semaphore_mem>>) src(%dma_wait3A_541 : memref<1280xf32, #tpu.memory_space<vmem>>) dst(%dma_wait3A_538 : memref<1280xf32, #tpu.memory_space<hbm>>)
    %add3A_542 = arith.constant 2680 : i32
    %add3A_543 = arith.addi %mul3A_2, %add3A_542 : i32
    %mul3A_544 = arith.constant 32 : i32
    %mul3A_545 = arith.muli %add3A_543, %mul3A_544 : i32
    %dma_wait3A_546 = arith.constant 1 : i32
    %dma_wait3A_547 = arith.constant 0 : i32
    %dma_wait3A_548 = tpu.memref_slice %arg10[%dma_wait3A_546, %dma_wait3A_547] : memref<2x1280xf32, #tpu.memory_space<vmem>> -> memref<1x1280xf32, #tpu.memory_space<vmem>>
    %dma_wait3A_549 = tpu.memref_squeeze %dma_wait3A_548 : memref<1x1280xf32, #tpu.memory_space<vmem>> -> memref<1280xf32, #tpu.memory_space<vmem>>
    %dma_wait3A_550 = tpu.memref_slice %arg6[%mul3A_545] : memref<2785280xf32, #tpu.memory_space<hbm>> -> memref<1280xf32, #tpu.memory_space<hbm>>
    %dma_wait3A_551 = tpu.memref_slice %arg6[%mul3A_545] : memref<2785280xf32, #tpu.memory_space<hbm>> -> memref<1280xf32, #tpu.memory_space<hbm>>
    %dma_wait3A_552 = arith.constant 0 : i32
    %dma_wait3A_553 = tpu.memref_slice %arg10[%dma_wait3A_546, %dma_wait3A_552] : memref<2x1280xf32, #tpu.memory_space<vmem>> -> memref<1x1280xf32, #tpu.memory_space<vmem>>
    %dma_wait3A_554 = tpu.memref_squeeze %dma_wait3A_553 : memref<1x1280xf32, #tpu.memory_space<vmem>> -> memref<1280xf32, #tpu.memory_space<vmem>>
    tpu.wait_dma2 semaphore(%arg18 : memref<!tpu.dma_semaphore, #tpu.memory_space<semaphore_mem>>) src(%dma_wait3A_554 : memref<1280xf32, #tpu.memory_space<vmem>>) dst(%dma_wait3A_551 : memref<1280xf32, #tpu.memory_space<hbm>>)
    return
  }
}

module attributes {stable_mosaic.version = 14 : i64} {
  func.func @_fused_body(%arg0: i32, %arg1: i32, %arg2: memref<1x544x256xf32, #tpu.memory_space<vmem>>, %arg3: memref<1x544x2xf32, #tpu.memory_space<vmem>>, %arg4: memref<1x544x256xf32, #tpu.memory_space<vmem>>, %arg5: memref<256x256xf32, #tpu.memory_space<vmem>>, %arg6: memref<1x256xf32, #tpu.memory_space<vmem>>, %arg7: memref<256x128xf32, #tpu.memory_space<vmem>>, %arg8: memref<256x128xf32, #tpu.memory_space<vmem>>, %arg9: memref<256x128xf32, #tpu.memory_space<vmem>>, %arg10: memref<1x128xf32, #tpu.memory_space<vmem>>, %arg11: memref<1x128xf32, #tpu.memory_space<vmem>>, %arg12: memref<1x128xf32, #tpu.memory_space<vmem>>, %arg13: memref<128x128xf32, #tpu.memory_space<vmem>>, %arg14: memref<1x128xf32, #tpu.memory_space<vmem>>, %arg15: memref<1x128xf32, #tpu.memory_space<vmem>>, %arg16: memref<1x128xf32, #tpu.memory_space<vmem>>, %arg17: memref<1x544x256xbf16, #tpu.memory_space<vmem>>, %arg18: memref<1x544x512xi32, #tpu.memory_space<vmem>>, %arg19: memref<1x544x512xf32, #tpu.memory_space<vmem>>) attributes {dimension_semantics = [#tpu.dimension_semantics<arbitrary>, #tpu.dimension_semantics<arbitrary>], iteration_bounds = array<i64: 2, 10>, scalar_prefetch = 0 : i64, scratch_operands = 0 : i64, tpu.core_type = #tpu.core_type<tc>, window_params = [{transform_indices = @transform_0, window_bounds = array<i64: 1, 544, 256>}, {transform_indices = @transform_1, window_bounds = array<i64: 1, 544, 2>}, {transform_indices = @transform_2, window_bounds = array<i64: 1, 544, 256>}, {pipeline_mode = #tpu.pipeline_mode<synchronous>, transform_indices = @transform_3, window_bounds = array<i64: 256, 256>}, {pipeline_mode = #tpu.pipeline_mode<synchronous>, transform_indices = @transform_4, window_bounds = array<i64: 1, 256>}, {pipeline_mode = #tpu.pipeline_mode<synchronous>, transform_indices = @transform_5, window_bounds = array<i64: 256, 128>}, {pipeline_mode = #tpu.pipeline_mode<synchronous>, transform_indices = @transform_6, window_bounds = array<i64: 256, 128>}, {pipeline_mode = #tpu.pipeline_mode<synchronous>, transform_indices = @transform_7, window_bounds = array<i64: 256, 128>}, {pipeline_mode = #tpu.pipeline_mode<synchronous>, transform_indices = @transform_8, window_bounds = array<i64: 1, 128>}, {pipeline_mode = #tpu.pipeline_mode<synchronous>, transform_indices = @transform_9, window_bounds = array<i64: 1, 128>}, {pipeline_mode = #tpu.pipeline_mode<synchronous>, transform_indices = @transform_10, window_bounds = array<i64: 1, 128>}, {pipeline_mode = #tpu.pipeline_mode<synchronous>, transform_indices = @transform_11, window_bounds = array<i64: 128, 128>}, {pipeline_mode = #tpu.pipeline_mode<synchronous>, transform_indices = @transform_12, window_bounds = array<i64: 1, 128>}, {pipeline_mode = #tpu.pipeline_mode<synchronous>, transform_indices = @transform_13, window_bounds = array<i64: 1, 128>}, {pipeline_mode = #tpu.pipeline_mode<synchronous>, transform_indices = @transform_14, window_bounds = array<i64: 1, 128>}, {transform_indices = @transform_15, window_bounds = array<i64: 1, 544, 256>}, {transform_indices = @transform_16, window_bounds = array<i64: 1, 544, 512>}, {transform_indices = @transform_17, window_bounds = array<i64: 1, 544, 512>}]} {
    %get3A = arith.constant 0 : index
    %get3A_0 = arith.constant 0 : index
    %get3A_1 = arith.constant 0 : index
    %get3A_2 = vector.load %arg4[%get3A, %get3A_0, %get3A_1] : memref<1x544x256xf32, #tpu.memory_space<vmem>>, vector<1x544x256xf32>
    %get3A_3 = vector.shape_cast %get3A_2 : vector<1x544x256xf32> to vector<544x256xf32>
    %get3A_4 = arith.constant 0 : index
    %get3A_5 = arith.constant 0 : index
    %get3A_6 = vector.load %arg5[%get3A_4, %get3A_5] : memref<256x256xf32, #tpu.memory_space<vmem>>, vector<256x256xf32>
    %dot_general3A = arith.constant dense<0.000000e+00> : vector<544x256xf32>
    %dot_general3A_7 = tpu.matmul %get3A_3, %get3A_6, %dot_general3A {dimension_numbers = #tpu.dot_dimension_numbers<[1], [0], [0], [1], [0, 0, 1, 1], [], []>, transpose_lhs_hint = false} : vector<544x256xf32>, vector<256x256xf32>, vector<544x256xf32> -> vector<544x256xf32>
    %get3A_8 = arith.constant 0 : index
    %get3A_9 = arith.constant 0 : index
    %get3A_10 = vector.load %arg6[%get3A_8, %get3A_9] : memref<1x256xf32, #tpu.memory_space<vmem>>, vector<1x256xf32>
    %get3A_11 = vector.shape_cast %get3A_10 : vector<1x256xf32> to vector<256xf32>
    %broadcast_in_dim3A = vector.shape_cast %get3A_11 : vector<256xf32> to vector<1x256xf32>
    %add3A = vector.broadcast %broadcast_in_dim3A : vector<1x256xf32> to vector<544x256xf32>
    %add3A_12 = arith.addf %dot_general3A_7, %add3A : vector<544x256xf32>
    %convert_element_type3A = arith.truncf %add3A_12 : vector<544x256xf32> to vector<544x256xbf16>
    %swap3A = arith.constant 0 : index
    %swap3A_13 = arith.constant 0 : index
    %swap3A_14 = arith.constant 0 : index
    %swap3A_15 = vector.load %arg17[%swap3A, %swap3A_13, %swap3A_14] : memref<1x544x256xbf16, #tpu.memory_space<vmem>>, vector<1x544x256xbf16>
    %swap3A_16 = vector.shape_cast %swap3A_15 : vector<1x544x256xbf16> to vector<544x256xbf16>
    %swap3A_17 = vector.shape_cast %convert_element_type3A : vector<544x256xbf16> to vector<1x544x256xbf16>
    tpu.vector_store %arg17[%swap3A, %swap3A_13, %swap3A_14], %swap3A_17 {strides = array<i32>} : memref<1x544x256xbf16, #tpu.memory_space<vmem>>, vector<1x544x256xbf16>,
    %get3A_18 = arith.constant 0 : index
    %get3A_19 = arith.constant 0 : index
    %get3A_20 = arith.constant 0 : index
    %get3A_21 = vector.load %arg2[%get3A_18, %get3A_19, %get3A_20] : memref<1x544x256xf32, #tpu.memory_space<vmem>>, vector<1x544x256xf32>
    %get3A_22 = vector.shape_cast %get3A_21 : vector<1x544x256xf32> to vector<544x256xf32>
    %get3A_23 = arith.constant 0 : index
    %get3A_24 = arith.constant 0 : index
    %get3A_25 = arith.constant 0 : index
    %get3A_26 = vector.load %arg3[%get3A_23, %get3A_24, %get3A_25] : memref<1x544x2xf32, #tpu.memory_space<vmem>>, vector<1x544x1xf32>
    %get3A_27 = vector.shape_cast %get3A_26 : vector<1x544x1xf32> to vector<544x1xf32>
    %get3A_28 = arith.constant 0 : index
    %get3A_29 = arith.constant 0 : index
    %get3A_30 = arith.constant 1 : index
    %get3A_31 = vector.load %arg3[%get3A_28, %get3A_29, %get3A_30] : memref<1x544x2xf32, #tpu.memory_space<vmem>>, vector<1x544x1xf32>
    %get3A_32 = vector.shape_cast %get3A_31 : vector<1x544x1xf32> to vector<544x1xf32>
    %get3A_33 = arith.constant 0 : index
    %get3A_34 = arith.constant 0 : index
    %get3A_35 = vector.load %arg14[%get3A_33, %get3A_34] : memref<1x128xf32, #tpu.memory_space<vmem>>, vector<1x128xf32>
    %get3A_36 = vector.shape_cast %get3A_35 : vector<1x128xf32> to vector<128xf32>
    %get3A_37 = arith.constant 0 : index
    %get3A_38 = arith.constant 0 : index
    %get3A_39 = vector.load %arg15[%get3A_37, %get3A_38] : memref<1x128xf32, #tpu.memory_space<vmem>>, vector<1x128xf32>
    %get3A_40 = vector.shape_cast %get3A_39 : vector<1x128xf32> to vector<128xf32>
    %get3A_41 = arith.constant 0 : index
    %get3A_42 = arith.constant 0 : index
    %get3A_43 = vector.load %arg16[%get3A_41, %get3A_42] : memref<1x128xf32, #tpu.memory_space<vmem>>, vector<1x128xf32>
    %get3A_44 = vector.shape_cast %get3A_43 : vector<1x128xf32> to vector<128xf32>
    %get3A_45 = arith.constant 0 : index
    %get3A_46 = arith.constant 0 : index
    %get3A_47 = vector.load %arg7[%get3A_45, %get3A_46] : memref<256x128xf32, #tpu.memory_space<vmem>>, vector<256x128xf32>
    %dot_general3A_48 = arith.constant dense<0.000000e+00> : vector<544x128xf32>
    %dot_general3A_49 = tpu.matmul %get3A_22, %get3A_47, %dot_general3A_48 {dimension_numbers = #tpu.dot_dimension_numbers<[1], [0], [0], [1], [0, 0, 1, 1], [], []>, transpose_lhs_hint = false} : vector<544x256xf32>, vector<256x128xf32>, vector<544x128xf32> -> vector<544x128xf32>
    %get3A_50 = arith.constant 0 : index
    %get3A_51 = arith.constant 0 : index
    %get3A_52 = vector.load %arg10[%get3A_50, %get3A_51] : memref<1x128xf32, #tpu.memory_space<vmem>>, vector<1x128xf32>
    %get3A_53 = vector.shape_cast %get3A_52 : vector<1x128xf32> to vector<128xf32>
    %broadcast_in_dim3A_54 = vector.shape_cast %get3A_53 : vector<128xf32> to vector<1x128xf32>
    %add3A_55 = vector.broadcast %broadcast_in_dim3A_54 : vector<1x128xf32> to vector<544x128xf32>
    %add3A_56 = arith.addf %dot_general3A_49, %add3A_55 : vector<544x128xf32>
    %get3A_57 = arith.constant 0 : index
    %get3A_58 = arith.constant 0 : index
    %get3A_59 = vector.load %arg8[%get3A_57, %get3A_58] : memref<256x128xf32, #tpu.memory_space<vmem>>, vector<256x128xf32>
    %dot_general3A_60 = arith.constant dense<0.000000e+00> : vector<544x128xf32>
    %dot_general3A_61 = tpu.matmul %get3A_22, %get3A_59, %dot_general3A_60 {dimension_numbers = #tpu.dot_dimension_numbers<[1], [0], [0], [1], [0, 0, 1, 1], [], []>, transpose_lhs_hint = false} : vector<544x256xf32>, vector<256x128xf32>, vector<544x128xf32> -> vector<544x128xf32>
    %get3A_62 = arith.constant 0 : index
    %get3A_63 = arith.constant 0 : index
    %get3A_64 = vector.load %arg11[%get3A_62, %get3A_63] : memref<1x128xf32, #tpu.memory_space<vmem>>, vector<1x128xf32>
    %get3A_65 = vector.shape_cast %get3A_64 : vector<1x128xf32> to vector<128xf32>
    %broadcast_in_dim3A_66 = vector.shape_cast %get3A_65 : vector<128xf32> to vector<1x128xf32>
    %add3A_67 = vector.broadcast %broadcast_in_dim3A_66 : vector<1x128xf32> to vector<544x128xf32>
    %add3A_68 = arith.addf %dot_general3A_61, %add3A_67 : vector<544x128xf32>
    %get3A_69 = arith.constant 0 : index
    %get3A_70 = arith.constant 0 : index
    %get3A_71 = vector.load %arg9[%get3A_69, %get3A_70] : memref<256x128xf32, #tpu.memory_space<vmem>>, vector<256x128xf32>
    %dot_general3A_72 = arith.constant dense<0.000000e+00> : vector<544x128xf32>
    %dot_general3A_73 = tpu.matmul %get3A_22, %get3A_71, %dot_general3A_72 {dimension_numbers = #tpu.dot_dimension_numbers<[1], [0], [0], [1], [0, 0, 1, 1], [], []>, transpose_lhs_hint = false} : vector<544x256xf32>, vector<256x128xf32>, vector<544x128xf32> -> vector<544x128xf32>
    %get3A_74 = arith.constant 0 : index
    %get3A_75 = arith.constant 0 : index
    %get3A_76 = vector.load %arg12[%get3A_74, %get3A_75] : memref<1x128xf32, #tpu.memory_space<vmem>>, vector<1x128xf32>
    %get3A_77 = vector.shape_cast %get3A_76 : vector<1x128xf32> to vector<128xf32>
    %broadcast_in_dim3A_78 = vector.shape_cast %get3A_77 : vector<128xf32> to vector<1x128xf32>
    %add3A_79 = vector.broadcast %broadcast_in_dim3A_78 : vector<1x128xf32> to vector<544x128xf32>
    %add3A_80 = arith.addf %dot_general3A_73, %add3A_79 : vector<544x128xf32>
    %reduce_max3A = arith.constant dense<0xFF800000> : vector<544xf32>
    %reduce_max3A_81 = vector.multi_reduction <maximumf>, %add3A_80, %reduce_max3A [1] : vector<544x128xf32> to vector<544xf32>
    %broadcast_in_dim3A_82 = vector.shape_cast %reduce_max3A_81 : vector<544xf32> to vector<544x1xf32>
    %sub3A = vector.broadcast %broadcast_in_dim3A_82 : vector<544x1xf32> to vector<544x128xf32>
    %sub3A_83 = arith.subf %add3A_80, %sub3A : vector<544x128xf32>
    %exp3A = math.exp %sub3A_83 : vector<544x128xf32>
    %get3A_84 = arith.constant 0 : index
    %get3A_85 = arith.constant 0 : index
    %get3A_86 = vector.load %arg13[%get3A_84, %get3A_85] : memref<128x128xf32, #tpu.memory_space<vmem>>, vector<128x128xf32>
    %dot_general3A_87 = arith.constant dense<0.000000e+00> : vector<544x128xf32>
    %dot_general3A_88 = tpu.matmul %exp3A, %get3A_86, %dot_general3A_87 {dimension_numbers = #tpu.dot_dimension_numbers<[1], [0], [0], [1], [0, 0, 1, 1], [], []>, transpose_lhs_hint = false} : vector<544x128xf32>, vector<128x128xf32>, vector<544x128xf32> -> vector<544x128xf32>
    %div3A = arith.divf %exp3A, %dot_general3A_88 : vector<544x128xf32>
    %broadcast_in_dim3A_89 = vector.shape_cast %get3A_36 : vector<128xf32> to vector<1x128xf32>
    %mul3A = vector.broadcast %get3A_27 : vector<544x1xf32> to vector<544x128xf32>
    %mul3A_90 = vector.broadcast %broadcast_in_dim3A_89 : vector<1x128xf32> to vector<544x128xf32>
    %mul3A_91 = arith.mulf %mul3A, %mul3A_90 : vector<544x128xf32>
    %add3A_92 = arith.addf %mul3A_91, %add3A_56 : vector<544x128xf32>
    %sub3A_93 = arith.constant 5.000000e-01 : f32
    %sub3A_94 = vector.broadcast %sub3A_93 : f32 to vector<544x128xf32>
    %sub3A_95 = arith.subf %add3A_92, %sub3A_94 : vector<544x128xf32>
    %broadcast_in_dim3A_96 = vector.shape_cast %get3A_40 : vector<128xf32> to vector<1x128xf32>
    %mul3A_97 = vector.broadcast %get3A_32 : vector<544x1xf32> to vector<544x128xf32>
    %mul3A_98 = vector.broadcast %broadcast_in_dim3A_96 : vector<1x128xf32> to vector<544x128xf32>
    %mul3A_99 = arith.mulf %mul3A_97, %mul3A_98 : vector<544x128xf32>
    %add3A_100 = arith.addf %mul3A_99, %add3A_68 : vector<544x128xf32>
    %sub3A_101 = arith.constant 5.000000e-01 : f32
    %sub3A_102 = vector.broadcast %sub3A_101 : f32 to vector<544x128xf32>
    %sub3A_103 = arith.subf %add3A_100, %sub3A_102 : vector<544x128xf32>
    %floor3A = math.floor %sub3A_95 : vector<544x128xf32>
    %sub3A_104 = arith.subf %sub3A_95, %floor3A : vector<544x128xf32>
    %ge3A = arith.constant 0.000000e+00 : f32
    %ge3A_105 = vector.broadcast %ge3A : f32 to vector<544x128xf32>
    %ge3A_106 = arith.cmpf oge, %floor3A, %ge3A_105 : vector<544x128xf32>
    %sub3A_107 = arith.constant 1.000000e+00 : f32
    %sub3A_108 = vector.broadcast %sub3A_107 : f32 to vector<128xf32>
    %sub3A_109 = arith.subf %get3A_36, %sub3A_108 : vector<128xf32>
    %broadcast_in_dim3A_110 = vector.shape_cast %sub3A_109 : vector<128xf32> to vector<1x128xf32>
    %le3A = vector.broadcast %broadcast_in_dim3A_110 : vector<1x128xf32> to vector<544x128xf32>
    %le3A_111 = arith.cmpf ole, %floor3A, %le3A : vector<544x128xf32>
    %and3A = arith.andi %ge3A_106, %le3A_111 : vector<544x128xi1>
    %convert_element_type3A_112 = arith.extui %and3A : vector<544x128xi1> to vector<544x128xi32>
    %convert_element_type3A_113 = arith.sitofp %convert_element_type3A_112 : vector<544x128xi32> to vector<544x128xf32>
    %ge3A_114 = arith.constant -1.000000e+00 : f32
    %ge3A_115 = vector.broadcast %ge3A_114 : f32 to vector<544x128xf32>
    %ge3A_116 = arith.cmpf oge, %floor3A, %ge3A_115 : vector<544x128xf32>
    %sub3A_117 = arith.constant 2.000000e+00 : f32
    %sub3A_118 = vector.broadcast %sub3A_117 : f32 to vector<128xf32>
    %sub3A_119 = arith.subf %get3A_36, %sub3A_118 : vector<128xf32>
    %broadcast_in_dim3A_120 = vector.shape_cast %sub3A_119 : vector<128xf32> to vector<1x128xf32>
    %le3A_121 = vector.broadcast %broadcast_in_dim3A_120 : vector<1x128xf32> to vector<544x128xf32>
    %le3A_122 = arith.cmpf ole, %floor3A, %le3A_121 : vector<544x128xf32>
    %and3A_123 = arith.andi %ge3A_116, %le3A_122 : vector<544x128xi1>
    %convert_element_type3A_124 = arith.extui %and3A_123 : vector<544x128xi1> to vector<544x128xi32>
    %convert_element_type3A_125 = arith.sitofp %convert_element_type3A_124 : vector<544x128xi32> to vector<544x128xf32>
    %sub3A_126 = arith.constant 1.000000e+00 : f32
    %sub3A_127 = vector.broadcast %sub3A_126 : f32 to vector<544x128xf32>
    %sub3A_128 = arith.subf %sub3A_127, %sub3A_104 : vector<544x128xf32>
    %mul3A_129 = arith.mulf %sub3A_128, %convert_element_type3A_113 : vector<544x128xf32>
    %mul3A_130 = arith.mulf %sub3A_104, %convert_element_type3A_125 : vector<544x128xf32>
    %sub3A_131 = arith.constant 2.000000e+00 : f32
    %sub3A_132 = vector.broadcast %sub3A_131 : f32 to vector<128xf32>
    %sub3A_133 = arith.subf %get3A_36, %sub3A_132 : vector<128xf32>
    %jit3A = arith.constant 0 : i32
    %convert_element_type3A_134 = arith.sitofp %jit3A : i32 to f32
    %max3A = vector.broadcast %convert_element_type3A_134 : f32 to vector<544x128xf32>
    %max3A_135 = arith.maximumf %max3A, %floor3A : vector<544x128xf32>
    %broadcast_in_dim3A_136 = vector.shape_cast %sub3A_133 : vector<128xf32> to vector<1x128xf32>
    %min3A = vector.broadcast %broadcast_in_dim3A_136 : vector<1x128xf32> to vector<544x128xf32>
    %min3A_137 = arith.minimumf %min3A, %max3A_135 : vector<544x128xf32>
    %eq3A = arith.cmpf oeq, %min3A_137, %floor3A : vector<544x128xf32>
    %jit3A_138 = arith.constant 0.000000e+00 : f32
    %broadcast_in_dim3A_139 = vector.broadcast %jit3A_138 : f32 to vector<544x128xf32>
    %select_n3A = arith.select %eq3A, %mul3A_129, %broadcast_in_dim3A_139 : vector<544x128xi1>, vector<544x128xf32>
    %add3A_140 = arith.constant 1.000000e+00 : f32
    %add3A_141 = vector.broadcast %add3A_140 : f32 to vector<544x128xf32>
    %add3A_142 = arith.addf %floor3A, %add3A_141 : vector<544x128xf32>
    %eq3A_143 = arith.cmpf oeq, %min3A_137, %add3A_142 : vector<544x128xf32>
    %jit3A_144 = arith.constant 0.000000e+00 : f32
    %broadcast_in_dim3A_145 = vector.broadcast %jit3A_144 : f32 to vector<544x128xf32>
    %select_n3A_146 = arith.select %eq3A_143, %mul3A_130, %broadcast_in_dim3A_145 : vector<544x128xi1>, vector<544x128xf32>
    %add3A_147 = arith.addf %select_n3A, %select_n3A_146 : vector<544x128xf32>
    %add3A_148 = arith.constant 1.000000e+00 : f32
    %add3A_149 = vector.broadcast %add3A_148 : f32 to vector<544x128xf32>
    %add3A_150 = arith.addf %min3A_137, %add3A_149 : vector<544x128xf32>
    %eq3A_151 = arith.cmpf oeq, %add3A_150, %floor3A : vector<544x128xf32>
    %jit3A_152 = arith.constant 0.000000e+00 : f32
    %broadcast_in_dim3A_153 = vector.broadcast %jit3A_152 : f32 to vector<544x128xf32>
    %select_n3A_154 = arith.select %eq3A_151, %mul3A_129, %broadcast_in_dim3A_153 : vector<544x128xi1>, vector<544x128xf32>
    %add3A_155 = arith.constant 1.000000e+00 : f32
    %add3A_156 = vector.broadcast %add3A_155 : f32 to vector<544x128xf32>
    %add3A_157 = arith.addf %min3A_137, %add3A_156 : vector<544x128xf32>
    %add3A_158 = arith.constant 1.000000e+00 : f32
    %add3A_159 = vector.broadcast %add3A_158 : f32 to vector<544x128xf32>
    %add3A_160 = arith.addf %floor3A, %add3A_159 : vector<544x128xf32>
    %eq3A_161 = arith.cmpf oeq, %add3A_157, %add3A_160 : vector<544x128xf32>
    %jit3A_162 = arith.constant 0.000000e+00 : f32
    %broadcast_in_dim3A_163 = vector.broadcast %jit3A_162 : f32 to vector<544x128xf32>
    %select_n3A_164 = arith.select %eq3A_161, %mul3A_130, %broadcast_in_dim3A_163 : vector<544x128xi1>, vector<544x128xf32>
    %add3A_165 = arith.addf %select_n3A_154, %select_n3A_164 : vector<544x128xf32>
    %floor3A_166 = math.floor %sub3A_103 : vector<544x128xf32>
    %sub3A_167 = arith.subf %sub3A_103, %floor3A_166 : vector<544x128xf32>
    %ge3A_168 = arith.constant 0.000000e+00 : f32
    %ge3A_169 = vector.broadcast %ge3A_168 : f32 to vector<544x128xf32>
    %ge3A_170 = arith.cmpf oge, %floor3A_166, %ge3A_169 : vector<544x128xf32>
    %sub3A_171 = arith.constant 1.000000e+00 : f32
    %sub3A_172 = vector.broadcast %sub3A_171 : f32 to vector<128xf32>
    %sub3A_173 = arith.subf %get3A_40, %sub3A_172 : vector<128xf32>
    %broadcast_in_dim3A_174 = vector.shape_cast %sub3A_173 : vector<128xf32> to vector<1x128xf32>
    %le3A_175 = vector.broadcast %broadcast_in_dim3A_174 : vector<1x128xf32> to vector<544x128xf32>
    %le3A_176 = arith.cmpf ole, %floor3A_166, %le3A_175 : vector<544x128xf32>
    %and3A_177 = arith.andi %ge3A_170, %le3A_176 : vector<544x128xi1>
    %convert_element_type3A_178 = arith.extui %and3A_177 : vector<544x128xi1> to vector<544x128xi32>
    %convert_element_type3A_179 = arith.sitofp %convert_element_type3A_178 : vector<544x128xi32> to vector<544x128xf32>
    %ge3A_180 = arith.constant -1.000000e+00 : f32
    %ge3A_181 = vector.broadcast %ge3A_180 : f32 to vector<544x128xf32>
    %ge3A_182 = arith.cmpf oge, %floor3A_166, %ge3A_181 : vector<544x128xf32>
    %sub3A_183 = arith.constant 2.000000e+00 : f32
    %sub3A_184 = vector.broadcast %sub3A_183 : f32 to vector<128xf32>
    %sub3A_185 = arith.subf %get3A_40, %sub3A_184 : vector<128xf32>
    %broadcast_in_dim3A_186 = vector.shape_cast %sub3A_185 : vector<128xf32> to vector<1x128xf32>
    %le3A_187 = vector.broadcast %broadcast_in_dim3A_186 : vector<1x128xf32> to vector<544x128xf32>
    %le3A_188 = arith.cmpf ole, %floor3A_166, %le3A_187 : vector<544x128xf32>
    %and3A_189 = arith.andi %ge3A_182, %le3A_188 : vector<544x128xi1>
    %convert_element_type3A_190 = arith.extui %and3A_189 : vector<544x128xi1> to vector<544x128xi32>
    %convert_element_type3A_191 = arith.sitofp %convert_element_type3A_190 : vector<544x128xi32> to vector<544x128xf32>
    %sub3A_192 = arith.constant 1.000000e+00 : f32
    %sub3A_193 = vector.broadcast %sub3A_192 : f32 to vector<544x128xf32>
    %sub3A_194 = arith.subf %sub3A_193, %sub3A_167 : vector<544x128xf32>
    %mul3A_195 = arith.mulf %sub3A_194, %convert_element_type3A_179 : vector<544x128xf32>
    %mul3A_196 = arith.mulf %sub3A_167, %convert_element_type3A_191 : vector<544x128xf32>
    %sub3A_197 = arith.constant 2.000000e+00 : f32
    %sub3A_198 = vector.broadcast %sub3A_197 : f32 to vector<128xf32>
    %sub3A_199 = arith.subf %get3A_40, %sub3A_198 : vector<128xf32>
    %jit3A_200 = arith.constant 0 : i32
    %convert_element_type3A_201 = arith.sitofp %jit3A_200 : i32 to f32
    %max3A_202 = vector.broadcast %convert_element_type3A_201 : f32 to vector<544x128xf32>
    %max3A_203 = arith.maximumf %max3A_202, %floor3A_166 : vector<544x128xf32>
    %broadcast_in_dim3A_204 = vector.shape_cast %sub3A_199 : vector<128xf32> to vector<1x128xf32>
    %min3A_205 = vector.broadcast %broadcast_in_dim3A_204 : vector<1x128xf32> to vector<544x128xf32>
    %min3A_206 = arith.minimumf %min3A_205, %max3A_203 : vector<544x128xf32>
    %eq3A_207 = arith.cmpf oeq, %min3A_206, %floor3A_166 : vector<544x128xf32>
    %jit3A_208 = arith.constant 0.000000e+00 : f32
    %broadcast_in_dim3A_209 = vector.broadcast %jit3A_208 : f32 to vector<544x128xf32>
    %select_n3A_210 = arith.select %eq3A_207, %mul3A_195, %broadcast_in_dim3A_209 : vector<544x128xi1>, vector<544x128xf32>
    %add3A_211 = arith.constant 1.000000e+00 : f32
    %add3A_212 = vector.broadcast %add3A_211 : f32 to vector<544x128xf32>
    %add3A_213 = arith.addf %floor3A_166, %add3A_212 : vector<544x128xf32>
    %eq3A_214 = arith.cmpf oeq, %min3A_206, %add3A_213 : vector<544x128xf32>
    %jit3A_215 = arith.constant 0.000000e+00 : f32
    %broadcast_in_dim3A_216 = vector.broadcast %jit3A_215 : f32 to vector<544x128xf32>
    %select_n3A_217 = arith.select %eq3A_214, %mul3A_196, %broadcast_in_dim3A_216 : vector<544x128xi1>, vector<544x128xf32>
    %add3A_218 = arith.addf %select_n3A_210, %select_n3A_217 : vector<544x128xf32>
    %add3A_219 = arith.constant 1.000000e+00 : f32
    %add3A_220 = vector.broadcast %add3A_219 : f32 to vector<544x128xf32>
    %add3A_221 = arith.addf %min3A_206, %add3A_220 : vector<544x128xf32>
    %eq3A_222 = arith.cmpf oeq, %add3A_221, %floor3A_166 : vector<544x128xf32>
    %jit3A_223 = arith.constant 0.000000e+00 : f32
    %broadcast_in_dim3A_224 = vector.broadcast %jit3A_223 : f32 to vector<544x128xf32>
    %select_n3A_225 = arith.select %eq3A_222, %mul3A_195, %broadcast_in_dim3A_224 : vector<544x128xi1>, vector<544x128xf32>
    %add3A_226 = arith.constant 1.000000e+00 : f32
    %add3A_227 = vector.broadcast %add3A_226 : f32 to vector<544x128xf32>
    %add3A_228 = arith.addf %min3A_206, %add3A_227 : vector<544x128xf32>
    %add3A_229 = arith.constant 1.000000e+00 : f32
    %add3A_230 = vector.broadcast %add3A_229 : f32 to vector<544x128xf32>
    %add3A_231 = arith.addf %floor3A_166, %add3A_230 : vector<544x128xf32>
    %eq3A_232 = arith.cmpf oeq, %add3A_228, %add3A_231 : vector<544x128xf32>
    %jit3A_233 = arith.constant 0.000000e+00 : f32
    %broadcast_in_dim3A_234 = vector.broadcast %jit3A_233 : f32 to vector<544x128xf32>
    %select_n3A_235 = arith.select %eq3A_232, %mul3A_196, %broadcast_in_dim3A_234 : vector<544x128xi1>, vector<544x128xf32>
    %add3A_236 = arith.addf %select_n3A_225, %select_n3A_235 : vector<544x128xf32>
    %convert_element_type3A_237 = arith.sitofp %arg0 : i32 to f32
    %mul3A_238 = arith.constant 4.352000e+04 : f32
    %mul3A_239 = arith.mulf %convert_element_type3A_237, %mul3A_238 : f32
    %add3A_240 = vector.broadcast %mul3A_239 : f32 to vector<128xf32>
    %add3A_241 = arith.addf %add3A_240, %get3A_44 : vector<128xf32>
    %broadcast_in_dim3A_242 = vector.shape_cast %get3A_36 : vector<128xf32> to vector<1x128xf32>
    %mul3A_243 = vector.broadcast %broadcast_in_dim3A_242 : vector<1x128xf32> to vector<544x128xf32>
    %mul3A_244 = arith.mulf %min3A_206, %mul3A_243 : vector<544x128xf32>
    %add3A_245 = arith.addf %mul3A_244, %min3A_137 : vector<544x128xf32>
    %mul3A_246 = arith.constant 8.000000e+00 : f32
    %mul3A_247 = vector.broadcast %mul3A_246 : f32 to vector<544x128xf32>
    %mul3A_248 = arith.mulf %add3A_245, %mul3A_247 : vector<544x128xf32>
    %broadcast_in_dim3A_249 = vector.shape_cast %add3A_241 : vector<128xf32> to vector<1x128xf32>
    %add3A_250 = vector.broadcast %broadcast_in_dim3A_249 : vector<1x128xf32> to vector<544x128xf32>
    %add3A_251 = arith.addf %add3A_250, %mul3A_248 : vector<544x128xf32>
    %convert_element_type3A_252 = arith.fptosi %add3A_251 : vector<544x128xf32> to vector<544x128xi32>
    %mul3A_253 = arith.constant 8.000000e+00 : f32
    %mul3A_254 = vector.broadcast %mul3A_253 : f32 to vector<128xf32>
    %mul3A_255 = arith.mulf %get3A_36, %mul3A_254 : vector<128xf32>
    %convert_element_type3A_256 = arith.fptosi %mul3A_255 : vector<128xf32> to vector<128xi32>
    %broadcast_in_dim3A_257 = vector.shape_cast %convert_element_type3A_256 : vector<128xi32> to vector<1x128xi32>
    %add3A_258 = vector.broadcast %broadcast_in_dim3A_257 : vector<1x128xi32> to vector<544x128xi32>
    %add3A_259 = arith.addi %convert_element_type3A_252, %add3A_258 : vector<544x128xi32>
    %add3A_260 = arith.constant 8 : i32
    %add3A_261 = vector.broadcast %add3A_260 : i32 to vector<544x128xi32>
    %add3A_262 = arith.addi %convert_element_type3A_252, %add3A_261 : vector<544x128xi32>
    %broadcast_in_dim3A_263 = vector.shape_cast %convert_element_type3A_256 : vector<128xi32> to vector<1x128xi32>
    %add3A_264 = vector.broadcast %broadcast_in_dim3A_263 : vector<1x128xi32> to vector<544x128xi32>
    %add3A_265 = arith.addi %convert_element_type3A_252, %add3A_264 : vector<544x128xi32>
    %add3A_266 = arith.constant 8 : i32
    %add3A_267 = vector.broadcast %add3A_266 : i32 to vector<544x128xi32>
    %add3A_268 = arith.addi %add3A_265, %add3A_267 : vector<544x128xi32>
    %concatenate3A = tpu.concatenate %convert_element_type3A_252, %add3A_259, %add3A_262, %add3A_268 in 1 : vector<544x128xi32>, vector<544x128xi32>, vector<544x128xi32>, vector<544x128xi32> -> vector<544x512xi32>
    %swap3A_269 = arith.constant 0 : index
    %swap3A_270 = arith.constant 0 : index
    %swap3A_271 = arith.constant 0 : index
    %swap3A_272 = vector.load %arg18[%swap3A_269, %swap3A_270, %swap3A_271] : memref<1x544x512xi32, #tpu.memory_space<vmem>>, vector<1x544x512xi32>
    %swap3A_273 = vector.shape_cast %swap3A_272 : vector<1x544x512xi32> to vector<544x512xi32>
    %swap3A_274 = vector.shape_cast %concatenate3A : vector<544x512xi32> to vector<1x544x512xi32>
    tpu.vector_store %arg18[%swap3A_269, %swap3A_270, %swap3A_271], %swap3A_274 {strides = array<i32>} : memref<1x544x512xi32, #tpu.memory_space<vmem>>, vector<1x544x512xi32>,
    %mul3A_275 = arith.mulf %div3A, %add3A_218 : vector<544x128xf32>
    %mul3A_276 = arith.mulf %mul3A_275, %add3A_147 : vector<544x128xf32>
    %mul3A_277 = arith.mulf %div3A, %add3A_236 : vector<544x128xf32>
    %mul3A_278 = arith.mulf %mul3A_277, %add3A_147 : vector<544x128xf32>
    %mul3A_279 = arith.mulf %div3A, %add3A_218 : vector<544x128xf32>
    %mul3A_280 = arith.mulf %mul3A_279, %add3A_165 : vector<544x128xf32>
    %mul3A_281 = arith.mulf %div3A, %add3A_236 : vector<544x128xf32>
    %mul3A_282 = arith.mulf %mul3A_281, %add3A_165 : vector<544x128xf32>
    %concatenate3A_283 = tpu.concatenate %mul3A_276, %mul3A_278, %mul3A_280, %mul3A_282 in 1 : vector<544x128xf32>, vector<544x128xf32>, vector<544x128xf32>, vector<544x128xf32> -> vector<544x512xf32>
    %swap3A_284 = arith.constant 0 : index
    %swap3A_285 = arith.constant 0 : index
    %swap3A_286 = arith.constant 0 : index
    %swap3A_287 = vector.load %arg19[%swap3A_284, %swap3A_285, %swap3A_286] : memref<1x544x512xf32, #tpu.memory_space<vmem>>, vector<1x544x512xf32>
    %swap3A_288 = vector.shape_cast %swap3A_287 : vector<1x544x512xf32> to vector<544x512xf32>
    %swap3A_289 = vector.shape_cast %concatenate3A_283 : vector<544x512xf32> to vector<1x544x512xf32>
    tpu.vector_store %arg19[%swap3A_284, %swap3A_285, %swap3A_286], %swap3A_289 {strides = array<i32>} : memref<1x544x512xf32, #tpu.memory_space<vmem>>, vector<1x544x512xf32>,
    return
  }
  func.func @transform_0(%arg0: i32, %arg1: i32) -> (i32, i32, i32) {
    %c0_i32 = arith.constant 0 : i32
    %c0_i32_0 = arith.constant 0 : i32
    return %arg0, %arg1, %c0_i32 : i32, i32, i32
  }
  func.func @transform_1(%arg0: i32, %arg1: i32) -> (i32, i32, i32) {
    %c0_i32 = arith.constant 0 : i32
    %c0_i32_0 = arith.constant 0 : i32
    return %arg0, %arg1, %c0_i32 : i32, i32, i32
  }
  func.func @transform_2(%arg0: i32, %arg1: i32) -> (i32, i32, i32) {
    %c0_i32 = arith.constant 0 : i32
    %c0_i32_0 = arith.constant 0 : i32
    return %arg0, %arg1, %c0_i32 : i32, i32, i32
  }
  func.func @transform_3(%arg0: i32, %arg1: i32) -> (i32, i32) {
    %c0_i32 = arith.constant 0 : i32
    %c0_i32_0 = arith.constant 0 : i32
    %c0_i32_1 = arith.constant 0 : i32
    return %c0_i32, %c0_i32_0 : i32, i32
  }
  func.func @transform_4(%arg0: i32, %arg1: i32) -> (i32, i32) {
    %c0_i32 = arith.constant 0 : i32
    %c0_i32_0 = arith.constant 0 : i32
    %c0_i32_1 = arith.constant 0 : i32
    return %c0_i32, %c0_i32_0 : i32, i32
  }
  func.func @transform_5(%arg0: i32, %arg1: i32) -> (i32, i32) {
    %c0_i32 = arith.constant 0 : i32
    %c0_i32_0 = arith.constant 0 : i32
    %c0_i32_1 = arith.constant 0 : i32
    return %c0_i32, %c0_i32_0 : i32, i32
  }
  func.func @transform_6(%arg0: i32, %arg1: i32) -> (i32, i32) {
    %c0_i32 = arith.constant 0 : i32
    %c0_i32_0 = arith.constant 0 : i32
    %c0_i32_1 = arith.constant 0 : i32
    return %c0_i32, %c0_i32_0 : i32, i32
  }
  func.func @transform_7(%arg0: i32, %arg1: i32) -> (i32, i32) {
    %c0_i32 = arith.constant 0 : i32
    %c0_i32_0 = arith.constant 0 : i32
    %c0_i32_1 = arith.constant 0 : i32
    return %c0_i32, %c0_i32_0 : i32, i32
  }
  func.func @transform_8(%arg0: i32, %arg1: i32) -> (i32, i32) {
    %c0_i32 = arith.constant 0 : i32
    %c0_i32_0 = arith.constant 0 : i32
    %c0_i32_1 = arith.constant 0 : i32
    return %c0_i32, %c0_i32_0 : i32, i32
  }
  func.func @transform_9(%arg0: i32, %arg1: i32) -> (i32, i32) {
    %c0_i32 = arith.constant 0 : i32
    %c0_i32_0 = arith.constant 0 : i32
    %c0_i32_1 = arith.constant 0 : i32
    return %c0_i32, %c0_i32_0 : i32, i32
  }
  func.func @transform_10(%arg0: i32, %arg1: i32) -> (i32, i32) {
    %c0_i32 = arith.constant 0 : i32
    %c0_i32_0 = arith.constant 0 : i32
    %c0_i32_1 = arith.constant 0 : i32
    return %c0_i32, %c0_i32_0 : i32, i32
  }
  func.func @transform_11(%arg0: i32, %arg1: i32) -> (i32, i32) {
    %c0_i32 = arith.constant 0 : i32
    %c0_i32_0 = arith.constant 0 : i32
    %c0_i32_1 = arith.constant 0 : i32
    return %c0_i32, %c0_i32_0 : i32, i32
  }
  func.func @transform_12(%arg0: i32, %arg1: i32) -> (i32, i32) {
    %c0_i32 = arith.constant 0 : i32
    %c0_i32_0 = arith.constant 0 : i32
    %c0_i32_1 = arith.constant 0 : i32
    return %c0_i32, %c0_i32_0 : i32, i32
  }
  func.func @transform_13(%arg0: i32, %arg1: i32) -> (i32, i32) {
    %c0_i32 = arith.constant 0 : i32
    %c0_i32_0 = arith.constant 0 : i32
    %c0_i32_1 = arith.constant 0 : i32
    return %c0_i32, %c0_i32_0 : i32, i32
  }
  func.func @transform_14(%arg0: i32, %arg1: i32) -> (i32, i32) {
    %c0_i32 = arith.constant 0 : i32
    %c0_i32_0 = arith.constant 0 : i32
    %c0_i32_1 = arith.constant 0 : i32
    return %c0_i32, %c0_i32_0 : i32, i32
  }
  func.func @transform_15(%arg0: i32, %arg1: i32) -> (i32, i32, i32) {
    %c0_i32 = arith.constant 0 : i32
    %c0_i32_0 = arith.constant 0 : i32
    return %arg0, %arg1, %c0_i32 : i32, i32, i32
  }
  func.func @transform_16(%arg0: i32, %arg1: i32) -> (i32, i32, i32) {
    %c0_i32 = arith.constant 0 : i32
    %c0_i32_0 = arith.constant 0 : i32
    return %arg0, %arg1, %c0_i32 : i32, i32, i32
  }
  func.func @transform_17(%arg0: i32, %arg1: i32) -> (i32, i32, i32) {
    %c0_i32 = arith.constant 0 : i32
    %c0_i32_0 = arith.constant 0 : i32
    return %arg0, %arg1, %c0_i32 : i32, i32, i32
  }
}

</mosaic_0001>

<sc_bundles>
// kernel: kernel.4.cloned.1.call-start
scs
__scs_entry_jumppad:
0x0: {  	(pc) =	sbr.rel $0x88, $3  }
0x1: {  	(tag) =	ssettag $0x0;
	lr =	simm.s32 $0x1  }
0x2: {  	[smem:$0x3F98] =	sst lr;
	_ =	strace $0xD0000000  }
0x3: {  	_ = 	snop  }
0x4: {  	_ = 	snop  }
0x5: {  	_ = 	snop  }
0x6: {  	_ = 	snop  }
0x7: {  	_ = 	snop  }
__scs_overlays_trampoline_lowered:
0x8: {  	[smem:$0x3FA7] =	sst s0  }
0x9: {  	[smem:$0x3FA8] =	sst s1  }
0xa: {  	[smem:$0x3FA9] =	sst s2  }
0xb: {  	[smem:$0x3FAA] =	sst s3  }
0xc: {  	[smem:$0x3FAB] =	sst s4  }
0xd: {  	[smem:$0x3FAC] =	sst s5  }
0xe: {  	[smem:$0x3FAD] =	sst s6  }
0xf: {  	[smem:$0x3FAE] =	sst s7  }
0x10: {  	[smem:$0x3FAF] =	sst s8  }
0x11: {  	[smem:$0x3FB0] =	sst s9;
	s0 =	simm.s32 @!p0 $0x0  }
0x12: {  	s1 =	sld [smem:$0x3F96];
	s0 =	simm.s32 @p0 $0x1  }
0x13: {  	[smem:$0x3FB1] =	sst s0;
	s0 =	simm.s32 @!p1 $0x0  }
0x14: {  	s2 =	sld [smem:$0x3F95];
	s0 =	simm.s32 @p1 $0x1  }
0x15: {  	[smem:$0x3FB2] =	sst s0;
	s0 =	simm.s32 @!p2 $0x0  }
0x16: {  	s3 =	sld [smem:$0x3FDB];
	s0 =	simm.s32 @p2 $0x1  }
0x17: {  	s4 =	simm.s32 $0x1BF5;
	[smem:$0x3FB4] =	sst s0  }
0x18: {  	s0 =	sld [smem:$0x3F97];
	_ =	swait.ge [sflag:s4], $0x0  }
0x19: {  	s7 =	sld [smem:$0x3F98]  }
0x1a: {  	s8 =	sadd.s32 $0xFFFFE003, lr  }
0x1b: {  	s9 =	sadd.s32 $0xFFFFFEF7, lr;
	s5 =	simm.s32 $0xFFFFFFFF;
	p2 =	slt.u32 s8, $0xFFFFF086  }
0x1c: {  	p1 =	slt.u32 s9, $0xF7A;
	s5 =	simm.s32 @!p2 $0x0  }
0x1d: {  	s5 =	simm.s32 @p1 $0x1;
	p0 =	seq.s32 s7, s2  }
0x1e: {  	s7 =	smul.u32 @!p0 $0xF7A, s2;
	p2 =	seq.s32 @!p0 s5, $0x0  }
0x1f: {  	s9 =	smul.u32 $0xF7A, s1;
	s8 =	simm.s32 @!p0 $0x1BF5;
	p2 =	por !p2, p0  }
0x20: {  	[sflag:s8] =	ssyncset.s32 @!p0 $0xFFFFF086;
	s6 =	sadd.s32 @!p0 s3, s7;
	s7 =	simm.s32 @!p0 $0x108  }
0x21: {  	s3 =	sadd.s32 s3, s9;
	s6 =	sadd.s32 @!p0 $0x88, s6;
	s7 =	simm.s32 @p2 $0x1082  }
0x22: {  	[simem:s7], [sflag:s8] =	dma.local @!p0 [hbm:s6], $0xF7A  }
0x23: {  	s9 =	sor.u32 $0xD0000000, s2;
	s6 =	simm.s32 $0x108;
	_ =	swait.ge @!p0 [sflag:s8], $0x0  }
0x24: {  	s3 =	sadd.s32 $0x88, s3;
	s6 =	simm.s32 @!p1 $0x1082;
	[sflag:s4] =	ssyncset.s32 $0xFFFFF086  }
0x25: {  	[simem:s6], [sflag:s4] =	dma.local [hbm:s3], $0xF7A  }
0x26: {  	[smem:$0x3F98] =	sst s1;
	(tag) =	ssettag s2;
	_ =	strace s9  }
0x27: {  	s1 =	sld [smem:$0x3FA8]  }
0x28: {  	s2 =	sld [smem:$0x3FA9]  }
0x29: {  	s4 =	sld [smem:$0x3FAB]  }
0x2a: {  	p0 =	seq.s32 s5, $0x0;
	s5 =	sld [smem:$0x3FAC]  }
0x2b: {  	s6 =	sld [smem:$0x3FAD]  }
0x2c: {  	s7 =	sld [smem:$0x3FAE]  }
0x2d: {  	s3 =	simm.s32 $0x108;
	s8 =	sld [smem:$0x3FAF]  }
0x2e: {  	s3 =	simm.s32 @!p0 $0x1082;
	s9 =	sld [smem:$0x3FB0]  }
0x2f: {  	lr =	sadd.s32 s0, s3;
	s0 =	sld [smem:$0x3FA7]  }
0x30: {  	s3 =	sld [smem:$0x3FAA]  }
0x31: {  	[smem:$0x3FB3] =	sst s10  }
0x32: {  	s10 =	sld [smem:$0x3FB1];
	_ =	sdelay $0x3  }
0x33: {  	p0 =	seq.s32 s10, $0x1;
	s10 =	sld [smem:$0x3FB3];
	_ =	sdelay $0x3  }
0x34: {  	[smem:$0x3FB3] =	sst s10  }
0x35: {  	s10 =	sld [smem:$0x3FB2];
	_ =	sdelay $0x3  }
0x36: {  	p1 =	seq.s32 s10, $0x1;
	s10 =	sld [smem:$0x3FB3];
	_ =	sdelay $0x3  }
0x37: {  	[smem:$0x3FB3] =	sst s10  }
0x38: {  	s10 =	sld [smem:$0x3FB4]  }
0x39: {  	_ = 	snop;
	(pc) =	sbr.ind lr, $3  }
0x3a: {  	_ = 	snop  }
0x3b: {  	_ = 	snop  }
0x3c: {  	p2 =	seq.s32 s10, $0x1;
	s10 =	sld [smem:$0x3FB3]  }
0x3d: {  	_ =	shalt  }
0x3e: {  	_ =	shalt  }
0x3f: {  	_ =	shalt  }
0x40: {  	_ =	shalt  }
0x41: {  	_ =	shalt  }
0x42: {  	_ =	shalt  }
0x43: {  	_ =	shalt  }
0x44: {  	_ =	shalt  }
0x45: {  	_ =	shalt  }
0x46: {  	_ =	shalt  }
0x47: {  	_ =	shalt  }
0x48: {  	_ =	shalt  }
0x49: {  	_ =	shalt  }
0x4a: {  	_ =	shalt  }
0x4b: {  	_ =	shalt  }
0x4c: {  	_ =	shalt  }
0x4d: {  	_ =	shalt  }
0x4e: {  	_ =	shalt  }
0x4f: {  	_ =	shalt  }
0x50: {  	_ =	shalt  }
0x51: {  	_ =	shalt  }
0x52: {  	_ =	shalt  }
0x53: {  	_ =	shalt  }
0x54: {  	_ =	shalt  }
0x55: {  	_ =	shalt  }
0x56: {  	_ =	shalt  }
0x57: {  	_ =	shalt  }
0x58: {  	_ =	shalt  }
0x59: {  	_ =	shalt  }
0x5a: {  	_ =	shalt  }
0x5b: {  	_ =	shalt  }
0x5c: {  	_ =	shalt  }
0x5d: {  	_ =	shalt  }
0x5e: {  	_ =	shalt  }
0x5f: {  	_ =	shalt  }
0x60: {  	_ =	shalt  }
0x61: {  	_ =	shalt  }
0x62: {  	_ =	shalt  }
0x63: {  	_ =	shalt  }
0x64: {  	_ =	shalt  }
0x65: {  	_ =	shalt  }
0x66: {  	_ =	shalt  }
0x67: {  	_ =	shalt  }
0x68: {  	_ =	shalt  }
0x69: {  	_ =	shalt  }
0x6a: {  	_ =	shalt  }
0x6b: {  	_ =	shalt  }
0x6c: {  	_ =	shalt  }
0x6d: {  	_ =	shalt  }
0x6e: {  	_ =	shalt  }
0x6f: {  	_ =	shalt  }
0x70: {  	_ =	shalt  }
0x71: {  	_ =	shalt  }
0x72: {  	_ =	shalt  }
0x73: {  	_ =	shalt  }
0x74: {  	_ =	shalt  }
0x75: {  	_ =	shalt  }
0x76: {  	_ =	shalt  }
0x77: {  	_ =	shalt  }
0x78: {  	_ =	shalt  }
0x79: {  	_ =	shalt  }
0x7a: {  	_ =	shalt  }
0x7b: {  	_ =	shalt  }
0x7c: {  	_ =	shalt  }
0x7d: {  	_ =	shalt  }
0x7e: {  	_ =	shalt  }
0x7f: {  	_ =	shalt  }
0x80: {  	_ =	shalt  }
0x81: {  	_ =	shalt  }
0x82: {  	_ =	shalt  }
0x83: {  	_ =	shalt  }
0x84: {  	_ =	shalt  }
0x85: {  	_ =	shalt  }
0x86: {  	_ =	shalt  }
0x87: {  	_ =	shalt  }
.Lfunc_end0:
.L_simem_size_0:
called_computation_lowered:
.L_overlay_start_0:
0x88: {  	s2 =	sld [smem:$0x3FD9]  }
0x89: {  	s3 =	sld [smem:$0x3FFE];
	_ =	sdelay $0x1  }
0x8a: {  	s1 =	srdreg.scid  }
0x8b: {  	s0 =	sand.u32 $0x1, s1  }
0x8c: {  	s17 =	sshll.u32 s0, $0xA;
	s2 =	sadd.s32 s3, s2  }
0x8d: {  	s2 =	sadd.s32 s2, s17  }
0x8e: {  	[smem:$0x3FBF] =	sst s2  }
0x8f: {  	_ = 	snop  }
0x90: {  	s2 =	sld [smem:$0x3FD0];
	(tm) =	ssettm $0x1  }
0x91: {  	s18 =	sld [smem:$0x3FFB];
	_ =	sdelay $0x3  }
0x92: {  	_ =	strace s18  }
0x93: {  	s3 =	sld [smem:$0x3FFC];
	_ =	sdelay $0x3  }
0x94: {  	_ =	strace s3  }
0x95: {  	s3 =	sld [smem:$0x3FFD];
	_ =	sdelay $0x3  }
0x96: {  	_ =	strace s3  }
0x97: {  	_ =	strace $0x8FFFFFFF  }
0x98: {  	s19 =	sld [smem:$0x3FDB];
	_ =	sdelay $0x1  }
0x99: {  	s4 =	simm.s32 $_scs_section_size  }
0x9a: {  	s5 =	simm.s32 $_size__tile_overlayer_lowered;
	s6 =	simm.s32 $_tile_overlayer_lowered  }
0x9b: {  	s22 =	simm.s32 $0x1BFF;
	s21 =	sshll.u32 s6, $0x1;
	s3 =	sadd.s32 s4, s19  }
0x9c: {  	s7 =	simm.s32 $0x0;
	s20 =	sshll.u32 s5, $0x1;
	s5 =	sadd.s32 s21, s3  }
0x9d: {  	[timem:s7], [sflag:s22] =	dma.local [hbm:s5], s20  }
0x9e: {  	_ =	swait.ge [sflag:s22], s20  }
0x9f: {  	s4 =	ssub.s32 $0x0, s20;
	[sflag:s22] =	ssyncset.done $0x0  }
0xa0: {  	[sflag:s22] =	ssyncadd.s32 s4;
	_ =	sdelay $0x1  }
0xa1: {  	s23 =	simm.s32 $0x1B8B  }
0xa2: {  	_ =	swait.ge [sflag:s23], $0x1  }
0xa3: {  	[sflag:s23] =	ssyncset.done $0x0  }
0xa4: {  	s25 =	simm.s32 $0x1B8E;
	s24 =	sld [smem:$0x3FFE];
	[sflag:s23] =	ssyncadd.s32 $0xFFFFFFFF  }
0xa5: {  	s26 =	simm.s32 $execute0_lowered;
	[smem:$0x3FD2] =	sst s25  }
0xa6: {  	s5 =	sshll.u32 s26, $0x1;
	_ =	strace $0x80000046;
	[dreg:$0x1] =	wrdreg $0xFFFFFFFF  }
0xa7: {  	s28 =	simm.s32 $_size_execute0_lowered;
	s3 =	sadd.s32 s3, s5;
	[dreg:$0x0] =	wrdreg $0x0  }
0xa8: {  	s5 =	sshll.u32 s28, $0x1;
	[dreg:$0x2] =	wrdreg s3  }
0xa9: {  	[dreg:$0x3] =	wrdreg s5  }
0xaa: {  	[dreg:$0x4] =	wrdreg $0xC0  }
0xab: {  	_ =	task [dreg:s7], $0x5FFFF  }
0xac: {  	[dreg:$0x1] =	wrdreg $0xFFFFFFFF  }
0xad: {  	[dreg:$0x0] =	wrdreg $0x60  }
0xae: {  	[dreg:$0x2] =	wrdreg s2  }
0xaf: {  	[dreg:$0x3] =	wrdreg s24  }
0xb0: {  	[dreg:$0x4] =	wrdreg $0x9  }
0xb1: {  	_ =	task.clear_ibuf [dreg:s7], $0x5FFFF;
	_ =	strace $0x90000046  }
0xb2: {  	s29 =	simm.s32 $0x9;
	_ =	strace $0x80000048  }
0xb3: {  	_ =	swait.ge [sflag:s29], $0x1  }
0xb4: {  	[sflag:s29] =	ssyncadd.s32 $0xFFFFFFFF  }
0xb5: {  	_ =	strace $0x90000048  }
0xb6: {  	_ =	sfence  }
0xb7: {  	s30 =	sld [smem:$0x0];
	_ =	sdelay $0x2  }
0xb8: {  	s31 =	sshll.u32 s1, $0xD;
	s1 =	sshrl.u32 s1, $0x2  }
0xb9: {  	s3 =	sand.u32 $0x4000, s31;
	s1 =	sadd.s32 s1, s30  }
0xba: {  	s0 =	sor.u32 s3, s0;
	s1 =	sshll.u32 s1, $0x11  }
0xbb: {  	s0 =	sor.u32 s1, s0  }
0xbc: {  	s0 =	sadd.s32 $0x8F2B, s0  }
0xbd: {  	[sflag:s0] =	ssyncadd.remote.s32 $0x1  }
0xbe: {  	_ =	sfence.sel $0xFFFF  }
0xbf: {  	[dreg:$0x0] =	wrdreg $0xFFFFFFFF;
	(pc) =	sbr.abs _section_cstart, $3  }
0xc0: {  	[dreg:$0x1] =	wrdreg $0xFFFFFFFF  }
0xc1: {  	_ =	task.clear_ibuf [dreg:s7], $0x2FFFF;
	_ =	strace $0x9FFFFFFF  }
0xc2: {  	(tm) =	ssettm $0x7FFFFFFF  }
0xc3: {  	_ =	shalt  }
tec
execute0_lowered:
.L_overlay_start_1:
0x0: {  	(tag) =	ssettag $0x1  }
0x1: {  	s1 =	rddreg [dreg:$0x0]  }
0x2: {  	s0 =	rddreg [dreg:$0x1];
	s3 =	simm.s32 $0x0;
	s2 =	srdreg.scid  }
0x3: {  	s4 =	stileid.u32;
	s17 =	simm.s32 $0xA00;
	s19 =	simm.s32 $0x1  }
0x4: {  	s20 =	simm.s32 $0x80;
	s21 =	simm.s32 $0x2;
	s23 =	simm.s32 $0x5  }
0x5: {  	s30 =	simm.s32 $0x3;
	s31 =	simm.s32 $0x16800;
	s10 =	simm.s32 $0x0  }
0x6: {  	[smem:$0x7FF] =	sst s3;
	s2 =	sand.u32 $0x1, s2;
	s4 =	sshll.u32 s4, $0x1  }
0x7: {  	s5 =	sadd.s32 $0x155400, s0;
	s7 =	ssub.s32 $0x2, s2;
	s2 =	sor.u32 s2, s4  }
0x8: {  	s6 =	sadd.s32 $0xAC800, s0;
	s8 =	sshrl.u32 s7, $0x1;
	s9 =	smul.u32 $0x5500, s2  }
0x9: {  	_ =	strace $0x80000047;
	s4 =	sadd.s32 $0x1400, s0;
	s24 =	ssub.s32 s7, s8  }
0xa: {  	v0 =	vimm.s32 $0x0;
	s7 =	smul.u32 $0xAA0, s2;
	s25 =	sadd.s32 s4, s9;
	s26 =	sadd.s32 $0x140, s9  }
0xb: {  	v1 =	vimm.s32 $0x1;
	v2 =	vimm.s32 $0x2;
	v3 =	vimm.s32 $0x3;
	s28 =	sadd.s32 s5, s9;
	s0 =	smax.u32 s24, $0x1;
	[dreg:$0x3] =	wrdreg s25  }
0xc: {  	v4 =	vimm.s32 $0x4;
	v5 =	vimm.s32 $0x5;
	v6 =	vimm.s32 $0x6;
	[dreg:$0x4] =	wrdreg s28;
	s29 =	sadd.s32 s4, s26;
	s2 =	sadd.s32 s5, s26  }
0xd: {  	v7 =	vimm.s32 $0x7;
	v8 =	vimm.s32 $0x8;
	v9 =	vimm.s32 $0x9;
	s12 =	sadd.s32 $0x50, s7;
	s13 =	sadd.s32 $0x78, s7;
	[dreg:$0x7] =	wrdreg s0  }
0xe: {  	v10 =	vimm.s32 $0xA;
	v11 =	vimm.s32 $0xB;
	v12 =	vimm.s32 $0xC;
	s14 =	sadd.s32 $0x28, s7;
	s0 =	simm.s32 $0x6;
	[dreg:$0x5] =	wrdreg s29  }
0xf: {  	v13 =	vimm.s32 $0xD;
	v14 =	vimm.s32 $0xE;
	v15 =	vimm.s32 $0xF;
	s25 =	simm.s32 $0x16D00;
	[dreg:$0x6] =	wrdreg s2;
	s2 =	simm.s32 $0x4  }
.LBB2_1:
0x10: {  	[dreg:$0x8] =	wrdreg s10  }
0x11: {  	s8 =	rddreg [dreg:$0x3]  }
0x12: {  	[tilespmem:s3], [sflag:$0x1] =	stream.linear.gather [hbm4b:s8+s3], $0xA00, $0x38;
	[tilespmem:$0x17200] =	vst v63  }
0x13: {  	s29 =	rddreg [dreg:$0x4];
	s9 =	simm.s32 $0x1400  }
0x14: {  	[tilespmem:s9], [sflag:$0x3] =	stream.linear.gather [hbm4b:s29+s3], $0xA00, $0x38;
	[tilespmem:$0x17200] =	vst v63  }
0x15: {  	s9 =	rddreg [dreg:$0x5]  }
0x16: {  	[tilespmem:s17], [sflag:$0x2] =	stream.linear.gather [hbm4b:s9+s3], $0xA00, $0x38;
	[tilespmem:$0x17200] =	vst v63  }
0x17: {  	s10 =	rddreg [dreg:$0x6];
	s11 =	simm.s32 $0x1E00  }
0x18: {  	[tilespmem:s11], [sflag:$0x4] =	stream.linear.gather [hbm4b:s10+s3], $0xA00, $0x38;
	[tilespmem:$0x17200] =	vst v63  }
0x19: {  	_ =	swait.ge [sflag:s19], $0xA00  }
0x1a: {  	[sflag:s19] =	ssyncset.done $0x0  }
0x1b: {  	s15 =	simm.s32 $0x2800;
	[sflag:s19] =	ssyncadd.s32 $0xFFFFF600  }
0x1c: {  	[tilespmem:s15], [sflag:$0x5] =	stream.indirect.gather [hbm4b:s1+s20], $0x10, s3, s20, $0xb8;
	[tilespmem:$0x17200] =	vst v63  }
0x1d: {  	s16 =	simm.s32 $0x3000  }
0x1e: {  	[tilespmem:s16], [sflag:$0x5] =	stream.indirect.gather [hbm4b:s1+s20], $0x10, s20, s20, $0xb8;
	[tilespmem:$0x17200] =	vst v63  }
0x1f: {  	s18 =	simm.s32 $0x100;
	s22 =	simm.s32 $0x3800  }
0x20: {  	[tilespmem:s22], [sflag:$0x5] =	stream.indirect.gather [hbm4b:s1+s20], $0x10, s18, s20, $0xb8;
	[tilespmem:$0x17200] =	vst v63  }
0x21: {  	s24 =	simm.s32 $0x180;
	s26 =	simm.s32 $0x4000  }
0x22: {  	[tilespmem:s26], [sflag:$0x5] =	stream.indirect.gather [hbm4b:s1+s20], $0x10, s24, s20, $0xb8;
	[tilespmem:$0x17200] =	vst v63  }
0x23: {  	s28 =	simm.s32 $0x200;
	s29 =	simm.s32 $0x4800  }
0x24: {  	[tilespmem:s29], [sflag:$0x5] =	stream.indirect.gather [hbm4b:s1+s20], $0x10, s28, s20, $0xb8;
	[tilespmem:$0x17200] =	vst v63  }
0x25: {  	s10 =	simm.s32 $0x280;
	s11 =	simm.s32 $0x5000  }
0x26: {  	[tilespmem:s11], [sflag:$0x5] =	stream.indirect.gather [hbm4b:s1+s20], $0x10, s10, s20, $0xb8;
	[tilespmem:$0x17200] =	vst v63  }
0x27: {  	s15 =	simm.s32 $0x300;
	s16 =	simm.s32 $0x5800  }
0x28: {  	[tilespmem:s16], [sflag:$0x5] =	stream.indirect.gather [hbm4b:s1+s20], $0x10, s15, s20, $0xb8;
	[tilespmem:$0x17200] =	vst v63  }
0x29: {  	s18 =	simm.s32 $0x380;
	s22 =	simm.s32 $0x6000  }
0x2a: {  	[tilespmem:s22], [sflag:$0x5] =	stream.indirect.gather [hbm4b:s1+s20], $0x10, s18, s20, $0xb8;
	[tilespmem:$0x17200] =	vst v63  }
0x2b: {  	s24 =	simm.s32 $0x400;
	s26 =	simm.s32 $0x6800  }
0x2c: {  	[tilespmem:s26], [sflag:$0x5] =	stream.indirect.gather [hbm4b:s1+s20], $0x10, s24, s20, $0xb8;
	[tilespmem:$0x17200] =	vst v63  }
0x2d: {  	s28 =	simm.s32 $0x480;
	s29 =	simm.s32 $0x7000  }
0x2e: {  	[tilespmem:s29], [sflag:$0x5] =	stream.indirect.gather [hbm4b:s1+s20], $0x10, s28, s20, $0xb8;
	[tilespmem:$0x17200] =	vst v63  }
0x2f: {  	s10 =	simm.s32 $0x500;
	s11 =	simm.s32 $0x7800  }
0x30: {  	[tilespmem:s11], [sflag:$0x5] =	stream.indirect.gather [hbm4b:s1+s20], $0x10, s10, s20, $0xb8;
	[tilespmem:$0x17200] =	vst v63  }
0x31: {  	s15 =	simm.s32 $0x580;
	s16 =	simm.s32 $0x8000  }
0x32: {  	[tilespmem:s16], [sflag:$0x5] =	stream.indirect.gather [hbm4b:s1+s20], $0x10, s15, s20, $0xb8;
	[tilespmem:$0x17200] =	vst v63  }
0x33: {  	s18 =	simm.s32 $0x600;
	s22 =	simm.s32 $0x8800  }
0x34: {  	[tilespmem:s22], [sflag:$0x5] =	stream.indirect.gather [hbm4b:s1+s20], $0x10, s18, s20, $0xb8;
	[tilespmem:$0x17200] =	vst v63  }
0x35: {  	s24 =	simm.s32 $0x680;
	s26 =	simm.s32 $0x9000  }
0x36: {  	[tilespmem:s26], [sflag:$0x5] =	stream.indirect.gather [hbm4b:s1+s20], $0x10, s24, s20, $0xb8;
	[tilespmem:$0x17200] =	vst v63  }
0x37: {  	s28 =	simm.s32 $0x700;
	s29 =	simm.s32 $0x9800  }
0x38: {  	[tilespmem:s29], [sflag:$0x5] =	stream.indirect.gather [hbm4b:s1+s20], $0x10, s28, s20, $0xb8;
	[tilespmem:$0x17200] =	vst v63  }
0x39: {  	s10 =	simm.s32 $0x780;
	s11 =	simm.s32 $0xA000  }
0x3a: {  	[tilespmem:s11], [sflag:$0x5] =	stream.indirect.gather [hbm4b:s1+s20], $0x10, s10, s20, $0xb8;
	[tilespmem:$0x17200] =	vst v63  }
0x3b: {  	s15 =	simm.s32 $0x800;
	s16 =	simm.s32 $0xA800  }
0x3c: {  	[tilespmem:s16], [sflag:$0x5] =	stream.indirect.gather [hbm4b:s1+s20], $0x10, s15, s20, $0xb8;
	[tilespmem:$0x17200] =	vst v63  }
0x3d: {  	s18 =	simm.s32 $0x880;
	s22 =	simm.s32 $0xB000  }
0x3e: {  	[tilespmem:s22], [sflag:$0x5] =	stream.indirect.gather [hbm4b:s1+s20], $0x10, s18, s20, $0xb8;
	[tilespmem:$0x17200] =	vst v63  }
0x3f: {  	s24 =	simm.s32 $0x900;
	s26 =	simm.s32 $0xB800  }
0x40: {  	[tilespmem:s26], [sflag:$0x5] =	stream.indirect.gather [hbm4b:s1+s20], $0x10, s24, s20, $0xb8;
	[tilespmem:$0x17200] =	vst v63  }
0x41: {  	s8 =	simm.s32 $0x0;
	s28 =	simm.s32 $0x980;
	s29 =	simm.s32 $0xC000  }
0x42: {  	[tilespmem:s29], [sflag:$0x5] =	stream.indirect.gather [hbm4b:s1+s20], $0x10, s28, s20, $0xb8;
	[tilespmem:$0x17200] =	vst v63  }
.LBB2_2:
0x43: {  	_ =	swait.ge [sflag:s21], $0xA00  }
0x44: {  	[sflag:s21] =	ssyncset.done $0x0  }
0x45: {  	s9 =	simm.s32 $0xC800;
	[sflag:s21] =	ssyncadd.s32 $0xFFFFF600  }
0x46: {  	[tilespmem:s9], [sflag:$0x6] =	stream.indirect.gather [hbm4b:s1+s20], $0x10, s17, s20, $0xb8;
	[tilespmem:$0x17200] =	vst v63  }
0x47: {  	s11 =	simm.s32 $0xA80;
	s10 =	simm.s32 $0xD000  }
0x48: {  	[tilespmem:s10], [sflag:$0x6] =	stream.indirect.gather [hbm4b:s1+s20], $0x10, s11, s20, $0xb8;
	[tilespmem:$0x17200] =	vst v63  }
0x49: {  	s15 =	simm.s32 $0xB00;
	s16 =	simm.s32 $0xD800  }
0x4a: {  	[tilespmem:s16], [sflag:$0x6] =	stream.indirect.gather [hbm4b:s1+s20], $0x10, s15, s20, $0xb8;
	[tilespmem:$0x17200] =	vst v63  }
0x4b: {  	s18 =	simm.s32 $0xB80;
	s22 =	simm.s32 $0xE000  }
0x4c: {  	[tilespmem:s22], [sflag:$0x6] =	stream.indirect.gather [hbm4b:s1+s20], $0x10, s18, s20, $0xb8;
	[tilespmem:$0x17200] =	vst v63  }
0x4d: {  	s24 =	simm.s32 $0xC00;
	s26 =	simm.s32 $0xE800  }
0x4e: {  	[tilespmem:s26], [sflag:$0x6] =	stream.indirect.gather [hbm4b:s1+s20], $0x10, s24, s20, $0xb8;
	[tilespmem:$0x17200] =	vst v63  }
0x4f: {  	s28 =	simm.s32 $0xC80;
	s29 =	simm.s32 $0xF000  }
0x50: {  	[tilespmem:s29], [sflag:$0x6] =	stream.indirect.gather [hbm4b:s1+s20], $0x10, s28, s20, $0xb8;
	[tilespmem:$0x17200] =	vst v63  }
0x51: {  	s10 =	simm.s32 $0xD00;
	s11 =	simm.s32 $0xF800  }
0x52: {  	[tilespmem:s11], [sflag:$0x6] =	stream.indirect.gather [hbm4b:s1+s20], $0x10, s10, s20, $0xb8;
	[tilespmem:$0x17200] =	vst v63  }
0x53: {  	s15 =	simm.s32 $0xD80;
	s16 =	simm.s32 $0x10000  }
0x54: {  	[tilespmem:s16], [sflag:$0x6] =	stream.indirect.gather [hbm4b:s1+s20], $0x10, s15, s20, $0xb8;
	[tilespmem:$0x17200] =	vst v63  }
0x55: {  	s18 =	simm.s32 $0xE00;
	s22 =	simm.s32 $0x10800  }
0x56: {  	[tilespmem:s22], [sflag:$0x6] =	stream.indirect.gather [hbm4b:s1+s20], $0x10, s18, s20, $0xb8;
	[tilespmem:$0x17200] =	vst v63  }
0x57: {  	s24 =	simm.s32 $0xE80;
	s26 =	simm.s32 $0x11000  }
0x58: {  	[tilespmem:s26], [sflag:$0x6] =	stream.indirect.gather [hbm4b:s1+s20], $0x10, s24, s20, $0xb8;
	[tilespmem:$0x17200] =	vst v63  }
0x59: {  	s28 =	simm.s32 $0xF00;
	s29 =	simm.s32 $0x11800  }
0x5a: {  	[tilespmem:s29], [sflag:$0x6] =	stream.indirect.gather [hbm4b:s1+s20], $0x10, s28, s20, $0xb8;
	[tilespmem:$0x17200] =	vst v63  }
0x5b: {  	s10 =	simm.s32 $0xF80;
	s11 =	simm.s32 $0x12000  }
0x5c: {  	[tilespmem:s11], [sflag:$0x6] =	stream.indirect.gather [hbm4b:s1+s20], $0x10, s10, s20, $0xb8;
	[tilespmem:$0x17200] =	vst v63  }
0x5d: {  	s15 =	simm.s32 $0x1000;
	s16 =	simm.s32 $0x12800  }
0x5e: {  	[tilespmem:s16], [sflag:$0x6] =	stream.indirect.gather [hbm4b:s1+s20], $0x10, s15, s20, $0xb8;
	[tilespmem:$0x17200] =	vst v63  }
0x5f: {  	s18 =	simm.s32 $0x1080;
	s22 =	simm.s32 $0x13000  }
0x60: {  	[tilespmem:s22], [sflag:$0x6] =	stream.indirect.gather [hbm4b:s1+s20], $0x10, s18, s20, $0xb8;
	[tilespmem:$0x17200] =	vst v63  }
0x61: {  	s24 =	simm.s32 $0x1100;
	s26 =	simm.s32 $0x13800  }
0x62: {  	[tilespmem:s26], [sflag:$0x6] =	stream.indirect.gather [hbm4b:s1+s20], $0x10, s24, s20, $0xb8;
	[tilespmem:$0x17200] =	vst v63  }
0x63: {  	s28 =	simm.s32 $0x1180;
	s29 =	simm.s32 $0x14000  }
0x64: {  	[tilespmem:s29], [sflag:$0x6] =	stream.indirect.gather [hbm4b:s1+s20], $0x10, s28, s20, $0xb8;
	[tilespmem:$0x17200] =	vst v63  }
0x65: {  	s11 =	simm.s32 $0x1200;
	s15 =	simm.s32 $0x14800;
	s26 =	sshll.u32 s8, $0x1  }
0x66: {  	[tilespmem:s15], [sflag:$0x6] =	stream.indirect.gather [hbm4b:s1+s20], $0x10, s11, s20, $0xb8;
	[tilespmem:$0x17200] =	vst v63  }
0x67: {  	s16 =	simm.s32 $0x1280;
	s18 =	simm.s32 $0x15000;
	s28 =	smin.u32 s26, $0x41  }
0x68: {  	[tilespmem:s18], [sflag:$0x6] =	stream.indirect.gather [hbm4b:s1+s20], $0x10, s16, s20, $0xb8;
	[tilespmem:$0x17200] =	vst v63  }
0x69: {  	s22 =	simm.s32 $0x1300;
	s24 =	simm.s32 $0x15800;
	s9 =	smul.u32 $0x28, s28  }
0x6a: {  	[tilespmem:s24], [sflag:$0x6] =	stream.indirect.gather [hbm4b:s1+s20], $0x10, s22, s20, $0xb8;
	[tilespmem:$0x17200] =	vst v63  }
0x6b: {  	s29 =	simm.s32 $0x1380;
	s11 =	simm.s32 $0x16000;
	s9 =	sadd.s32 s9, s12  }
0x6c: {  	[tilespmem:s11], [sflag:$0x6] =	stream.indirect.gather [hbm4b:s1+s20], $0x10, s29, s20, $0xb8;
	[tilespmem:$0x17200] =	vst v63  }
0x6d: {  	s9 =	sshll.u32 s9, $0x3;
	_ =	swait.ge [sflag:s23], $0xA000  }
0x6e: {  	s22 =	sand.u32 $0x3FFFC0, s9;
	[sflag:s23] =	ssyncset.done $0x0  }
0x6f: {  	p0 =	seq.s32 s8, $0x0;
	s9 =	sadd.s32 s4, s22;
	[sflag:s23] =	ssyncadd.s32 $0xFFFF6000  }
0x70: {  	[tilespmem:s3], [sflag:$0x1] =	stream.linear.gather [hbm4b:s9+s3], $0xA00, $0x38;
	[tilespmem:$0x17200] =	vst v63  }
0x71: {  	s9 =	simm.s32 @!p0 $0x7  }
0x72: {  	_ =	swait.ge @!p0 [sflag:s9], $0x500  }
0x73: {  	[sflag:s9] =	ssyncset.done @!p0 $0x0  }
0x74: {  	[sflag:s9] =	ssyncadd.s32 @!p0 $0xFFFFFB00  }
0x75: {  	_ =	swait.ge [sflag:s30], $0xA00  }
0x76: {  	[sflag:s30] =	ssyncset.done $0x0  }
0x77: {  	s9 =	simm.s32 $0x0;
	[sflag:s30] =	ssyncadd.s32 $0xFFFFF600  }
.LBB2_3:
0x78: {  	s10 =	sand.u32 $0x7, s9;
	s11 =	sshll.u32 s9, $0x6  }
0x79: {  	s11 =	sand.u32 $0x3FFFFE00, s11;
	s15 =	sshll.u32 s10, $0x4  }
0x7a: {  	s11 =	sor.u32 s15, s11  }
0x7b: {  	v19 =	vld [tilespmem:s11+$0x1400]  }
0x7c: {  	v16 =	vld [tilespmem:s11+$0x1480]  }
0x7d: {  	s16 =	sshll.u32 s9, $0xC;
	v17 =	vld [tilespmem:s11+$0x1500]  }
0x7e: {  	s29 =	sshra.s32 s16, $0x2;
	v18 =	vld [tilespmem:s11+$0x1580]  }
0x7f: {  	s24 =	sand.u32 $0xFFFFE000, s29  }
0x80: {  	s18 =	sshll.u32 s10, $0x8;
	s28 =	sadd.s32 $0x2800, s24  }
0x81: {  	s11 =	sadd.s32 $0x4000, s24;
	s16 =	sor.u32 s18, s28  }
0x82: {  	s15 =	sadd.s32 $0x3000, s24;
	v20 =	vld [tilespmem:s16+$0x0];
	s16 =	sadd.s32 $0x3800, s24;
	s24 =	sor.u32 s18, s11;
	v22 =	vperm.xlane v19, v0;
	v24 =	vperm.xlane v16, v0  }
0x83: {  	s29 =	sor.u32 s18, s16;
	v27 =	vld [tilespmem:s24+$0x0];
	v26 =	vperm.xlane v17, v0;
	v28 =	vperm.xlane v18, v0  }
0x84: {  	v21 =	vld [tilespmem:s29+$0x0];
	v55 =	vperm.xlane v19, v1;
	v57 =	vperm.xlane v16, v1  }
0x85: {  	s29 =	sor.u32 s18, s15;
	v59 =	vperm.xlane v17, v1;
	v30 =	vperm.xlane v18, v1  }
0x86: {  	s24 =	sor.u32 $0x10, s18;
	v23 =	vld [tilespmem:s29+$0x0];
	v38 =	vperm.xlane v19, v2;
	v40 =	vperm.xlane v16, v2  }
0x87: {  	s29 =	sor.u32 s24, s28;
	v42 =	vperm.xlane v17, v2;
	v25 =	vunpack.i.l.bf16.f32 v20;
	v20 =	vunpack.i.u.bf16.f32 v20  }
0x88: {  	v48 =	vld [tilespmem:s29+$0x0];
	v25 =	vmul.f32 v25, v22;
	v20 =	vmul.f32 v20, v22  }
0x89: {  	s29 =	sor.u32 s24, s16;
	v49 =	vunpack.i.l.bf16.f32 v27;
	v51 =	vunpack.i.u.bf16.f32 v27;
	v29 =	vunpack.i.l.bf16.f32 v21  }
0x8a: {  	v53 =	vld [tilespmem:s29+$0x0];
	v21 =	vunpack.i.u.bf16.f32 v21;
	v52 =	vmul.f32 v49, v28;
	v54 =	vmul.f32 v51, v28  }
0x8b: {  	s29 =	sor.u32 s24, s15;
	v44 =	vadd.f32 $0.0e+00, v25;
	v45 =	vmul.f32 v29, v26;
	v46 =	vunpack.i.l.bf16.f32 v23  }
0x8c: {  	s24 =	sor.u32 s24, s11;
	v56 =	vld [tilespmem:s29+$0x0];
	v20 =	vadd.f32 $0.0e+00, v20;
	v21 =	vmul.f32 v21, v26;
	v23 =	vunpack.i.u.bf16.f32 v23  }
0x8d: {  	v60 =	vld [tilespmem:s24+$0x0];
	v47 =	vmul.f32 v46, v24;
	v50 =	vmul.f32 v23, v24;
	v58 =	vunpack.i.l.bf16.f32 v48  }
0x8e: {  	v26 =	vunpack.i.u.bf16.f32 v48;
	v22 =	vadd.f32 v45, v44;
	v20 =	vadd.f32 v21, v20  }
0x8f: {  	s24 =	sor.u32 $0x20, s18;
	v27 =	vmul.f32 v58, v55;
	v31 =	vunpack.i.l.bf16.f32 v53;
	v23 =	vmul.f32 v26, v55  }
0x90: {  	s29 =	sor.u32 s24, s28;
	v25 =	vunpack.i.u.bf16.f32 v53;
	v44 =	vperm.xlane v18, v2;
	v58 =	vperm.xlane v16, v3  }
0x91: {  	v32 =	vld [tilespmem:s29+$0x0];
	s29 =	sor.u32 s24, s16;
	v61 =	vmul.f32 v31, v59;
	v62 =	vunpack.i.l.bf16.f32 v56;
	v63 =	vmul.f32 v25, v59  }
0x92: {  	v36 =	vld [tilespmem:s29+$0x0];
	s29 =	sor.u32 s24, s15;
	v24 =	vunpack.i.u.bf16.f32 v56;
	v33 =	vunpack.i.l.bf16.f32 v60;
	v56 =	vperm.xlane v19, v3  }
0x93: {  	s24 =	sor.u32 s24, s11;
	v39 =	vld [tilespmem:s29+$0x0];
	v34 =	vunpack.i.u.bf16.f32 v60;
	v60 =	vperm.xlane v17, v3;
	v31 =	vmul.f32 v62, v57  }
0x94: {  	v43 =	vld [tilespmem:s24+$0x0];
	v22 =	vadd.f32 v22, v47;
	v21 =	vmul.f32 v24, v57;
	v35 =	vmul.f32 v33, v30  }
0x95: {  	v20 =	vadd.f32 v20, v50;
	v37 =	vmul.f32 v34, v30;
	v62 =	vperm.xlane v18, v3  }
0x96: {  	s24 =	sor.u32 $0x30, s18;
	v41 =	vunpack.i.l.bf16.f32 v32;
	v26 =	vunpack.i.u.bf16.f32 v32;
	v22 =	vadd.f32 v52, v22  }
0x97: {  	s29 =	sor.u32 s24, s28;
	v20 =	vadd.f32 v54, v20;
	v45 =	vunpack.i.l.bf16.f32 v36;
	v25 =	vunpack.i.u.bf16.f32 v36  }
0x98: {  	v50 =	vld [tilespmem:s29+$0x0];
	s29 =	sor.u32 s24, s16;
	v46 =	vmul.f32 v45, v42;
	v47 =	vunpack.i.l.bf16.f32 v39;
	v48 =	vmul.f32 v25, v42  }
0x99: {  	v54 =	vld [tilespmem:s29+$0x0];
	v51 =	vunpack.i.l.bf16.f32 v43;
	v52 =	vunpack.i.u.bf16.f32 v43;
	v43 =	vperm.xlane v19, v4  }
0x9a: {  	s29 =	sor.u32 s24, s15;
	v45 =	vperm.xlane v16, v4;
	v22 =	vadd.f32 v27, v22;
	v27 =	vmul.f32 v41, v38  }
0x9b: {  	v57 =	vld [tilespmem:s29+$0x0];
	v20 =	vadd.f32 v23, v20;
	v23 =	vmul.f32 v26, v38;
	v49 =	vmul.f32 v47, v40  }
0x9c: {  	v24 =	vunpack.i.u.bf16.f32 v39;
	v53 =	vmul.f32 v51, v44;
	v55 =	vmul.f32 v52, v44  }
0x9d: {  	s24 =	sor.u32 s24, s11;
	v47 =	vperm.xlane v17, v4;
	v22 =	vadd.f32 v61, v22;
	v20 =	vadd.f32 v63, v20  }
0x9e: {  	v59 =	vunpack.i.l.bf16.f32 v50;
	v26 =	vunpack.i.u.bf16.f32 v50;
	v61 =	vld [tilespmem:s24+$0x0];
	v63 =	vunpack.i.l.bf16.f32 v54  }
0x9f: {  	s24 =	sor.u32 $0x40, s18;
	v25 =	vunpack.i.u.bf16.f32 v54;
	v22 =	vadd.f32 v22, v31;
	v20 =	vadd.f32 v20, v21  }
0xa0: {  	s29 =	sor.u32 s24, s28;
	v21 =	vmul.f32 v24, v40;
	v33 =	vmul.f32 v63, v60;
	v34 =	vunpack.i.l.bf16.f32 v57  }
0xa1: {  	v63 =	vperm.xlane v16, v5;
	v22 =	vadd.f32 v35, v22;
	v20 =	vadd.f32 v37, v20;
	v37 =	vld [tilespmem:s29+$0x0]  }
0xa2: {  	v24 =	vunpack.i.u.bf16.f32 v57;
	v36 =	vmul.f32 v34, v58;
	v35 =	vmul.f32 v25, v60;
	s29 =	sor.u32 s24, s16  }
0xa3: {  	v38 =	vunpack.i.l.bf16.f32 v61;
	v41 =	vld [tilespmem:s29+$0x0];
	s29 =	sor.u32 s24, s15;
	v22 =	vadd.f32 v27, v22;
	v20 =	vadd.f32 v23, v20  }
0xa4: {  	v39 =	vunpack.i.u.bf16.f32 v61;
	v61 =	vperm.xlane v19, v5;
	v27 =	vmul.f32 v59, v56;
	v44 =	vld [tilespmem:s29+$0x0]  }
0xa5: {  	s24 =	sor.u32 s24, s11;
	v23 =	vmul.f32 v26, v56;
	v22 =	vadd.f32 v46, v22;
	v20 =	vadd.f32 v48, v20  }
0xa6: {  	v40 =	vmul.f32 v38, v62;
	v42 =	vmul.f32 v39, v62;
	v48 =	vld [tilespmem:s24+$0x0];
	v46 =	vunpack.i.l.bf16.f32 v37  }
0xa7: {  	v26 =	vunpack.i.u.bf16.f32 v37;
	v22 =	vadd.f32 v22, v49;
	v20 =	vadd.f32 v20, v21  }
0xa8: {  	v21 =	vmul.f32 v24, v58;
	v49 =	vperm.xlane v18, v4;
	v50 =	vunpack.i.l.bf16.f32 v41  }
0xa9: {  	s24 =	sor.u32 $0x50, s18;
	v25 =	vunpack.i.u.bf16.f32 v41;
	v51 =	vmul.f32 v50, v47;
	v52 =	vunpack.i.l.bf16.f32 v44  }
0xaa: {  	s29 =	sor.u32 s24, s28;
	v22 =	vadd.f32 v53, v22;
	v20 =	vadd.f32 v55, v20;
	v53 =	vmul.f32 v25, v47  }
0xab: {  	v54 =	vmul.f32 v52, v45;
	v55 =	vld [tilespmem:s29+$0x0];
	s29 =	sor.u32 s24, s16;
	v47 =	vperm.xlane v19, v6;
	v56 =	vunpack.i.l.bf16.f32 v48  }
0xac: {  	v57 =	vunpack.i.u.bf16.f32 v48;
	v59 =	vld [tilespmem:s29+$0x0];
	v22 =	vadd.f32 v27, v22;
	v27 =	vmul.f32 v46, v43  }
0xad: {  	s29 =	sor.u32 s24, s15;
	v20 =	vadd.f32 v23, v20;
	v23 =	vmul.f32 v26, v43;
	v58 =	vmul.f32 v56, v49  }
0xae: {  	v24 =	vunpack.i.u.bf16.f32 v44;
	s24 =	sor.u32 s24, s11;
	v60 =	vmul.f32 v57, v49;
	v62 =	vld [tilespmem:s29+$0x0];
	v49 =	vperm.xlane v16, v6  }
0xaf: {  	v34 =	vld [tilespmem:s24+$0x0];
	s24 =	sor.u32 $0x60, s18;
	v22 =	vadd.f32 v33, v22;
	v20 =	vadd.f32 v35, v20;
	v33 =	vperm.xlane v17, v5  }
0xb0: {  	s29 =	sor.u32 s24, s28;
	v35 =	vperm.xlane v18, v5;
	v32 =	vunpack.i.l.bf16.f32 v55;
	v26 =	vunpack.i.u.bf16.f32 v55  }
0xb1: {  	v41 =	vld [tilespmem:s29+$0x0];
	v22 =	vadd.f32 v22, v36;
	v20 =	vadd.f32 v20, v21;
	v36 =	vunpack.i.l.bf16.f32 v59  }
0xb2: {  	v21 =	vmul.f32 v24, v45;
	v25 =	vunpack.i.u.bf16.f32 v59;
	v37 =	vmul.f32 v36, v33  }
0xb3: {  	s29 =	sor.u32 s24, s16;
	v38 =	vunpack.i.l.bf16.f32 v62;
	v39 =	vmul.f32 v25, v33;
	v24 =	vunpack.i.u.bf16.f32 v62  }
0xb4: {  	v45 =	vld [tilespmem:s29+$0x0];
	s29 =	sor.u32 s24, s15;
	v43 =	vunpack.i.u.bf16.f32 v34;
	v33 =	vperm.xlane v19, v7;
	v22 =	vadd.f32 v40, v22  }
0xb5: {  	s24 =	sor.u32 s24, s11;
	v48 =	vld [tilespmem:s29+$0x0];
	v20 =	vadd.f32 v42, v20;
	v40 =	vmul.f32 v38, v63;
	v42 =	vunpack.i.l.bf16.f32 v34  }
0xb6: {  	v52 =	vld [tilespmem:s24+$0x0];
	s24 =	sor.u32 $0x70, s18;
	v46 =	vmul.f32 v43, v35;
	v44 =	vmul.f32 v42, v35;
	v50 =	vunpack.i.l.bf16.f32 v41  }
0xb7: {  	s29 =	sor.u32 s24, s28;
	v35 =	vperm.xlane v16, v7;
	v22 =	vadd.f32 v27, v22;
	v20 =	vadd.f32 v23, v20  }
0xb8: {  	v59 =	vld [tilespmem:s29+$0x0];
	v27 =	vmul.f32 v32, v61;
	v23 =	vmul.f32 v26, v61;
	v26 =	vunpack.i.u.bf16.f32 v41  }
0xb9: {  	v25 =	vunpack.i.u.bf16.f32 v45;
	v22 =	vadd.f32 v51, v22;
	v20 =	vadd.f32 v53, v20  }
0xba: {  	v51 =	vperm.xlane v17, v6;
	v53 =	vperm.xlane v18, v6;
	v56 =	vunpack.i.l.bf16.f32 v48  }
0xbb: {  	v61 =	vunpack.i.u.bf16.f32 v52;
	v22 =	vadd.f32 v22, v54;
	v20 =	vadd.f32 v20, v21  }
0xbc: {  	s29 =	sor.u32 s24, s16;
	v21 =	vmul.f32 v24, v63;
	v54 =	vunpack.i.l.bf16.f32 v45;
	v57 =	vmul.f32 v25, v51  }
0xbd: {  	v24 =	vunpack.i.u.bf16.f32 v48;
	v63 =	vld [tilespmem:s29+$0x0];
	v32 =	vmul.f32 v61, v53;
	s29 =	sor.u32 s24, s15;
	v36 =	vunpack.i.l.bf16.f32 v59  }
0xbe: {  	s24 =	sor.u32 s24, s11;
	v55 =	vmul.f32 v54, v51;
	v34 =	vld [tilespmem:s29+$0x0];
	v51 =	vperm.xlane v19, v8;
	v22 =	vadd.f32 v58, v22  }
0xbf: {  	v38 =	vld [tilespmem:s24+$0x0];
	v20 =	vadd.f32 v60, v20;
	v58 =	vmul.f32 v56, v49;
	v60 =	vunpack.i.l.bf16.f32 v52  }
0xc0: {  	s24 =	sor.u32 $0x80, s18;
	v62 =	vmul.f32 v60, v53;
	v53 =	vperm.xlane v16, v8;
	v22 =	vadd.f32 v27, v22  }
0xc1: {  	s29 =	sor.u32 s24, s28;
	v20 =	vadd.f32 v23, v20;
	v27 =	vmul.f32 v50, v47;
	v23 =	vmul.f32 v26, v47  }
0xc2: {  	v45 =	vld [tilespmem:s29+$0x0];
	v26 =	vunpack.i.u.bf16.f32 v59;
	v25 =	vunpack.i.u.bf16.f32 v63;
	v22 =	vadd.f32 v37, v22  }
0xc3: {  	v20 =	vadd.f32 v39, v20;
	v37 =	vperm.xlane v17, v7;
	v39 =	vperm.xlane v18, v7  }
0xc4: {  	v42 =	vunpack.i.l.bf16.f32 v34;
	v47 =	vunpack.i.u.bf16.f32 v38;
	v22 =	vadd.f32 v22, v40  }
0xc5: {  	v20 =	vadd.f32 v20, v21;
	v21 =	vmul.f32 v24, v49;
	v40 =	vunpack.i.l.bf16.f32 v63  }
0xc6: {  	s29 =	sor.u32 s24, s16;
	v43 =	vmul.f32 v25, v37;
	v24 =	vunpack.i.u.bf16.f32 v34;
	v50 =	vmul.f32 v47, v39  }
0xc7: {  	v49 =	vld [tilespmem:s29+$0x0];
	s29 =	sor.u32 s24, s15;
	v54 =	vunpack.i.l.bf16.f32 v45;
	v41 =	vmul.f32 v40, v37;
	v40 =	vperm.xlane v17, v9  }
0xc8: {  	s24 =	sor.u32 s24, s11;
	v52 =	vld [tilespmem:s29+$0x0];
	v22 =	vadd.f32 v44, v22;
	v20 =	vadd.f32 v46, v20;
	v44 =	vmul.f32 v42, v35  }
0xc9: {  	v56 =	vld [tilespmem:s24+$0x0];
	v46 =	vunpack.i.l.bf16.f32 v38;
	v38 =	vperm.xlane v16, v9;
	v42 =	vperm.xlane v18, v9  }
0xca: {  	s24 =	sor.u32 $0x90, s18;
	v48 =	vmul.f32 v46, v39;
	v22 =	vadd.f32 v27, v22;
	v20 =	vadd.f32 v23, v20  }
0xcb: {  	s29 =	sor.u32 s24, s28;
	v27 =	vmul.f32 v36, v33;
	v23 =	vmul.f32 v26, v33;
	v26 =	vunpack.i.u.bf16.f32 v45  }
0xcc: {  	v63 =	vld [tilespmem:s29+$0x0];
	s29 =	sor.u32 s24, s16;
	v36 =	vperm.xlane v19, v9;
	v25 =	vunpack.i.u.bf16.f32 v49;
	v22 =	vadd.f32 v55, v22  }
0xcd: {  	v34 =	vld [tilespmem:s29+$0x0];
	v20 =	vadd.f32 v57, v20;
	v55 =	vperm.xlane v17, v8;
	v57 =	vperm.xlane v18, v8  }
0xce: {  	s29 =	sor.u32 s24, s15;
	v60 =	vunpack.i.l.bf16.f32 v52;
	v31 =	vunpack.i.l.bf16.f32 v56;
	v22 =	vadd.f32 v22, v58  }
0xcf: {  	v37 =	vld [tilespmem:s29+$0x0];
	v20 =	vadd.f32 v20, v21;
	v21 =	vmul.f32 v24, v35;
	v58 =	vunpack.i.l.bf16.f32 v49  }
0xd0: {  	v61 =	vmul.f32 v25, v55;
	v24 =	vunpack.i.u.bf16.f32 v52;
	v33 =	vmul.f32 v31, v57  }
0xd1: {  	v39 =	vunpack.i.l.bf16.f32 v63;
	v59 =	vmul.f32 v58, v55;
	v22 =	vadd.f32 v62, v22  }
0xd2: {  	v25 =	vunpack.i.u.bf16.f32 v34;
	v58 =	vperm.xlane v17, v10;
	v20 =	vadd.f32 v32, v20  }
0xd3: {  	v62 =	vmul.f32 v60, v53;
	v32 =	vunpack.i.u.bf16.f32 v56;
	v22 =	vadd.f32 v27, v22  }
0xd4: {  	v45 =	vunpack.i.l.bf16.f32 v37;
	v46 =	vmul.f32 v25, v40;
	v20 =	vadd.f32 v23, v20  }
0xd5: {  	v56 =	vperm.xlane v16, v10;
	v60 =	vperm.xlane v18, v10;
	v22 =	vadd.f32 v41, v22  }
0xd6: {  	s24 =	sor.u32 s24, s11;
	v35 =	vmul.f32 v32, v57;
	v47 =	vmul.f32 v45, v38;
	v20 =	vadd.f32 v43, v20  }
0xd7: {  	v45 =	vperm.xlane v18, v11;
	v27 =	vmul.f32 v54, v51;
	v41 =	vld [tilespmem:s24+$0x0];
	v22 =	vadd.f32 v22, v44  }
0xd8: {  	v23 =	vmul.f32 v26, v51;
	v26 =	vunpack.i.u.bf16.f32 v63;
	v20 =	vadd.f32 v20, v21  }
0xd9: {  	v54 =	vperm.xlane v19, v10;
	v43 =	vunpack.i.l.bf16.f32 v34;
	s24 =	sor.u32 $0xA0, s18;
	v22 =	vadd.f32 v48, v22  }
0xda: {  	s29 =	sor.u32 s24, s28;
	v21 =	vmul.f32 v24, v53;
	v44 =	vmul.f32 v43, v40;
	v20 =	vadd.f32 v50, v20  }
0xdb: {  	v24 =	vunpack.i.u.bf16.f32 v37;
	v43 =	vperm.xlane v17, v11;
	v48 =	vld [tilespmem:s29+$0x0];
	s29 =	sor.u32 s24, s16;
	v22 =	vadd.f32 v27, v22  }
0xdc: {  	v49 =	vunpack.i.l.bf16.f32 v41;
	v50 =	vunpack.i.u.bf16.f32 v41;
	v52 =	vld [tilespmem:s29+$0x0];
	v20 =	vadd.f32 v23, v20  }
0xdd: {  	s29 =	sor.u32 s24, s15;
	v41 =	vperm.xlane v16, v11;
	v27 =	vmul.f32 v39, v36;
	v22 =	vadd.f32 v59, v22  }
0xde: {  	v23 =	vmul.f32 v26, v36;
	v51 =	vmul.f32 v49, v42;
	v55 =	vld [tilespmem:s29+$0x0];
	v20 =	vadd.f32 v61, v20  }
0xdf: {  	v53 =	vmul.f32 v50, v42;
	v39 =	vperm.xlane v19, v11;
	v22 =	vadd.f32 v22, v62  }
0xe0: {  	s24 =	sor.u32 s24, s11;
	v57 =	vunpack.i.l.bf16.f32 v48;
	v26 =	vunpack.i.u.bf16.f32 v48;
	v20 =	vadd.f32 v20, v21  }
0xe1: {  	v59 =	vld [tilespmem:s24+$0x0];
	v21 =	vmul.f32 v24, v38;
	v61 =	vunpack.i.l.bf16.f32 v52;
	v22 =	vadd.f32 v33, v22  }
0xe2: {  	v25 =	vunpack.i.u.bf16.f32 v52;
	v62 =	vmul.f32 v61, v58;
	v20 =	vadd.f32 v35, v20  }
0xe3: {  	s24 =	sor.u32 $0xB0, s18;
	v63 =	vunpack.i.l.bf16.f32 v55;
	v31 =	vmul.f32 v25, v58;
	v22 =	vadd.f32 v27, v22  }
0xe4: {  	s29 =	sor.u32 s24, s28;
	v24 =	vunpack.i.u.bf16.f32 v55;
	v61 =	vperm.xlane v17, v12;
	v20 =	vadd.f32 v23, v20  }
0xe5: {  	v32 =	vmul.f32 v63, v56;
	v33 =	vld [tilespmem:s29+$0x0];
	s29 =	sor.u32 s24, s16;
	v63 =	vperm.xlane v18, v12;
	v22 =	vadd.f32 v44, v22  }
0xe6: {  	v34 =	vunpack.i.l.bf16.f32 v59;
	v35 =	vunpack.i.u.bf16.f32 v59;
	v37 =	vld [tilespmem:s29+$0x0];
	v20 =	vadd.f32 v46, v20  }
0xe7: {  	s29 =	sor.u32 s24, s15;
	v59 =	vperm.xlane v16, v12;
	v27 =	vmul.f32 v57, v54;
	v22 =	vadd.f32 v22, v47  }
0xe8: {  	v23 =	vmul.f32 v26, v54;
	v36 =	vmul.f32 v34, v60;
	v40 =	vld [tilespmem:s29+$0x0];
	v20 =	vadd.f32 v20, v21  }
0xe9: {  	v38 =	vmul.f32 v35, v60;
	v57 =	vperm.xlane v19, v12;
	v22 =	vadd.f32 v51, v22  }
0xea: {  	s24 =	sor.u32 s24, s11;
	v42 =	vunpack.i.l.bf16.f32 v33;
	v26 =	vunpack.i.u.bf16.f32 v33;
	v20 =	vadd.f32 v53, v20  }
0xeb: {  	v44 =	vld [tilespmem:s24+$0x0];
	v21 =	vmul.f32 v24, v56;
	v46 =	vunpack.i.l.bf16.f32 v37;
	v22 =	vadd.f32 v27, v22  }
0xec: {  	s24 =	sor.u32 $0xC0, s18;
	v25 =	vunpack.i.u.bf16.f32 v37;
	v47 =	vmul.f32 v46, v43;
	v20 =	vadd.f32 v23, v20  }
0xed: {  	s29 =	sor.u32 s24, s28;
	v48 =	vunpack.i.l.bf16.f32 v40;
	v49 =	vmul.f32 v25, v43;
	v22 =	vadd.f32 v62, v22  }
0xee: {  	v24 =	vunpack.i.u.bf16.f32 v40;
	v46 =	vperm.xlane v16, v13;
	v51 =	vld [tilespmem:s29+$0x0];
	v20 =	vadd.f32 v31, v20  }
0xef: {  	v50 =	vmul.f32 v48, v41;
	s29 =	sor.u32 s24, s16;
	v48 =	vperm.xlane v17, v13;
	v22 =	vadd.f32 v22, v32  }
0xf0: {  	v52 =	vunpack.i.l.bf16.f32 v44;
	v53 =	vunpack.i.u.bf16.f32 v44;
	v55 =	vld [tilespmem:s29+$0x0];
	s29 =	sor.u32 s24, s15;
	v20 =	vadd.f32 v20, v21  }
0xf1: {  	v44 =	vperm.xlane v19, v13;
	v27 =	vmul.f32 v42, v39;
	v58 =	vld [tilespmem:s29+$0x0];
	v22 =	vadd.f32 v36, v22  }
0xf2: {  	v23 =	vmul.f32 v26, v39;
	v54 =	vmul.f32 v52, v45;
	v20 =	vadd.f32 v38, v20  }
0xf3: {  	v56 =	vmul.f32 v53, v45;
	v60 =	vunpack.i.l.bf16.f32 v51;
	v22 =	vadd.f32 v27, v22  }
0xf4: {  	v26 =	vunpack.i.u.bf16.f32 v51;
	v21 =	vmul.f32 v24, v41;
	v20 =	vadd.f32 v23, v20  }
0xf5: {  	s24 =	sor.u32 s24, s11;
	v33 =	vunpack.i.l.bf16.f32 v55;
	v25 =	vunpack.i.u.bf16.f32 v55;
	v22 =	vadd.f32 v47, v22  }
0xf6: {  	v62 =	vld [tilespmem:s24+$0x0];
	v34 =	vmul.f32 v33, v61;
	v35 =	vunpack.i.l.bf16.f32 v58;
	v20 =	vadd.f32 v49, v20  }
0xf7: {  	v24 =	vunpack.i.u.bf16.f32 v58;
	v33 =	vperm.xlane v16, v14;
	v22 =	vadd.f32 v22, v50  }
0xf8: {  	s24 =	sor.u32 $0xD0, s18;
	v16 =	vperm.xlane v16, v15;
	v36 =	vmul.f32 v25, v61;
	v20 =	vadd.f32 v20, v21  }
0xf9: {  	s29 =	sor.u32 s24, s28;
	v37 =	vmul.f32 v35, v59;
	v27 =	vmul.f32 v60, v57;
	v22 =	vadd.f32 v54, v22  }
0xfa: {  	v38 =	vld [tilespmem:s29+$0x0];
	s29 =	sor.u32 s24, s16;
	v35 =	vperm.xlane v17, v14;
	v23 =	vmul.f32 v26, v57;
	v20 =	vadd.f32 v56, v20  }
0xfb: {  	v17 =	vperm.xlane v17, v15;
	v39 =	vunpack.i.l.bf16.f32 v62;
	v42 =	vld [tilespmem:s29+$0x0];
	v22 =	vadd.f32 v27, v22  }
0xfc: {  	v40 =	vunpack.i.u.bf16.f32 v62;
	v62 =	vperm.xlane v19, v14;
	v20 =	vadd.f32 v23, v20  }
0xfd: {  	s29 =	sor.u32 s24, s15;
	v19 =	vperm.xlane v19, v15;
	v41 =	vmul.f32 v39, v63;
	v22 =	vadd.f32 v34, v22  }
0xfe: {  	v43 =	vmul.f32 v40, v63;
	v45 =	vld [tilespmem:s29+$0x0];
	v21 =	vmul.f32 v24, v59;
	v20 =	vadd.f32 v36, v20  }
0xff: {  	s24 =	sor.u32 s24, s11;
	v47 =	vunpack.i.l.bf16.f32 v38;
	v26 =	vunpack.i.u.bf16.f32 v38;
	v22 =	vadd.f32 v22, v37  }
0x100: {  	v49 =	vld [tilespmem:s24+$0x0];
	s24 =	sor.u32 $0xE0, s18;
	v50 =	vperm.xlane v18, v13;
	v51 =	vunpack.i.l.bf16.f32 v42;
	v20 =	vadd.f32 v20, v21  }
0x101: {  	s29 =	sor.u32 s24, s28;
	v25 =	vunpack.i.u.bf16.f32 v42;
	v27 =	vmul.f32 v47, v44;
	v22 =	vadd.f32 v41, v22  }
0x102: {  	v52 =	vmul.f32 v51, v48;
	v56 =	vld [tilespmem:s29+$0x0];
	v23 =	vmul.f32 v26, v44;
	v20 =	vadd.f32 v43, v20  }
0x103: {  	v53 =	vunpack.i.l.bf16.f32 v45;
	v24 =	vunpack.i.u.bf16.f32 v45;
	s29 =	sor.u32 s24, s16;
	v22 =	vadd.f32 v27, v22  }
0x104: {  	v54 =	vmul.f32 v25, v48;
	v55 =	vmul.f32 v53, v46;
	v60 =	vld [tilespmem:s29+$0x0];
	v20 =	vadd.f32 v23, v20  }
0x105: {  	v57 =	vunpack.i.l.bf16.f32 v49;
	v58 =	vunpack.i.u.bf16.f32 v49;
	v22 =	vadd.f32 v52, v22  }
0x106: {  	s29 =	sor.u32 s24, s15;
	v59 =	vmul.f32 v57, v50;
	v21 =	vmul.f32 v24, v46;
	v20 =	vadd.f32 v54, v20  }
0x107: {  	v61 =	vmul.f32 v58, v50;
	v63 =	vld [tilespmem:s29+$0x0];
	v34 =	vunpack.i.l.bf16.f32 v56;
	v22 =	vadd.f32 v22, v55  }
0x108: {  	s24 =	sor.u32 s24, s11;
	v26 =	vunpack.i.u.bf16.f32 v56;
	v37 =	vperm.xlane v18, v14;
	v20 =	vadd.f32 v20, v21  }
0x109: {  	s18 =	sor.u32 $0xF0, s18;
	v36 =	vld [tilespmem:s24+$0x0];
	v38 =	vunpack.i.l.bf16.f32 v60;
	v27 =	vmul.f32 v34, v62;
	v22 =	vadd.f32 v59, v22  }
0x10a: {  	s28 =	sor.u32 s18, s28;
	v25 =	vunpack.i.u.bf16.f32 v60;
	v23 =	vmul.f32 v26, v62;
	v20 =	vadd.f32 v61, v20  }
0x10b: {  	v18 =	vperm.xlane v18, v15;
	v39 =	vmul.f32 v38, v35;
	v43 =	vld [tilespmem:s28+$0x0];
	v22 =	vadd.f32 v27, v22  }
0x10c: {  	s16 =	sor.u32 s18, s16;
	v40 =	vunpack.i.l.bf16.f32 v63;
	v41 =	vmul.f32 v25, v35;
	v20 =	vadd.f32 v23, v20  }
0x10d: {  	v47 =	vld [tilespmem:s16+$0x0];
	v24 =	vunpack.i.u.bf16.f32 v63;
	v42 =	vmul.f32 v40, v33;
	v22 =	vadd.f32 v39, v22  }
0x10e: {  	s15 =	sor.u32 s18, s15;
	v44 =	vunpack.i.l.bf16.f32 v36;
	v21 =	vmul.f32 v24, v33;
	v20 =	vadd.f32 v41, v20  }
0x10f: {  	v49 =	vld [tilespmem:s15+$0x0];
	v45 =	vunpack.i.u.bf16.f32 v36;
	v46 =	vmul.f32 v44, v37;
	v22 =	vadd.f32 v22, v42  }
0x110: {  	s11 =	sor.u32 s18, s11;
	v48 =	vmul.f32 v45, v37;
	v50 =	vunpack.i.l.bf16.f32 v43;
	v20 =	vadd.f32 v20, v21  }
0x111: {  	v52 =	vld [tilespmem:s11+$0x0];
	v51 =	vunpack.i.u.bf16.f32 v43;
	v21 =	vmul.f32 v50, v19;
	v22 =	vadd.f32 v46, v22  }
0x112: {  	v53 =	vunpack.i.l.bf16.f32 v47;
	v19 =	vmul.f32 v51, v19;
	v20 =	vadd.f32 v48, v20  }
0x113: {  	v54 =	vunpack.i.u.bf16.f32 v47;
	v55 =	vmul.f32 v53, v17;
	v21 =	vadd.f32 v21, v22  }
0x114: {  	v56 =	vunpack.i.l.bf16.f32 v49;
	v17 =	vmul.f32 v54, v17;
	v19 =	vadd.f32 v19, v20  }
0x115: {  	v57 =	vunpack.i.u.bf16.f32 v49;
	v58 =	vmul.f32 v56, v16;
	v21 =	vadd.f32 v55, v21  }
0x116: {  	v16 =	vmul.f32 v57, v16;
	v59 =	vunpack.i.l.bf16.f32 v52;
	v17 =	vadd.f32 v17, v19  }
0x117: {  	p1 =	sne.s32 s9, $0x27;
	v60 =	vunpack.i.u.bf16.f32 v52;
	v62 =	vmul.f32 v59, v18;
	v61 =	vadd.f32 v21, v58  }
.Ltmp0:
0x118: {  	s29 =	sshll.u32 s9, $0x5;
	v16 =	vadd.f32 v17, v16;
	v17 =	vmul.f32 v60, v18;
	(pc) =	sbr.rel @p1 .LBB2_3-.Ltmp0, $4  }
0x119: {  	s10 =	sshll.u32 s10, $0x5;
	s11 =	sand.u32 $0x3FFFFF00, s29;
	v63 =	vadd.f32 v62, v61  }
0x11a: {  	s10 =	sor.u32 s10, s11;
	v16 =	vadd.f32 v17, v16  }
0x11b: {  	s11 =	sadd.s32 $0x16800, s10;
	[tilespmem:s10+$0x16800] =	vst v63  }
0x11c: {  	s9 =	sadd.s32 $0x1, s9;
	[tilespmem:s11+$0x10] =	vst v16  }
0x11d: {  	s9 =	smul.u32 $0x50, s8;
	_ =	sdelay $0x1  }
0x11e: {  	s10 =	sadd.s32 s7, s9  }
0x11f: {  	s10 =	sshll.u32 s10, $0x2  }
0x120: {  	s10 =	sadd.s32 s6, s10  }
0x121: {  	[hbm4b:s10+s3] =	stream.linear.scatter [tilespmem:s31], [sflag:$0x7], $0x500, $0x38;
	[tilespmem:$0x17200] =	vst v63  }
0x122: {  	s15 =	sadd.s32 s5, s22;
	s11 =	simm.s32 $0x1400  }
0x123: {  	[tilespmem:s11], [sflag:$0x3] =	stream.linear.gather [hbm4b:s15+s3], $0xA00, $0x38;
	[tilespmem:$0x17200] =	vst v63  }
0x124: {  	_ =	swait.ge [sflag:s19], $0xA00  }
0x125: {  	[sflag:s19] =	ssyncset.done $0x0  }
0x126: {  	s16 =	simm.s32 $0x2800;
	[sflag:s19] =	ssyncadd.s32 $0xFFFFF600  }
0x127: {  	[tilespmem:s16], [sflag:$0x5] =	stream.indirect.gather [hbm4b:s1+s20], $0x10, s3, s20, $0xb8;
	[tilespmem:$0x17200] =	vst v63  }
0x128: {  	s18 =	simm.s32 $0x3000  }
0x129: {  	[tilespmem:s18], [sflag:$0x5] =	stream.indirect.gather [hbm4b:s1+s20], $0x10, s20, s20, $0xb8;
	[tilespmem:$0x17200] =	vst v63  }
0x12a: {  	s22 =	simm.s32 $0x100;
	s24 =	simm.s32 $0x3800  }
0x12b: {  	[tilespmem:s24], [sflag:$0x5] =	stream.indirect.gather [hbm4b:s1+s20], $0x10, s22, s20, $0xb8;
	[tilespmem:$0x17200] =	vst v63  }
0x12c: {  	s28 =	simm.s32 $0x180;
	s29 =	simm.s32 $0x4000  }
0x12d: {  	[tilespmem:s29], [sflag:$0x5] =	stream.indirect.gather [hbm4b:s1+s20], $0x10, s28, s20, $0xb8;
	[tilespmem:$0x17200] =	vst v63  }
0x12e: {  	s11 =	simm.s32 $0x200;
	s15 =	simm.s32 $0x4800  }
0x12f: {  	[tilespmem:s15], [sflag:$0x5] =	stream.indirect.gather [hbm4b:s1+s20], $0x10, s11, s20, $0xb8;
	[tilespmem:$0x17200] =	vst v63  }
0x130: {  	s16 =	simm.s32 $0x280;
	s18 =	simm.s32 $0x5000  }
0x131: {  	[tilespmem:s18], [sflag:$0x5] =	stream.indirect.gather [hbm4b:s1+s20], $0x10, s16, s20, $0xb8;
	[tilespmem:$0x17200] =	vst v63  }
0x132: {  	s22 =	simm.s32 $0x300;
	s24 =	simm.s32 $0x5800  }
0x133: {  	[tilespmem:s24], [sflag:$0x5] =	stream.indirect.gather [hbm4b:s1+s20], $0x10, s22, s20, $0xb8;
	[tilespmem:$0x17200] =	vst v63  }
0x134: {  	s28 =	simm.s32 $0x380;
	s29 =	simm.s32 $0x6000  }
0x135: {  	[tilespmem:s29], [sflag:$0x5] =	stream.indirect.gather [hbm4b:s1+s20], $0x10, s28, s20, $0xb8;
	[tilespmem:$0x17200] =	vst v63  }
0x136: {  	s11 =	simm.s32 $0x400;
	s15 =	simm.s32 $0x6800  }
0x137: {  	[tilespmem:s15], [sflag:$0x5] =	stream.indirect.gather [hbm4b:s1+s20], $0x10, s11, s20, $0xb8;
	[tilespmem:$0x17200] =	vst v63  }
0x138: {  	s16 =	simm.s32 $0x480;
	s18 =	simm.s32 $0x7000  }
0x139: {  	[tilespmem:s18], [sflag:$0x5] =	stream.indirect.gather [hbm4b:s1+s20], $0x10, s16, s20, $0xb8;
	[tilespmem:$0x17200] =	vst v63  }
0x13a: {  	s22 =	simm.s32 $0x500;
	s24 =	simm.s32 $0x7800  }
0x13b: {  	[tilespmem:s24], [sflag:$0x5] =	stream.indirect.gather [hbm4b:s1+s20], $0x10, s22, s20, $0xb8;
	[tilespmem:$0x17200] =	vst v63  }
0x13c: {  	s28 =	simm.s32 $0x580;
	s29 =	simm.s32 $0x8000  }
0x13d: {  	[tilespmem:s29], [sflag:$0x5] =	stream.indirect.gather [hbm4b:s1+s20], $0x10, s28, s20, $0xb8;
	[tilespmem:$0x17200] =	vst v63  }
0x13e: {  	s11 =	simm.s32 $0x600;
	s15 =	simm.s32 $0x8800  }
0x13f: {  	[tilespmem:s15], [sflag:$0x5] =	stream.indirect.gather [hbm4b:s1+s20], $0x10, s11, s20, $0xb8;
	[tilespmem:$0x17200] =	vst v63  }
0x140: {  	s16 =	simm.s32 $0x680;
	s18 =	simm.s32 $0x9000  }
0x141: {  	[tilespmem:s18], [sflag:$0x5] =	stream.indirect.gather [hbm4b:s1+s20], $0x10, s16, s20, $0xb8;
	[tilespmem:$0x17200] =	vst v63  }
0x142: {  	s22 =	simm.s32 $0x700;
	s24 =	simm.s32 $0x9800  }
0x143: {  	[tilespmem:s24], [sflag:$0x5] =	stream.indirect.gather [hbm4b:s1+s20], $0x10, s22, s20, $0xb8;
	[tilespmem:$0x17200] =	vst v63  }
0x144: {  	s28 =	simm.s32 $0x780;
	s29 =	simm.s32 $0xA000  }
0x145: {  	[tilespmem:s29], [sflag:$0x5] =	stream.indirect.gather [hbm4b:s1+s20], $0x10, s28, s20, $0xb8;
	[tilespmem:$0x17200] =	vst v63  }
0x146: {  	s11 =	simm.s32 $0x800;
	s15 =	simm.s32 $0xA800  }
0x147: {  	[tilespmem:s15], [sflag:$0x5] =	stream.indirect.gather [hbm4b:s1+s20], $0x10, s11, s20, $0xb8;
	[tilespmem:$0x17200] =	vst v63  }
0x148: {  	s16 =	simm.s32 $0x880;
	s18 =	simm.s32 $0xB000;
	s28 =	smin.u32 s26, $0x40  }
0x149: {  	[tilespmem:s18], [sflag:$0x5] =	stream.indirect.gather [hbm4b:s1+s20], $0x10, s16, s20, $0xb8;
	[tilespmem:$0x17200] =	vst v63  }
0x14a: {  	s22 =	simm.s32 $0x900;
	s24 =	simm.s32 $0xB800;
	s10 =	smul.u32 $0x28, s28  }
0x14b: {  	[tilespmem:s24], [sflag:$0x5] =	stream.indirect.gather [hbm4b:s1+s20], $0x10, s22, s20, $0xb8;
	[tilespmem:$0x17200] =	vst v63  }
0x14c: {  	s29 =	simm.s32 $0x980;
	s15 =	simm.s32 $0xC000;
	s10 =	sadd.s32 s10, s13  }
0x14d: {  	[tilespmem:s15], [sflag:$0x5] =	stream.indirect.gather [hbm4b:s1+s20], $0x10, s29, s20, $0xb8;
	[tilespmem:$0x17200] =	vst v63  }
0x14e: {  	s10 =	sshll.u32 s10, $0x3;
	_ =	swait.ge [sflag:s0], $0xA000  }
0x14f: {  	s22 =	sand.u32 $0x3FFFC0, s10;
	[sflag:s0] =	ssyncset.done $0x0  }
0x150: {  	s10 =	sadd.s32 s4, s22;
	[sflag:s0] =	ssyncadd.s32 $0xFFFF6000  }
0x151: {  	[tilespmem:s17], [sflag:$0x2] =	stream.linear.gather [hbm4b:s10+s3], $0xA00, $0x38;
	[tilespmem:$0x17200] =	vst v63  }
0x152: {  	s10 =	simm.s32 @!p0 $0x8  }
0x153: {  	_ =	swait.ge @!p0 [sflag:s10], $0x500  }
0x154: {  	[sflag:s10] =	ssyncset.done @!p0 $0x0  }
0x155: {  	[sflag:s10] =	ssyncadd.s32 @!p0 $0xFFFFFB00  }
0x156: {  	_ =	swait.ge [sflag:s2], $0xA00  }
0x157: {  	[sflag:s2] =	ssyncset.done $0x0  }
0x158: {  	s26 =	simm.s32 $0x0;
	[sflag:s2] =	ssyncadd.s32 $0xFFFFF600  }
.LBB2_5:
0x159: {  	s10 =	sand.u32 $0x7, s26;
	s11 =	sshll.u32 s26, $0x6  }
0x15a: {  	s11 =	sand.u32 $0x3FFFFE00, s11;
	s15 =	sshll.u32 s10, $0x4  }
0x15b: {  	s11 =	sor.u32 s15, s11  }
0x15c: {  	v19 =	vld [tilespmem:s11+$0x1E00]  }
0x15d: {  	v16 =	vld [tilespmem:s11+$0x1E80]  }
0x15e: {  	s16 =	sshll.u32 s26, $0xC;
	v17 =	vld [tilespmem:s11+$0x1F00]  }
0x15f: {  	s29 =	sshra.s32 s16, $0x2;
	v18 =	vld [tilespmem:s11+$0x1F80]  }
0x160: {  	s24 =	sand.u32 $0xFFFFE000, s29  }
0x161: {  	s18 =	sshll.u32 s10, $0x8;
	s28 =	sadd.s32 $0xC800, s24  }
0x162: {  	s11 =	sadd.s32 $0xE000, s24;
	s16 =	sor.u32 s18, s28  }
0x163: {  	s15 =	sadd.s32 $0xD000, s24;
	v20 =	vld [tilespmem:s16+$0x0];
	s16 =	sadd.s32 $0xD800, s24;
	s24 =	sor.u32 s18, s11;
	v22 =	vperm.xlane v19, v0;
	v24 =	vperm.xlane v16, v0  }
0x164: {  	s29 =	sor.u32 s18, s16;
	v27 =	vld [tilespmem:s24+$0x0];
	v26 =	vperm.xlane v17, v0;
	v28 =	vperm.xlane v18, v0  }
0x165: {  	v21 =	vld [tilespmem:s29+$0x0];
	v55 =	vperm.xlane v19, v1;
	v57 =	vperm.xlane v16, v1  }
0x166: {  	s29 =	sor.u32 s18, s15;
	v59 =	vperm.xlane v17, v1;
	v30 =	vperm.xlane v18, v1  }
0x167: {  	s24 =	sor.u32 $0x10, s18;
	v23 =	vld [tilespmem:s29+$0x0];
	v38 =	vperm.xlane v19, v2;
	v40 =	vperm.xlane v16, v2  }
0x168: {  	s29 =	sor.u32 s24, s28;
	v42 =	vperm.xlane v17, v2;
	v25 =	vunpack.i.l.bf16.f32 v20;
	v20 =	vunpack.i.u.bf16.f32 v20  }
0x169: {  	v48 =	vld [tilespmem:s29+$0x0];
	v25 =	vmul.f32 v25, v22;
	v20 =	vmul.f32 v20, v22  }
0x16a: {  	s29 =	sor.u32 s24, s16;
	v49 =	vunpack.i.l.bf16.f32 v27;
	v51 =	vunpack.i.u.bf16.f32 v27;
	v29 =	vunpack.i.l.bf16.f32 v21  }
0x16b: {  	v53 =	vld [tilespmem:s29+$0x0];
	v21 =	vunpack.i.u.bf16.f32 v21;
	v52 =	vmul.f32 v49, v28;
	v54 =	vmul.f32 v51, v28  }
0x16c: {  	s29 =	sor.u32 s24, s15;
	v44 =	vadd.f32 $0.0e+00, v25;
	v45 =	vmul.f32 v29, v26;
	v46 =	vunpack.i.l.bf16.f32 v23  }
0x16d: {  	s24 =	sor.u32 s24, s11;
	v56 =	vld [tilespmem:s29+$0x0];
	v20 =	vadd.f32 $0.0e+00, v20;
	v21 =	vmul.f32 v21, v26;
	v23 =	vunpack.i.u.bf16.f32 v23  }
0x16e: {  	v60 =	vld [tilespmem:s24+$0x0];
	v47 =	vmul.f32 v46, v24;
	v50 =	vmul.f32 v23, v24;
	v58 =	vunpack.i.l.bf16.f32 v48  }
0x16f: {  	v26 =	vunpack.i.u.bf16.f32 v48;
	v22 =	vadd.f32 v45, v44;
	v20 =	vadd.f32 v21, v20  }
0x170: {  	s24 =	sor.u32 $0x20, s18;
	v27 =	vmul.f32 v58, v55;
	v31 =	vunpack.i.l.bf16.f32 v53;
	v23 =	vmul.f32 v26, v55  }
0x171: {  	s29 =	sor.u32 s24, s28;
	v25 =	vunpack.i.u.bf16.f32 v53;
	v44 =	vperm.xlane v18, v2;
	v58 =	vperm.xlane v16, v3  }
0x172: {  	v32 =	vld [tilespmem:s29+$0x0];
	s29 =	sor.u32 s24, s16;
	v61 =	vmul.f32 v31, v59;
	v62 =	vunpack.i.l.bf16.f32 v56;
	v63 =	vmul.f32 v25, v59  }
0x173: {  	v36 =	vld [tilespmem:s29+$0x0];
	s29 =	sor.u32 s24, s15;
	v24 =	vunpack.i.u.bf16.f32 v56;
	v33 =	vunpack.i.l.bf16.f32 v60;
	v56 =	vperm.xlane v19, v3  }
0x174: {  	s24 =	sor.u32 s24, s11;
	v39 =	vld [tilespmem:s29+$0x0];
	v34 =	vunpack.i.u.bf16.f32 v60;
	v60 =	vperm.xlane v17, v3;
	v31 =	vmul.f32 v62, v57  }
0x175: {  	v43 =	vld [tilespmem:s24+$0x0];
	v22 =	vadd.f32 v22, v47;
	v21 =	vmul.f32 v24, v57;
	v35 =	vmul.f32 v33, v30  }
0x176: {  	v20 =	vadd.f32 v20, v50;
	v37 =	vmul.f32 v34, v30;
	v62 =	vperm.xlane v18, v3  }
0x177: {  	s24 =	sor.u32 $0x30, s18;
	v41 =	vunpack.i.l.bf16.f32 v32;
	v26 =	vunpack.i.u.bf16.f32 v32;
	v22 =	vadd.f32 v52, v22  }
0x178: {  	s29 =	sor.u32 s24, s28;
	v20 =	vadd.f32 v54, v20;
	v45 =	vunpack.i.l.bf16.f32 v36;
	v25 =	vunpack.i.u.bf16.f32 v36  }
0x179: {  	v50 =	vld [tilespmem:s29+$0x0];
	s29 =	sor.u32 s24, s16;
	v46 =	vmul.f32 v45, v42;
	v47 =	vunpack.i.l.bf16.f32 v39;
	v48 =	vmul.f32 v25, v42  }
0x17a: {  	v54 =	vld [tilespmem:s29+$0x0];
	v51 =	vunpack.i.l.bf16.f32 v43;
	v52 =	vunpack.i.u.bf16.f32 v43;
	v43 =	vperm.xlane v19, v4  }
0x17b: {  	s29 =	sor.u32 s24, s15;
	v45 =	vperm.xlane v16, v4;
	v22 =	vadd.f32 v27, v22;
	v27 =	vmul.f32 v41, v38  }
0x17c: {  	v57 =	vld [tilespmem:s29+$0x0];
	v20 =	vadd.f32 v23, v20;
	v23 =	vmul.f32 v26, v38;
	v49 =	vmul.f32 v47, v40  }
0x17d: {  	v24 =	vunpack.i.u.bf16.f32 v39;
	v53 =	vmul.f32 v51, v44;
	v55 =	vmul.f32 v52, v44  }
0x17e: {  	s24 =	sor.u32 s24, s11;
	v47 =	vperm.xlane v17, v4;
	v22 =	vadd.f32 v61, v22;
	v20 =	vadd.f32 v63, v20  }
0x17f: {  	v59 =	vunpack.i.l.bf16.f32 v50;
	v26 =	vunpack.i.u.bf16.f32 v50;
	v61 =	vld [tilespmem:s24+$0x0];
	v63 =	vunpack.i.l.bf16.f32 v54  }
0x180: {  	s24 =	sor.u32 $0x40, s18;
	v25 =	vunpack.i.u.bf16.f32 v54;
	v22 =	vadd.f32 v22, v31;
	v20 =	vadd.f32 v20, v21  }
0x181: {  	s29 =	sor.u32 s24, s28;
	v21 =	vmul.f32 v24, v40;
	v33 =	vmul.f32 v63, v60;
	v34 =	vunpack.i.l.bf16.f32 v57  }
0x182: {  	v63 =	vperm.xlane v16, v5;
	v22 =	vadd.f32 v35, v22;
	v20 =	vadd.f32 v37, v20;
	v37 =	vld [tilespmem:s29+$0x0]  }
0x183: {  	v24 =	vunpack.i.u.bf16.f32 v57;
	v36 =	vmul.f32 v34, v58;
	v35 =	vmul.f32 v25, v60;
	s29 =	sor.u32 s24, s16  }
0x184: {  	v38 =	vunpack.i.l.bf16.f32 v61;
	v41 =	vld [tilespmem:s29+$0x0];
	s29 =	sor.u32 s24, s15;
	v22 =	vadd.f32 v27, v22;
	v20 =	vadd.f32 v23, v20  }
0x185: {  	v39 =	vunpack.i.u.bf16.f32 v61;
	v61 =	vperm.xlane v19, v5;
	v27 =	vmul.f32 v59, v56;
	v44 =	vld [tilespmem:s29+$0x0]  }
0x186: {  	s24 =	sor.u32 s24, s11;
	v23 =	vmul.f32 v26, v56;
	v22 =	vadd.f32 v46, v22;
	v20 =	vadd.f32 v48, v20  }
0x187: {  	v40 =	vmul.f32 v38, v62;
	v42 =	vmul.f32 v39, v62;
	v48 =	vld [tilespmem:s24+$0x0];
	v46 =	vunpack.i.l.bf16.f32 v37  }
0x188: {  	v26 =	vunpack.i.u.bf16.f32 v37;
	v22 =	vadd.f32 v22, v49;
	v20 =	vadd.f32 v20, v21  }
0x189: {  	v21 =	vmul.f32 v24, v58;
	v49 =	vperm.xlane v18, v4;
	v50 =	vunpack.i.l.bf16.f32 v41  }
0x18a: {  	s24 =	sor.u32 $0x50, s18;
	v25 =	vunpack.i.u.bf16.f32 v41;
	v51 =	vmul.f32 v50, v47;
	v52 =	vunpack.i.l.bf16.f32 v44  }
0x18b: {  	s29 =	sor.u32 s24, s28;
	v22 =	vadd.f32 v53, v22;
	v20 =	vadd.f32 v55, v20;
	v53 =	vmul.f32 v25, v47  }
0x18c: {  	v54 =	vmul.f32 v52, v45;
	v55 =	vld [tilespmem:s29+$0x0];
	s29 =	sor.u32 s24, s16;
	v47 =	vperm.xlane v19, v6;
	v56 =	vunpack.i.l.bf16.f32 v48  }
0x18d: {  	v57 =	vunpack.i.u.bf16.f32 v48;
	v59 =	vld [tilespmem:s29+$0x0];
	v22 =	vadd.f32 v27, v22;
	v27 =	vmul.f32 v46, v43  }
0x18e: {  	s29 =	sor.u32 s24, s15;
	v20 =	vadd.f32 v23, v20;
	v23 =	vmul.f32 v26, v43;
	v58 =	vmul.f32 v56, v49  }
0x18f: {  	v24 =	vunpack.i.u.bf16.f32 v44;
	s24 =	sor.u32 s24, s11;
	v60 =	vmul.f32 v57, v49;
	v62 =	vld [tilespmem:s29+$0x0];
	v49 =	vperm.xlane v16, v6  }
0x190: {  	v34 =	vld [tilespmem:s24+$0x0];
	s24 =	sor.u32 $0x60, s18;
	v22 =	vadd.f32 v33, v22;
	v20 =	vadd.f32 v35, v20;
	v33 =	vperm.xlane v17, v5  }
0x191: {  	s29 =	sor.u32 s24, s28;
	v35 =	vperm.xlane v18, v5;
	v32 =	vunpack.i.l.bf16.f32 v55;
	v26 =	vunpack.i.u.bf16.f32 v55  }
0x192: {  	v41 =	vld [tilespmem:s29+$0x0];
	v22 =	vadd.f32 v22, v36;
	v20 =	vadd.f32 v20, v21;
	v36 =	vunpack.i.l.bf16.f32 v59  }
0x193: {  	v21 =	vmul.f32 v24, v45;
	v25 =	vunpack.i.u.bf16.f32 v59;
	v37 =	vmul.f32 v36, v33  }
0x194: {  	s29 =	sor.u32 s24, s16;
	v38 =	vunpack.i.l.bf16.f32 v62;
	v39 =	vmul.f32 v25, v33;
	v24 =	vunpack.i.u.bf16.f32 v62  }
0x195: {  	v45 =	vld [tilespmem:s29+$0x0];
	s29 =	sor.u32 s24, s15;
	v43 =	vunpack.i.u.bf16.f32 v34;
	v33 =	vperm.xlane v19, v7;
	v22 =	vadd.f32 v40, v22  }
0x196: {  	s24 =	sor.u32 s24, s11;
	v48 =	vld [tilespmem:s29+$0x0];
	v20 =	vadd.f32 v42, v20;
	v40 =	vmul.f32 v38, v63;
	v42 =	vunpack.i.l.bf16.f32 v34  }
0x197: {  	v52 =	vld [tilespmem:s24+$0x0];
	s24 =	sor.u32 $0x70, s18;
	v46 =	vmul.f32 v43, v35;
	v44 =	vmul.f32 v42, v35;
	v50 =	vunpack.i.l.bf16.f32 v41  }
0x198: {  	s29 =	sor.u32 s24, s28;
	v35 =	vperm.xlane v16, v7;
	v22 =	vadd.f32 v27, v22;
	v20 =	vadd.f32 v23, v20  }
0x199: {  	v59 =	vld [tilespmem:s29+$0x0];
	v27 =	vmul.f32 v32, v61;
	v23 =	vmul.f32 v26, v61;
	v26 =	vunpack.i.u.bf16.f32 v41  }
0x19a: {  	v25 =	vunpack.i.u.bf16.f32 v45;
	v22 =	vadd.f32 v51, v22;
	v20 =	vadd.f32 v53, v20  }
0x19b: {  	v51 =	vperm.xlane v17, v6;
	v53 =	vperm.xlane v18, v6;
	v56 =	vunpack.i.l.bf16.f32 v48  }
0x19c: {  	v61 =	vunpack.i.u.bf16.f32 v52;
	v22 =	vadd.f32 v22, v54;
	v20 =	vadd.f32 v20, v21  }
0x19d: {  	s29 =	sor.u32 s24, s16;
	v21 =	vmul.f32 v24, v63;
	v54 =	vunpack.i.l.bf16.f32 v45;
	v57 =	vmul.f32 v25, v51  }
0x19e: {  	v24 =	vunpack.i.u.bf16.f32 v48;
	v63 =	vld [tilespmem:s29+$0x0];
	v32 =	vmul.f32 v61, v53;
	s29 =	sor.u32 s24, s15;
	v36 =	vunpack.i.l.bf16.f32 v59  }
0x19f: {  	s24 =	sor.u32 s24, s11;
	v55 =	vmul.f32 v54, v51;
	v34 =	vld [tilespmem:s29+$0x0];
	v51 =	vperm.xlane v19, v8;
	v22 =	vadd.f32 v58, v22  }
0x1a0: {  	v38 =	vld [tilespmem:s24+$0x0];
	v20 =	vadd.f32 v60, v20;
	v58 =	vmul.f32 v56, v49;
	v60 =	vunpack.i.l.bf16.f32 v52  }
0x1a1: {  	s24 =	sor.u32 $0x80, s18;
	v62 =	vmul.f32 v60, v53;
	v53 =	vperm.xlane v16, v8;
	v22 =	vadd.f32 v27, v22  }
0x1a2: {  	s29 =	sor.u32 s24, s28;
	v20 =	vadd.f32 v23, v20;
	v27 =	vmul.f32 v50, v47;
	v23 =	vmul.f32 v26, v47  }
0x1a3: {  	v45 =	vld [tilespmem:s29+$0x0];
	v26 =	vunpack.i.u.bf16.f32 v59;
	v25 =	vunpack.i.u.bf16.f32 v63;
	v22 =	vadd.f32 v37, v22  }
0x1a4: {  	v20 =	vadd.f32 v39, v20;
	v37 =	vperm.xlane v17, v7;
	v39 =	vperm.xlane v18, v7  }
0x1a5: {  	v42 =	vunpack.i.l.bf16.f32 v34;
	v47 =	vunpack.i.u.bf16.f32 v38;
	v22 =	vadd.f32 v22, v40  }
0x1a6: {  	v20 =	vadd.f32 v20, v21;
	v21 =	vmul.f32 v24, v49;
	v40 =	vunpack.i.l.bf16.f32 v63  }
0x1a7: {  	s29 =	sor.u32 s24, s16;
	v43 =	vmul.f32 v25, v37;
	v24 =	vunpack.i.u.bf16.f32 v34;
	v50 =	vmul.f32 v47, v39  }
0x1a8: {  	v49 =	vld [tilespmem:s29+$0x0];
	s29 =	sor.u32 s24, s15;
	v54 =	vunpack.i.l.bf16.f32 v45;
	v41 =	vmul.f32 v40, v37;
	v40 =	vperm.xlane v17, v9  }
0x1a9: {  	s24 =	sor.u32 s24, s11;
	v52 =	vld [tilespmem:s29+$0x0];
	v22 =	vadd.f32 v44, v22;
	v20 =	vadd.f32 v46, v20;
	v44 =	vmul.f32 v42, v35  }
0x1aa: {  	v56 =	vld [tilespmem:s24+$0x0];
	v46 =	vunpack.i.l.bf16.f32 v38;
	v38 =	vperm.xlane v16, v9;
	v42 =	vperm.xlane v18, v9  }
0x1ab: {  	s24 =	sor.u32 $0x90, s18;
	v48 =	vmul.f32 v46, v39;
	v22 =	vadd.f32 v27, v22;
	v20 =	vadd.f32 v23, v20  }
0x1ac: {  	s29 =	sor.u32 s24, s28;
	v27 =	vmul.f32 v36, v33;
	v23 =	vmul.f32 v26, v33;
	v26 =	vunpack.i.u.bf16.f32 v45  }
0x1ad: {  	v63 =	vld [tilespmem:s29+$0x0];
	s29 =	sor.u32 s24, s16;
	v36 =	vperm.xlane v19, v9;
	v25 =	vunpack.i.u.bf16.f32 v49;
	v22 =	vadd.f32 v55, v22  }
0x1ae: {  	v34 =	vld [tilespmem:s29+$0x0];
	v20 =	vadd.f32 v57, v20;
	v55 =	vperm.xlane v17, v8;
	v57 =	vperm.xlane v18, v8  }
0x1af: {  	s29 =	sor.u32 s24, s15;
	v60 =	vunpack.i.l.bf16.f32 v52;
	v31 =	vunpack.i.l.bf16.f32 v56;
	v22 =	vadd.f32 v22, v58  }
0x1b0: {  	v37 =	vld [tilespmem:s29+$0x0];
	v20 =	vadd.f32 v20, v21;
	v21 =	vmul.f32 v24, v35;
	v58 =	vunpack.i.l.bf16.f32 v49  }
0x1b1: {  	v61 =	vmul.f32 v25, v55;
	v24 =	vunpack.i.u.bf16.f32 v52;
	v33 =	vmul.f32 v31, v57  }
0x1b2: {  	v39 =	vunpack.i.l.bf16.f32 v63;
	v59 =	vmul.f32 v58, v55;
	v22 =	vadd.f32 v62, v22  }
0x1b3: {  	v25 =	vunpack.i.u.bf16.f32 v34;
	v58 =	vperm.xlane v17, v10;
	v20 =	vadd.f32 v32, v20  }
0x1b4: {  	v62 =	vmul.f32 v60, v53;
	v32 =	vunpack.i.u.bf16.f32 v56;
	v22 =	vadd.f32 v27, v22  }
0x1b5: {  	v45 =	vunpack.i.l.bf16.f32 v37;
	v46 =	vmul.f32 v25, v40;
	v20 =	vadd.f32 v23, v20  }
0x1b6: {  	v56 =	vperm.xlane v16, v10;
	v60 =	vperm.xlane v18, v10;
	v22 =	vadd.f32 v41, v22  }
0x1b7: {  	s24 =	sor.u32 s24, s11;
	v35 =	vmul.f32 v32, v57;
	v47 =	vmul.f32 v45, v38;
	v20 =	vadd.f32 v43, v20  }
0x1b8: {  	v45 =	vperm.xlane v18, v11;
	v27 =	vmul.f32 v54, v51;
	v41 =	vld [tilespmem:s24+$0x0];
	v22 =	vadd.f32 v22, v44  }
0x1b9: {  	v23 =	vmul.f32 v26, v51;
	v26 =	vunpack.i.u.bf16.f32 v63;
	v20 =	vadd.f32 v20, v21  }
0x1ba: {  	v54 =	vperm.xlane v19, v10;
	v43 =	vunpack.i.l.bf16.f32 v34;
	s24 =	sor.u32 $0xA0, s18;
	v22 =	vadd.f32 v48, v22  }
0x1bb: {  	s29 =	sor.u32 s24, s28;
	v21 =	vmul.f32 v24, v53;
	v44 =	vmul.f32 v43, v40;
	v20 =	vadd.f32 v50, v20  }
0x1bc: {  	v24 =	vunpack.i.u.bf16.f32 v37;
	v43 =	vperm.xlane v17, v11;
	v48 =	vld [tilespmem:s29+$0x0];
	s29 =	sor.u32 s24, s16;
	v22 =	vadd.f32 v27, v22  }
0x1bd: {  	v49 =	vunpack.i.l.bf16.f32 v41;
	v50 =	vunpack.i.u.bf16.f32 v41;
	v52 =	vld [tilespmem:s29+$0x0];
	v20 =	vadd.f32 v23, v20  }
0x1be: {  	s29 =	sor.u32 s24, s15;
	v41 =	vperm.xlane v16, v11;
	v27 =	vmul.f32 v39, v36;
	v22 =	vadd.f32 v59, v22  }
0x1bf: {  	v23 =	vmul.f32 v26, v36;
	v51 =	vmul.f32 v49, v42;
	v55 =	vld [tilespmem:s29+$0x0];
	v20 =	vadd.f32 v61, v20  }
0x1c0: {  	v53 =	vmul.f32 v50, v42;
	v39 =	vperm.xlane v19, v11;
	v22 =	vadd.f32 v22, v62  }
0x1c1: {  	s24 =	sor.u32 s24, s11;
	v57 =	vunpack.i.l.bf16.f32 v48;
	v26 =	vunpack.i.u.bf16.f32 v48;
	v20 =	vadd.f32 v20, v21  }
0x1c2: {  	v59 =	vld [tilespmem:s24+$0x0];
	v21 =	vmul.f32 v24, v38;
	v61 =	vunpack.i.l.bf16.f32 v52;
	v22 =	vadd.f32 v33, v22  }
0x1c3: {  	v25 =	vunpack.i.u.bf16.f32 v52;
	v62 =	vmul.f32 v61, v58;
	v20 =	vadd.f32 v35, v20  }
0x1c4: {  	s24 =	sor.u32 $0xB0, s18;
	v63 =	vunpack.i.l.bf16.f32 v55;
	v31 =	vmul.f32 v25, v58;
	v22 =	vadd.f32 v27, v22  }
0x1c5: {  	s29 =	sor.u32 s24, s28;
	v24 =	vunpack.i.u.bf16.f32 v55;
	v61 =	vperm.xlane v17, v12;
	v20 =	vadd.f32 v23, v20  }
0x1c6: {  	v32 =	vmul.f32 v63, v56;
	v33 =	vld [tilespmem:s29+$0x0];
	s29 =	sor.u32 s24, s16;
	v63 =	vperm.xlane v18, v12;
	v22 =	vadd.f32 v44, v22  }
0x1c7: {  	v34 =	vunpack.i.l.bf16.f32 v59;
	v35 =	vunpack.i.u.bf16.f32 v59;
	v37 =	vld [tilespmem:s29+$0x0];
	v20 =	vadd.f32 v46, v20  }
0x1c8: {  	s29 =	sor.u32 s24, s15;
	v59 =	vperm.xlane v16, v12;
	v27 =	vmul.f32 v57, v54;
	v22 =	vadd.f32 v22, v47  }
0x1c9: {  	v23 =	vmul.f32 v26, v54;
	v36 =	vmul.f32 v34, v60;
	v40 =	vld [tilespmem:s29+$0x0];
	v20 =	vadd.f32 v20, v21  }
0x1ca: {  	v38 =	vmul.f32 v35, v60;
	v57 =	vperm.xlane v19, v12;
	v22 =	vadd.f32 v51, v22  }
0x1cb: {  	s24 =	sor.u32 s24, s11;
	v42 =	vunpack.i.l.bf16.f32 v33;
	v26 =	vunpack.i.u.bf16.f32 v33;
	v20 =	vadd.f32 v53, v20  }
0x1cc: {  	v44 =	vld [tilespmem:s24+$0x0];
	v21 =	vmul.f32 v24, v56;
	v46 =	vunpack.i.l.bf16.f32 v37;
	v22 =	vadd.f32 v27, v22  }
0x1cd: {  	s24 =	sor.u32 $0xC0, s18;
	v25 =	vunpack.i.u.bf16.f32 v37;
	v47 =	vmul.f32 v46, v43;
	v20 =	vadd.f32 v23, v20  }
0x1ce: {  	s29 =	sor.u32 s24, s28;
	v48 =	vunpack.i.l.bf16.f32 v40;
	v49 =	vmul.f32 v25, v43;
	v22 =	vadd.f32 v62, v22  }
0x1cf: {  	v24 =	vunpack.i.u.bf16.f32 v40;
	v46 =	vperm.xlane v16, v13;
	v51 =	vld [tilespmem:s29+$0x0];
	v20 =	vadd.f32 v31, v20  }
0x1d0: {  	v50 =	vmul.f32 v48, v41;
	s29 =	sor.u32 s24, s16;
	v48 =	vperm.xlane v17, v13;
	v22 =	vadd.f32 v22, v32  }
0x1d1: {  	v52 =	vunpack.i.l.bf16.f32 v44;
	v53 =	vunpack.i.u.bf16.f32 v44;
	v55 =	vld [tilespmem:s29+$0x0];
	s29 =	sor.u32 s24, s15;
	v20 =	vadd.f32 v20, v21  }
0x1d2: {  	v44 =	vperm.xlane v19, v13;
	v27 =	vmul.f32 v42, v39;
	v58 =	vld [tilespmem:s29+$0x0];
	v22 =	vadd.f32 v36, v22  }
0x1d3: {  	v23 =	vmul.f32 v26, v39;
	v54 =	vmul.f32 v52, v45;
	v20 =	vadd.f32 v38, v20  }
0x1d4: {  	v56 =	vmul.f32 v53, v45;
	v60 =	vunpack.i.l.bf16.f32 v51;
	v22 =	vadd.f32 v27, v22  }
0x1d5: {  	v26 =	vunpack.i.u.bf16.f32 v51;
	v21 =	vmul.f32 v24, v41;
	v20 =	vadd.f32 v23, v20  }
0x1d6: {  	s24 =	sor.u32 s24, s11;
	v33 =	vunpack.i.l.bf16.f32 v55;
	v25 =	vunpack.i.u.bf16.f32 v55;
	v22 =	vadd.f32 v47, v22  }
0x1d7: {  	v62 =	vld [tilespmem:s24+$0x0];
	v34 =	vmul.f32 v33, v61;
	v35 =	vunpack.i.l.bf16.f32 v58;
	v20 =	vadd.f32 v49, v20  }
0x1d8: {  	v24 =	vunpack.i.u.bf16.f32 v58;
	v33 =	vperm.xlane v16, v14;
	v22 =	vadd.f32 v22, v50  }
0x1d9: {  	s24 =	sor.u32 $0xD0, s18;
	v16 =	vperm.xlane v16, v15;
	v36 =	vmul.f32 v25, v61;
	v20 =	vadd.f32 v20, v21  }
0x1da: {  	s29 =	sor.u32 s24, s28;
	v37 =	vmul.f32 v35, v59;
	v27 =	vmul.f32 v60, v57;
	v22 =	vadd.f32 v54, v22  }
0x1db: {  	v38 =	vld [tilespmem:s29+$0x0];
	s29 =	sor.u32 s24, s16;
	v35 =	vperm.xlane v17, v14;
	v23 =	vmul.f32 v26, v57;
	v20 =	vadd.f32 v56, v20  }
0x1dc: {  	v17 =	vperm.xlane v17, v15;
	v39 =	vunpack.i.l.bf16.f32 v62;
	v42 =	vld [tilespmem:s29+$0x0];
	v22 =	vadd.f32 v27, v22  }
0x1dd: {  	v40 =	vunpack.i.u.bf16.f32 v62;
	v62 =	vperm.xlane v19, v14;
	v20 =	vadd.f32 v23, v20  }
0x1de: {  	s29 =	sor.u32 s24, s15;
	v19 =	vperm.xlane v19, v15;
	v41 =	vmul.f32 v39, v63;
	v22 =	vadd.f32 v34, v22  }
0x1df: {  	v43 =	vmul.f32 v40, v63;
	v45 =	vld [tilespmem:s29+$0x0];
	v21 =	vmul.f32 v24, v59;
	v20 =	vadd.f32 v36, v20  }
0x1e0: {  	s24 =	sor.u32 s24, s11;
	v47 =	vunpack.i.l.bf16.f32 v38;
	v26 =	vunpack.i.u.bf16.f32 v38;
	v22 =	vadd.f32 v22, v37  }
0x1e1: {  	v49 =	vld [tilespmem:s24+$0x0];
	s24 =	sor.u32 $0xE0, s18;
	v50 =	vperm.xlane v18, v13;
	v51 =	vunpack.i.l.bf16.f32 v42;
	v20 =	vadd.f32 v20, v21  }
0x1e2: {  	s29 =	sor.u32 s24, s28;
	v25 =	vunpack.i.u.bf16.f32 v42;
	v27 =	vmul.f32 v47, v44;
	v22 =	vadd.f32 v41, v22  }
0x1e3: {  	v52 =	vmul.f32 v51, v48;
	v56 =	vld [tilespmem:s29+$0x0];
	v23 =	vmul.f32 v26, v44;
	v20 =	vadd.f32 v43, v20  }
0x1e4: {  	v53 =	vunpack.i.l.bf16.f32 v45;
	v24 =	vunpack.i.u.bf16.f32 v45;
	s29 =	sor.u32 s24, s16;
	v22 =	vadd.f32 v27, v22  }
0x1e5: {  	v54 =	vmul.f32 v25, v48;
	v55 =	vmul.f32 v53, v46;
	v60 =	vld [tilespmem:s29+$0x0];
	v20 =	vadd.f32 v23, v20  }
0x1e6: {  	v57 =	vunpack.i.l.bf16.f32 v49;
	v58 =	vunpack.i.u.bf16.f32 v49;
	v22 =	vadd.f32 v52, v22  }
0x1e7: {  	s29 =	sor.u32 s24, s15;
	v59 =	vmul.f32 v57, v50;
	v21 =	vmul.f32 v24, v46;
	v20 =	vadd.f32 v54, v20  }
0x1e8: {  	v61 =	vmul.f32 v58, v50;
	v63 =	vld [tilespmem:s29+$0x0];
	v34 =	vunpack.i.l.bf16.f32 v56;
	v22 =	vadd.f32 v22, v55  }
0x1e9: {  	s24 =	sor.u32 s24, s11;
	v26 =	vunpack.i.u.bf16.f32 v56;
	v37 =	vperm.xlane v18, v14;
	v20 =	vadd.f32 v20, v21  }
0x1ea: {  	s18 =	sor.u32 $0xF0, s18;
	v36 =	vld [tilespmem:s24+$0x0];
	v38 =	vunpack.i.l.bf16.f32 v60;
	v27 =	vmul.f32 v34, v62;
	v22 =	vadd.f32 v59, v22  }
0x1eb: {  	s28 =	sor.u32 s18, s28;
	v25 =	vunpack.i.u.bf16.f32 v60;
	v23 =	vmul.f32 v26, v62;
	v20 =	vadd.f32 v61, v20  }
0x1ec: {  	v18 =	vperm.xlane v18, v15;
	v39 =	vmul.f32 v38, v35;
	v43 =	vld [tilespmem:s28+$0x0];
	v22 =	vadd.f32 v27, v22  }
0x1ed: {  	s16 =	sor.u32 s18, s16;
	v40 =	vunpack.i.l.bf16.f32 v63;
	v41 =	vmul.f32 v25, v35;
	v20 =	vadd.f32 v23, v20  }
0x1ee: {  	v47 =	vld [tilespmem:s16+$0x0];
	v24 =	vunpack.i.u.bf16.f32 v63;
	v42 =	vmul.f32 v40, v33;
	v22 =	vadd.f32 v39, v22  }
0x1ef: {  	s15 =	sor.u32 s18, s15;
	v44 =	vunpack.i.l.bf16.f32 v36;
	v21 =	vmul.f32 v24, v33;
	v20 =	vadd.f32 v41, v20  }
0x1f0: {  	v49 =	vld [tilespmem:s15+$0x0];
	v45 =	vunpack.i.u.bf16.f32 v36;
	v46 =	vmul.f32 v44, v37;
	v22 =	vadd.f32 v22, v42  }
0x1f1: {  	s11 =	sor.u32 s18, s11;
	v48 =	vmul.f32 v45, v37;
	v50 =	vunpack.i.l.bf16.f32 v43;
	v20 =	vadd.f32 v20, v21  }
0x1f2: {  	v52 =	vld [tilespmem:s11+$0x0];
	v51 =	vunpack.i.u.bf16.f32 v43;
	v21 =	vmul.f32 v50, v19;
	v22 =	vadd.f32 v46, v22  }
0x1f3: {  	v53 =	vunpack.i.l.bf16.f32 v47;
	v19 =	vmul.f32 v51, v19;
	v20 =	vadd.f32 v48, v20  }
0x1f4: {  	v54 =	vunpack.i.u.bf16.f32 v47;
	v55 =	vmul.f32 v53, v17;
	v21 =	vadd.f32 v21, v22  }
0x1f5: {  	v56 =	vunpack.i.l.bf16.f32 v49;
	v17 =	vmul.f32 v54, v17;
	v19 =	vadd.f32 v19, v20  }
0x1f6: {  	v57 =	vunpack.i.u.bf16.f32 v49;
	v58 =	vmul.f32 v56, v16;
	v21 =	vadd.f32 v55, v21  }
0x1f7: {  	v16 =	vmul.f32 v57, v16;
	v59 =	vunpack.i.l.bf16.f32 v52;
	v17 =	vadd.f32 v17, v19  }
0x1f8: {  	p0 =	sne.s32 s26, $0x27;
	s29 =	sshll.u32 s26, $0x5;
	v60 =	vunpack.i.u.bf16.f32 v52;
	v62 =	vmul.f32 v59, v18;
	v61 =	vadd.f32 v21, v58  }
.Ltmp1:
0x1f9: {  	s10 =	sshll.u32 s10, $0x5;
	s11 =	sand.u32 $0x3FFFFF00, s29;
	v16 =	vadd.f32 v17, v16;
	v17 =	vmul.f32 v60, v18;
	(pc) =	sbr.rel @p0 .LBB2_5-.Ltmp1, $4  }
0x1fa: {  	s10 =	sor.u32 s10, s11;
	v63 =	vadd.f32 v62, v61  }
0x1fb: {  	s10 =	sadd.s32 $0x16800, s10;
	v16 =	vadd.f32 v17, v16  }
0x1fc: {  	[tilespmem:s10+$0x500] =	vst v63  }
0x1fd: {  	s26 =	sadd.s32 $0x1, s26;
	[tilespmem:s10+$0x510] =	vst v16  }
0x1fe: {  	s9 =	sadd.s32 s9, s14;
	s8 =	sadd.s32 $0x1, s8  }
0x1ff: {  	s9 =	sshll.u32 s9, $0x2;
	p0 =	sne.s32 s8, $0x22  }
.Ltmp2:
0x200: {  	s9 =	sand.u32 $0x1FFFFFE0, s9;
	(pc) =	sbr.rel @p0 .LBB2_2-.Ltmp2, $4  }
0x201: {  	s9 =	sadd.s32 s6, s9  }
0x202: {  	[hbm4b:s9+s3] =	stream.linear.scatter [tilespmem:s25], [sflag:$0x8], $0x500, $0x38;
	[tilespmem:$0x17200] =	vst v63  }
0x203: {  	s29 =	sadd.s32 s5, s22;
	s10 =	simm.s32 $0x1E00  }
0x204: {  	[tilespmem:s10], [sflag:$0x4] =	stream.linear.gather [hbm4b:s29+s3], $0xA00, $0x38;
	[tilespmem:$0x17200] =	vst v63  }
0x205: {  	_ =	swait.ge [sflag:s23], $0xA000  }
0x206: {  	[sflag:s23] =	ssyncset.done $0x0  }
0x207: {  	[sflag:s23] =	ssyncadd.s32 $0xFFFF6000  }
0x208: {  	_ =	swait.ge [sflag:s21], $0xA00  }
0x209: {  	[sflag:s21] =	ssyncset.done $0x0  }
0x20a: {  	[sflag:s21] =	ssyncadd.s32 $0xFFFFF600  }
0x20b: {  	_ =	swait.ge [sflag:s30], $0xA00  }
0x20c: {  	[sflag:s30] =	ssyncset.done $0x0  }
0x20d: {  	[sflag:s30] =	ssyncadd.s32 $0xFFFFF600  }
0x20e: {  	_ =	swait.ge [sflag:s2], $0xA00  }
0x20f: {  	[sflag:s2] =	ssyncset.done $0x0  }
0x210: {  	s8 =	simm.s32 $0x7;
	[sflag:s2] =	ssyncadd.s32 $0xFFFFF600  }
0x211: {  	_ =	swait.ge [sflag:s8], $0x500  }
0x212: {  	[sflag:s8] =	ssyncset.done $0x0  }
0x213: {  	s9 =	simm.s32 $0x8;
	[sflag:s8] =	ssyncadd.s32 $0xFFFFFB00  }
0x214: {  	_ =	swait.ge [sflag:s9], $0x500  }
0x215: {  	s10 =	rddreg [dreg:$0x8]  }
0x216: {  	s29 =	rddreg [dreg:$0x7];
	s10 =	sadd.s32 $0x1, s10  }
0x217: {  	p0 =	sne.s32 s10, s29  }
.Ltmp3:
0x218: {  	_ = 	snop;
	(pc) =	sbr.rel @p0 .LBB2_1-.Ltmp3, $3  }
0x219: {  	_ =	sdelay $0x1  }
0x21a: {  	[sflag:s9] =	ssyncset.done $0x0  }
0x21b: {  	[sflag:s9] =	ssyncadd.s32 $0xFFFFFB00  }
0x21c: {  	_ =	sfence.sel $0x180000  }
0x21d: {  	[bflag:$0x0] =	sbarrier.arrive $0xFFFF  }
0x21e: {  	_ =	strace $0x90000047  }
0x21f: {  	s0 =	stileid.u32;
	[bflag:$0x2] =	sbarrier.arrive $0xFFFF  }
0x220: {  	p0 =	sne.s32 s0, $0x0;
	s0 =	rddreg [dreg:$0x2]  }
0x221: {  	s0 =	sadd.s32 @!p0 $0x100000, s0  }
0x222: {  	[sflag:s0] =	ssyncadd.tile.s32 @!p0 $0x1;
	_ =	shalt  }
.Lfunc_end2:
_tile_overlayer_lowered:
.L_overlay_start_2:
0x223: {  	(tag) =	ssettag $0x2  }
0x224: {  	s0 =	rddreg [dreg:$0x0];
	s2 =	stileid.u32  }
0x225: {  	s1 =	rddreg [dreg:$0x1];
	p0 =	sne.s32 s2, $0x0  }
0x226: {  	s3 =	rddreg [dreg:$0x2];
	[bflag:$0x3] =	sbarrier.arrive $0xFFFF;
	s2 =	simm.s32 @!p0 $0x1C09  }
0x227: {  	[timem:s3], [sflag:s2] =	dma.local @!p0 [hbm:s0], s1  }
0x228: {  	s0 =	simm.s32 @!p0 $0x9  }
0x229: {  	_ =	swait.ge @!p0 [sflag:s0], s1  }
0x22a: {  	s1 =	ssub.s32 @!p0 $0x0, s1;
	[sflag:s0] =	ssyncset.done @!p0 $0x0  }
0x22b: {  	[sflag:s0] =	ssyncadd.s32 @!p0 s1  }
0x22c: {  	[bflag:$0x3] =	sbarrier.arrive $0xFFFF  }
0x22d: {  	_ =	shalt  }

</sc_bundles>
